<compile_context>
chip_gen: v7x
topology: tpu7x:2x2x1
jax: 0.10.2.dev20260603
libtpu: 0.0.44.dev20260713+nightly
codegen_flags: <defaults>
</compile_context>

<pallas_src>
import functools

import jax
import jax.numpy as jnp
from jax import lax
from jax.experimental import pallas as pl
from jax.experimental.pallas import tpu as pltpu
from jax.experimental.pallas import tpu_sc as plsc

N_NODES = 10000
N_EDGES = 320000
D = 128
G = 64

NC = 2
NS = 16
NW = NC * NS
EPW = N_EDGES // NW
CHUNK = 80
NCHUNK = EPW // CHUNK
NPAD = 10112
RPT = NPAD // NS
BC = 128
NBC = EPW // BC
BT = EPW - NBC * BC
DEGW = 16

def _sc_scatter_body(y_hbm, src_hbm, dst_hbm, zrows_hbm, out_hbm,
                     s0i, s1i, s2i, d0, d1, d2, sti, dti,
                     rows0, rows1, rows2, acc_sh, sem_g, sem_s):
    cid = lax.axis_index("c")
    sid = lax.axis_index("s")
    wid = sid * NC + cid
    base = wid * EPW

    pltpu.sync_copy(zrows_hbm, rows0)

    def zs(t, _):
        pltpu.sync_copy(rows0, acc_sh.at[pl.ds(sid * RPT + t * BC, BC)])
        return 0

    lax.fori_loop(0, RPT // BC, zs, 0)
    pltpu.sync_copy(rows0.at[pl.ds(0, RPT - (RPT // BC) * BC)],
                    acc_sh.at[pl.ds(sid * RPT + (RPT // BC) * BC,
                                    RPT - (RPT // BC) * BC)])
    plsc.subcore_barrier()

    def load_idx(e, si, di):
        pltpu.sync_copy(src_hbm.at[pl.ds(base + e * BC, BC)], si)
        pltpu.sync_copy(dst_hbm.at[pl.ds(base + e * BC, BC)], di)

    def g_start(si, buf):
        pltpu.async_copy(y_hbm.at[si], buf, sem_g)

    def g_wait(si, buf):
        pltpu.make_async_copy(y_hbm.at[si], buf, sem_g).wait()

    def s_start(buf, d):
        pltpu.async_copy(buf, acc_sh.at[d], sem_s, add=True)

    def s_wait(buf, d):
        pltpu.make_async_copy(buf, acc_sh.at[d], sem_s).wait()

    def step(e, p, q, do_swait=True, do_gstart=True):
        p_rows, p_si, p_d = p
        q_rows, q_si, q_d = q
        if do_swait:
            s_wait(q_rows, q_d)
        if do_gstart:
            load_idx(e + 1, q_si, q_d)
            g_start(q_si, q_rows)
        g_wait(p_si, p_rows)
        s_start(p_rows, p_d)

    sl0 = (rows0, s0i, d0)
    sl1 = (rows1, s1i, d1)
    sl2 = (rows2, s2i, d2)

    load_idx(0, s0i, d0)
    g_start(s0i, rows0)
    step(0, sl0, sl1, do_swait=False)
    step(1, sl1, sl2, do_swait=False)

    def body(i, _):
        e = 3 * i
        step(e + 2, sl2, sl0)
        step(e + 3, sl0, sl1)
        step(e + 4, sl1, sl2)
        return 0

    lax.fori_loop(0, (NBC - 6) // 3, body, 0)

    step(NBC - 4, sl2, sl0)
    step(NBC - 3, sl0, sl1)
    step(NBC - 2, sl1, sl2)
    step(NBC - 1, sl2, sl0, do_gstart=False)

    pltpu.sync_copy(src_hbm.at[pl.ds(base + NBC * BC, BT)], sti)
    pltpu.sync_copy(dst_hbm.at[pl.ds(base + NBC * BC, BT)], dti)
    pltpu.async_copy(y_hbm.at[sti], rows0.at[pl.ds(0, BT)], sem_g)
    pltpu.make_async_copy(y_hbm.at[sti], rows0.at[pl.ds(0, BT)], sem_g).wait()
    pltpu.async_copy(rows0.at[pl.ds(0, BT)], acc_sh.at[dti], sem_s, add=True)
    s_wait(rows1, d1)
    s_wait(rows2, d2)
    pltpu.make_async_copy(rows0.at[pl.ds(0, BT)], acc_sh.at[dti],
                          sem_s).wait()

    plsc.subcore_barrier()

    def ro(t, _):
        r0 = sid * RPT + t * BC
        pltpu.sync_copy(acc_sh.at[pl.ds(r0, BC)], rows0)
        pltpu.sync_copy(rows0, out_hbm.at[pl.ds(cid * NPAD + r0, BC)])
        return 0

    lax.fori_loop(0, RPT // BC, ro, 0)
    rr = RPT - (RPT // BC) * BC
    r0 = sid * RPT + (RPT // BC) * BC
    pltpu.sync_copy(acc_sh.at[pl.ds(r0, rr)], rows0.at[pl.ds(0, rr)])
    pltpu.sync_copy(rows0.at[pl.ds(0, rr)],
                    out_hbm.at[pl.ds(cid * NPAD + r0, rr)])


def _sc_ones_body(ones_hbm, dst_hbm, zdeg_hbm, out_hbm,
                  dA, dB, ones_v, zb_v, acc_sh, sem_s):
    cid = lax.axis_index("c")
    sid = lax.axis_index("s")
    wid = sid * NC + cid
    base = wid * EPW

    pltpu.sync_copy(zdeg_hbm, zb_v)
    pltpu.sync_copy(zb_v, acc_sh.at[pl.ds(sid * RPT, RPT)])
    plsc.subcore_barrier()

    pltpu.sync_copy(ones_hbm, ones_v)

    def load_d(e, d):
        pltpu.sync_copy(dst_hbm.at[pl.ds(base + e * CHUNK, CHUNK)], d)

    def s_start(d):
        pltpu.async_copy(ones_v, acc_sh.at[d], sem_s, add=True)

    def s_wait(d):
        pltpu.make_async_copy(ones_v, acc_sh.at[d], sem_s).wait()

    load_d(0, dA)
    s_start(dA)
    load_d(1, dB)
    s_start(dB)

    def body(i, _):
        s_wait(dA)
        load_d(2 * i, dA)
        s_start(dA)
        s_wait(dB)
        load_d(2 * i + 1, dB)
        s_start(dB)
        return 0

    lax.fori_loop(1, (NCHUNK - 1) // 2, body, 0)

    s_wait(dA)
    load_d(NCHUNK - 1, dA)
    s_start(dA)
    s_wait(dB)
    s_wait(dA)

    plsc.subcore_barrier()
    pltpu.sync_copy(acc_sh.at[pl.ds(sid * RPT, RPT)], zb_v)
    pltpu.sync_copy(zb_v, out_hbm.at[pl.ds(cid * NPAD + sid * RPT, RPT)])


@functools.cache
def _get_sc_scatter():
    mesh = plsc.VectorSubcoreMesh(
        core_axis_name="c", subcore_axis_name="s",
        num_cores=NC, num_subcores=NS,
    )
    return pl.kernel(
        _sc_scatter_body,
        out_type=jax.ShapeDtypeStruct((NC * NPAD, D), jnp.float32),
        mesh=mesh,
        scratch_types=[
            pltpu.VMEM((BC,), jnp.int32),
            pltpu.VMEM((BC,), jnp.int32),
            pltpu.VMEM((BC,), jnp.int32),
            pltpu.VMEM((BC,), jnp.int32),
            pltpu.VMEM((BC,), jnp.int32),
            pltpu.VMEM((BC,), jnp.int32),
            pltpu.VMEM((BT,), jnp.int32),
            pltpu.VMEM((BT,), jnp.int32),
            pltpu.VMEM((BC, D), jnp.float32),
            pltpu.VMEM((BC, D), jnp.float32),
            pltpu.VMEM((BC, D), jnp.float32),
            pltpu.VMEM_SHARED((NPAD, D), jnp.float32),
            pltpu.SemaphoreType.DMA,
            pltpu.SemaphoreType.DMA,
        ],
        name="sc_edge_scatter",
    )


@functools.cache
def _get_sc_ones():
    mesh = plsc.VectorSubcoreMesh(
        core_axis_name="c", subcore_axis_name="s",
        num_cores=NC, num_subcores=NS,
    )
    return pl.kernel(
        _sc_ones_body,
        out_type=jax.ShapeDtypeStruct((NC * NPAD, DEGW), jnp.float32),
        mesh=mesh,
        scratch_types=[
            pltpu.VMEM((CHUNK,), jnp.int32),
            pltpu.VMEM((CHUNK,), jnp.int32),
            pltpu.VMEM((CHUNK, DEGW), jnp.float32),
            pltpu.VMEM((RPT, DEGW), jnp.float32),
            pltpu.VMEM_SHARED((NPAD, DEGW), jnp.float32),
            pltpu.SemaphoreType.DMA,
        ],
        compiler_params=pltpu.CompilerParams(use_tc_tiling_on_sc=False),
        name="sc_degree",
    )


_RB = 2000


def _xw_body(x_ref, w_ref, y_ref):
    y_ref[...] = jnp.dot(
        x_ref[...], w_ref[...], preferred_element_type=jnp.float32
    )


def _tc_xw(x, w):
    return pl.pallas_call(
        _xw_body,
        grid=(N_NODES // _RB,),
        in_specs=[
            pl.BlockSpec((_RB, D), lambda i: (i, 0)),
            pl.BlockSpec((D, D), lambda i: (0, 0)),
        ],
        out_specs=pl.BlockSpec((_RB, D), lambda i: (i, 0)),
        out_shape=jax.ShapeDtypeStruct((N_NODES, D), jnp.float32),
    )(x, w)


def _scale_body(degt_ref, xw_ref, dinvb_ref, y_ref):
    d = degt_ref[0, :, 0:1] + degt_ref[1, :, 0:1] + 1.0
    dinvb = jnp.broadcast_to(lax.rsqrt(d), (_RB, D))
    dinvb_ref[...] = dinvb
    y_ref[...] = xw_ref[...] * dinvb


def _tc_scale(degt, xw):
    return pl.pallas_call(
        _scale_body,
        grid=(N_NODES // _RB,),
        in_specs=[
            pl.BlockSpec((NC, _RB, DEGW), lambda i: (0, i, 0)),
            pl.BlockSpec((_RB, D), lambda i: (i, 0)),
        ],
        out_specs=[
            pl.BlockSpec((_RB, D), lambda i: (i, 0)),
            pl.BlockSpec((_RB, D), lambda i: (i, 0)),
        ],
        out_shape=[
            jax.ShapeDtypeStruct((N_NODES, D), jnp.float32),
            jax.ShapeDtypeStruct((N_NODES, D), jnp.float32),
        ],
    )(degt, xw)


def _mid_body(s_ref, y_ref, dinv_ref, b_ref, w_ref, out_ref):
    h = (s_ref[0] + s_ref[1] + y_ref[...]) * dinv_ref[...] + b_ref[...]
    h = jnp.maximum(h, 0.0)
    out_ref[...] = (
        jnp.dot(h, w_ref[...], preferred_element_type=jnp.float32)
        * dinv_ref[...]
    )


def _tc_mid(s, y, dinvb, b, w):
    return pl.pallas_call(
        _mid_body,
        grid=(N_NODES // _RB,),
        in_specs=[
            pl.BlockSpec((NC, _RB, D), lambda i: (0, i, 0)),
            pl.BlockSpec((_RB, D), lambda i: (i, 0)),
            pl.BlockSpec((_RB, D), lambda i: (i, 0)),
            pl.BlockSpec((1, D), lambda i: (0, 0)),
            pl.BlockSpec((D, D), lambda i: (0, 0)),
        ],
        out_specs=pl.BlockSpec((_RB, D), lambda i: (i, 0)),
        out_shape=jax.ShapeDtypeStruct((N_NODES, D), jnp.float32),
    )(s, y, dinvb, b, w)


_PB = 2000


def _pool_body(s_ref, y_ref, dinv_ref, b_ref, batch_ref, out_ref, sums, counts):
    k = pl.program_id(0)

    @pl.when(k == 0)
    def _():
        sums[...] = jnp.zeros_like(sums)
        counts[...] = jnp.zeros_like(counts)

    h = (s_ref[0] + s_ref[1] + y_ref[...]) * dinv_ref[...] + b_ref[...]
    ids = batch_ref[0, 0, :]
    oh = (ids[None, :] == lax.broadcasted_iota(jnp.int32, (G, _PB), 0)).astype(
        jnp.float32
    )
    sums[...] += jnp.dot(oh, h, preferred_element_type=jnp.float32)
    counts[...] += jnp.broadcast_to(
        jnp.sum(oh, axis=1, keepdims=True), (G, D)
    )
    out_ref[...] = sums[...] / jnp.maximum(counts[...], 1.0)


def _tc_pool(s, y, dinvb, b, batch3):
    return pl.pallas_call(
        _pool_body,
        grid=(N_NODES // _PB,),
        in_specs=[
            pl.BlockSpec((NC, _PB, D), lambda k: (0, k, 0)),
            pl.BlockSpec((_PB, D), lambda k: (k, 0)),
            pl.BlockSpec((_PB, D), lambda k: (k, 0)),
            pl.BlockSpec((1, D), lambda k: (0, 0)),
            pl.BlockSpec((1, 1, _PB), lambda k: (k, 0, 0)),
        ],
        out_specs=pl.BlockSpec((G, D), lambda k: (0, 0)),
        out_shape=jax.ShapeDtypeStruct((G, D), jnp.float32),
        scratch_shapes=[
            pltpu.VMEM((G, D), jnp.float32),
            pltpu.VMEM((G, D), jnp.float32),
        ],
    )(s, y, dinvb, b, batch3)


def kernel(x, edge_index, batch, W1, b1, W2, b2, W3, b3):
    src = edge_index[0].astype(jnp.int32)
    dst = edge_index[1].astype(jnp.int32)
    batch3 = batch.astype(jnp.int32).reshape(N_NODES // _PB, 1, _PB)
    ones_r = jnp.ones((CHUNK, DEGW), jnp.float32)
    zdeg = jnp.zeros((RPT, DEGW), jnp.float32)
    zrows = jnp.zeros((BC, D), jnp.float32)

    sc_scatter = _get_sc_scatter()
    sc_ones = _get_sc_ones()

    xw1 = _tc_xw(x, W1)
    degt = sc_ones(ones_r, dst, zdeg).reshape(NC, NPAD, DEGW)[:, :N_NODES]
    dinvb, y1 = _tc_scale(degt, xw1)
    s1 = sc_scatter(y1, src, dst, zrows).reshape(NC, NPAD, D)[:, :N_NODES]
    y2 = _tc_mid(s1, y1, dinvb, b1.reshape(1, D), W2)
    s2 = sc_scatter(y2, src, dst, zrows).reshape(NC, NPAD, D)[:, :N_NODES]
    y3 = _tc_mid(s2, y2, dinvb, b2.reshape(1, D), W3)
    s3 = sc_scatter(y3, src, dst, zrows).reshape(NC, NPAD, D)[:, :N_NODES]
    return _tc_pool(s3, y3, dinvb, b3.reshape(1, D), batch3)

# --- scband reference (transcript-rebuilt; emitter-appended) ---
"""Pipeline reference for scband-gcnencoder-network-74071005987301 (READ-ONLY COPY).

The authoritative reference and input builder live on the scoring server;
editing this copy changes nothing except your own understanding.
"""

import jax, jax.numpy as jnp
import numpy as np

N_NODES = 10000
N_EDGES = 320000
D_FEAT = 128
HIDDEN = 128
LATENT2 = 128  # latent_dim * 2
NUM_GRAPHS = 64


def setup_inputs(seed: int = 0) -> dict:
    key = jax.random.key(seed)
    ks = jax.random.split(key, 10)
    x = jax.random.normal(ks[0], (N_NODES, D_FEAT), dtype=jnp.float32)
    edge_index = jax.random.randint(ks[1], (2, N_EDGES), 0, N_NODES, dtype=jnp.int64)
    batch = jnp.sort(jax.random.randint(ks[2], (N_NODES,), 0, NUM_GRAPHS, dtype=jnp.int64))
    W1 = jax.random.normal(ks[3], (D_FEAT, HIDDEN), dtype=jnp.float32) * 0.05
    b1 = jnp.zeros((HIDDEN,), dtype=jnp.float32)
    W2 = jax.random.normal(ks[4], (HIDDEN, HIDDEN), dtype=jnp.float32) * 0.05
    b2 = jnp.zeros((HIDDEN,), dtype=jnp.float32)
    W3 = jax.random.normal(ks[5], (HIDDEN, LATENT2), dtype=jnp.float32) * 0.05
    b3 = jnp.zeros((LATENT2,), dtype=jnp.float32)
    return {"x": x, "edge_index": edge_index, "batch": batch,
            "W1": W1, "b1": b1, "W2": W2, "b2": b2, "W3": W3, "b3": b3}


def _gcn_conv(x, edge_index, W, b):
    num_nodes = x.shape[0]
    loop = jnp.arange(num_nodes, dtype=edge_index.dtype)
    src = jnp.concatenate([edge_index[0], loop])
    dst = jnp.concatenate([edge_index[1], loop])
    deg = jnp.zeros((num_nodes,), dtype=x.dtype).at[dst].add(1.0)
    dinv = jnp.where(deg > 0, jax.lax.rsqrt(jnp.maximum(deg, 1e-12)), 0.0)
    norm = dinv[src] * dinv[dst]
    xw = x @ W
    msg = xw[src] * norm[:, None]
    out = jnp.zeros((num_nodes, xw.shape[1]), dtype=x.dtype).at[dst].add(msg)
    return out + b


def _scatter_mean(x, seg_ids, num_segments):
    sums = jax.ops.segment_sum(x, seg_ids, num_segments=num_segments)
    cnts = jax.ops.segment_sum(jnp.ones((x.shape[0],), dtype=x.dtype), seg_ids, num_segments=num_segments)
    return sums / jnp.maximum(cnts, 1.0)[:, None]


def reference(x, edge_index, batch, W1, b1, W2, b2, W3, b3):
    h = _gcn_conv(x, edge_index, W1, b1)
    h = jax.nn.relu(h)
    h = _gcn_conv(h, edge_index, W2, b2)
    h = jax.nn.relu(h)
    h = _gcn_conv(h, edge_index, W3, b3)
    graph_state = _scatter_mean(h, batch, NUM_GRAPHS)
    return graph_state

if __name__ == "__main__":
    import jax
    _d = setup_inputs()
    print(jax.jit(kernel)(*tuple(_d.values())))

</pallas_src>

<mosaic_0001>
#map = affine_map<(d0, d1) -> (0, 0)>
#map1 = affine_map<(d0, d1) -> (0)>
module attributes {stable_mosaic.version = 14 : i64} {
  func.func @sc_edge_scatter(%arg0: i32, %arg1: i32, %arg2: memref<10000x128xf32, #tpu.memory_space<hbm>>, %arg3: memref<320000xi32, #tpu.memory_space<hbm>>, %arg4: memref<320000xi32, #tpu.memory_space<hbm>>, %arg5: memref<128x128xf32, #tpu.memory_space<hbm>>, %arg6: memref<20224x128xf32, #tpu.memory_space<hbm>>, %arg7: memref<128xi32, #tpu.memory_space<vmem>>, %arg8: memref<128xi32, #tpu.memory_space<vmem>>, %arg9: memref<128xi32, #tpu.memory_space<vmem>>, %arg10: memref<128xi32, #tpu.memory_space<vmem>>, %arg11: memref<128xi32, #tpu.memory_space<vmem>>, %arg12: memref<128xi32, #tpu.memory_space<vmem>>, %arg13: memref<16xi32, #tpu.memory_space<vmem>>, %arg14: memref<16xi32, #tpu.memory_space<vmem>>, %arg15: memref<128x128xf32, #tpu.memory_space<vmem>>, %arg16: memref<128x128xf32, #tpu.memory_space<vmem>>, %arg17: memref<128x128xf32, #tpu.memory_space<vmem>>, %arg18: memref<10112x128xf32, #tpu.memory_space<vmem_shared>>, %arg19: memref<!tpu.dma_semaphore, #tpu.memory_space<semaphore_mem>>, %arg20: memref<!tpu.dma_semaphore, #tpu.memory_space<semaphore_mem>>) attributes {dimension_semantics = [#tpu.dimension_semantics<core_parallel>, #tpu.dimension_semantics<subcore_parallel>], iteration_bounds = array<i64: 2, 16>, scalar_prefetch = 0 : i64, scratch_operands = 14 : i64, tpu.core_type = #tpu.core_type<sc_vector_subcore>, window_params = [{transform_indices = #map}, {transform_indices = #map1}, {transform_indices = #map1}, {transform_indices = #map}, {transform_indices = #map}]} {
    %mul3A = arith.constant 2 : i32
    %mul3A_0 = arith.muli %arg1, %mul3A : i32
    %add3A = arith.addi %mul3A_0, %arg0 : i32
    %mul3A_1 = arith.constant 10000 : i32
    %mul3A_2 = arith.muli %add3A, %mul3A_1 : i32
    "tpu.region"() ({
      %run_scoped3A = tpu.sem_alloc : memref<!tpu.dma_semaphore, #tpu.memory_space<semaphore_mem>>
      tpu.enqueue_dma source(%arg5 : memref<128x128xf32, #tpu.memory_space<hbm>>) target(%arg15 : memref<128x128xf32, #tpu.memory_space<vmem>>) target_semaphore(%run_scoped3A : memref<!tpu.dma_semaphore, #tpu.memory_space<semaphore_mem>>)
      tpu.wait_dma2 semaphore(%run_scoped3A : memref<!tpu.dma_semaphore, #tpu.memory_space<semaphore_mem>>) src(%arg5 : memref<128x128xf32, #tpu.memory_space<hbm>>) dst(%arg15 : memref<128x128xf32, #tpu.memory_space<vmem>>)
      tpu.yield
    }) : () -> ()
    %scan3A = arith.constant 0 : i32
    %scan3A_3 = arith.constant 0 : i32
    %scan3A_4 = arith.constant 4 : i32
    %scan3A_5 = arith.addi %scan3A_3, %scan3A_4 : i32
    %scan3A_6 = arith.constant 1 : i32
    %scan3A_7 = scf.for %scan3A_157 = %scan3A_3 to %scan3A_5 step %scan3A_6 iter_args(%scan3A_158 = %scan3A) -> (i32)  : i32 {
      %mul3A_159 = arith.constant 632 : i32
      %mul3A_160 = arith.muli %arg1, %mul3A_159 : i32
      %mul3A_161 = arith.constant 128 : i32
      %mul3A_162 = arith.muli %scan3A_157, %mul3A_161 : i32
      %add3A_163 = arith.addi %mul3A_160, %mul3A_162 : i32
      "tpu.region"() ({
        %run_scoped3A = tpu.sem_alloc : memref<!tpu.dma_semaphore, #tpu.memory_space<semaphore_mem>>
        %dma_start3A_165 = arith.constant 0 : i32
        %dma_start3A_166 = tpu.memref_slice %arg18[%add3A_163, %dma_start3A_165] : memref<10112x128xf32, #tpu.memory_space<vmem_shared>> -> memref<128x128xf32, #tpu.memory_space<vmem_shared>>
        %dma_start3A_167 = arith.constant 0 : i32
        %dma_start3A_168 = tpu.memref_slice %arg18[%add3A_163, %dma_start3A_167] : memref<10112x128xf32, #tpu.memory_space<vmem_shared>> -> memref<128x128xf32, #tpu.memory_space<vmem_shared>>
        tpu.enqueue_dma source(%arg15 : memref<128x128xf32, #tpu.memory_space<vmem>>) target(%dma_start3A_168 : memref<128x128xf32, #tpu.memory_space<vmem_shared>>) target_semaphore(%run_scoped3A : memref<!tpu.dma_semaphore, #tpu.memory_space<semaphore_mem>>)
        %dma_wait3A_169 = arith.constant 0 : i32
        %dma_wait3A_170 = tpu.memref_slice %arg18[%add3A_163, %dma_wait3A_169] : memref<10112x128xf32, #tpu.memory_space<vmem_shared>> -> memref<128x128xf32, #tpu.memory_space<vmem_shared>>
        %dma_wait3A_171 = arith.constant 0 : i32
        %dma_wait3A_172 = tpu.memref_slice %arg18[%add3A_163, %dma_wait3A_171] : memref<10112x128xf32, #tpu.memory_space<vmem_shared>> -> memref<128x128xf32, #tpu.memory_space<vmem_shared>>
        tpu.wait_dma2 semaphore(%run_scoped3A : memref<!tpu.dma_semaphore, #tpu.memory_space<semaphore_mem>>) src(%arg15 : memref<128x128xf32, #tpu.memory_space<vmem>>) dst(%dma_wait3A_172 : memref<128x128xf32, #tpu.memory_space<vmem_shared>>)
        tpu.yield
      }) : () -> ()
      %scan3A_164 = arith.constant 0 : i32
      scf.yield %scan3A_164 : i32
    }
    %scan3A_8 = arith.constant 4 : i32
    %mul3A_9 = arith.constant 632 : i32
    %mul3A_10 = arith.muli %arg1, %mul3A_9 : i32
    %add3A_11 = arith.constant 512 : i32
    %add3A_12 = arith.addi %mul3A_10, %add3A_11 : i32
    "tpu.region"() ({
      %run_scoped3A = tpu.sem_alloc : memref<!tpu.dma_semaphore, #tpu.memory_space<semaphore_mem>>
      %dma_start3A_157 = arith.constant 0 : i32
      %dma_start3A_158 = arith.constant 0 : i32
      %dma_start3A_159 = tpu.memref_slice %arg15[%dma_start3A_157, %dma_start3A_158] : memref<128x128xf32, #tpu.memory_space<vmem>> -> memref<120x128xf32, #tpu.memory_space<vmem>>
      %dma_start3A_160 = arith.constant 0 : i32
      %dma_start3A_161 = tpu.memref_slice %arg18[%add3A_12, %dma_start3A_160] : memref<10112x128xf32, #tpu.memory_space<vmem_shared>> -> memref<120x128xf32, #tpu.memory_space<vmem_shared>>
      %dma_start3A_162 = arith.constant 0 : i32
      %dma_start3A_163 = tpu.memref_slice %arg18[%add3A_12, %dma_start3A_162] : memref<10112x128xf32, #tpu.memory_space<vmem_shared>> -> memref<120x128xf32, #tpu.memory_space<vmem_shared>>
      %dma_start3A_164 = arith.constant 0 : i32
      %dma_start3A_165 = arith.constant 0 : i32
      %dma_start3A_166 = tpu.memref_slice %arg15[%dma_start3A_164, %dma_start3A_165] : memref<128x128xf32, #tpu.memory_space<vmem>> -> memref<120x128xf32, #tpu.memory_space<vmem>>
      tpu.enqueue_dma source(%dma_start3A_166 : memref<120x128xf32, #tpu.memory_space<vmem>>) target(%dma_start3A_163 : memref<120x128xf32, #tpu.memory_space<vmem_shared>>) target_semaphore(%run_scoped3A : memref<!tpu.dma_semaphore, #tpu.memory_space<semaphore_mem>>)
      %dma_wait3A_167 = arith.constant 0 : i32
      %dma_wait3A_168 = arith.constant 0 : i32
      %dma_wait3A_169 = tpu.memref_slice %arg15[%dma_wait3A_167, %dma_wait3A_168] : memref<128x128xf32, #tpu.memory_space<vmem>> -> memref<120x128xf32, #tpu.memory_space<vmem>>
      %dma_wait3A_170 = arith.constant 0 : i32
      %dma_wait3A_171 = tpu.memref_slice %arg18[%add3A_12, %dma_wait3A_170] : memref<10112x128xf32, #tpu.memory_space<vmem_shared>> -> memref<120x128xf32, #tpu.memory_space<vmem_shared>>
      %dma_wait3A_172 = arith.constant 0 : i32
      %dma_wait3A_173 = tpu.memref_slice %arg18[%add3A_12, %dma_wait3A_172] : memref<10112x128xf32, #tpu.memory_space<vmem_shared>> -> memref<120x128xf32, #tpu.memory_space<vmem_shared>>
      %dma_wait3A_174 = arith.constant 0 : i32
      %dma_wait3A_175 = arith.constant 0 : i32
      %dma_wait3A_176 = tpu.memref_slice %arg15[%dma_wait3A_174, %dma_wait3A_175] : memref<128x128xf32, #tpu.memory_space<vmem>> -> memref<120x128xf32, #tpu.memory_space<vmem>>
      tpu.wait_dma2 semaphore(%run_scoped3A : memref<!tpu.dma_semaphore, #tpu.memory_space<semaphore_mem>>) src(%dma_wait3A_176 : memref<120x128xf32, #tpu.memory_space<vmem>>) dst(%dma_wait3A_173 : memref<120x128xf32, #tpu.memory_space<vmem_shared>>)
      tpu.yield
    }) : () -> ()
    %barrier3A = arith.constant 0 : index
    tpu.barrier barrier_id(%barrier3A)
    %add3A_13 = arith.constant 0 : i32
    %add3A_14 = arith.addi %mul3A_2, %add3A_13 : i32
    "tpu.region"() ({
      %run_scoped3A = tpu.sem_alloc : memref<!tpu.dma_semaphore, #tpu.memory_space<semaphore_mem>>
      %dma_start3A_157 = tpu.memref_slice %arg3[%add3A_14] : memref<320000xi32, #tpu.memory_space<hbm>> -> memref<128xi32, #tpu.memory_space<hbm>>
      %dma_start3A_158 = tpu.memref_slice %arg3[%add3A_14] : memref<320000xi32, #tpu.memory_space<hbm>> -> memref<128xi32, #tpu.memory_space<hbm>>
      tpu.enqueue_dma source(%dma_start3A_158 : memref<128xi32, #tpu.memory_space<hbm>>) target(%arg7 : memref<128xi32, #tpu.memory_space<vmem>>) target_semaphore(%run_scoped3A : memref<!tpu.dma_semaphore, #tpu.memory_space<semaphore_mem>>)
      %dma_wait3A_159 = tpu.memref_slice %arg3[%add3A_14] : memref<320000xi32, #tpu.memory_space<hbm>> -> memref<128xi32, #tpu.memory_space<hbm>>
      %dma_wait3A_160 = tpu.memref_slice %arg3[%add3A_14] : memref<320000xi32, #tpu.memory_space<hbm>> -> memref<128xi32, #tpu.memory_space<hbm>>
      tpu.wait_dma2 semaphore(%run_scoped3A : memref<!tpu.dma_semaphore, #tpu.memory_space<semaphore_mem>>) src(%dma_wait3A_160 : memref<128xi32, #tpu.memory_space<hbm>>) dst(%arg7 : memref<128xi32, #tpu.memory_space<vmem>>)
      tpu.yield
    }) : () -> ()
    %add3A_15 = arith.constant 0 : i32
    %add3A_16 = arith.addi %mul3A_2, %add3A_15 : i32
    "tpu.region"() ({
      %run_scoped3A = tpu.sem_alloc : memref<!tpu.dma_semaphore, #tpu.memory_space<semaphore_mem>>
      %dma_start3A_157 = tpu.memref_slice %arg4[%add3A_16] : memref<320000xi32, #tpu.memory_space<hbm>> -> memref<128xi32, #tpu.memory_space<hbm>>
      %dma_start3A_158 = tpu.memref_slice %arg4[%add3A_16] : memref<320000xi32, #tpu.memory_space<hbm>> -> memref<128xi32, #tpu.memory_space<hbm>>
      tpu.enqueue_dma source(%dma_start3A_158 : memref<128xi32, #tpu.memory_space<hbm>>) target(%arg10 : memref<128xi32, #tpu.memory_space<vmem>>) target_semaphore(%run_scoped3A : memref<!tpu.dma_semaphore, #tpu.memory_space<semaphore_mem>>)
      %dma_wait3A_159 = tpu.memref_slice %arg4[%add3A_16] : memref<320000xi32, #tpu.memory_space<hbm>> -> memref<128xi32, #tpu.memory_space<hbm>>
      %dma_wait3A_160 = tpu.memref_slice %arg4[%add3A_16] : memref<320000xi32, #tpu.memory_space<hbm>> -> memref<128xi32, #tpu.memory_space<hbm>>
      tpu.wait_dma2 semaphore(%run_scoped3A : memref<!tpu.dma_semaphore, #tpu.memory_space<semaphore_mem>>) src(%dma_wait3A_160 : memref<128xi32, #tpu.memory_space<hbm>>) dst(%arg10 : memref<128xi32, #tpu.memory_space<vmem>>)
      tpu.yield
    }) : () -> ()
    %dma_start3A = arith.constant 0 : i32
    %dma_start3A_17 = arith.constant 0 : i32
    %dma_start3A_18 = tpu.memref_slice %arg2[%dma_start3A, %dma_start3A_17] : memref<10000x128xf32, #tpu.memory_space<hbm>> -> memref<10000x128xf32, #tpu.memory_space<hbm>>
    tpu.enqueue_indirect_dma source(%dma_start3A_18 : memref<10000x128xf32, #tpu.memory_space<hbm>>) target(%arg15 : memref<128x128xf32, #tpu.memory_space<vmem>>) offsets(%arg7 : memref<128xi32, #tpu.memory_space<vmem>>) semaphore(%arg19 : memref<!tpu.dma_semaphore, #tpu.memory_space<semaphore_mem>>)
    %add3A_19 = arith.constant 128 : i32
    %add3A_20 = arith.addi %mul3A_2, %add3A_19 : i32
    "tpu.region"() ({
      %run_scoped3A = tpu.sem_alloc : memref<!tpu.dma_semaphore, #tpu.memory_space<semaphore_mem>>
      %dma_start3A_157 = tpu.memref_slice %arg3[%add3A_20] : memref<320000xi32, #tpu.memory_space<hbm>> -> memref<128xi32, #tpu.memory_space<hbm>>
      %dma_start3A_158 = tpu.memref_slice %arg3[%add3A_20] : memref<320000xi32, #tpu.memory_space<hbm>> -> memref<128xi32, #tpu.memory_space<hbm>>
      tpu.enqueue_dma source(%dma_start3A_158 : memref<128xi32, #tpu.memory_space<hbm>>) target(%arg8 : memref<128xi32, #tpu.memory_space<vmem>>) target_semaphore(%run_scoped3A : memref<!tpu.dma_semaphore, #tpu.memory_space<semaphore_mem>>)
      %dma_wait3A_159 = tpu.memref_slice %arg3[%add3A_20] : memref<320000xi32, #tpu.memory_space<hbm>> -> memref<128xi32, #tpu.memory_space<hbm>>
      %dma_wait3A_160 = tpu.memref_slice %arg3[%add3A_20] : memref<320000xi32, #tpu.memory_space<hbm>> -> memref<128xi32, #tpu.memory_space<hbm>>
      tpu.wait_dma2 semaphore(%run_scoped3A : memref<!tpu.dma_semaphore, #tpu.memory_space<semaphore_mem>>) src(%dma_wait3A_160 : memref<128xi32, #tpu.memory_space<hbm>>) dst(%arg8 : memref<128xi32, #tpu.memory_space<vmem>>)
      tpu.yield
    }) : () -> ()
    %add3A_21 = arith.constant 128 : i32
    %add3A_22 = arith.addi %mul3A_2, %add3A_21 : i32
    "tpu.region"() ({
      %run_scoped3A = tpu.sem_alloc : memref<!tpu.dma_semaphore, #tpu.memory_space<semaphore_mem>>
      %dma_start3A_157 = tpu.memref_slice %arg4[%add3A_22] : memref<320000xi32, #tpu.memory_space<hbm>> -> memref<128xi32, #tpu.memory_space<hbm>>
      %dma_start3A_158 = tpu.memref_slice %arg4[%add3A_22] : memref<320000xi32, #tpu.memory_space<hbm>> -> memref<128xi32, #tpu.memory_space<hbm>>
      tpu.enqueue_dma source(%dma_start3A_158 : memref<128xi32, #tpu.memory_space<hbm>>) target(%arg11 : memref<128xi32, #tpu.memory_space<vmem>>) target_semaphore(%run_scoped3A : memref<!tpu.dma_semaphore, #tpu.memory_space<semaphore_mem>>)
      %dma_wait3A_159 = tpu.memref_slice %arg4[%add3A_22] : memref<320000xi32, #tpu.memory_space<hbm>> -> memref<128xi32, #tpu.memory_space<hbm>>
      %dma_wait3A_160 = tpu.memref_slice %arg4[%add3A_22] : memref<320000xi32, #tpu.memory_space<hbm>> -> memref<128xi32, #tpu.memory_space<hbm>>
      tpu.wait_dma2 semaphore(%run_scoped3A : memref<!tpu.dma_semaphore, #tpu.memory_space<semaphore_mem>>) src(%dma_wait3A_160 : memref<128xi32, #tpu.memory_space<hbm>>) dst(%arg11 : memref<128xi32, #tpu.memory_space<vmem>>)
      tpu.yield
    }) : () -> ()
    %dma_start3A_23 = arith.constant 0 : i32
    %dma_start3A_24 = arith.constant 0 : i32
    %dma_start3A_25 = tpu.memref_slice %arg2[%dma_start3A_23, %dma_start3A_24] : memref<10000x128xf32, #tpu.memory_space<hbm>> -> memref<10000x128xf32, #tpu.memory_space<hbm>>
    tpu.enqueue_indirect_dma source(%dma_start3A_25 : memref<10000x128xf32, #tpu.memory_space<hbm>>) target(%arg16 : memref<128x128xf32, #tpu.memory_space<vmem>>) offsets(%arg8 : memref<128xi32, #tpu.memory_space<vmem>>) semaphore(%arg19 : memref<!tpu.dma_semaphore, #tpu.memory_space<semaphore_mem>>)
    %dma_wait3A = arith.constant 0 : i32
    %dma_wait3A_26 = arith.constant 0 : i32
    %dma_wait3A_27 = tpu.memref_slice %arg2[%dma_wait3A, %dma_wait3A_26] : memref<10000x128xf32, #tpu.memory_space<hbm>> -> memref<10000x128xf32, #tpu.memory_space<hbm>>
    tpu.wait_indirect_dma semaphore(%arg19 : memref<!tpu.dma_semaphore, #tpu.memory_space<semaphore_mem>>) src(%dma_wait3A_27 : memref<10000x128xf32, #tpu.memory_space<hbm>>) dst(%arg15 : memref<128x128xf32, #tpu.memory_space<vmem>>)
    %dma_start3A_28 = arith.constant 0 : i32
    %dma_start3A_29 = arith.constant 0 : i32
    %dma_start3A_30 = tpu.memref_slice %arg18[%dma_start3A_28, %dma_start3A_29] : memref<10112x128xf32, #tpu.memory_space<vmem_shared>> -> memref<10112x128xf32, #tpu.memory_space<vmem_shared>>
    tpu.enqueue_indirect_dma source(%arg15 : memref<128x128xf32, #tpu.memory_space<vmem>>) target(%dma_start3A_30 : memref<10112x128xf32, #tpu.memory_space<vmem_shared>>) offsets(%arg10 : memref<128xi32, #tpu.memory_space<vmem>>) semaphore(%arg20 : memref<!tpu.dma_semaphore, #tpu.memory_space<semaphore_mem>>) {add = true}
    %add3A_31 = arith.constant 256 : i32
    %add3A_32 = arith.addi %mul3A_2, %add3A_31 : i32
    "tpu.region"() ({
      %run_scoped3A = tpu.sem_alloc : memref<!tpu.dma_semaphore, #tpu.memory_space<semaphore_mem>>
      %dma_start3A_157 = tpu.memref_slice %arg3[%add3A_32] : memref<320000xi32, #tpu.memory_space<hbm>> -> memref<128xi32, #tpu.memory_space<hbm>>
      %dma_start3A_158 = tpu.memref_slice %arg3[%add3A_32] : memref<320000xi32, #tpu.memory_space<hbm>> -> memref<128xi32, #tpu.memory_space<hbm>>
      tpu.enqueue_dma source(%dma_start3A_158 : memref<128xi32, #tpu.memory_space<hbm>>) target(%arg9 : memref<128xi32, #tpu.memory_space<vmem>>) target_semaphore(%run_scoped3A : memref<!tpu.dma_semaphore, #tpu.memory_space<semaphore_mem>>)
      %dma_wait3A_159 = tpu.memref_slice %arg3[%add3A_32] : memref<320000xi32, #tpu.memory_space<hbm>> -> memref<128xi32, #tpu.memory_space<hbm>>
      %dma_wait3A_160 = tpu.memref_slice %arg3[%add3A_32] : memref<320000xi32, #tpu.memory_space<hbm>> -> memref<128xi32, #tpu.memory_space<hbm>>
      tpu.wait_dma2 semaphore(%run_scoped3A : memref<!tpu.dma_semaphore, #tpu.memory_space<semaphore_mem>>) src(%dma_wait3A_160 : memref<128xi32, #tpu.memory_space<hbm>>) dst(%arg9 : memref<128xi32, #tpu.memory_space<vmem>>)
      tpu.yield
    }) : () -> ()
    %add3A_33 = arith.constant 256 : i32
    %add3A_34 = arith.addi %mul3A_2, %add3A_33 : i32
    "tpu.region"() ({
      %run_scoped3A = tpu.sem_alloc : memref<!tpu.dma_semaphore, #tpu.memory_space<semaphore_mem>>
      %dma_start3A_157 = tpu.memref_slice %arg4[%add3A_34] : memref<320000xi32, #tpu.memory_space<hbm>> -> memref<128xi32, #tpu.memory_space<hbm>>
      %dma_start3A_158 = tpu.memref_slice %arg4[%add3A_34] : memref<320000xi32, #tpu.memory_space<hbm>> -> memref<128xi32, #tpu.memory_space<hbm>>
      tpu.enqueue_dma source(%dma_start3A_158 : memref<128xi32, #tpu.memory_space<hbm>>) target(%arg12 : memref<128xi32, #tpu.memory_space<vmem>>) target_semaphore(%run_scoped3A : memref<!tpu.dma_semaphore, #tpu.memory_space<semaphore_mem>>)
      %dma_wait3A_159 = tpu.memref_slice %arg4[%add3A_34] : memref<320000xi32, #tpu.memory_space<hbm>> -> memref<128xi32, #tpu.memory_space<hbm>>
      %dma_wait3A_160 = tpu.memref_slice %arg4[%add3A_34] : memref<320000xi32, #tpu.memory_space<hbm>> -> memref<128xi32, #tpu.memory_space<hbm>>
      tpu.wait_dma2 semaphore(%run_scoped3A : memref<!tpu.dma_semaphore, #tpu.memory_space<semaphore_mem>>) src(%dma_wait3A_160 : memref<128xi32, #tpu.memory_space<hbm>>) dst(%arg12 : memref<128xi32, #tpu.memory_space<vmem>>)
      tpu.yield
    }) : () -> ()
    %dma_start3A_35 = arith.constant 0 : i32
    %dma_start3A_36 = arith.constant 0 : i32
    %dma_start3A_37 = tpu.memref_slice %arg2[%dma_start3A_35, %dma_start3A_36] : memref<10000x128xf32, #tpu.memory_space<hbm>> -> memref<10000x128xf32, #tpu.memory_space<hbm>>
    tpu.enqueue_indirect_dma source(%dma_start3A_37 : memref<10000x128xf32, #tpu.memory_space<hbm>>) target(%arg17 : memref<128x128xf32, #tpu.memory_space<vmem>>) offsets(%arg9 : memref<128xi32, #tpu.memory_space<vmem>>) semaphore(%arg19 : memref<!tpu.dma_semaphore, #tpu.memory_space<semaphore_mem>>)
    %dma_wait3A_38 = arith.constant 0 : i32
    %dma_wait3A_39 = arith.constant 0 : i32
    %dma_wait3A_40 = tpu.memref_slice %arg2[%dma_wait3A_38, %dma_wait3A_39] : memref<10000x128xf32, #tpu.memory_space<hbm>> -> memref<10000x128xf32, #tpu.memory_space<hbm>>
    tpu.wait_indirect_dma semaphore(%arg19 : memref<!tpu.dma_semaphore, #tpu.memory_space<semaphore_mem>>) src(%dma_wait3A_40 : memref<10000x128xf32, #tpu.memory_space<hbm>>) dst(%arg16 : memref<128x128xf32, #tpu.memory_space<vmem>>)
    %dma_start3A_41 = arith.constant 0 : i32
    %dma_start3A_42 = arith.constant 0 : i32
    %dma_start3A_43 = tpu.memref_slice %arg18[%dma_start3A_41, %dma_start3A_42] : memref<10112x128xf32, #tpu.memory_space<vmem_shared>> -> memref<10112x128xf32, #tpu.memory_space<vmem_shared>>
    tpu.enqueue_indirect_dma source(%arg16 : memref<128x128xf32, #tpu.memory_space<vmem>>) target(%dma_start3A_43 : memref<10112x128xf32, #tpu.memory_space<vmem_shared>>) offsets(%arg11 : memref<128xi32, #tpu.memory_space<vmem>>) semaphore(%arg20 : memref<!tpu.dma_semaphore, #tpu.memory_space<semaphore_mem>>) {add = true}
    %scan3A_44 = arith.constant 0 : i32
    %scan3A_45 = arith.constant 0 : i32
    %scan3A_46 = arith.constant 24 : i32
    %scan3A_47 = arith.addi %scan3A_45, %scan3A_46 : i32
    %scan3A_48 = arith.constant 1 : i32
    %scan3A_49 = scf.for %scan3A_157 = %scan3A_45 to %scan3A_47 step %scan3A_48 iter_args(%scan3A_158 = %scan3A_44) -> (i32)  : i32 {
      %mul3A_159 = arith.constant 3 : i32
      %mul3A_160 = arith.muli %mul3A_159, %scan3A_157 : i32
      %add3A_161 = arith.constant 2 : i32
      %add3A_162 = arith.addi %mul3A_160, %add3A_161 : i32
      %dma_wait3A_163 = arith.constant 0 : i32
      %dma_wait3A_164 = arith.constant 0 : i32
      %dma_wait3A_165 = tpu.memref_slice %arg18[%dma_wait3A_163, %dma_wait3A_164] : memref<10112x128xf32, #tpu.memory_space<vmem_shared>> -> memref<10112x128xf32, #tpu.memory_space<vmem_shared>>
      tpu.wait_indirect_dma semaphore(%arg20 : memref<!tpu.dma_semaphore, #tpu.memory_space<semaphore_mem>>) src(%arg15 : memref<128x128xf32, #tpu.memory_space<vmem>>) dst(%dma_wait3A_165 : memref<10112x128xf32, #tpu.memory_space<vmem_shared>>)
      %add3A_166 = arith.constant 1 : i32
      %add3A_167 = arith.addi %add3A_162, %add3A_166 : i32
      %mul3A_168 = arith.constant 128 : i32
      %mul3A_169 = arith.muli %add3A_167, %mul3A_168 : i32
      %add3A_170 = arith.addi %mul3A_2, %mul3A_169 : i32
      "tpu.region"() ({
        %run_scoped3A = tpu.sem_alloc : memref<!tpu.dma_semaphore, #tpu.memory_space<semaphore_mem>>
        %dma_start3A_228 = tpu.memref_slice %arg3[%add3A_170] : memref<320000xi32, #tpu.memory_space<hbm>> -> memref<128xi32, #tpu.memory_space<hbm>>
        %dma_start3A_229 = tpu.memref_slice %arg3[%add3A_170] : memref<320000xi32, #tpu.memory_space<hbm>> -> memref<128xi32, #tpu.memory_space<hbm>>
        tpu.enqueue_dma source(%dma_start3A_229 : memref<128xi32, #tpu.memory_space<hbm>>) target(%arg7 : memref<128xi32, #tpu.memory_space<vmem>>) target_semaphore(%run_scoped3A : memref<!tpu.dma_semaphore, #tpu.memory_space<semaphore_mem>>)
        %dma_wait3A_230 = tpu.memref_slice %arg3[%add3A_170] : memref<320000xi32, #tpu.memory_space<hbm>> -> memref<128xi32, #tpu.memory_space<hbm>>
        %dma_wait3A_231 = tpu.memref_slice %arg3[%add3A_170] : memref<320000xi32, #tpu.memory_space<hbm>> -> memref<128xi32, #tpu.memory_space<hbm>>
        tpu.wait_dma2 semaphore(%run_scoped3A : memref<!tpu.dma_semaphore, #tpu.memory_space<semaphore_mem>>) src(%dma_wait3A_231 : memref<128xi32, #tpu.memory_space<hbm>>) dst(%arg7 : memref<128xi32, #tpu.memory_space<vmem>>)
        tpu.yield
      }) : () -> ()
      %mul3A_171 = arith.constant 128 : i32
      %mul3A_172 = arith.muli %add3A_167, %mul3A_171 : i32
      %add3A_173 = arith.addi %mul3A_2, %mul3A_172 : i32
      "tpu.region"() ({
        %run_scoped3A = tpu.sem_alloc : memref<!tpu.dma_semaphore, #tpu.memory_space<semaphore_mem>>
        %dma_start3A_228 = tpu.memref_slice %arg4[%add3A_173] : memref<320000xi32, #tpu.memory_space<hbm>> -> memref<128xi32, #tpu.memory_space<hbm>>
        %dma_start3A_229 = tpu.memref_slice %arg4[%add3A_173] : memref<320000xi32, #tpu.memory_space<hbm>> -> memref<128xi32, #tpu.memory_space<hbm>>
        tpu.enqueue_dma source(%dma_start3A_229 : memref<128xi32, #tpu.memory_space<hbm>>) target(%arg10 : memref<128xi32, #tpu.memory_space<vmem>>) target_semaphore(%run_scoped3A : memref<!tpu.dma_semaphore, #tpu.memory_space<semaphore_mem>>)
        %dma_wait3A_230 = tpu.memref_slice %arg4[%add3A_173] : memref<320000xi32, #tpu.memory_space<hbm>> -> memref<128xi32, #tpu.memory_space<hbm>>
        %dma_wait3A_231 = tpu.memref_slice %arg4[%add3A_173] : memref<320000xi32, #tpu.memory_space<hbm>> -> memref<128xi32, #tpu.memory_space<hbm>>
        tpu.wait_dma2 semaphore(%run_scoped3A : memref<!tpu.dma_semaphore, #tpu.memory_space<semaphore_mem>>) src(%dma_wait3A_231 : memref<128xi32, #tpu.memory_space<hbm>>) dst(%arg10 : memref<128xi32, #tpu.memory_space<vmem>>)
        tpu.yield
      }) : () -> ()
      %dma_start3A_174 = arith.constant 0 : i32
      %dma_start3A_175 = arith.constant 0 : i32
      %dma_start3A_176 = tpu.memref_slice %arg2[%dma_start3A_174, %dma_start3A_175] : memref<10000x128xf32, #tpu.memory_space<hbm>> -> memref<10000x128xf32, #tpu.memory_space<hbm>>
      tpu.enqueue_indirect_dma source(%dma_start3A_176 : memref<10000x128xf32, #tpu.memory_space<hbm>>) target(%arg15 : memref<128x128xf32, #tpu.memory_space<vmem>>) offsets(%arg7 : memref<128xi32, #tpu.memory_space<vmem>>) semaphore(%arg19 : memref<!tpu.dma_semaphore, #tpu.memory_space<semaphore_mem>>)
      %dma_wait3A_177 = arith.constant 0 : i32
      %dma_wait3A_178 = arith.constant 0 : i32
      %dma_wait3A_179 = tpu.memref_slice %arg2[%dma_wait3A_177, %dma_wait3A_178] : memref<10000x128xf32, #tpu.memory_space<hbm>> -> memref<10000x128xf32, #tpu.memory_space<hbm>>
      tpu.wait_indirect_dma semaphore(%arg19 : memref<!tpu.dma_semaphore, #tpu.memory_space<semaphore_mem>>) src(%dma_wait3A_179 : memref<10000x128xf32, #tpu.memory_space<hbm>>) dst(%arg17 : memref<128x128xf32, #tpu.memory_space<vmem>>)
      %dma_start3A_180 = arith.constant 0 : i32
      %dma_start3A_181 = arith.constant 0 : i32
      %dma_start3A_182 = tpu.memref_slice %arg18[%dma_start3A_180, %dma_start3A_181] : memref<10112x128xf32, #tpu.memory_space<vmem_shared>> -> memref<10112x128xf32, #tpu.memory_space<vmem_shared>>
      tpu.enqueue_indirect_dma source(%arg17 : memref<128x128xf32, #tpu.memory_space<vmem>>) target(%dma_start3A_182 : memref<10112x128xf32, #tpu.memory_space<vmem_shared>>) offsets(%arg12 : memref<128xi32, #tpu.memory_space<vmem>>) semaphore(%arg20 : memref<!tpu.dma_semaphore, #tpu.memory_space<semaphore_mem>>) {add = true}
      %add3A_183 = arith.constant 3 : i32
      %add3A_184 = arith.addi %mul3A_160, %add3A_183 : i32
      %dma_wait3A_185 = arith.constant 0 : i32
      %dma_wait3A_186 = arith.constant 0 : i32
      %dma_wait3A_187 = tpu.memref_slice %arg18[%dma_wait3A_185, %dma_wait3A_186] : memref<10112x128xf32, #tpu.memory_space<vmem_shared>> -> memref<10112x128xf32, #tpu.memory_space<vmem_shared>>
      tpu.wait_indirect_dma semaphore(%arg20 : memref<!tpu.dma_semaphore, #tpu.memory_space<semaphore_mem>>) src(%arg16 : memref<128x128xf32, #tpu.memory_space<vmem>>) dst(%dma_wait3A_187 : memref<10112x128xf32, #tpu.memory_space<vmem_shared>>)
      %add3A_188 = arith.constant 1 : i32
      %add3A_189 = arith.addi %add3A_184, %add3A_188 : i32
      %mul3A_190 = arith.constant 128 : i32
      %mul3A_191 = arith.muli %add3A_189, %mul3A_190 : i32
      %add3A_192 = arith.addi %mul3A_2, %mul3A_191 : i32
      "tpu.region"() ({
        %run_scoped3A = tpu.sem_alloc : memref<!tpu.dma_semaphore, #tpu.memory_space<semaphore_mem>>
        %dma_start3A_228 = tpu.memref_slice %arg3[%add3A_192] : memref<320000xi32, #tpu.memory_space<hbm>> -> memref<128xi32, #tpu.memory_space<hbm>>
        %dma_start3A_229 = tpu.memref_slice %arg3[%add3A_192] : memref<320000xi32, #tpu.memory_space<hbm>> -> memref<128xi32, #tpu.memory_space<hbm>>
        tpu.enqueue_dma source(%dma_start3A_229 : memref<128xi32, #tpu.memory_space<hbm>>) target(%arg8 : memref<128xi32, #tpu.memory_space<vmem>>) target_semaphore(%run_scoped3A : memref<!tpu.dma_semaphore, #tpu.memory_space<semaphore_mem>>)
        %dma_wait3A_230 = tpu.memref_slice %arg3[%add3A_192] : memref<320000xi32, #tpu.memory_space<hbm>> -> memref<128xi32, #tpu.memory_space<hbm>>
        %dma_wait3A_231 = tpu.memref_slice %arg3[%add3A_192] : memref<320000xi32, #tpu.memory_space<hbm>> -> memref<128xi32, #tpu.memory_space<hbm>>
        tpu.wait_dma2 semaphore(%run_scoped3A : memref<!tpu.dma_semaphore, #tpu.memory_space<semaphore_mem>>) src(%dma_wait3A_231 : memref<128xi32, #tpu.memory_space<hbm>>) dst(%arg8 : memref<128xi32, #tpu.memory_space<vmem>>)
        tpu.yield
      }) : () -> ()
      %mul3A_193 = arith.constant 128 : i32
      %mul3A_194 = arith.muli %add3A_189, %mul3A_193 : i32
      %add3A_195 = arith.addi %mul3A_2, %mul3A_194 : i32
      "tpu.region"() ({
        %run_scoped3A = tpu.sem_alloc : memref<!tpu.dma_semaphore, #tpu.memory_space<semaphore_mem>>
        %dma_start3A_228 = tpu.memref_slice %arg4[%add3A_195] : memref<320000xi32, #tpu.memory_space<hbm>> -> memref<128xi32, #tpu.memory_space<hbm>>
        %dma_start3A_229 = tpu.memref_slice %arg4[%add3A_195] : memref<320000xi32, #tpu.memory_space<hbm>> -> memref<128xi32, #tpu.memory_space<hbm>>
        tpu.enqueue_dma source(%dma_start3A_229 : memref<128xi32, #tpu.memory_space<hbm>>) target(%arg11 : memref<128xi32, #tpu.memory_space<vmem>>) target_semaphore(%run_scoped3A : memref<!tpu.dma_semaphore, #tpu.memory_space<semaphore_mem>>)
        %dma_wait3A_230 = tpu.memref_slice %arg4[%add3A_195] : memref<320000xi32, #tpu.memory_space<hbm>> -> memref<128xi32, #tpu.memory_space<hbm>>
        %dma_wait3A_231 = tpu.memref_slice %arg4[%add3A_195] : memref<320000xi32, #tpu.memory_space<hbm>> -> memref<128xi32, #tpu.memory_space<hbm>>
        tpu.wait_dma2 semaphore(%run_scoped3A : memref<!tpu.dma_semaphore, #tpu.memory_space<semaphore_mem>>) src(%dma_wait3A_231 : memref<128xi32, #tpu.memory_space<hbm>>) dst(%arg11 : memref<128xi32, #tpu.memory_space<vmem>>)
        tpu.yield
      }) : () -> ()
      %dma_start3A_196 = arith.constant 0 : i32
      %dma_start3A_197 = arith.constant 0 : i32
      %dma_start3A_198 = tpu.memref_slice %arg2[%dma_start3A_196, %dma_start3A_197] : memref<10000x128xf32, #tpu.memory_space<hbm>> -> memref<10000x128xf32, #tpu.memory_space<hbm>>
      tpu.enqueue_indirect_dma source(%dma_start3A_198 : memref<10000x128xf32, #tpu.memory_space<hbm>>) target(%arg16 : memref<128x128xf32, #tpu.memory_space<vmem>>) offsets(%arg8 : memref<128xi32, #tpu.memory_space<vmem>>) semaphore(%arg19 : memref<!tpu.dma_semaphore, #tpu.memory_space<semaphore_mem>>)
      %dma_wait3A_199 = arith.constant 0 : i32
      %dma_wait3A_200 = arith.constant 0 : i32
      %dma_wait3A_201 = tpu.memref_slice %arg2[%dma_wait3A_199, %dma_wait3A_200] : memref<10000x128xf32, #tpu.memory_space<hbm>> -> memref<10000x128xf32, #tpu.memory_space<hbm>>
      tpu.wait_indirect_dma semaphore(%arg19 : memref<!tpu.dma_semaphore, #tpu.memory_space<semaphore_mem>>) src(%dma_wait3A_201 : memref<10000x128xf32, #tpu.memory_space<hbm>>) dst(%arg15 : memref<128x128xf32, #tpu.memory_space<vmem>>)
      %dma_start3A_202 = arith.constant 0 : i32
      %dma_start3A_203 = arith.constant 0 : i32
      %dma_start3A_204 = tpu.memref_slice %arg18[%dma_start3A_202, %dma_start3A_203] : memref<10112x128xf32, #tpu.memory_space<vmem_shared>> -> memref<10112x128xf32, #tpu.memory_space<vmem_shared>>
      tpu.enqueue_indirect_dma source(%arg15 : memref<128x128xf32, #tpu.memory_space<vmem>>) target(%dma_start3A_204 : memref<10112x128xf32, #tpu.memory_space<vmem_shared>>) offsets(%arg10 : memref<128xi32, #tpu.memory_space<vmem>>) semaphore(%arg20 : memref<!tpu.dma_semaphore, #tpu.memory_space<semaphore_mem>>) {add = true}
      %add3A_205 = arith.constant 4 : i32
      %add3A_206 = arith.addi %mul3A_160, %add3A_205 : i32
      %dma_wait3A_207 = arith.constant 0 : i32
      %dma_wait3A_208 = arith.constant 0 : i32
      %dma_wait3A_209 = tpu.memref_slice %arg18[%dma_wait3A_207, %dma_wait3A_208] : memref<10112x128xf32, #tpu.memory_space<vmem_shared>> -> memref<10112x128xf32, #tpu.memory_space<vmem_shared>>
      tpu.wait_indirect_dma semaphore(%arg20 : memref<!tpu.dma_semaphore, #tpu.memory_space<semaphore_mem>>) src(%arg17 : memref<128x128xf32, #tpu.memory_space<vmem>>) dst(%dma_wait3A_209 : memref<10112x128xf32, #tpu.memory_space<vmem_shared>>)
      %add3A_210 = arith.constant 1 : i32
      %add3A_211 = arith.addi %add3A_206, %add3A_210 : i32
      %mul3A_212 = arith.constant 128 : i32
      %mul3A_213 = arith.muli %add3A_211, %mul3A_212 : i32
      %add3A_214 = arith.addi %mul3A_2, %mul3A_213 : i32
      "tpu.region"() ({
        %run_scoped3A = tpu.sem_alloc : memref<!tpu.dma_semaphore, #tpu.memory_space<semaphore_mem>>
        %dma_start3A_228 = tpu.memref_slice %arg3[%add3A_214] : memref<320000xi32, #tpu.memory_space<hbm>> -> memref<128xi32, #tpu.memory_space<hbm>>
        %dma_start3A_229 = tpu.memref_slice %arg3[%add3A_214] : memref<320000xi32, #tpu.memory_space<hbm>> -> memref<128xi32, #tpu.memory_space<hbm>>
        tpu.enqueue_dma source(%dma_start3A_229 : memref<128xi32, #tpu.memory_space<hbm>>) target(%arg9 : memref<128xi32, #tpu.memory_space<vmem>>) target_semaphore(%run_scoped3A : memref<!tpu.dma_semaphore, #tpu.memory_space<semaphore_mem>>)
        %dma_wait3A_230 = tpu.memref_slice %arg3[%add3A_214] : memref<320000xi32, #tpu.memory_space<hbm>> -> memref<128xi32, #tpu.memory_space<hbm>>
        %dma_wait3A_231 = tpu.memref_slice %arg3[%add3A_214] : memref<320000xi32, #tpu.memory_space<hbm>> -> memref<128xi32, #tpu.memory_space<hbm>>
        tpu.wait_dma2 semaphore(%run_scoped3A : memref<!tpu.dma_semaphore, #tpu.memory_space<semaphore_mem>>) src(%dma_wait3A_231 : memref<128xi32, #tpu.memory_space<hbm>>) dst(%arg9 : memref<128xi32, #tpu.memory_space<vmem>>)
        tpu.yield
      }) : () -> ()
      %mul3A_215 = arith.constant 128 : i32
      %mul3A_216 = arith.muli %add3A_211, %mul3A_215 : i32
      %add3A_217 = arith.addi %mul3A_2, %mul3A_216 : i32
      "tpu.region"() ({
        %run_scoped3A = tpu.sem_alloc : memref<!tpu.dma_semaphore, #tpu.memory_space<semaphore_mem>>
        %dma_start3A_228 = tpu.memref_slice %arg4[%add3A_217] : memref<320000xi32, #tpu.memory_space<hbm>> -> memref<128xi32, #tpu.memory_space<hbm>>
        %dma_start3A_229 = tpu.memref_slice %arg4[%add3A_217] : memref<320000xi32, #tpu.memory_space<hbm>> -> memref<128xi32, #tpu.memory_space<hbm>>
        tpu.enqueue_dma source(%dma_start3A_229 : memref<128xi32, #tpu.memory_space<hbm>>) target(%arg12 : memref<128xi32, #tpu.memory_space<vmem>>) target_semaphore(%run_scoped3A : memref<!tpu.dma_semaphore, #tpu.memory_space<semaphore_mem>>)
        %dma_wait3A_230 = tpu.memref_slice %arg4[%add3A_217] : memref<320000xi32, #tpu.memory_space<hbm>> -> memref<128xi32, #tpu.memory_space<hbm>>
        %dma_wait3A_231 = tpu.memref_slice %arg4[%add3A_217] : memref<320000xi32, #tpu.memory_space<hbm>> -> memref<128xi32, #tpu.memory_space<hbm>>
        tpu.wait_dma2 semaphore(%run_scoped3A : memref<!tpu.dma_semaphore, #tpu.memory_space<semaphore_mem>>) src(%dma_wait3A_231 : memref<128xi32, #tpu.memory_space<hbm>>) dst(%arg12 : memref<128xi32, #tpu.memory_space<vmem>>)
        tpu.yield
      }) : () -> ()
      %dma_start3A_218 = arith.constant 0 : i32
      %dma_start3A_219 = arith.constant 0 : i32
      %dma_start3A_220 = tpu.memref_slice %arg2[%dma_start3A_218, %dma_start3A_219] : memref<10000x128xf32, #tpu.memory_space<hbm>> -> memref<10000x128xf32, #tpu.memory_space<hbm>>
      tpu.enqueue_indirect_dma source(%dma_start3A_220 : memref<10000x128xf32, #tpu.memory_space<hbm>>) target(%arg17 : memref<128x128xf32, #tpu.memory_space<vmem>>) offsets(%arg9 : memref<128xi32, #tpu.memory_space<vmem>>) semaphore(%arg19 : memref<!tpu.dma_semaphore, #tpu.memory_space<semaphore_mem>>)
      %dma_wait3A_221 = arith.constant 0 : i32
      %dma_wait3A_222 = arith.constant 0 : i32
      %dma_wait3A_223 = tpu.memref_slice %arg2[%dma_wait3A_221, %dma_wait3A_222] : memref<10000x128xf32, #tpu.memory_space<hbm>> -> memref<10000x128xf32, #tpu.memory_space<hbm>>
      tpu.wait_indirect_dma semaphore(%arg19 : memref<!tpu.dma_semaphore, #tpu.memory_space<semaphore_mem>>) src(%dma_wait3A_223 : memref<10000x128xf32, #tpu.memory_space<hbm>>) dst(%arg16 : memref<128x128xf32, #tpu.memory_space<vmem>>)
      %dma_start3A_224 = arith.constant 0 : i32
      %dma_start3A_225 = arith.constant 0 : i32
      %dma_start3A_226 = tpu.memref_slice %arg18[%dma_start3A_224, %dma_start3A_225] : memref<10112x128xf32, #tpu.memory_space<vmem_shared>> -> memref<10112x128xf32, #tpu.memory_space<vmem_shared>>
      tpu.enqueue_indirect_dma source(%arg16 : memref<128x128xf32, #tpu.memory_space<vmem>>) target(%dma_start3A_226 : memref<10112x128xf32, #tpu.memory_space<vmem_shared>>) offsets(%arg11 : memref<128xi32, #tpu.memory_space<vmem>>) semaphore(%arg20 : memref<!tpu.dma_semaphore, #tpu.memory_space<semaphore_mem>>) {add = true}
      %scan3A_227 = arith.constant 0 : i32
      scf.yield %scan3A_227 : i32
    }
    %scan3A_50 = arith.constant 24 : i32
    %dma_wait3A_51 = arith.constant 0 : i32
    %dma_wait3A_52 = arith.constant 0 : i32
    %dma_wait3A_53 = tpu.memref_slice %arg18[%dma_wait3A_51, %dma_wait3A_52] : memref<10112x128xf32, #tpu.memory_space<vmem_shared>> -> memref<10112x128xf32, #tpu.memory_space<vmem_shared>>
    tpu.wait_indirect_dma semaphore(%arg20 : memref<!tpu.dma_semaphore, #tpu.memory_space<semaphore_mem>>) src(%arg15 : memref<128x128xf32, #tpu.memory_space<vmem>>) dst(%dma_wait3A_53 : memref<10112x128xf32, #tpu.memory_space<vmem_shared>>)
    %add3A_54 = arith.constant 9600 : i32
    %add3A_55 = arith.addi %mul3A_2, %add3A_54 : i32
    "tpu.region"() ({
      %run_scoped3A = tpu.sem_alloc : memref<!tpu.dma_semaphore, #tpu.memory_space<semaphore_mem>>
      %dma_start3A_157 = tpu.memref_slice %arg3[%add3A_55] : memref<320000xi32, #tpu.memory_space<hbm>> -> memref<128xi32, #tpu.memory_space<hbm>>
      %dma_start3A_158 = tpu.memref_slice %arg3[%add3A_55] : memref<320000xi32, #tpu.memory_space<hbm>> -> memref<128xi32, #tpu.memory_space<hbm>>
      tpu.enqueue_dma source(%dma_start3A_158 : memref<128xi32, #tpu.memory_space<hbm>>) target(%arg7 : memref<128xi32, #tpu.memory_space<vmem>>) target_semaphore(%run_scoped3A : memref<!tpu.dma_semaphore, #tpu.memory_space<semaphore_mem>>)
      %dma_wait3A_159 = tpu.memref_slice %arg3[%add3A_55] : memref<320000xi32, #tpu.memory_space<hbm>> -> memref<128xi32, #tpu.memory_space<hbm>>
      %dma_wait3A_160 = tpu.memref_slice %arg3[%add3A_55] : memref<320000xi32, #tpu.memory_space<hbm>> -> memref<128xi32, #tpu.memory_space<hbm>>
      tpu.wait_dma2 semaphore(%run_scoped3A : memref<!tpu.dma_semaphore, #tpu.memory_space<semaphore_mem>>) src(%dma_wait3A_160 : memref<128xi32, #tpu.memory_space<hbm>>) dst(%arg7 : memref<128xi32, #tpu.memory_space<vmem>>)
      tpu.yield
    }) : () -> ()
    %add3A_56 = arith.constant 9600 : i32
    %add3A_57 = arith.addi %mul3A_2, %add3A_56 : i32
    "tpu.region"() ({
      %run_scoped3A = tpu.sem_alloc : memref<!tpu.dma_semaphore, #tpu.memory_space<semaphore_mem>>
      %dma_start3A_157 = tpu.memref_slice %arg4[%add3A_57] : memref<320000xi32, #tpu.memory_space<hbm>> -> memref<128xi32, #tpu.memory_space<hbm>>
      %dma_start3A_158 = tpu.memref_slice %arg4[%add3A_57] : memref<320000xi32, #tpu.memory_space<hbm>> -> memref<128xi32, #tpu.memory_space<hbm>>
      tpu.enqueue_dma source(%dma_start3A_158 : memref<128xi32, #tpu.memory_space<hbm>>) target(%arg10 : memref<128xi32, #tpu.memory_space<vmem>>) target_semaphore(%run_scoped3A : memref<!tpu.dma_semaphore, #tpu.memory_space<semaphore_mem>>)
      %dma_wait3A_159 = tpu.memref_slice %arg4[%add3A_57] : memref<320000xi32, #tpu.memory_space<hbm>> -> memref<128xi32, #tpu.memory_space<hbm>>
      %dma_wait3A_160 = tpu.memref_slice %arg4[%add3A_57] : memref<320000xi32, #tpu.memory_space<hbm>> -> memref<128xi32, #tpu.memory_space<hbm>>
      tpu.wait_dma2 semaphore(%run_scoped3A : memref<!tpu.dma_semaphore, #tpu.memory_space<semaphore_mem>>) src(%dma_wait3A_160 : memref<128xi32, #tpu.memory_space<hbm>>) dst(%arg10 : memref<128xi32, #tpu.memory_space<vmem>>)
      tpu.yield
    }) : () -> ()
    %dma_start3A_58 = arith.constant 0 : i32
    %dma_start3A_59 = arith.constant 0 : i32
    %dma_start3A_60 = tpu.memref_slice %arg2[%dma_start3A_58, %dma_start3A_59] : memref<10000x128xf32, #tpu.memory_space<hbm>> -> memref<10000x128xf32, #tpu.memory_space<hbm>>
    tpu.enqueue_indirect_dma source(%dma_start3A_60 : memref<10000x128xf32, #tpu.memory_space<hbm>>) target(%arg15 : memref<128x128xf32, #tpu.memory_space<vmem>>) offsets(%arg7 : memref<128xi32, #tpu.memory_space<vmem>>) semaphore(%arg19 : memref<!tpu.dma_semaphore, #tpu.memory_space<semaphore_mem>>)
    %dma_wait3A_61 = arith.constant 0 : i32
    %dma_wait3A_62 = arith.constant 0 : i32
    %dma_wait3A_63 = tpu.memref_slice %arg2[%dma_wait3A_61, %dma_wait3A_62] : memref<10000x128xf32, #tpu.memory_space<hbm>> -> memref<10000x128xf32, #tpu.memory_space<hbm>>
    tpu.wait_indirect_dma semaphore(%arg19 : memref<!tpu.dma_semaphore, #tpu.memory_space<semaphore_mem>>) src(%dma_wait3A_63 : memref<10000x128xf32, #tpu.memory_space<hbm>>) dst(%arg17 : memref<128x128xf32, #tpu.memory_space<vmem>>)
    %dma_start3A_64 = arith.constant 0 : i32
    %dma_start3A_65 = arith.constant 0 : i32
    %dma_start3A_66 = tpu.memref_slice %arg18[%dma_start3A_64, %dma_start3A_65] : memref<10112x128xf32, #tpu.memory_space<vmem_shared>> -> memref<10112x128xf32, #tpu.memory_space<vmem_shared>>
    tpu.enqueue_indirect_dma source(%arg17 : memref<128x128xf32, #tpu.memory_space<vmem>>) target(%dma_start3A_66 : memref<10112x128xf32, #tpu.memory_space<vmem_shared>>) offsets(%arg12 : memref<128xi32, #tpu.memory_space<vmem>>) semaphore(%arg20 : memref<!tpu.dma_semaphore, #tpu.memory_space<semaphore_mem>>) {add = true}
    %dma_wait3A_67 = arith.constant 0 : i32
    %dma_wait3A_68 = arith.constant 0 : i32
    %dma_wait3A_69 = tpu.memref_slice %arg18[%dma_wait3A_67, %dma_wait3A_68] : memref<10112x128xf32, #tpu.memory_space<vmem_shared>> -> memref<10112x128xf32, #tpu.memory_space<vmem_shared>>
    tpu.wait_indirect_dma semaphore(%arg20 : memref<!tpu.dma_semaphore, #tpu.memory_space<semaphore_mem>>) src(%arg16 : memref<128x128xf32, #tpu.memory_space<vmem>>) dst(%dma_wait3A_69 : memref<10112x128xf32, #tpu.memory_space<vmem_shared>>)
    %add3A_70 = arith.constant 9728 : i32
    %add3A_71 = arith.addi %mul3A_2, %add3A_70 : i32
    "tpu.region"() ({
      %run_scoped3A = tpu.sem_alloc : memref<!tpu.dma_semaphore, #tpu.memory_space<semaphore_mem>>
      %dma_start3A_157 = tpu.memref_slice %arg3[%add3A_71] : memref<320000xi32, #tpu.memory_space<hbm>> -> memref<128xi32, #tpu.memory_space<hbm>>
      %dma_start3A_158 = tpu.memref_slice %arg3[%add3A_71] : memref<320000xi32, #tpu.memory_space<hbm>> -> memref<128xi32, #tpu.memory_space<hbm>>
      tpu.enqueue_dma source(%dma_start3A_158 : memref<128xi32, #tpu.memory_space<hbm>>) target(%arg8 : memref<128xi32, #tpu.memory_space<vmem>>) target_semaphore(%run_scoped3A : memref<!tpu.dma_semaphore, #tpu.memory_space<semaphore_mem>>)
      %dma_wait3A_159 = tpu.memref_slice %arg3[%add3A_71] : memref<320000xi32, #tpu.memory_space<hbm>> -> memref<128xi32, #tpu.memory_space<hbm>>
      %dma_wait3A_160 = tpu.memref_slice %arg3[%add3A_71] : memref<320000xi32, #tpu.memory_space<hbm>> -> memref<128xi32, #tpu.memory_space<hbm>>
      tpu.wait_dma2 semaphore(%run_scoped3A : memref<!tpu.dma_semaphore, #tpu.memory_space<semaphore_mem>>) src(%dma_wait3A_160 : memref<128xi32, #tpu.memory_space<hbm>>) dst(%arg8 : memref<128xi32, #tpu.memory_space<vmem>>)
      tpu.yield
    }) : () -> ()
    %add3A_72 = arith.constant 9728 : i32
    %add3A_73 = arith.addi %mul3A_2, %add3A_72 : i32
    "tpu.region"() ({
      %run_scoped3A = tpu.sem_alloc : memref<!tpu.dma_semaphore, #tpu.memory_space<semaphore_mem>>
      %dma_start3A_157 = tpu.memref_slice %arg4[%add3A_73] : memref<320000xi32, #tpu.memory_space<hbm>> -> memref<128xi32, #tpu.memory_space<hbm>>
      %dma_start3A_158 = tpu.memref_slice %arg4[%add3A_73] : memref<320000xi32, #tpu.memory_space<hbm>> -> memref<128xi32, #tpu.memory_space<hbm>>
      tpu.enqueue_dma source(%dma_start3A_158 : memref<128xi32, #tpu.memory_space<hbm>>) target(%arg11 : memref<128xi32, #tpu.memory_space<vmem>>) target_semaphore(%run_scoped3A : memref<!tpu.dma_semaphore, #tpu.memory_space<semaphore_mem>>)
      %dma_wait3A_159 = tpu.memref_slice %arg4[%add3A_73] : memref<320000xi32, #tpu.memory_space<hbm>> -> memref<128xi32, #tpu.memory_space<hbm>>
      %dma_wait3A_160 = tpu.memref_slice %arg4[%add3A_73] : memref<320000xi32, #tpu.memory_space<hbm>> -> memref<128xi32, #tpu.memory_space<hbm>>
      tpu.wait_dma2 semaphore(%run_scoped3A : memref<!tpu.dma_semaphore, #tpu.memory_space<semaphore_mem>>) src(%dma_wait3A_160 : memref<128xi32, #tpu.memory_space<hbm>>) dst(%arg11 : memref<128xi32, #tpu.memory_space<vmem>>)
      tpu.yield
    }) : () -> ()
    %dma_start3A_74 = arith.constant 0 : i32
    %dma_start3A_75 = arith.constant 0 : i32
    %dma_start3A_76 = tpu.memref_slice %arg2[%dma_start3A_74, %dma_start3A_75] : memref<10000x128xf32, #tpu.memory_space<hbm>> -> memref<10000x128xf32, #tpu.memory_space<hbm>>
    tpu.enqueue_indirect_dma source(%dma_start3A_76 : memref<10000x128xf32, #tpu.memory_space<hbm>>) target(%arg16 : memref<128x128xf32, #tpu.memory_space<vmem>>) offsets(%arg8 : memref<128xi32, #tpu.memory_space<vmem>>) semaphore(%arg19 : memref<!tpu.dma_semaphore, #tpu.memory_space<semaphore_mem>>)
    %dma_wait3A_77 = arith.constant 0 : i32
    %dma_wait3A_78 = arith.constant 0 : i32
    %dma_wait3A_79 = tpu.memref_slice %arg2[%dma_wait3A_77, %dma_wait3A_78] : memref<10000x128xf32, #tpu.memory_space<hbm>> -> memref<10000x128xf32, #tpu.memory_space<hbm>>
    tpu.wait_indirect_dma semaphore(%arg19 : memref<!tpu.dma_semaphore, #tpu.memory_space<semaphore_mem>>) src(%dma_wait3A_79 : memref<10000x128xf32, #tpu.memory_space<hbm>>) dst(%arg15 : memref<128x128xf32, #tpu.memory_space<vmem>>)
    %dma_start3A_80 = arith.constant 0 : i32
    %dma_start3A_81 = arith.constant 0 : i32
    %dma_start3A_82 = tpu.memref_slice %arg18[%dma_start3A_80, %dma_start3A_81] : memref<10112x128xf32, #tpu.memory_space<vmem_shared>> -> memref<10112x128xf32, #tpu.memory_space<vmem_shared>>
    tpu.enqueue_indirect_dma source(%arg15 : memref<128x128xf32, #tpu.memory_space<vmem>>) target(%dma_start3A_82 : memref<10112x128xf32, #tpu.memory_space<vmem_shared>>) offsets(%arg10 : memref<128xi32, #tpu.memory_space<vmem>>) semaphore(%arg20 : memref<!tpu.dma_semaphore, #tpu.memory_space<semaphore_mem>>) {add = true}
    %dma_wait3A_83 = arith.constant 0 : i32
    %dma_wait3A_84 = arith.constant 0 : i32
    %dma_wait3A_85 = tpu.memref_slice %arg18[%dma_wait3A_83, %dma_wait3A_84] : memref<10112x128xf32, #tpu.memory_space<vmem_shared>> -> memref<10112x128xf32, #tpu.memory_space<vmem_shared>>
    tpu.wait_indirect_dma semaphore(%arg20 : memref<!tpu.dma_semaphore, #tpu.memory_space<semaphore_mem>>) src(%arg17 : memref<128x128xf32, #tpu.memory_space<vmem>>) dst(%dma_wait3A_85 : memref<10112x128xf32, #tpu.memory_space<vmem_shared>>)
    %add3A_86 = arith.constant 9856 : i32
    %add3A_87 = arith.addi %mul3A_2, %add3A_86 : i32
    "tpu.region"() ({
      %run_scoped3A = tpu.sem_alloc : memref<!tpu.dma_semaphore, #tpu.memory_space<semaphore_mem>>
      %dma_start3A_157 = tpu.memref_slice %arg3[%add3A_87] : memref<320000xi32, #tpu.memory_space<hbm>> -> memref<128xi32, #tpu.memory_space<hbm>>
      %dma_start3A_158 = tpu.memref_slice %arg3[%add3A_87] : memref<320000xi32, #tpu.memory_space<hbm>> -> memref<128xi32, #tpu.memory_space<hbm>>
      tpu.enqueue_dma source(%dma_start3A_158 : memref<128xi32, #tpu.memory_space<hbm>>) target(%arg9 : memref<128xi32, #tpu.memory_space<vmem>>) target_semaphore(%run_scoped3A : memref<!tpu.dma_semaphore, #tpu.memory_space<semaphore_mem>>)
      %dma_wait3A_159 = tpu.memref_slice %arg3[%add3A_87] : memref<320000xi32, #tpu.memory_space<hbm>> -> memref<128xi32, #tpu.memory_space<hbm>>
      %dma_wait3A_160 = tpu.memref_slice %arg3[%add3A_87] : memref<320000xi32, #tpu.memory_space<hbm>> -> memref<128xi32, #tpu.memory_space<hbm>>
      tpu.wait_dma2 semaphore(%run_scoped3A : memref<!tpu.dma_semaphore, #tpu.memory_space<semaphore_mem>>) src(%dma_wait3A_160 : memref<128xi32, #tpu.memory_space<hbm>>) dst(%arg9 : memref<128xi32, #tpu.memory_space<vmem>>)
      tpu.yield
    }) : () -> ()
    %add3A_88 = arith.constant 9856 : i32
    %add3A_89 = arith.addi %mul3A_2, %add3A_88 : i32
    "tpu.region"() ({
      %run_scoped3A = tpu.sem_alloc : memref<!tpu.dma_semaphore, #tpu.memory_space<semaphore_mem>>
      %dma_start3A_157 = tpu.memref_slice %arg4[%add3A_89] : memref<320000xi32, #tpu.memory_space<hbm>> -> memref<128xi32, #tpu.memory_space<hbm>>
      %dma_start3A_158 = tpu.memref_slice %arg4[%add3A_89] : memref<320000xi32, #tpu.memory_space<hbm>> -> memref<128xi32, #tpu.memory_space<hbm>>
      tpu.enqueue_dma source(%dma_start3A_158 : memref<128xi32, #tpu.memory_space<hbm>>) target(%arg12 : memref<128xi32, #tpu.memory_space<vmem>>) target_semaphore(%run_scoped3A : memref<!tpu.dma_semaphore, #tpu.memory_space<semaphore_mem>>)
      %dma_wait3A_159 = tpu.memref_slice %arg4[%add3A_89] : memref<320000xi32, #tpu.memory_space<hbm>> -> memref<128xi32, #tpu.memory_space<hbm>>
      %dma_wait3A_160 = tpu.memref_slice %arg4[%add3A_89] : memref<320000xi32, #tpu.memory_space<hbm>> -> memref<128xi32, #tpu.memory_space<hbm>>
      tpu.wait_dma2 semaphore(%run_scoped3A : memref<!tpu.dma_semaphore, #tpu.memory_space<semaphore_mem>>) src(%dma_wait3A_160 : memref<128xi32, #tpu.memory_space<hbm>>) dst(%arg12 : memref<128xi32, #tpu.memory_space<vmem>>)
      tpu.yield
    }) : () -> ()
    %dma_start3A_90 = arith.constant 0 : i32
    %dma_start3A_91 = arith.constant 0 : i32
    %dma_start3A_92 = tpu.memref_slice %arg2[%dma_start3A_90, %dma_start3A_91] : memref<10000x128xf32, #tpu.memory_space<hbm>> -> memref<10000x128xf32, #tpu.memory_space<hbm>>
    tpu.enqueue_indirect_dma source(%dma_start3A_92 : memref<10000x128xf32, #tpu.memory_space<hbm>>) target(%arg17 : memref<128x128xf32, #tpu.memory_space<vmem>>) offsets(%arg9 : memref<128xi32, #tpu.memory_space<vmem>>) semaphore(%arg19 : memref<!tpu.dma_semaphore, #tpu.memory_space<semaphore_mem>>)
    %dma_wait3A_93 = arith.constant 0 : i32
    %dma_wait3A_94 = arith.constant 0 : i32
    %dma_wait3A_95 = tpu.memref_slice %arg2[%dma_wait3A_93, %dma_wait3A_94] : memref<10000x128xf32, #tpu.memory_space<hbm>> -> memref<10000x128xf32, #tpu.memory_space<hbm>>
    tpu.wait_indirect_dma semaphore(%arg19 : memref<!tpu.dma_semaphore, #tpu.memory_space<semaphore_mem>>) src(%dma_wait3A_95 : memref<10000x128xf32, #tpu.memory_space<hbm>>) dst(%arg16 : memref<128x128xf32, #tpu.memory_space<vmem>>)
    %dma_start3A_96 = arith.constant 0 : i32
    %dma_start3A_97 = arith.constant 0 : i32
    %dma_start3A_98 = tpu.memref_slice %arg18[%dma_start3A_96, %dma_start3A_97] : memref<10112x128xf32, #tpu.memory_space<vmem_shared>> -> memref<10112x128xf32, #tpu.memory_space<vmem_shared>>
    tpu.enqueue_indirect_dma source(%arg16 : memref<128x128xf32, #tpu.memory_space<vmem>>) target(%dma_start3A_98 : memref<10112x128xf32, #tpu.memory_space<vmem_shared>>) offsets(%arg11 : memref<128xi32, #tpu.memory_space<vmem>>) semaphore(%arg20 : memref<!tpu.dma_semaphore, #tpu.memory_space<semaphore_mem>>) {add = true}
    %dma_wait3A_99 = arith.constant 0 : i32
    %dma_wait3A_100 = arith.constant 0 : i32
    %dma_wait3A_101 = tpu.memref_slice %arg18[%dma_wait3A_99, %dma_wait3A_100] : memref<10112x128xf32, #tpu.memory_space<vmem_shared>> -> memref<10112x128xf32, #tpu.memory_space<vmem_shared>>
    tpu.wait_indirect_dma semaphore(%arg20 : memref<!tpu.dma_semaphore, #tpu.memory_space<semaphore_mem>>) src(%arg15 : memref<128x128xf32, #tpu.memory_space<vmem>>) dst(%dma_wait3A_101 : memref<10112x128xf32, #tpu.memory_space<vmem_shared>>)
    %dma_wait3A_102 = arith.constant 0 : i32
    %dma_wait3A_103 = arith.constant 0 : i32
    %dma_wait3A_104 = tpu.memref_slice %arg2[%dma_wait3A_102, %dma_wait3A_103] : memref<10000x128xf32, #tpu.memory_space<hbm>> -> memref<10000x128xf32, #tpu.memory_space<hbm>>
    tpu.wait_indirect_dma semaphore(%arg19 : memref<!tpu.dma_semaphore, #tpu.memory_space<semaphore_mem>>) src(%dma_wait3A_104 : memref<10000x128xf32, #tpu.memory_space<hbm>>) dst(%arg17 : memref<128x128xf32, #tpu.memory_space<vmem>>)
    %dma_start3A_105 = arith.constant 0 : i32
    %dma_start3A_106 = arith.constant 0 : i32
    %dma_start3A_107 = tpu.memref_slice %arg18[%dma_start3A_105, %dma_start3A_106] : memref<10112x128xf32, #tpu.memory_space<vmem_shared>> -> memref<10112x128xf32, #tpu.memory_space<vmem_shared>>
    tpu.enqueue_indirect_dma source(%arg17 : memref<128x128xf32, #tpu.memory_space<vmem>>) target(%dma_start3A_107 : memref<10112x128xf32, #tpu.memory_space<vmem_shared>>) offsets(%arg12 : memref<128xi32, #tpu.memory_space<vmem>>) semaphore(%arg20 : memref<!tpu.dma_semaphore, #tpu.memory_space<semaphore_mem>>) {add = true}
    %add3A_108 = arith.constant 9984 : i32
    %add3A_109 = arith.addi %mul3A_2, %add3A_108 : i32
    "tpu.region"() ({
      %run_scoped3A = tpu.sem_alloc : memref<!tpu.dma_semaphore, #tpu.memory_space<semaphore_mem>>
      %dma_start3A_157 = tpu.memref_slice %arg3[%add3A_109] : memref<320000xi32, #tpu.memory_space<hbm>> -> memref<16xi32, #tpu.memory_space<hbm>>
      %dma_start3A_158 = tpu.memref_slice %arg3[%add3A_109] : memref<320000xi32, #tpu.memory_space<hbm>> -> memref<16xi32, #tpu.memory_space<hbm>>
      tpu.enqueue_dma source(%dma_start3A_158 : memref<16xi32, #tpu.memory_space<hbm>>) target(%arg13 : memref<16xi32, #tpu.memory_space<vmem>>) target_semaphore(%run_scoped3A : memref<!tpu.dma_semaphore, #tpu.memory_space<semaphore_mem>>)
      %dma_wait3A_159 = tpu.memref_slice %arg3[%add3A_109] : memref<320000xi32, #tpu.memory_space<hbm>> -> memref<16xi32, #tpu.memory_space<hbm>>
      %dma_wait3A_160 = tpu.memref_slice %arg3[%add3A_109] : memref<320000xi32, #tpu.memory_space<hbm>> -> memref<16xi32, #tpu.memory_space<hbm>>
      tpu.wait_dma2 semaphore(%run_scoped3A : memref<!tpu.dma_semaphore, #tpu.memory_space<semaphore_mem>>) src(%dma_wait3A_160 : memref<16xi32, #tpu.memory_space<hbm>>) dst(%arg13 : memref<16xi32, #tpu.memory_space<vmem>>)
      tpu.yield
    }) : () -> ()
    %add3A_110 = arith.constant 9984 : i32
    %add3A_111 = arith.addi %mul3A_2, %add3A_110 : i32
    "tpu.region"() ({
      %run_scoped3A = tpu.sem_alloc : memref<!tpu.dma_semaphore, #tpu.memory_space<semaphore_mem>>
      %dma_start3A_157 = tpu.memref_slice %arg4[%add3A_111] : memref<320000xi32, #tpu.memory_space<hbm>> -> memref<16xi32, #tpu.memory_space<hbm>>
      %dma_start3A_158 = tpu.memref_slice %arg4[%add3A_111] : memref<320000xi32, #tpu.memory_space<hbm>> -> memref<16xi32, #tpu.memory_space<hbm>>
      tpu.enqueue_dma source(%dma_start3A_158 : memref<16xi32, #tpu.memory_space<hbm>>) target(%arg14 : memref<16xi32, #tpu.memory_space<vmem>>) target_semaphore(%run_scoped3A : memref<!tpu.dma_semaphore, #tpu.memory_space<semaphore_mem>>)
      %dma_wait3A_159 = tpu.memref_slice %arg4[%add3A_111] : memref<320000xi32, #tpu.memory_space<hbm>> -> memref<16xi32, #tpu.memory_space<hbm>>
      %dma_wait3A_160 = tpu.memref_slice %arg4[%add3A_111] : memref<320000xi32, #tpu.memory_space<hbm>> -> memref<16xi32, #tpu.memory_space<hbm>>
      tpu.wait_dma2 semaphore(%run_scoped3A : memref<!tpu.dma_semaphore, #tpu.memory_space<semaphore_mem>>) src(%dma_wait3A_160 : memref<16xi32, #tpu.memory_space<hbm>>) dst(%arg14 : memref<16xi32, #tpu.memory_space<vmem>>)
      tpu.yield
    }) : () -> ()
    %dma_start3A_112 = arith.constant 0 : i32
    %dma_start3A_113 = arith.constant 0 : i32
    %dma_start3A_114 = tpu.memref_slice %arg15[%dma_start3A_112, %dma_start3A_113] : memref<128x128xf32, #tpu.memory_space<vmem>> -> memref<16x128xf32, #tpu.memory_space<vmem>>
    %dma_start3A_115 = arith.constant 0 : i32
    %dma_start3A_116 = arith.constant 0 : i32
    %dma_start3A_117 = tpu.memref_slice %arg2[%dma_start3A_115, %dma_start3A_116] : memref<10000x128xf32, #tpu.memory_space<hbm>> -> memref<10000x128xf32, #tpu.memory_space<hbm>>
    tpu.enqueue_indirect_dma source(%dma_start3A_117 : memref<10000x128xf32, #tpu.memory_space<hbm>>) target(%dma_start3A_114 : memref<16x128xf32, #tpu.memory_space<vmem>>) offsets(%arg13 : memref<16xi32, #tpu.memory_space<vmem>>) semaphore(%arg19 : memref<!tpu.dma_semaphore, #tpu.memory_space<semaphore_mem>>)
    %dma_wait3A_118 = arith.constant 0 : i32
    %dma_wait3A_119 = arith.constant 0 : i32
    %dma_wait3A_120 = tpu.memref_slice %arg15[%dma_wait3A_118, %dma_wait3A_119] : memref<128x128xf32, #tpu.memory_space<vmem>> -> memref<16x128xf32, #tpu.memory_space<vmem>>
    %dma_wait3A_121 = arith.constant 0 : i32
    %dma_wait3A_122 = arith.constant 0 : i32
    %dma_wait3A_123 = tpu.memref_slice %arg2[%dma_wait3A_121, %dma_wait3A_122] : memref<10000x128xf32, #tpu.memory_space<hbm>> -> memref<10000x128xf32, #tpu.memory_space<hbm>>
    tpu.wait_indirect_dma semaphore(%arg19 : memref<!tpu.dma_semaphore, #tpu.memory_space<semaphore_mem>>) src(%dma_wait3A_123 : memref<10000x128xf32, #tpu.memory_space<hbm>>) dst(%dma_wait3A_120 : memref<16x128xf32, #tpu.memory_space<vmem>>)
    %dma_start3A_124 = arith.constant 0 : i32
    %dma_start3A_125 = arith.constant 0 : i32
    %dma_start3A_126 = tpu.memref_slice %arg15[%dma_start3A_124, %dma_start3A_125] : memref<128x128xf32, #tpu.memory_space<vmem>> -> memref<16x128xf32, #tpu.memory_space<vmem>>
    %dma_start3A_127 = arith.constant 0 : i32
    %dma_start3A_128 = arith.constant 0 : i32
    %dma_start3A_129 = tpu.memref_slice %arg18[%dma_start3A_127, %dma_start3A_128] : memref<10112x128xf32, #tpu.memory_space<vmem_shared>> -> memref<10112x128xf32, #tpu.memory_space<vmem_shared>>
    tpu.enqueue_indirect_dma source(%dma_start3A_126 : memref<16x128xf32, #tpu.memory_space<vmem>>) target(%dma_start3A_129 : memref<10112x128xf32, #tpu.memory_space<vmem_shared>>) offsets(%arg14 : memref<16xi32, #tpu.memory_space<vmem>>) semaphore(%arg20 : memref<!tpu.dma_semaphore, #tpu.memory_space<semaphore_mem>>) {add = true}
    %dma_wait3A_130 = arith.constant 0 : i32
    %dma_wait3A_131 = arith.constant 0 : i32
    %dma_wait3A_132 = tpu.memref_slice %arg18[%dma_wait3A_130, %dma_wait3A_131] : memref<10112x128xf32, #tpu.memory_space<vmem_shared>> -> memref<10112x128xf32, #tpu.memory_space<vmem_shared>>
    tpu.wait_indirect_dma semaphore(%arg20 : memref<!tpu.dma_semaphore, #tpu.memory_space<semaphore_mem>>) src(%arg16 : memref<128x128xf32, #tpu.memory_space<vmem>>) dst(%dma_wait3A_132 : memref<10112x128xf32, #tpu.memory_space<vmem_shared>>)
    %dma_wait3A_133 = arith.constant 0 : i32
    %dma_wait3A_134 = arith.constant 0 : i32
    %dma_wait3A_135 = tpu.memref_slice %arg18[%dma_wait3A_133, %dma_wait3A_134] : memref<10112x128xf32, #tpu.memory_space<vmem_shared>> -> memref<10112x128xf32, #tpu.memory_space<vmem_shared>>
    tpu.wait_indirect_dma semaphore(%arg20 : memref<!tpu.dma_semaphore, #tpu.memory_space<semaphore_mem>>) src(%arg17 : memref<128x128xf32, #tpu.memory_space<vmem>>) dst(%dma_wait3A_135 : memref<10112x128xf32, #tpu.memory_space<vmem_shared>>)
    %dma_wait3A_136 = arith.constant 0 : i32
    %dma_wait3A_137 = arith.constant 0 : i32
    %dma_wait3A_138 = tpu.memref_slice %arg15[%dma_wait3A_136, %dma_wait3A_137] : memref<128x128xf32, #tpu.memory_space<vmem>> -> memref<16x128xf32, #tpu.memory_space<vmem>>
    %dma_wait3A_139 = arith.constant 0 : i32
    %dma_wait3A_140 = arith.constant 0 : i32
    %dma_wait3A_141 = tpu.memref_slice %arg18[%dma_wait3A_139, %dma_wait3A_140] : memref<10112x128xf32, #tpu.memory_space<vmem_shared>> -> memref<10112x128xf32, #tpu.memory_space<vmem_shared>>
    tpu.wait_indirect_dma semaphore(%arg20 : memref<!tpu.dma_semaphore, #tpu.memory_space<semaphore_mem>>) src(%dma_wait3A_138 : memref<16x128xf32, #tpu.memory_space<vmem>>) dst(%dma_wait3A_141 : memref<10112x128xf32, #tpu.memory_space<vmem_shared>>)
    %barrier3A_142 = arith.constant 0 : index
    tpu.barrier barrier_id(%barrier3A_142)
    %scan3A_143 = arith.constant 0 : i32
    %scan3A_144 = arith.constant 0 : i32
    %scan3A_145 = arith.constant 4 : i32
    %scan3A_146 = arith.addi %scan3A_144, %scan3A_145 : i32
    %scan3A_147 = arith.constant 1 : i32
    %scan3A_148 = scf.for %scan3A_157 = %scan3A_144 to %scan3A_146 step %scan3A_147 iter_args(%scan3A_158 = %scan3A_143) -> (i32)  : i32 {
      %mul3A_159 = arith.constant 632 : i32
      %mul3A_160 = arith.muli %arg1, %mul3A_159 : i32
      %mul3A_161 = arith.constant 128 : i32
      %mul3A_162 = arith.muli %scan3A_157, %mul3A_161 : i32
      %add3A_163 = arith.addi %mul3A_160, %mul3A_162 : i32
      "tpu.region"() ({
        %run_scoped3A = tpu.sem_alloc : memref<!tpu.dma_semaphore, #tpu.memory_space<semaphore_mem>>
        %dma_start3A_168 = arith.constant 0 : i32
        %dma_start3A_169 = tpu.memref_slice %arg18[%add3A_163, %dma_start3A_168] : memref<10112x128xf32, #tpu.memory_space<vmem_shared>> -> memref<128x128xf32, #tpu.memory_space<vmem_shared>>
        %dma_start3A_170 = arith.constant 0 : i32
        %dma_start3A_171 = tpu.memref_slice %arg18[%add3A_163, %dma_start3A_170] : memref<10112x128xf32, #tpu.memory_space<vmem_shared>> -> memref<128x128xf32, #tpu.memory_space<vmem_shared>>
        tpu.enqueue_dma source(%dma_start3A_171 : memref<128x128xf32, #tpu.memory_space<vmem_shared>>) target(%arg15 : memref<128x128xf32, #tpu.memory_space<vmem>>) target_semaphore(%run_scoped3A : memref<!tpu.dma_semaphore, #tpu.memory_space<semaphore_mem>>)
        %dma_wait3A_172 = arith.constant 0 : i32
        %dma_wait3A_173 = tpu.memref_slice %arg18[%add3A_163, %dma_wait3A_172] : memref<10112x128xf32, #tpu.memory_space<vmem_shared>> -> memref<128x128xf32, #tpu.memory_space<vmem_shared>>
        %dma_wait3A_174 = arith.constant 0 : i32
        %dma_wait3A_175 = tpu.memref_slice %arg18[%add3A_163, %dma_wait3A_174] : memref<10112x128xf32, #tpu.memory_space<vmem_shared>> -> memref<128x128xf32, #tpu.memory_space<vmem_shared>>
        tpu.wait_dma2 semaphore(%run_scoped3A : memref<!tpu.dma_semaphore, #tpu.memory_space<semaphore_mem>>) src(%dma_wait3A_175 : memref<128x128xf32, #tpu.memory_space<vmem_shared>>) dst(%arg15 : memref<128x128xf32, #tpu.memory_space<vmem>>)
        tpu.yield
      }) : () -> ()
      %mul3A_164 = arith.constant 10112 : i32
      %mul3A_165 = arith.muli %arg0, %mul3A_164 : i32
      %add3A_166 = arith.addi %mul3A_165, %add3A_163 : i32
      "tpu.region"() ({
        %run_scoped3A = tpu.sem_alloc : memref<!tpu.dma_semaphore, #tpu.memory_space<semaphore_mem>>
        %dma_start3A_168 = arith.constant 0 : i32
        %dma_start3A_169 = tpu.memref_slice %arg6[%add3A_166, %dma_start3A_168] : memref<20224x128xf32, #tpu.memory_space<hbm>> -> memref<128x128xf32, #tpu.memory_space<hbm>>
        %dma_start3A_170 = arith.constant 0 : i32
        %dma_start3A_171 = tpu.memref_slice %arg6[%add3A_166, %dma_start3A_170] : memref<20224x128xf32, #tpu.memory_space<hbm>> -> memref<128x128xf32, #tpu.memory_space<hbm>>
        tpu.enqueue_dma source(%arg15 : memref<128x128xf32, #tpu.memory_space<vmem>>) target(%dma_start3A_171 : memref<128x128xf32, #tpu.memory_space<hbm>>) target_semaphore(%run_scoped3A : memref<!tpu.dma_semaphore, #tpu.memory_space<semaphore_mem>>)
        %dma_wait3A_172 = arith.constant 0 : i32
        %dma_wait3A_173 = tpu.memref_slice %arg6[%add3A_166, %dma_wait3A_172] : memref<20224x128xf32, #tpu.memory_space<hbm>> -> memref<128x128xf32, #tpu.memory_space<hbm>>
        %dma_wait3A_174 = arith.constant 0 : i32
        %dma_wait3A_175 = tpu.memref_slice %arg6[%add3A_166, %dma_wait3A_174] : memref<20224x128xf32, #tpu.memory_space<hbm>> -> memref<128x128xf32, #tpu.memory_space<hbm>>
        tpu.wait_dma2 semaphore(%run_scoped3A : memref<!tpu.dma_semaphore, #tpu.memory_space<semaphore_mem>>) src(%arg15 : memref<128x128xf32, #tpu.memory_space<vmem>>) dst(%dma_wait3A_175 : memref<128x128xf32, #tpu.memory_space<hbm>>)
        tpu.yield
      }) : () -> ()
      %scan3A_167 = arith.constant 0 : i32
      scf.yield %scan3A_167 : i32
    }
    %scan3A_149 = arith.constant 4 : i32
    %mul3A_150 = arith.constant 632 : i32
    %mul3A_151 = arith.muli %arg1, %mul3A_150 : i32
    %add3A_152 = arith.constant 512 : i32
    %add3A_153 = arith.addi %mul3A_151, %add3A_152 : i32
    "tpu.region"() ({
      %run_scoped3A = tpu.sem_alloc : memref<!tpu.dma_semaphore, #tpu.memory_space<semaphore_mem>>
      %dma_start3A_157 = arith.constant 0 : i32
      %dma_start3A_158 = arith.constant 0 : i32
      %dma_start3A_159 = tpu.memref_slice %arg15[%dma_start3A_157, %dma_start3A_158] : memref<128x128xf32, #tpu.memory_space<vmem>> -> memref<120x128xf32, #tpu.memory_space<vmem>>
      %dma_start3A_160 = arith.constant 0 : i32
      %dma_start3A_161 = tpu.memref_slice %arg18[%add3A_153, %dma_start3A_160] : memref<10112x128xf32, #tpu.memory_space<vmem_shared>> -> memref<120x128xf32, #tpu.memory_space<vmem_shared>>
      %dma_start3A_162 = arith.constant 0 : i32
      %dma_start3A_163 = arith.constant 0 : i32
      %dma_start3A_164 = tpu.memref_slice %arg15[%dma_start3A_162, %dma_start3A_163] : memref<128x128xf32, #tpu.memory_space<vmem>> -> memref<120x128xf32, #tpu.memory_space<vmem>>
      %dma_start3A_165 = arith.constant 0 : i32
      %dma_start3A_166 = tpu.memref_slice %arg18[%add3A_153, %dma_start3A_165] : memref<10112x128xf32, #tpu.memory_space<vmem_shared>> -> memref<120x128xf32, #tpu.memory_space<vmem_shared>>
      tpu.enqueue_dma source(%dma_start3A_166 : memref<120x128xf32, #tpu.memory_space<vmem_shared>>) target(%dma_start3A_164 : memref<120x128xf32, #tpu.memory_space<vmem>>) target_semaphore(%run_scoped3A : memref<!tpu.dma_semaphore, #tpu.memory_space<semaphore_mem>>)
      %dma_wait3A_167 = arith.constant 0 : i32
      %dma_wait3A_168 = arith.constant 0 : i32
      %dma_wait3A_169 = tpu.memref_slice %arg15[%dma_wait3A_167, %dma_wait3A_168] : memref<128x128xf32, #tpu.memory_space<vmem>> -> memref<120x128xf32, #tpu.memory_space<vmem>>
      %dma_wait3A_170 = arith.constant 0 : i32
      %dma_wait3A_171 = tpu.memref_slice %arg18[%add3A_153, %dma_wait3A_170] : memref<10112x128xf32, #tpu.memory_space<vmem_shared>> -> memref<120x128xf32, #tpu.memory_space<vmem_shared>>
      %dma_wait3A_172 = arith.constant 0 : i32
      %dma_wait3A_173 = arith.constant 0 : i32
      %dma_wait3A_174 = tpu.memref_slice %arg15[%dma_wait3A_172, %dma_wait3A_173] : memref<128x128xf32, #tpu.memory_space<vmem>> -> memref<120x128xf32, #tpu.memory_space<vmem>>
      %dma_wait3A_175 = arith.constant 0 : i32
      %dma_wait3A_176 = tpu.memref_slice %arg18[%add3A_153, %dma_wait3A_175] : memref<10112x128xf32, #tpu.memory_space<vmem_shared>> -> memref<120x128xf32, #tpu.memory_space<vmem_shared>>
      tpu.wait_dma2 semaphore(%run_scoped3A : memref<!tpu.dma_semaphore, #tpu.memory_space<semaphore_mem>>) src(%dma_wait3A_176 : memref<120x128xf32, #tpu.memory_space<vmem_shared>>) dst(%dma_wait3A_174 : memref<120x128xf32, #tpu.memory_space<vmem>>)
      tpu.yield
    }) : () -> ()
    %mul3A_154 = arith.constant 10112 : i32
    %mul3A_155 = arith.muli %arg0, %mul3A_154 : i32
    %add3A_156 = arith.addi %mul3A_155, %add3A_153 : i32
    "tpu.region"() ({
      %run_scoped3A = tpu.sem_alloc : memref<!tpu.dma_semaphore, #tpu.memory_space<semaphore_mem>>
      %dma_start3A_157 = arith.constant 0 : i32
      %dma_start3A_158 = arith.constant 0 : i32
      %dma_start3A_159 = tpu.memref_slice %arg15[%dma_start3A_157, %dma_start3A_158] : memref<128x128xf32, #tpu.memory_space<vmem>> -> memref<120x128xf32, #tpu.memory_space<vmem>>
      %dma_start3A_160 = arith.constant 0 : i32
      %dma_start3A_161 = tpu.memref_slice %arg6[%add3A_156, %dma_start3A_160] : memref<20224x128xf32, #tpu.memory_space<hbm>> -> memref<120x128xf32, #tpu.memory_space<hbm>>
      %dma_start3A_162 = arith.constant 0 : i32
      %dma_start3A_163 = tpu.memref_slice %arg6[%add3A_156, %dma_start3A_162] : memref<20224x128xf32, #tpu.memory_space<hbm>> -> memref<120x128xf32, #tpu.memory_space<hbm>>
      %dma_start3A_164 = arith.constant 0 : i32
      %dma_start3A_165 = arith.constant 0 : i32
      %dma_start3A_166 = tpu.memref_slice %arg15[%dma_start3A_164, %dma_start3A_165] : memref<128x128xf32, #tpu.memory_space<vmem>> -> memref<120x128xf32, #tpu.memory_space<vmem>>
      tpu.enqueue_dma source(%dma_start3A_166 : memref<120x128xf32, #tpu.memory_space<vmem>>) target(%dma_start3A_163 : memref<120x128xf32, #tpu.memory_space<hbm>>) target_semaphore(%run_scoped3A : memref<!tpu.dma_semaphore, #tpu.memory_space<semaphore_mem>>)
      %dma_wait3A_167 = arith.constant 0 : i32
      %dma_wait3A_168 = arith.constant 0 : i32
      %dma_wait3A_169 = tpu.memref_slice %arg15[%dma_wait3A_167, %dma_wait3A_168] : memref<128x128xf32, #tpu.memory_space<vmem>> -> memref<120x128xf32, #tpu.memory_space<vmem>>
      %dma_wait3A_170 = arith.constant 0 : i32
      %dma_wait3A_171 = tpu.memref_slice %arg6[%add3A_156, %dma_wait3A_170] : memref<20224x128xf32, #tpu.memory_space<hbm>> -> memref<120x128xf32, #tpu.memory_space<hbm>>
      %dma_wait3A_172 = arith.constant 0 : i32
      %dma_wait3A_173 = tpu.memref_slice %arg6[%add3A_156, %dma_wait3A_172] : memref<20224x128xf32, #tpu.memory_space<hbm>> -> memref<120x128xf32, #tpu.memory_space<hbm>>
      %dma_wait3A_174 = arith.constant 0 : i32
      %dma_wait3A_175 = arith.constant 0 : i32
      %dma_wait3A_176 = tpu.memref_slice %arg15[%dma_wait3A_174, %dma_wait3A_175] : memref<128x128xf32, #tpu.memory_space<vmem>> -> memref<120x128xf32, #tpu.memory_space<vmem>>
      tpu.wait_dma2 semaphore(%run_scoped3A : memref<!tpu.dma_semaphore, #tpu.memory_space<semaphore_mem>>) src(%dma_wait3A_176 : memref<120x128xf32, #tpu.memory_space<vmem>>) dst(%dma_wait3A_173 : memref<120x128xf32, #tpu.memory_space<hbm>>)
      tpu.yield
    }) : () -> ()
    return
  }
}

#map = affine_map<(d0, d1) -> (0, 0)>
#map1 = affine_map<(d0, d1) -> (0)>
module attributes {stable_mosaic.version = 14 : i64} {
  func.func @sc_edge_scatter(%arg0: i32, %arg1: i32, %arg2: memref<10000x128xf32, #tpu.memory_space<hbm>>, %arg3: memref<320000xi32, #tpu.memory_space<hbm>>, %arg4: memref<320000xi32, #tpu.memory_space<hbm>>, %arg5: memref<128x128xf32, #tpu.memory_space<hbm>>, %arg6: memref<20224x128xf32, #tpu.memory_space<hbm>>, %arg7: memref<128xi32, #tpu.memory_space<vmem>>, %arg8: memref<128xi32, #tpu.memory_space<vmem>>, %arg9: memref<128xi32, #tpu.memory_space<vmem>>, %arg10: memref<128xi32, #tpu.memory_space<vmem>>, %arg11: memref<128xi32, #tpu.memory_space<vmem>>, %arg12: memref<128xi32, #tpu.memory_space<vmem>>, %arg13: memref<16xi32, #tpu.memory_space<vmem>>, %arg14: memref<16xi32, #tpu.memory_space<vmem>>, %arg15: memref<128x128xf32, #tpu.memory_space<vmem>>, %arg16: memref<128x128xf32, #tpu.memory_space<vmem>>, %arg17: memref<128x128xf32, #tpu.memory_space<vmem>>, %arg18: memref<10112x128xf32, #tpu.memory_space<vmem_shared>>, %arg19: memref<!tpu.dma_semaphore, #tpu.memory_space<semaphore_mem>>, %arg20: memref<!tpu.dma_semaphore, #tpu.memory_space<semaphore_mem>>) attributes {dimension_semantics = [#tpu.dimension_semantics<core_parallel>, #tpu.dimension_semantics<subcore_parallel>], iteration_bounds = array<i64: 2, 16>, scalar_prefetch = 0 : i64, scratch_operands = 14 : i64, tpu.core_type = #tpu.core_type<sc_vector_subcore>, window_params = [{transform_indices = #map}, {transform_indices = #map1}, {transform_indices = #map1}, {transform_indices = #map}, {transform_indices = #map}]} {
    %mul3A = arith.constant 2 : i32
    %mul3A_0 = arith.muli %arg1, %mul3A : i32
    %add3A = arith.addi %mul3A_0, %arg0 : i32
    %mul3A_1 = arith.constant 10000 : i32
    %mul3A_2 = arith.muli %add3A, %mul3A_1 : i32
    "tpu.region"() ({
      %run_scoped3A = tpu.sem_alloc : memref<!tpu.dma_semaphore, #tpu.memory_space<semaphore_mem>>
      tpu.enqueue_dma source(%arg5 : memref<128x128xf32, #tpu.memory_space<hbm>>) target(%arg15 : memref<128x128xf32, #tpu.memory_space<vmem>>) target_semaphore(%run_scoped3A : memref<!tpu.dma_semaphore, #tpu.memory_space<semaphore_mem>>)
      tpu.wait_dma2 semaphore(%run_scoped3A : memref<!tpu.dma_semaphore, #tpu.memory_space<semaphore_mem>>) src(%arg5 : memref<128x128xf32, #tpu.memory_space<hbm>>) dst(%arg15 : memref<128x128xf32, #tpu.memory_space<vmem>>)
      tpu.yield
    }) : () -> ()
    %scan3A = arith.constant 0 : i32
    %scan3A_3 = arith.constant 0 : i32
    %scan3A_4 = arith.constant 4 : i32
    %scan3A_5 = arith.addi %scan3A_3, %scan3A_4 : i32
    %scan3A_6 = arith.constant 1 : i32
    %scan3A_7 = scf.for %scan3A_157 = %scan3A_3 to %scan3A_5 step %scan3A_6 iter_args(%scan3A_158 = %scan3A) -> (i32)  : i32 {
      %mul3A_159 = arith.constant 632 : i32
      %mul3A_160 = arith.muli %arg1, %mul3A_159 : i32
      %mul3A_161 = arith.constant 128 : i32
      %mul3A_162 = arith.muli %scan3A_157, %mul3A_161 : i32
      %add3A_163 = arith.addi %mul3A_160, %mul3A_162 : i32
      "tpu.region"() ({
        %run_scoped3A = tpu.sem_alloc : memref<!tpu.dma_semaphore, #tpu.memory_space<semaphore_mem>>
        %dma_start3A_165 = arith.constant 0 : i32
        %dma_start3A_166 = tpu.memref_slice %arg18[%add3A_163, %dma_start3A_165] : memref<10112x128xf32, #tpu.memory_space<vmem_shared>> -> memref<128x128xf32, #tpu.memory_space<vmem_shared>>
        %dma_start3A_167 = arith.constant 0 : i32
        %dma_start3A_168 = tpu.memref_slice %arg18[%add3A_163, %dma_start3A_167] : memref<10112x128xf32, #tpu.memory_space<vmem_shared>> -> memref<128x128xf32, #tpu.memory_space<vmem_shared>>
        tpu.enqueue_dma source(%arg15 : memref<128x128xf32, #tpu.memory_space<vmem>>) target(%dma_start3A_168 : memref<128x128xf32, #tpu.memory_space<vmem_shared>>) target_semaphore(%run_scoped3A : memref<!tpu.dma_semaphore, #tpu.memory_space<semaphore_mem>>)
        %dma_wait3A_169 = arith.constant 0 : i32
        %dma_wait3A_170 = tpu.memref_slice %arg18[%add3A_163, %dma_wait3A_169] : memref<10112x128xf32, #tpu.memory_space<vmem_shared>> -> memref<128x128xf32, #tpu.memory_space<vmem_shared>>
        %dma_wait3A_171 = arith.constant 0 : i32
        %dma_wait3A_172 = tpu.memref_slice %arg18[%add3A_163, %dma_wait3A_171] : memref<10112x128xf32, #tpu.memory_space<vmem_shared>> -> memref<128x128xf32, #tpu.memory_space<vmem_shared>>
        tpu.wait_dma2 semaphore(%run_scoped3A : memref<!tpu.dma_semaphore, #tpu.memory_space<semaphore_mem>>) src(%arg15 : memref<128x128xf32, #tpu.memory_space<vmem>>) dst(%dma_wait3A_172 : memref<128x128xf32, #tpu.memory_space<vmem_shared>>)
        tpu.yield
      }) : () -> ()
      %scan3A_164 = arith.constant 0 : i32
      scf.yield %scan3A_164 : i32
    }
    %scan3A_8 = arith.constant 4 : i32
    %mul3A_9 = arith.constant 632 : i32
    %mul3A_10 = arith.muli %arg1, %mul3A_9 : i32
    %add3A_11 = arith.constant 512 : i32
    %add3A_12 = arith.addi %mul3A_10, %add3A_11 : i32
    "tpu.region"() ({
      %run_scoped3A = tpu.sem_alloc : memref<!tpu.dma_semaphore, #tpu.memory_space<semaphore_mem>>
      %dma_start3A_157 = arith.constant 0 : i32
      %dma_start3A_158 = arith.constant 0 : i32
      %dma_start3A_159 = tpu.memref_slice %arg15[%dma_start3A_157, %dma_start3A_158] : memref<128x128xf32, #tpu.memory_space<vmem>> -> memref<120x128xf32, #tpu.memory_space<vmem>>
      %dma_start3A_160 = arith.constant 0 : i32
      %dma_start3A_161 = tpu.memref_slice %arg18[%add3A_12, %dma_start3A_160] : memref<10112x128xf32, #tpu.memory_space<vmem_shared>> -> memref<120x128xf32, #tpu.memory_space<vmem_shared>>
      %dma_start3A_162 = arith.constant 0 : i32
      %dma_start3A_163 = tpu.memref_slice %arg18[%add3A_12, %dma_start3A_162] : memref<10112x128xf32, #tpu.memory_space<vmem_shared>> -> memref<120x128xf32, #tpu.memory_space<vmem_shared>>
      %dma_start3A_164 = arith.constant 0 : i32
      %dma_start3A_165 = arith.constant 0 : i32
      %dma_start3A_166 = tpu.memref_slice %arg15[%dma_start3A_164, %dma_start3A_165] : memref<128x128xf32, #tpu.memory_space<vmem>> -> memref<120x128xf32, #tpu.memory_space<vmem>>
      tpu.enqueue_dma source(%dma_start3A_166 : memref<120x128xf32, #tpu.memory_space<vmem>>) target(%dma_start3A_163 : memref<120x128xf32, #tpu.memory_space<vmem_shared>>) target_semaphore(%run_scoped3A : memref<!tpu.dma_semaphore, #tpu.memory_space<semaphore_mem>>)
      %dma_wait3A_167 = arith.constant 0 : i32
      %dma_wait3A_168 = arith.constant 0 : i32
      %dma_wait3A_169 = tpu.memref_slice %arg15[%dma_wait3A_167, %dma_wait3A_168] : memref<128x128xf32, #tpu.memory_space<vmem>> -> memref<120x128xf32, #tpu.memory_space<vmem>>
      %dma_wait3A_170 = arith.constant 0 : i32
      %dma_wait3A_171 = tpu.memref_slice %arg18[%add3A_12, %dma_wait3A_170] : memref<10112x128xf32, #tpu.memory_space<vmem_shared>> -> memref<120x128xf32, #tpu.memory_space<vmem_shared>>
      %dma_wait3A_172 = arith.constant 0 : i32
      %dma_wait3A_173 = tpu.memref_slice %arg18[%add3A_12, %dma_wait3A_172] : memref<10112x128xf32, #tpu.memory_space<vmem_shared>> -> memref<120x128xf32, #tpu.memory_space<vmem_shared>>
      %dma_wait3A_174 = arith.constant 0 : i32
      %dma_wait3A_175 = arith.constant 0 : i32
      %dma_wait3A_176 = tpu.memref_slice %arg15[%dma_wait3A_174, %dma_wait3A_175] : memref<128x128xf32, #tpu.memory_space<vmem>> -> memref<120x128xf32, #tpu.memory_space<vmem>>
      tpu.wait_dma2 semaphore(%run_scoped3A : memref<!tpu.dma_semaphore, #tpu.memory_space<semaphore_mem>>) src(%dma_wait3A_176 : memref<120x128xf32, #tpu.memory_space<vmem>>) dst(%dma_wait3A_173 : memref<120x128xf32, #tpu.memory_space<vmem_shared>>)
      tpu.yield
    }) : () -> ()
    %barrier3A = arith.constant 0 : index
    tpu.barrier barrier_id(%barrier3A)
    %add3A_13 = arith.constant 0 : i32
    %add3A_14 = arith.addi %mul3A_2, %add3A_13 : i32
    "tpu.region"() ({
      %run_scoped3A = tpu.sem_alloc : memref<!tpu.dma_semaphore, #tpu.memory_space<semaphore_mem>>
      %dma_start3A_157 = tpu.memref_slice %arg3[%add3A_14] : memref<320000xi32, #tpu.memory_space<hbm>> -> memref<128xi32, #tpu.memory_space<hbm>>
      %dma_start3A_158 = tpu.memref_slice %arg3[%add3A_14] : memref<320000xi32, #tpu.memory_space<hbm>> -> memref<128xi32, #tpu.memory_space<hbm>>
      tpu.enqueue_dma source(%dma_start3A_158 : memref<128xi32, #tpu.memory_space<hbm>>) target(%arg7 : memref<128xi32, #tpu.memory_space<vmem>>) target_semaphore(%run_scoped3A : memref<!tpu.dma_semaphore, #tpu.memory_space<semaphore_mem>>)
      %dma_wait3A_159 = tpu.memref_slice %arg3[%add3A_14] : memref<320000xi32, #tpu.memory_space<hbm>> -> memref<128xi32, #tpu.memory_space<hbm>>
      %dma_wait3A_160 = tpu.memref_slice %arg3[%add3A_14] : memref<320000xi32, #tpu.memory_space<hbm>> -> memref<128xi32, #tpu.memory_space<hbm>>
      tpu.wait_dma2 semaphore(%run_scoped3A : memref<!tpu.dma_semaphore, #tpu.memory_space<semaphore_mem>>) src(%dma_wait3A_160 : memref<128xi32, #tpu.memory_space<hbm>>) dst(%arg7 : memref<128xi32, #tpu.memory_space<vmem>>)
      tpu.yield
    }) : () -> ()
    %add3A_15 = arith.constant 0 : i32
    %add3A_16 = arith.addi %mul3A_2, %add3A_15 : i32
    "tpu.region"() ({
      %run_scoped3A = tpu.sem_alloc : memref<!tpu.dma_semaphore, #tpu.memory_space<semaphore_mem>>
      %dma_start3A_157 = tpu.memref_slice %arg4[%add3A_16] : memref<320000xi32, #tpu.memory_space<hbm>> -> memref<128xi32, #tpu.memory_space<hbm>>
      %dma_start3A_158 = tpu.memref_slice %arg4[%add3A_16] : memref<320000xi32, #tpu.memory_space<hbm>> -> memref<128xi32, #tpu.memory_space<hbm>>
      tpu.enqueue_dma source(%dma_start3A_158 : memref<128xi32, #tpu.memory_space<hbm>>) target(%arg10 : memref<128xi32, #tpu.memory_space<vmem>>) target_semaphore(%run_scoped3A : memref<!tpu.dma_semaphore, #tpu.memory_space<semaphore_mem>>)
      %dma_wait3A_159 = tpu.memref_slice %arg4[%add3A_16] : memref<320000xi32, #tpu.memory_space<hbm>> -> memref<128xi32, #tpu.memory_space<hbm>>
      %dma_wait3A_160 = tpu.memref_slice %arg4[%add3A_16] : memref<320000xi32, #tpu.memory_space<hbm>> -> memref<128xi32, #tpu.memory_space<hbm>>
      tpu.wait_dma2 semaphore(%run_scoped3A : memref<!tpu.dma_semaphore, #tpu.memory_space<semaphore_mem>>) src(%dma_wait3A_160 : memref<128xi32, #tpu.memory_space<hbm>>) dst(%arg10 : memref<128xi32, #tpu.memory_space<vmem>>)
      tpu.yield
    }) : () -> ()
    %dma_start3A = arith.constant 0 : i32
    %dma_start3A_17 = arith.constant 0 : i32
    %dma_start3A_18 = tpu.memref_slice %arg2[%dma_start3A, %dma_start3A_17] : memref<10000x128xf32, #tpu.memory_space<hbm>> -> memref<10000x128xf32, #tpu.memory_space<hbm>>
    tpu.enqueue_indirect_dma source(%dma_start3A_18 : memref<10000x128xf32, #tpu.memory_space<hbm>>) target(%arg15 : memref<128x128xf32, #tpu.memory_space<vmem>>) offsets(%arg7 : memref<128xi32, #tpu.memory_space<vmem>>) semaphore(%arg19 : memref<!tpu.dma_semaphore, #tpu.memory_space<semaphore_mem>>)
    %add3A_19 = arith.constant 128 : i32
    %add3A_20 = arith.addi %mul3A_2, %add3A_19 : i32
    "tpu.region"() ({
      %run_scoped3A = tpu.sem_alloc : memref<!tpu.dma_semaphore, #tpu.memory_space<semaphore_mem>>
      %dma_start3A_157 = tpu.memref_slice %arg3[%add3A_20] : memref<320000xi32, #tpu.memory_space<hbm>> -> memref<128xi32, #tpu.memory_space<hbm>>
      %dma_start3A_158 = tpu.memref_slice %arg3[%add3A_20] : memref<320000xi32, #tpu.memory_space<hbm>> -> memref<128xi32, #tpu.memory_space<hbm>>
      tpu.enqueue_dma source(%dma_start3A_158 : memref<128xi32, #tpu.memory_space<hbm>>) target(%arg8 : memref<128xi32, #tpu.memory_space<vmem>>) target_semaphore(%run_scoped3A : memref<!tpu.dma_semaphore, #tpu.memory_space<semaphore_mem>>)
      %dma_wait3A_159 = tpu.memref_slice %arg3[%add3A_20] : memref<320000xi32, #tpu.memory_space<hbm>> -> memref<128xi32, #tpu.memory_space<hbm>>
      %dma_wait3A_160 = tpu.memref_slice %arg3[%add3A_20] : memref<320000xi32, #tpu.memory_space<hbm>> -> memref<128xi32, #tpu.memory_space<hbm>>
      tpu.wait_dma2 semaphore(%run_scoped3A : memref<!tpu.dma_semaphore, #tpu.memory_space<semaphore_mem>>) src(%dma_wait3A_160 : memref<128xi32, #tpu.memory_space<hbm>>) dst(%arg8 : memref<128xi32, #tpu.memory_space<vmem>>)
      tpu.yield
    }) : () -> ()
    %add3A_21 = arith.constant 128 : i32
    %add3A_22 = arith.addi %mul3A_2, %add3A_21 : i32
    "tpu.region"() ({
      %run_scoped3A = tpu.sem_alloc : memref<!tpu.dma_semaphore, #tpu.memory_space<semaphore_mem>>
      %dma_start3A_157 = tpu.memref_slice %arg4[%add3A_22] : memref<320000xi32, #tpu.memory_space<hbm>> -> memref<128xi32, #tpu.memory_space<hbm>>
      %dma_start3A_158 = tpu.memref_slice %arg4[%add3A_22] : memref<320000xi32, #tpu.memory_space<hbm>> -> memref<128xi32, #tpu.memory_space<hbm>>
      tpu.enqueue_dma source(%dma_start3A_158 : memref<128xi32, #tpu.memory_space<hbm>>) target(%arg11 : memref<128xi32, #tpu.memory_space<vmem>>) target_semaphore(%run_scoped3A : memref<!tpu.dma_semaphore, #tpu.memory_space<semaphore_mem>>)
      %dma_wait3A_159 = tpu.memref_slice %arg4[%add3A_22] : memref<320000xi32, #tpu.memory_space<hbm>> -> memref<128xi32, #tpu.memory_space<hbm>>
      %dma_wait3A_160 = tpu.memref_slice %arg4[%add3A_22] : memref<320000xi32, #tpu.memory_space<hbm>> -> memref<128xi32, #tpu.memory_space<hbm>>
      tpu.wait_dma2 semaphore(%run_scoped3A : memref<!tpu.dma_semaphore, #tpu.memory_space<semaphore_mem>>) src(%dma_wait3A_160 : memref<128xi32, #tpu.memory_space<hbm>>) dst(%arg11 : memref<128xi32, #tpu.memory_space<vmem>>)
      tpu.yield
    }) : () -> ()
    %dma_start3A_23 = arith.constant 0 : i32
    %dma_start3A_24 = arith.constant 0 : i32
    %dma_start3A_25 = tpu.memref_slice %arg2[%dma_start3A_23, %dma_start3A_24] : memref<10000x128xf32, #tpu.memory_space<hbm>> -> memref<10000x128xf32, #tpu.memory_space<hbm>>
    tpu.enqueue_indirect_dma source(%dma_start3A_25 : memref<10000x128xf32, #tpu.memory_space<hbm>>) target(%arg16 : memref<128x128xf32, #tpu.memory_space<vmem>>) offsets(%arg8 : memref<128xi32, #tpu.memory_space<vmem>>) semaphore(%arg19 : memref<!tpu.dma_semaphore, #tpu.memory_space<semaphore_mem>>)
    %dma_wait3A = arith.constant 0 : i32
    %dma_wait3A_26 = arith.constant 0 : i32
    %dma_wait3A_27 = tpu.memref_slice %arg2[%dma_wait3A, %dma_wait3A_26] : memref<10000x128xf32, #tpu.memory_space<hbm>> -> memref<10000x128xf32, #tpu.memory_space<hbm>>
    tpu.wait_indirect_dma semaphore(%arg19 : memref<!tpu.dma_semaphore, #tpu.memory_space<semaphore_mem>>) src(%dma_wait3A_27 : memref<10000x128xf32, #tpu.memory_space<hbm>>) dst(%arg15 : memref<128x128xf32, #tpu.memory_space<vmem>>)
    %dma_start3A_28 = arith.constant 0 : i32
    %dma_start3A_29 = arith.constant 0 : i32
    %dma_start3A_30 = tpu.memref_slice %arg18[%dma_start3A_28, %dma_start3A_29] : memref<10112x128xf32, #tpu.memory_space<vmem_shared>> -> memref<10112x128xf32, #tpu.memory_space<vmem_shared>>
    tpu.enqueue_indirect_dma source(%arg15 : memref<128x128xf32, #tpu.memory_space<vmem>>) target(%dma_start3A_30 : memref<10112x128xf32, #tpu.memory_space<vmem_shared>>) offsets(%arg10 : memref<128xi32, #tpu.memory_space<vmem>>) semaphore(%arg20 : memref<!tpu.dma_semaphore, #tpu.memory_space<semaphore_mem>>) {add = true}
    %add3A_31 = arith.constant 256 : i32
    %add3A_32 = arith.addi %mul3A_2, %add3A_31 : i32
    "tpu.region"() ({
      %run_scoped3A = tpu.sem_alloc : memref<!tpu.dma_semaphore, #tpu.memory_space<semaphore_mem>>
      %dma_start3A_157 = tpu.memref_slice %arg3[%add3A_32] : memref<320000xi32, #tpu.memory_space<hbm>> -> memref<128xi32, #tpu.memory_space<hbm>>
      %dma_start3A_158 = tpu.memref_slice %arg3[%add3A_32] : memref<320000xi32, #tpu.memory_space<hbm>> -> memref<128xi32, #tpu.memory_space<hbm>>
      tpu.enqueue_dma source(%dma_start3A_158 : memref<128xi32, #tpu.memory_space<hbm>>) target(%arg9 : memref<128xi32, #tpu.memory_space<vmem>>) target_semaphore(%run_scoped3A : memref<!tpu.dma_semaphore, #tpu.memory_space<semaphore_mem>>)
      %dma_wait3A_159 = tpu.memref_slice %arg3[%add3A_32] : memref<320000xi32, #tpu.memory_space<hbm>> -> memref<128xi32, #tpu.memory_space<hbm>>
      %dma_wait3A_160 = tpu.memref_slice %arg3[%add3A_32] : memref<320000xi32, #tpu.memory_space<hbm>> -> memref<128xi32, #tpu.memory_space<hbm>>
      tpu.wait_dma2 semaphore(%run_scoped3A : memref<!tpu.dma_semaphore, #tpu.memory_space<semaphore_mem>>) src(%dma_wait3A_160 : memref<128xi32, #tpu.memory_space<hbm>>) dst(%arg9 : memref<128xi32, #tpu.memory_space<vmem>>)
      tpu.yield
    }) : () -> ()
    %add3A_33 = arith.constant 256 : i32
    %add3A_34 = arith.addi %mul3A_2, %add3A_33 : i32
    "tpu.region"() ({
      %run_scoped3A = tpu.sem_alloc : memref<!tpu.dma_semaphore, #tpu.memory_space<semaphore_mem>>
      %dma_start3A_157 = tpu.memref_slice %arg4[%add3A_34] : memref<320000xi32, #tpu.memory_space<hbm>> -> memref<128xi32, #tpu.memory_space<hbm>>
      %dma_start3A_158 = tpu.memref_slice %arg4[%add3A_34] : memref<320000xi32, #tpu.memory_space<hbm>> -> memref<128xi32, #tpu.memory_space<hbm>>
      tpu.enqueue_dma source(%dma_start3A_158 : memref<128xi32, #tpu.memory_space<hbm>>) target(%arg12 : memref<128xi32, #tpu.memory_space<vmem>>) target_semaphore(%run_scoped3A : memref<!tpu.dma_semaphore, #tpu.memory_space<semaphore_mem>>)
      %dma_wait3A_159 = tpu.memref_slice %arg4[%add3A_34] : memref<320000xi32, #tpu.memory_space<hbm>> -> memref<128xi32, #tpu.memory_space<hbm>>
      %dma_wait3A_160 = tpu.memref_slice %arg4[%add3A_34] : memref<320000xi32, #tpu.memory_space<hbm>> -> memref<128xi32, #tpu.memory_space<hbm>>
      tpu.wait_dma2 semaphore(%run_scoped3A : memref<!tpu.dma_semaphore, #tpu.memory_space<semaphore_mem>>) src(%dma_wait3A_160 : memref<128xi32, #tpu.memory_space<hbm>>) dst(%arg12 : memref<128xi32, #tpu.memory_space<vmem>>)
      tpu.yield
    }) : () -> ()
    %dma_start3A_35 = arith.constant 0 : i32
    %dma_start3A_36 = arith.constant 0 : i32
    %dma_start3A_37 = tpu.memref_slice %arg2[%dma_start3A_35, %dma_start3A_36] : memref<10000x128xf32, #tpu.memory_space<hbm>> -> memref<10000x128xf32, #tpu.memory_space<hbm>>
    tpu.enqueue_indirect_dma source(%dma_start3A_37 : memref<10000x128xf32, #tpu.memory_space<hbm>>) target(%arg17 : memref<128x128xf32, #tpu.memory_space<vmem>>) offsets(%arg9 : memref<128xi32, #tpu.memory_space<vmem>>) semaphore(%arg19 : memref<!tpu.dma_semaphore, #tpu.memory_space<semaphore_mem>>)
    %dma_wait3A_38 = arith.constant 0 : i32
    %dma_wait3A_39 = arith.constant 0 : i32
    %dma_wait3A_40 = tpu.memref_slice %arg2[%dma_wait3A_38, %dma_wait3A_39] : memref<10000x128xf32, #tpu.memory_space<hbm>> -> memref<10000x128xf32, #tpu.memory_space<hbm>>
    tpu.wait_indirect_dma semaphore(%arg19 : memref<!tpu.dma_semaphore, #tpu.memory_space<semaphore_mem>>) src(%dma_wait3A_40 : memref<10000x128xf32, #tpu.memory_space<hbm>>) dst(%arg16 : memref<128x128xf32, #tpu.memory_space<vmem>>)
    %dma_start3A_41 = arith.constant 0 : i32
    %dma_start3A_42 = arith.constant 0 : i32
    %dma_start3A_43 = tpu.memref_slice %arg18[%dma_start3A_41, %dma_start3A_42] : memref<10112x128xf32, #tpu.memory_space<vmem_shared>> -> memref<10112x128xf32, #tpu.memory_space<vmem_shared>>
    tpu.enqueue_indirect_dma source(%arg16 : memref<128x128xf32, #tpu.memory_space<vmem>>) target(%dma_start3A_43 : memref<10112x128xf32, #tpu.memory_space<vmem_shared>>) offsets(%arg11 : memref<128xi32, #tpu.memory_space<vmem>>) semaphore(%arg20 : memref<!tpu.dma_semaphore, #tpu.memory_space<semaphore_mem>>) {add = true}
    %scan3A_44 = arith.constant 0 : i32
    %scan3A_45 = arith.constant 0 : i32
    %scan3A_46 = arith.constant 24 : i32
    %scan3A_47 = arith.addi %scan3A_45, %scan3A_46 : i32
    %scan3A_48 = arith.constant 1 : i32
    %scan3A_49 = scf.for %scan3A_157 = %scan3A_45 to %scan3A_47 step %scan3A_48 iter_args(%scan3A_158 = %scan3A_44) -> (i32)  : i32 {
      %mul3A_159 = arith.constant 3 : i32
      %mul3A_160 = arith.muli %mul3A_159, %scan3A_157 : i32
      %add3A_161 = arith.constant 2 : i32
      %add3A_162 = arith.addi %mul3A_160, %add3A_161 : i32
      %dma_wait3A_163 = arith.constant 0 : i32
      %dma_wait3A_164 = arith.constant 0 : i32
      %dma_wait3A_165 = tpu.memref_slice %arg18[%dma_wait3A_163, %dma_wait3A_164] : memref<10112x128xf32, #tpu.memory_space<vmem_shared>> -> memref<10112x128xf32, #tpu.memory_space<vmem_shared>>
      tpu.wait_indirect_dma semaphore(%arg20 : memref<!tpu.dma_semaphore, #tpu.memory_space<semaphore_mem>>) src(%arg15 : memref<128x128xf32, #tpu.memory_space<vmem>>) dst(%dma_wait3A_165 : memref<10112x128xf32, #tpu.memory_space<vmem_shared>>)
      %add3A_166 = arith.constant 1 : i32
      %add3A_167 = arith.addi %add3A_162, %add3A_166 : i32
      %mul3A_168 = arith.constant 128 : i32
      %mul3A_169 = arith.muli %add3A_167, %mul3A_168 : i32
      %add3A_170 = arith.addi %mul3A_2, %mul3A_169 : i32
      "tpu.region"() ({
        %run_scoped3A = tpu.sem_alloc : memref<!tpu.dma_semaphore, #tpu.memory_space<semaphore_mem>>
        %dma_start3A_228 = tpu.memref_slice %arg3[%add3A_170] : memref<320000xi32, #tpu.memory_space<hbm>> -> memref<128xi32, #tpu.memory_space<hbm>>
        %dma_start3A_229 = tpu.memref_slice %arg3[%add3A_170] : memref<320000xi32, #tpu.memory_space<hbm>> -> memref<128xi32, #tpu.memory_space<hbm>>
        tpu.enqueue_dma source(%dma_start3A_229 : memref<128xi32, #tpu.memory_space<hbm>>) target(%arg7 : memref<128xi32, #tpu.memory_space<vmem>>) target_semaphore(%run_scoped3A : memref<!tpu.dma_semaphore, #tpu.memory_space<semaphore_mem>>)
        %dma_wait3A_230 = tpu.memref_slice %arg3[%add3A_170] : memref<320000xi32, #tpu.memory_space<hbm>> -> memref<128xi32, #tpu.memory_space<hbm>>
        %dma_wait3A_231 = tpu.memref_slice %arg3[%add3A_170] : memref<320000xi32, #tpu.memory_space<hbm>> -> memref<128xi32, #tpu.memory_space<hbm>>
        tpu.wait_dma2 semaphore(%run_scoped3A : memref<!tpu.dma_semaphore, #tpu.memory_space<semaphore_mem>>) src(%dma_wait3A_231 : memref<128xi32, #tpu.memory_space<hbm>>) dst(%arg7 : memref<128xi32, #tpu.memory_space<vmem>>)
        tpu.yield
      }) : () -> ()
      %mul3A_171 = arith.constant 128 : i32
      %mul3A_172 = arith.muli %add3A_167, %mul3A_171 : i32
      %add3A_173 = arith.addi %mul3A_2, %mul3A_172 : i32
      "tpu.region"() ({
        %run_scoped3A = tpu.sem_alloc : memref<!tpu.dma_semaphore, #tpu.memory_space<semaphore_mem>>
        %dma_start3A_228 = tpu.memref_slice %arg4[%add3A_173] : memref<320000xi32, #tpu.memory_space<hbm>> -> memref<128xi32, #tpu.memory_space<hbm>>
        %dma_start3A_229 = tpu.memref_slice %arg4[%add3A_173] : memref<320000xi32, #tpu.memory_space<hbm>> -> memref<128xi32, #tpu.memory_space<hbm>>
        tpu.enqueue_dma source(%dma_start3A_229 : memref<128xi32, #tpu.memory_space<hbm>>) target(%arg10 : memref<128xi32, #tpu.memory_space<vmem>>) target_semaphore(%run_scoped3A : memref<!tpu.dma_semaphore, #tpu.memory_space<semaphore_mem>>)
        %dma_wait3A_230 = tpu.memref_slice %arg4[%add3A_173] : memref<320000xi32, #tpu.memory_space<hbm>> -> memref<128xi32, #tpu.memory_space<hbm>>
        %dma_wait3A_231 = tpu.memref_slice %arg4[%add3A_173] : memref<320000xi32, #tpu.memory_space<hbm>> -> memref<128xi32, #tpu.memory_space<hbm>>
        tpu.wait_dma2 semaphore(%run_scoped3A : memref<!tpu.dma_semaphore, #tpu.memory_space<semaphore_mem>>) src(%dma_wait3A_231 : memref<128xi32, #tpu.memory_space<hbm>>) dst(%arg10 : memref<128xi32, #tpu.memory_space<vmem>>)
        tpu.yield
      }) : () -> ()
      %dma_start3A_174 = arith.constant 0 : i32
      %dma_start3A_175 = arith.constant 0 : i32
      %dma_start3A_176 = tpu.memref_slice %arg2[%dma_start3A_174, %dma_start3A_175] : memref<10000x128xf32, #tpu.memory_space<hbm>> -> memref<10000x128xf32, #tpu.memory_space<hbm>>
      tpu.enqueue_indirect_dma source(%dma_start3A_176 : memref<10000x128xf32, #tpu.memory_space<hbm>>) target(%arg15 : memref<128x128xf32, #tpu.memory_space<vmem>>) offsets(%arg7 : memref<128xi32, #tpu.memory_space<vmem>>) semaphore(%arg19 : memref<!tpu.dma_semaphore, #tpu.memory_space<semaphore_mem>>)
      %dma_wait3A_177 = arith.constant 0 : i32
      %dma_wait3A_178 = arith.constant 0 : i32
      %dma_wait3A_179 = tpu.memref_slice %arg2[%dma_wait3A_177, %dma_wait3A_178] : memref<10000x128xf32, #tpu.memory_space<hbm>> -> memref<10000x128xf32, #tpu.memory_space<hbm>>
      tpu.wait_indirect_dma semaphore(%arg19 : memref<!tpu.dma_semaphore, #tpu.memory_space<semaphore_mem>>) src(%dma_wait3A_179 : memref<10000x128xf32, #tpu.memory_space<hbm>>) dst(%arg17 : memref<128x128xf32, #tpu.memory_space<vmem>>)
      %dma_start3A_180 = arith.constant 0 : i32
      %dma_start3A_181 = arith.constant 0 : i32
      %dma_start3A_182 = tpu.memref_slice %arg18[%dma_start3A_180, %dma_start3A_181] : memref<10112x128xf32, #tpu.memory_space<vmem_shared>> -> memref<10112x128xf32, #tpu.memory_space<vmem_shared>>
      tpu.enqueue_indirect_dma source(%arg17 : memref<128x128xf32, #tpu.memory_space<vmem>>) target(%dma_start3A_182 : memref<10112x128xf32, #tpu.memory_space<vmem_shared>>) offsets(%arg12 : memref<128xi32, #tpu.memory_space<vmem>>) semaphore(%arg20 : memref<!tpu.dma_semaphore, #tpu.memory_space<semaphore_mem>>) {add = true}
      %add3A_183 = arith.constant 3 : i32
      %add3A_184 = arith.addi %mul3A_160, %add3A_183 : i32
      %dma_wait3A_185 = arith.constant 0 : i32
      %dma_wait3A_186 = arith.constant 0 : i32
      %dma_wait3A_187 = tpu.memref_slice %arg18[%dma_wait3A_185, %dma_wait3A_186] : memref<10112x128xf32, #tpu.memory_space<vmem_shared>> -> memref<10112x128xf32, #tpu.memory_space<vmem_shared>>
      tpu.wait_indirect_dma semaphore(%arg20 : memref<!tpu.dma_semaphore, #tpu.memory_space<semaphore_mem>>) src(%arg16 : memref<128x128xf32, #tpu.memory_space<vmem>>) dst(%dma_wait3A_187 : memref<10112x128xf32, #tpu.memory_space<vmem_shared>>)
      %add3A_188 = arith.constant 1 : i32
      %add3A_189 = arith.addi %add3A_184, %add3A_188 : i32
      %mul3A_190 = arith.constant 128 : i32
      %mul3A_191 = arith.muli %add3A_189, %mul3A_190 : i32
      %add3A_192 = arith.addi %mul3A_2, %mul3A_191 : i32
      "tpu.region"() ({
        %run_scoped3A = tpu.sem_alloc : memref<!tpu.dma_semaphore, #tpu.memory_space<semaphore_mem>>
        %dma_start3A_228 = tpu.memref_slice %arg3[%add3A_192] : memref<320000xi32, #tpu.memory_space<hbm>> -> memref<128xi32, #tpu.memory_space<hbm>>
        %dma_start3A_229 = tpu.memref_slice %arg3[%add3A_192] : memref<320000xi32, #tpu.memory_space<hbm>> -> memref<128xi32, #tpu.memory_space<hbm>>
        tpu.enqueue_dma source(%dma_start3A_229 : memref<128xi32, #tpu.memory_space<hbm>>) target(%arg8 : memref<128xi32, #tpu.memory_space<vmem>>) target_semaphore(%run_scoped3A : memref<!tpu.dma_semaphore, #tpu.memory_space<semaphore_mem>>)
        %dma_wait3A_230 = tpu.memref_slice %arg3[%add3A_192] : memref<320000xi32, #tpu.memory_space<hbm>> -> memref<128xi32, #tpu.memory_space<hbm>>
        %dma_wait3A_231 = tpu.memref_slice %arg3[%add3A_192] : memref<320000xi32, #tpu.memory_space<hbm>> -> memref<128xi32, #tpu.memory_space<hbm>>
        tpu.wait_dma2 semaphore(%run_scoped3A : memref<!tpu.dma_semaphore, #tpu.memory_space<semaphore_mem>>) src(%dma_wait3A_231 : memref<128xi32, #tpu.memory_space<hbm>>) dst(%arg8 : memref<128xi32, #tpu.memory_space<vmem>>)
        tpu.yield
      }) : () -> ()
      %mul3A_193 = arith.constant 128 : i32
      %mul3A_194 = arith.muli %add3A_189, %mul3A_193 : i32
      %add3A_195 = arith.addi %mul3A_2, %mul3A_194 : i32
      "tpu.region"() ({
        %run_scoped3A = tpu.sem_alloc : memref<!tpu.dma_semaphore, #tpu.memory_space<semaphore_mem>>
        %dma_start3A_228 = tpu.memref_slice %arg4[%add3A_195] : memref<320000xi32, #tpu.memory_space<hbm>> -> memref<128xi32, #tpu.memory_space<hbm>>
        %dma_start3A_229 = tpu.memref_slice %arg4[%add3A_195] : memref<320000xi32, #tpu.memory_space<hbm>> -> memref<128xi32, #tpu.memory_space<hbm>>
        tpu.enqueue_dma source(%dma_start3A_229 : memref<128xi32, #tpu.memory_space<hbm>>) target(%arg11 : memref<128xi32, #tpu.memory_space<vmem>>) target_semaphore(%run_scoped3A : memref<!tpu.dma_semaphore, #tpu.memory_space<semaphore_mem>>)
        %dma_wait3A_230 = tpu.memref_slice %arg4[%add3A_195] : memref<320000xi32, #tpu.memory_space<hbm>> -> memref<128xi32, #tpu.memory_space<hbm>>
        %dma_wait3A_231 = tpu.memref_slice %arg4[%add3A_195] : memref<320000xi32, #tpu.memory_space<hbm>> -> memref<128xi32, #tpu.memory_space<hbm>>
        tpu.wait_dma2 semaphore(%run_scoped3A : memref<!tpu.dma_semaphore, #tpu.memory_space<semaphore_mem>>) src(%dma_wait3A_231 : memref<128xi32, #tpu.memory_space<hbm>>) dst(%arg11 : memref<128xi32, #tpu.memory_space<vmem>>)
        tpu.yield
      }) : () -> ()
      %dma_start3A_196 = arith.constant 0 : i32
      %dma_start3A_197 = arith.constant 0 : i32
      %dma_start3A_198 = tpu.memref_slice %arg2[%dma_start3A_196, %dma_start3A_197] : memref<10000x128xf32, #tpu.memory_space<hbm>> -> memref<10000x128xf32, #tpu.memory_space<hbm>>
      tpu.enqueue_indirect_dma source(%dma_start3A_198 : memref<10000x128xf32, #tpu.memory_space<hbm>>) target(%arg16 : memref<128x128xf32, #tpu.memory_space<vmem>>) offsets(%arg8 : memref<128xi32, #tpu.memory_space<vmem>>) semaphore(%arg19 : memref<!tpu.dma_semaphore, #tpu.memory_space<semaphore_mem>>)
      %dma_wait3A_199 = arith.constant 0 : i32
      %dma_wait3A_200 = arith.constant 0 : i32
      %dma_wait3A_201 = tpu.memref_slice %arg2[%dma_wait3A_199, %dma_wait3A_200] : memref<10000x128xf32, #tpu.memory_space<hbm>> -> memref<10000x128xf32, #tpu.memory_space<hbm>>
      tpu.wait_indirect_dma semaphore(%arg19 : memref<!tpu.dma_semaphore, #tpu.memory_space<semaphore_mem>>) src(%dma_wait3A_201 : memref<10000x128xf32, #tpu.memory_space<hbm>>) dst(%arg15 : memref<128x128xf32, #tpu.memory_space<vmem>>)
      %dma_start3A_202 = arith.constant 0 : i32
      %dma_start3A_203 = arith.constant 0 : i32
      %dma_start3A_204 = tpu.memref_slice %arg18[%dma_start3A_202, %dma_start3A_203] : memref<10112x128xf32, #tpu.memory_space<vmem_shared>> -> memref<10112x128xf32, #tpu.memory_space<vmem_shared>>
      tpu.enqueue_indirect_dma source(%arg15 : memref<128x128xf32, #tpu.memory_space<vmem>>) target(%dma_start3A_204 : memref<10112x128xf32, #tpu.memory_space<vmem_shared>>) offsets(%arg10 : memref<128xi32, #tpu.memory_space<vmem>>) semaphore(%arg20 : memref<!tpu.dma_semaphore, #tpu.memory_space<semaphore_mem>>) {add = true}
      %add3A_205 = arith.constant 4 : i32
      %add3A_206 = arith.addi %mul3A_160, %add3A_205 : i32
      %dma_wait3A_207 = arith.constant 0 : i32
      %dma_wait3A_208 = arith.constant 0 : i32
      %dma_wait3A_209 = tpu.memref_slice %arg18[%dma_wait3A_207, %dma_wait3A_208] : memref<10112x128xf32, #tpu.memory_space<vmem_shared>> -> memref<10112x128xf32, #tpu.memory_space<vmem_shared>>
      tpu.wait_indirect_dma semaphore(%arg20 : memref<!tpu.dma_semaphore, #tpu.memory_space<semaphore_mem>>) src(%arg17 : memref<128x128xf32, #tpu.memory_space<vmem>>) dst(%dma_wait3A_209 : memref<10112x128xf32, #tpu.memory_space<vmem_shared>>)
      %add3A_210 = arith.constant 1 : i32
      %add3A_211 = arith.addi %add3A_206, %add3A_210 : i32
      %mul3A_212 = arith.constant 128 : i32
      %mul3A_213 = arith.muli %add3A_211, %mul3A_212 : i32
      %add3A_214 = arith.addi %mul3A_2, %mul3A_213 : i32
      "tpu.region"() ({
        %run_scoped3A = tpu.sem_alloc : memref<!tpu.dma_semaphore, #tpu.memory_space<semaphore_mem>>
        %dma_start3A_228 = tpu.memref_slice %arg3[%add3A_214] : memref<320000xi32, #tpu.memory_space<hbm>> -> memref<128xi32, #tpu.memory_space<hbm>>
        %dma_start3A_229 = tpu.memref_slice %arg3[%add3A_214] : memref<320000xi32, #tpu.memory_space<hbm>> -> memref<128xi32, #tpu.memory_space<hbm>>
        tpu.enqueue_dma source(%dma_start3A_229 : memref<128xi32, #tpu.memory_space<hbm>>) target(%arg9 : memref<128xi32, #tpu.memory_space<vmem>>) target_semaphore(%run_scoped3A : memref<!tpu.dma_semaphore, #tpu.memory_space<semaphore_mem>>)
        %dma_wait3A_230 = tpu.memref_slice %arg3[%add3A_214] : memref<320000xi32, #tpu.memory_space<hbm>> -> memref<128xi32, #tpu.memory_space<hbm>>
        %dma_wait3A_231 = tpu.memref_slice %arg3[%add3A_214] : memref<320000xi32, #tpu.memory_space<hbm>> -> memref<128xi32, #tpu.memory_space<hbm>>
        tpu.wait_dma2 semaphore(%run_scoped3A : memref<!tpu.dma_semaphore, #tpu.memory_space<semaphore_mem>>) src(%dma_wait3A_231 : memref<128xi32, #tpu.memory_space<hbm>>) dst(%arg9 : memref<128xi32, #tpu.memory_space<vmem>>)
        tpu.yield
      }) : () -> ()
      %mul3A_215 = arith.constant 128 : i32
      %mul3A_216 = arith.muli %add3A_211, %mul3A_215 : i32
      %add3A_217 = arith.addi %mul3A_2, %mul3A_216 : i32
      "tpu.region"() ({
        %run_scoped3A = tpu.sem_alloc : memref<!tpu.dma_semaphore, #tpu.memory_space<semaphore_mem>>
        %dma_start3A_228 = tpu.memref_slice %arg4[%add3A_217] : memref<320000xi32, #tpu.memory_space<hbm>> -> memref<128xi32, #tpu.memory_space<hbm>>
        %dma_start3A_229 = tpu.memref_slice %arg4[%add3A_217] : memref<320000xi32, #tpu.memory_space<hbm>> -> memref<128xi32, #tpu.memory_space<hbm>>
        tpu.enqueue_dma source(%dma_start3A_229 : memref<128xi32, #tpu.memory_space<hbm>>) target(%arg12 : memref<128xi32, #tpu.memory_space<vmem>>) target_semaphore(%run_scoped3A : memref<!tpu.dma_semaphore, #tpu.memory_space<semaphore_mem>>)
        %dma_wait3A_230 = tpu.memref_slice %arg4[%add3A_217] : memref<320000xi32, #tpu.memory_space<hbm>> -> memref<128xi32, #tpu.memory_space<hbm>>
        %dma_wait3A_231 = tpu.memref_slice %arg4[%add3A_217] : memref<320000xi32, #tpu.memory_space<hbm>> -> memref<128xi32, #tpu.memory_space<hbm>>
        tpu.wait_dma2 semaphore(%run_scoped3A : memref<!tpu.dma_semaphore, #tpu.memory_space<semaphore_mem>>) src(%dma_wait3A_231 : memref<128xi32, #tpu.memory_space<hbm>>) dst(%arg12 : memref<128xi32, #tpu.memory_space<vmem>>)
        tpu.yield
      }) : () -> ()
      %dma_start3A_218 = arith.constant 0 : i32
      %dma_start3A_219 = arith.constant 0 : i32
      %dma_start3A_220 = tpu.memref_slice %arg2[%dma_start3A_218, %dma_start3A_219] : memref<10000x128xf32, #tpu.memory_space<hbm>> -> memref<10000x128xf32, #tpu.memory_space<hbm>>
      tpu.enqueue_indirect_dma source(%dma_start3A_220 : memref<10000x128xf32, #tpu.memory_space<hbm>>) target(%arg17 : memref<128x128xf32, #tpu.memory_space<vmem>>) offsets(%arg9 : memref<128xi32, #tpu.memory_space<vmem>>) semaphore(%arg19 : memref<!tpu.dma_semaphore, #tpu.memory_space<semaphore_mem>>)
      %dma_wait3A_221 = arith.constant 0 : i32
      %dma_wait3A_222 = arith.constant 0 : i32
      %dma_wait3A_223 = tpu.memref_slice %arg2[%dma_wait3A_221, %dma_wait3A_222] : memref<10000x128xf32, #tpu.memory_space<hbm>> -> memref<10000x128xf32, #tpu.memory_space<hbm>>
      tpu.wait_indirect_dma semaphore(%arg19 : memref<!tpu.dma_semaphore, #tpu.memory_space<semaphore_mem>>) src(%dma_wait3A_223 : memref<10000x128xf32, #tpu.memory_space<hbm>>) dst(%arg16 : memref<128x128xf32, #tpu.memory_space<vmem>>)
      %dma_start3A_224 = arith.constant 0 : i32
      %dma_start3A_225 = arith.constant 0 : i32
      %dma_start3A_226 = tpu.memref_slice %arg18[%dma_start3A_224, %dma_start3A_225] : memref<10112x128xf32, #tpu.memory_space<vmem_shared>> -> memref<10112x128xf32, #tpu.memory_space<vmem_shared>>
      tpu.enqueue_indirect_dma source(%arg16 : memref<128x128xf32, #tpu.memory_space<vmem>>) target(%dma_start3A_226 : memref<10112x128xf32, #tpu.memory_space<vmem_shared>>) offsets(%arg11 : memref<128xi32, #tpu.memory_space<vmem>>) semaphore(%arg20 : memref<!tpu.dma_semaphore, #tpu.memory_space<semaphore_mem>>) {add = true}
      %scan3A_227 = arith.constant 0 : i32
      scf.yield %scan3A_227 : i32
    }
    %scan3A_50 = arith.constant 24 : i32
    %dma_wait3A_51 = arith.constant 0 : i32
    %dma_wait3A_52 = arith.constant 0 : i32
    %dma_wait3A_53 = tpu.memref_slice %arg18[%dma_wait3A_51, %dma_wait3A_52] : memref<10112x128xf32, #tpu.memory_space<vmem_shared>> -> memref<10112x128xf32, #tpu.memory_space<vmem_shared>>
    tpu.wait_indirect_dma semaphore(%arg20 : memref<!tpu.dma_semaphore, #tpu.memory_space<semaphore_mem>>) src(%arg15 : memref<128x128xf32, #tpu.memory_space<vmem>>) dst(%dma_wait3A_53 : memref<10112x128xf32, #tpu.memory_space<vmem_shared>>)
    %add3A_54 = arith.constant 9600 : i32
    %add3A_55 = arith.addi %mul3A_2, %add3A_54 : i32
    "tpu.region"() ({
      %run_scoped3A = tpu.sem_alloc : memref<!tpu.dma_semaphore, #tpu.memory_space<semaphore_mem>>
      %dma_start3A_157 = tpu.memref_slice %arg3[%add3A_55] : memref<320000xi32, #tpu.memory_space<hbm>> -> memref<128xi32, #tpu.memory_space<hbm>>
      %dma_start3A_158 = tpu.memref_slice %arg3[%add3A_55] : memref<320000xi32, #tpu.memory_space<hbm>> -> memref<128xi32, #tpu.memory_space<hbm>>
      tpu.enqueue_dma source(%dma_start3A_158 : memref<128xi32, #tpu.memory_space<hbm>>) target(%arg7 : memref<128xi32, #tpu.memory_space<vmem>>) target_semaphore(%run_scoped3A : memref<!tpu.dma_semaphore, #tpu.memory_space<semaphore_mem>>)
      %dma_wait3A_159 = tpu.memref_slice %arg3[%add3A_55] : memref<320000xi32, #tpu.memory_space<hbm>> -> memref<128xi32, #tpu.memory_space<hbm>>
      %dma_wait3A_160 = tpu.memref_slice %arg3[%add3A_55] : memref<320000xi32, #tpu.memory_space<hbm>> -> memref<128xi32, #tpu.memory_space<hbm>>
      tpu.wait_dma2 semaphore(%run_scoped3A : memref<!tpu.dma_semaphore, #tpu.memory_space<semaphore_mem>>) src(%dma_wait3A_160 : memref<128xi32, #tpu.memory_space<hbm>>) dst(%arg7 : memref<128xi32, #tpu.memory_space<vmem>>)
      tpu.yield
    }) : () -> ()
    %add3A_56 = arith.constant 9600 : i32
    %add3A_57 = arith.addi %mul3A_2, %add3A_56 : i32
    "tpu.region"() ({
      %run_scoped3A = tpu.sem_alloc : memref<!tpu.dma_semaphore, #tpu.memory_space<semaphore_mem>>
      %dma_start3A_157 = tpu.memref_slice %arg4[%add3A_57] : memref<320000xi32, #tpu.memory_space<hbm>> -> memref<128xi32, #tpu.memory_space<hbm>>
      %dma_start3A_158 = tpu.memref_slice %arg4[%add3A_57] : memref<320000xi32, #tpu.memory_space<hbm>> -> memref<128xi32, #tpu.memory_space<hbm>>
      tpu.enqueue_dma source(%dma_start3A_158 : memref<128xi32, #tpu.memory_space<hbm>>) target(%arg10 : memref<128xi32, #tpu.memory_space<vmem>>) target_semaphore(%run_scoped3A : memref<!tpu.dma_semaphore, #tpu.memory_space<semaphore_mem>>)
      %dma_wait3A_159 = tpu.memref_slice %arg4[%add3A_57] : memref<320000xi32, #tpu.memory_space<hbm>> -> memref<128xi32, #tpu.memory_space<hbm>>
      %dma_wait3A_160 = tpu.memref_slice %arg4[%add3A_57] : memref<320000xi32, #tpu.memory_space<hbm>> -> memref<128xi32, #tpu.memory_space<hbm>>
      tpu.wait_dma2 semaphore(%run_scoped3A : memref<!tpu.dma_semaphore, #tpu.memory_space<semaphore_mem>>) src(%dma_wait3A_160 : memref<128xi32, #tpu.memory_space<hbm>>) dst(%arg10 : memref<128xi32, #tpu.memory_space<vmem>>)
      tpu.yield
    }) : () -> ()
    %dma_start3A_58 = arith.constant 0 : i32
    %dma_start3A_59 = arith.constant 0 : i32
    %dma_start3A_60 = tpu.memref_slice %arg2[%dma_start3A_58, %dma_start3A_59] : memref<10000x128xf32, #tpu.memory_space<hbm>> -> memref<10000x128xf32, #tpu.memory_space<hbm>>
    tpu.enqueue_indirect_dma source(%dma_start3A_60 : memref<10000x128xf32, #tpu.memory_space<hbm>>) target(%arg15 : memref<128x128xf32, #tpu.memory_space<vmem>>) offsets(%arg7 : memref<128xi32, #tpu.memory_space<vmem>>) semaphore(%arg19 : memref<!tpu.dma_semaphore, #tpu.memory_space<semaphore_mem>>)
    %dma_wait3A_61 = arith.constant 0 : i32
    %dma_wait3A_62 = arith.constant 0 : i32
    %dma_wait3A_63 = tpu.memref_slice %arg2[%dma_wait3A_61, %dma_wait3A_62] : memref<10000x128xf32, #tpu.memory_space<hbm>> -> memref<10000x128xf32, #tpu.memory_space<hbm>>
    tpu.wait_indirect_dma semaphore(%arg19 : memref<!tpu.dma_semaphore, #tpu.memory_space<semaphore_mem>>) src(%dma_wait3A_63 : memref<10000x128xf32, #tpu.memory_space<hbm>>) dst(%arg17 : memref<128x128xf32, #tpu.memory_space<vmem>>)
    %dma_start3A_64 = arith.constant 0 : i32
    %dma_start3A_65 = arith.constant 0 : i32
    %dma_start3A_66 = tpu.memref_slice %arg18[%dma_start3A_64, %dma_start3A_65] : memref<10112x128xf32, #tpu.memory_space<vmem_shared>> -> memref<10112x128xf32, #tpu.memory_space<vmem_shared>>
    tpu.enqueue_indirect_dma source(%arg17 : memref<128x128xf32, #tpu.memory_space<vmem>>) target(%dma_start3A_66 : memref<10112x128xf32, #tpu.memory_space<vmem_shared>>) offsets(%arg12 : memref<128xi32, #tpu.memory_space<vmem>>) semaphore(%arg20 : memref<!tpu.dma_semaphore, #tpu.memory_space<semaphore_mem>>) {add = true}
    %dma_wait3A_67 = arith.constant 0 : i32
    %dma_wait3A_68 = arith.constant 0 : i32
    %dma_wait3A_69 = tpu.memref_slice %arg18[%dma_wait3A_67, %dma_wait3A_68] : memref<10112x128xf32, #tpu.memory_space<vmem_shared>> -> memref<10112x128xf32, #tpu.memory_space<vmem_shared>>
    tpu.wait_indirect_dma semaphore(%arg20 : memref<!tpu.dma_semaphore, #tpu.memory_space<semaphore_mem>>) src(%arg16 : memref<128x128xf32, #tpu.memory_space<vmem>>) dst(%dma_wait3A_69 : memref<10112x128xf32, #tpu.memory_space<vmem_shared>>)
    %add3A_70 = arith.constant 9728 : i32
    %add3A_71 = arith.addi %mul3A_2, %add3A_70 : i32
    "tpu.region"() ({
      %run_scoped3A = tpu.sem_alloc : memref<!tpu.dma_semaphore, #tpu.memory_space<semaphore_mem>>
      %dma_start3A_157 = tpu.memref_slice %arg3[%add3A_71] : memref<320000xi32, #tpu.memory_space<hbm>> -> memref<128xi32, #tpu.memory_space<hbm>>
      %dma_start3A_158 = tpu.memref_slice %arg3[%add3A_71] : memref<320000xi32, #tpu.memory_space<hbm>> -> memref<128xi32, #tpu.memory_space<hbm>>
      tpu.enqueue_dma source(%dma_start3A_158 : memref<128xi32, #tpu.memory_space<hbm>>) target(%arg8 : memref<128xi32, #tpu.memory_space<vmem>>) target_semaphore(%run_scoped3A : memref<!tpu.dma_semaphore, #tpu.memory_space<semaphore_mem>>)
      %dma_wait3A_159 = tpu.memref_slice %arg3[%add3A_71] : memref<320000xi32, #tpu.memory_space<hbm>> -> memref<128xi32, #tpu.memory_space<hbm>>
      %dma_wait3A_160 = tpu.memref_slice %arg3[%add3A_71] : memref<320000xi32, #tpu.memory_space<hbm>> -> memref<128xi32, #tpu.memory_space<hbm>>
      tpu.wait_dma2 semaphore(%run_scoped3A : memref<!tpu.dma_semaphore, #tpu.memory_space<semaphore_mem>>) src(%dma_wait3A_160 : memref<128xi32, #tpu.memory_space<hbm>>) dst(%arg8 : memref<128xi32, #tpu.memory_space<vmem>>)
      tpu.yield
    }) : () -> ()
    %add3A_72 = arith.constant 9728 : i32
    %add3A_73 = arith.addi %mul3A_2, %add3A_72 : i32
    "tpu.region"() ({
      %run_scoped3A = tpu.sem_alloc : memref<!tpu.dma_semaphore, #tpu.memory_space<semaphore_mem>>
      %dma_start3A_157 = tpu.memref_slice %arg4[%add3A_73] : memref<320000xi32, #tpu.memory_space<hbm>> -> memref<128xi32, #tpu.memory_space<hbm>>
      %dma_start3A_158 = tpu.memref_slice %arg4[%add3A_73] : memref<320000xi32, #tpu.memory_space<hbm>> -> memref<128xi32, #tpu.memory_space<hbm>>
      tpu.enqueue_dma source(%dma_start3A_158 : memref<128xi32, #tpu.memory_space<hbm>>) target(%arg11 : memref<128xi32, #tpu.memory_space<vmem>>) target_semaphore(%run_scoped3A : memref<!tpu.dma_semaphore, #tpu.memory_space<semaphore_mem>>)
      %dma_wait3A_159 = tpu.memref_slice %arg4[%add3A_73] : memref<320000xi32, #tpu.memory_space<hbm>> -> memref<128xi32, #tpu.memory_space<hbm>>
      %dma_wait3A_160 = tpu.memref_slice %arg4[%add3A_73] : memref<320000xi32, #tpu.memory_space<hbm>> -> memref<128xi32, #tpu.memory_space<hbm>>
      tpu.wait_dma2 semaphore(%run_scoped3A : memref<!tpu.dma_semaphore, #tpu.memory_space<semaphore_mem>>) src(%dma_wait3A_160 : memref<128xi32, #tpu.memory_space<hbm>>) dst(%arg11 : memref<128xi32, #tpu.memory_space<vmem>>)
      tpu.yield
    }) : () -> ()
    %dma_start3A_74 = arith.constant 0 : i32
    %dma_start3A_75 = arith.constant 0 : i32
    %dma_start3A_76 = tpu.memref_slice %arg2[%dma_start3A_74, %dma_start3A_75] : memref<10000x128xf32, #tpu.memory_space<hbm>> -> memref<10000x128xf32, #tpu.memory_space<hbm>>
    tpu.enqueue_indirect_dma source(%dma_start3A_76 : memref<10000x128xf32, #tpu.memory_space<hbm>>) target(%arg16 : memref<128x128xf32, #tpu.memory_space<vmem>>) offsets(%arg8 : memref<128xi32, #tpu.memory_space<vmem>>) semaphore(%arg19 : memref<!tpu.dma_semaphore, #tpu.memory_space<semaphore_mem>>)
    %dma_wait3A_77 = arith.constant 0 : i32
    %dma_wait3A_78 = arith.constant 0 : i32
    %dma_wait3A_79 = tpu.memref_slice %arg2[%dma_wait3A_77, %dma_wait3A_78] : memref<10000x128xf32, #tpu.memory_space<hbm>> -> memref<10000x128xf32, #tpu.memory_space<hbm>>
    tpu.wait_indirect_dma semaphore(%arg19 : memref<!tpu.dma_semaphore, #tpu.memory_space<semaphore_mem>>) src(%dma_wait3A_79 : memref<10000x128xf32, #tpu.memory_space<hbm>>) dst(%arg15 : memref<128x128xf32, #tpu.memory_space<vmem>>)
    %dma_start3A_80 = arith.constant 0 : i32
    %dma_start3A_81 = arith.constant 0 : i32
    %dma_start3A_82 = tpu.memref_slice %arg18[%dma_start3A_80, %dma_start3A_81] : memref<10112x128xf32, #tpu.memory_space<vmem_shared>> -> memref<10112x128xf32, #tpu.memory_space<vmem_shared>>
    tpu.enqueue_indirect_dma source(%arg15 : memref<128x128xf32, #tpu.memory_space<vmem>>) target(%dma_start3A_82 : memref<10112x128xf32, #tpu.memory_space<vmem_shared>>) offsets(%arg10 : memref<128xi32, #tpu.memory_space<vmem>>) semaphore(%arg20 : memref<!tpu.dma_semaphore, #tpu.memory_space<semaphore_mem>>) {add = true}
    %dma_wait3A_83 = arith.constant 0 : i32
    %dma_wait3A_84 = arith.constant 0 : i32
    %dma_wait3A_85 = tpu.memref_slice %arg18[%dma_wait3A_83, %dma_wait3A_84] : memref<10112x128xf32, #tpu.memory_space<vmem_shared>> -> memref<10112x128xf32, #tpu.memory_space<vmem_shared>>
    tpu.wait_indirect_dma semaphore(%arg20 : memref<!tpu.dma_semaphore, #tpu.memory_space<semaphore_mem>>) src(%arg17 : memref<128x128xf32, #tpu.memory_space<vmem>>) dst(%dma_wait3A_85 : memref<10112x128xf32, #tpu.memory_space<vmem_shared>>)
    %add3A_86 = arith.constant 9856 : i32
    %add3A_87 = arith.addi %mul3A_2, %add3A_86 : i32
    "tpu.region"() ({
      %run_scoped3A = tpu.sem_alloc : memref<!tpu.dma_semaphore, #tpu.memory_space<semaphore_mem>>
      %dma_start3A_157 = tpu.memref_slice %arg3[%add3A_87] : memref<320000xi32, #tpu.memory_space<hbm>> -> memref<128xi32, #tpu.memory_space<hbm>>
      %dma_start3A_158 = tpu.memref_slice %arg3[%add3A_87] : memref<320000xi32, #tpu.memory_space<hbm>> -> memref<128xi32, #tpu.memory_space<hbm>>
      tpu.enqueue_dma source(%dma_start3A_158 : memref<128xi32, #tpu.memory_space<hbm>>) target(%arg9 : memref<128xi32, #tpu.memory_space<vmem>>) target_semaphore(%run_scoped3A : memref<!tpu.dma_semaphore, #tpu.memory_space<semaphore_mem>>)
      %dma_wait3A_159 = tpu.memref_slice %arg3[%add3A_87] : memref<320000xi32, #tpu.memory_space<hbm>> -> memref<128xi32, #tpu.memory_space<hbm>>
      %dma_wait3A_160 = tpu.memref_slice %arg3[%add3A_87] : memref<320000xi32, #tpu.memory_space<hbm>> -> memref<128xi32, #tpu.memory_space<hbm>>
      tpu.wait_dma2 semaphore(%run_scoped3A : memref<!tpu.dma_semaphore, #tpu.memory_space<semaphore_mem>>) src(%dma_wait3A_160 : memref<128xi32, #tpu.memory_space<hbm>>) dst(%arg9 : memref<128xi32, #tpu.memory_space<vmem>>)
      tpu.yield
    }) : () -> ()
    %add3A_88 = arith.constant 9856 : i32
    %add3A_89 = arith.addi %mul3A_2, %add3A_88 : i32
    "tpu.region"() ({
      %run_scoped3A = tpu.sem_alloc : memref<!tpu.dma_semaphore, #tpu.memory_space<semaphore_mem>>
      %dma_start3A_157 = tpu.memref_slice %arg4[%add3A_89] : memref<320000xi32, #tpu.memory_space<hbm>> -> memref<128xi32, #tpu.memory_space<hbm>>
      %dma_start3A_158 = tpu.memref_slice %arg4[%add3A_89] : memref<320000xi32, #tpu.memory_space<hbm>> -> memref<128xi32, #tpu.memory_space<hbm>>
      tpu.enqueue_dma source(%dma_start3A_158 : memref<128xi32, #tpu.memory_space<hbm>>) target(%arg12 : memref<128xi32, #tpu.memory_space<vmem>>) target_semaphore(%run_scoped3A : memref<!tpu.dma_semaphore, #tpu.memory_space<semaphore_mem>>)
      %dma_wait3A_159 = tpu.memref_slice %arg4[%add3A_89] : memref<320000xi32, #tpu.memory_space<hbm>> -> memref<128xi32, #tpu.memory_space<hbm>>
      %dma_wait3A_160 = tpu.memref_slice %arg4[%add3A_89] : memref<320000xi32, #tpu.memory_space<hbm>> -> memref<128xi32, #tpu.memory_space<hbm>>
      tpu.wait_dma2 semaphore(%run_scoped3A : memref<!tpu.dma_semaphore, #tpu.memory_space<semaphore_mem>>) src(%dma_wait3A_160 : memref<128xi32, #tpu.memory_space<hbm>>) dst(%arg12 : memref<128xi32, #tpu.memory_space<vmem>>)
      tpu.yield
    }) : () -> ()
    %dma_start3A_90 = arith.constant 0 : i32
    %dma_start3A_91 = arith.constant 0 : i32
    %dma_start3A_92 = tpu.memref_slice %arg2[%dma_start3A_90, %dma_start3A_91] : memref<10000x128xf32, #tpu.memory_space<hbm>> -> memref<10000x128xf32, #tpu.memory_space<hbm>>
    tpu.enqueue_indirect_dma source(%dma_start3A_92 : memref<10000x128xf32, #tpu.memory_space<hbm>>) target(%arg17 : memref<128x128xf32, #tpu.memory_space<vmem>>) offsets(%arg9 : memref<128xi32, #tpu.memory_space<vmem>>) semaphore(%arg19 : memref<!tpu.dma_semaphore, #tpu.memory_space<semaphore_mem>>)
    %dma_wait3A_93 = arith.constant 0 : i32
    %dma_wait3A_94 = arith.constant 0 : i32
    %dma_wait3A_95 = tpu.memref_slice %arg2[%dma_wait3A_93, %dma_wait3A_94] : memref<10000x128xf32, #tpu.memory_space<hbm>> -> memref<10000x128xf32, #tpu.memory_space<hbm>>
    tpu.wait_indirect_dma semaphore(%arg19 : memref<!tpu.dma_semaphore, #tpu.memory_space<semaphore_mem>>) src(%dma_wait3A_95 : memref<10000x128xf32, #tpu.memory_space<hbm>>) dst(%arg16 : memref<128x128xf32, #tpu.memory_space<vmem>>)
    %dma_start3A_96 = arith.constant 0 : i32
    %dma_start3A_97 = arith.constant 0 : i32
    %dma_start3A_98 = tpu.memref_slice %arg18[%dma_start3A_96, %dma_start3A_97] : memref<10112x128xf32, #tpu.memory_space<vmem_shared>> -> memref<10112x128xf32, #tpu.memory_space<vmem_shared>>
    tpu.enqueue_indirect_dma source(%arg16 : memref<128x128xf32, #tpu.memory_space<vmem>>) target(%dma_start3A_98 : memref<10112x128xf32, #tpu.memory_space<vmem_shared>>) offsets(%arg11 : memref<128xi32, #tpu.memory_space<vmem>>) semaphore(%arg20 : memref<!tpu.dma_semaphore, #tpu.memory_space<semaphore_mem>>) {add = true}
    %dma_wait3A_99 = arith.constant 0 : i32
    %dma_wait3A_100 = arith.constant 0 : i32
    %dma_wait3A_101 = tpu.memref_slice %arg18[%dma_wait3A_99, %dma_wait3A_100] : memref<10112x128xf32, #tpu.memory_space<vmem_shared>> -> memref<10112x128xf32, #tpu.memory_space<vmem_shared>>
    tpu.wait_indirect_dma semaphore(%arg20 : memref<!tpu.dma_semaphore, #tpu.memory_space<semaphore_mem>>) src(%arg15 : memref<128x128xf32, #tpu.memory_space<vmem>>) dst(%dma_wait3A_101 : memref<10112x128xf32, #tpu.memory_space<vmem_shared>>)
    %dma_wait3A_102 = arith.constant 0 : i32
    %dma_wait3A_103 = arith.constant 0 : i32
    %dma_wait3A_104 = tpu.memref_slice %arg2[%dma_wait3A_102, %dma_wait3A_103] : memref<10000x128xf32, #tpu.memory_space<hbm>> -> memref<10000x128xf32, #tpu.memory_space<hbm>>
    tpu.wait_indirect_dma semaphore(%arg19 : memref<!tpu.dma_semaphore, #tpu.memory_space<semaphore_mem>>) src(%dma_wait3A_104 : memref<10000x128xf32, #tpu.memory_space<hbm>>) dst(%arg17 : memref<128x128xf32, #tpu.memory_space<vmem>>)
    %dma_start3A_105 = arith.constant 0 : i32
    %dma_start3A_106 = arith.constant 0 : i32
    %dma_start3A_107 = tpu.memref_slice %arg18[%dma_start3A_105, %dma_start3A_106] : memref<10112x128xf32, #tpu.memory_space<vmem_shared>> -> memref<10112x128xf32, #tpu.memory_space<vmem_shared>>
    tpu.enqueue_indirect_dma source(%arg17 : memref<128x128xf32, #tpu.memory_space<vmem>>) target(%dma_start3A_107 : memref<10112x128xf32, #tpu.memory_space<vmem_shared>>) offsets(%arg12 : memref<128xi32, #tpu.memory_space<vmem>>) semaphore(%arg20 : memref<!tpu.dma_semaphore, #tpu.memory_space<semaphore_mem>>) {add = true}
    %add3A_108 = arith.constant 9984 : i32
    %add3A_109 = arith.addi %mul3A_2, %add3A_108 : i32
    "tpu.region"() ({
      %run_scoped3A = tpu.sem_alloc : memref<!tpu.dma_semaphore, #tpu.memory_space<semaphore_mem>>
      %dma_start3A_157 = tpu.memref_slice %arg3[%add3A_109] : memref<320000xi32, #tpu.memory_space<hbm>> -> memref<16xi32, #tpu.memory_space<hbm>>
      %dma_start3A_158 = tpu.memref_slice %arg3[%add3A_109] : memref<320000xi32, #tpu.memory_space<hbm>> -> memref<16xi32, #tpu.memory_space<hbm>>
      tpu.enqueue_dma source(%dma_start3A_158 : memref<16xi32, #tpu.memory_space<hbm>>) target(%arg13 : memref<16xi32, #tpu.memory_space<vmem>>) target_semaphore(%run_scoped3A : memref<!tpu.dma_semaphore, #tpu.memory_space<semaphore_mem>>)
      %dma_wait3A_159 = tpu.memref_slice %arg3[%add3A_109] : memref<320000xi32, #tpu.memory_space<hbm>> -> memref<16xi32, #tpu.memory_space<hbm>>
      %dma_wait3A_160 = tpu.memref_slice %arg3[%add3A_109] : memref<320000xi32, #tpu.memory_space<hbm>> -> memref<16xi32, #tpu.memory_space<hbm>>
      tpu.wait_dma2 semaphore(%run_scoped3A : memref<!tpu.dma_semaphore, #tpu.memory_space<semaphore_mem>>) src(%dma_wait3A_160 : memref<16xi32, #tpu.memory_space<hbm>>) dst(%arg13 : memref<16xi32, #tpu.memory_space<vmem>>)
      tpu.yield
    }) : () -> ()
    %add3A_110 = arith.constant 9984 : i32
    %add3A_111 = arith.addi %mul3A_2, %add3A_110 : i32
    "tpu.region"() ({
      %run_scoped3A = tpu.sem_alloc : memref<!tpu.dma_semaphore, #tpu.memory_space<semaphore_mem>>
      %dma_start3A_157 = tpu.memref_slice %arg4[%add3A_111] : memref<320000xi32, #tpu.memory_space<hbm>> -> memref<16xi32, #tpu.memory_space<hbm>>
      %dma_start3A_158 = tpu.memref_slice %arg4[%add3A_111] : memref<320000xi32, #tpu.memory_space<hbm>> -> memref<16xi32, #tpu.memory_space<hbm>>
      tpu.enqueue_dma source(%dma_start3A_158 : memref<16xi32, #tpu.memory_space<hbm>>) target(%arg14 : memref<16xi32, #tpu.memory_space<vmem>>) target_semaphore(%run_scoped3A : memref<!tpu.dma_semaphore, #tpu.memory_space<semaphore_mem>>)
      %dma_wait3A_159 = tpu.memref_slice %arg4[%add3A_111] : memref<320000xi32, #tpu.memory_space<hbm>> -> memref<16xi32, #tpu.memory_space<hbm>>
      %dma_wait3A_160 = tpu.memref_slice %arg4[%add3A_111] : memref<320000xi32, #tpu.memory_space<hbm>> -> memref<16xi32, #tpu.memory_space<hbm>>
      tpu.wait_dma2 semaphore(%run_scoped3A : memref<!tpu.dma_semaphore, #tpu.memory_space<semaphore_mem>>) src(%dma_wait3A_160 : memref<16xi32, #tpu.memory_space<hbm>>) dst(%arg14 : memref<16xi32, #tpu.memory_space<vmem>>)
      tpu.yield
    }) : () -> ()
    %dma_start3A_112 = arith.constant 0 : i32
    %dma_start3A_113 = arith.constant 0 : i32
    %dma_start3A_114 = tpu.memref_slice %arg15[%dma_start3A_112, %dma_start3A_113] : memref<128x128xf32, #tpu.memory_space<vmem>> -> memref<16x128xf32, #tpu.memory_space<vmem>>
    %dma_start3A_115 = arith.constant 0 : i32
    %dma_start3A_116 = arith.constant 0 : i32
    %dma_start3A_117 = tpu.memref_slice %arg2[%dma_start3A_115, %dma_start3A_116] : memref<10000x128xf32, #tpu.memory_space<hbm>> -> memref<10000x128xf32, #tpu.memory_space<hbm>>
    tpu.enqueue_indirect_dma source(%dma_start3A_117 : memref<10000x128xf32, #tpu.memory_space<hbm>>) target(%dma_start3A_114 : memref<16x128xf32, #tpu.memory_space<vmem>>) offsets(%arg13 : memref<16xi32, #tpu.memory_space<vmem>>) semaphore(%arg19 : memref<!tpu.dma_semaphore, #tpu.memory_space<semaphore_mem>>)
    %dma_wait3A_118 = arith.constant 0 : i32
    %dma_wait3A_119 = arith.constant 0 : i32
    %dma_wait3A_120 = tpu.memref_slice %arg15[%dma_wait3A_118, %dma_wait3A_119] : memref<128x128xf32, #tpu.memory_space<vmem>> -> memref<16x128xf32, #tpu.memory_space<vmem>>
    %dma_wait3A_121 = arith.constant 0 : i32
    %dma_wait3A_122 = arith.constant 0 : i32
    %dma_wait3A_123 = tpu.memref_slice %arg2[%dma_wait3A_121, %dma_wait3A_122] : memref<10000x128xf32, #tpu.memory_space<hbm>> -> memref<10000x128xf32, #tpu.memory_space<hbm>>
    tpu.wait_indirect_dma semaphore(%arg19 : memref<!tpu.dma_semaphore, #tpu.memory_space<semaphore_mem>>) src(%dma_wait3A_123 : memref<10000x128xf32, #tpu.memory_space<hbm>>) dst(%dma_wait3A_120 : memref<16x128xf32, #tpu.memory_space<vmem>>)
    %dma_start3A_124 = arith.constant 0 : i32
    %dma_start3A_125 = arith.constant 0 : i32
    %dma_start3A_126 = tpu.memref_slice %arg15[%dma_start3A_124, %dma_start3A_125] : memref<128x128xf32, #tpu.memory_space<vmem>> -> memref<16x128xf32, #tpu.memory_space<vmem>>
    %dma_start3A_127 = arith.constant 0 : i32
    %dma_start3A_128 = arith.constant 0 : i32
    %dma_start3A_129 = tpu.memref_slice %arg18[%dma_start3A_127, %dma_start3A_128] : memref<10112x128xf32, #tpu.memory_space<vmem_shared>> -> memref<10112x128xf32, #tpu.memory_space<vmem_shared>>
    tpu.enqueue_indirect_dma source(%dma_start3A_126 : memref<16x128xf32, #tpu.memory_space<vmem>>) target(%dma_start3A_129 : memref<10112x128xf32, #tpu.memory_space<vmem_shared>>) offsets(%arg14 : memref<16xi32, #tpu.memory_space<vmem>>) semaphore(%arg20 : memref<!tpu.dma_semaphore, #tpu.memory_space<semaphore_mem>>) {add = true}
    %dma_wait3A_130 = arith.constant 0 : i32
    %dma_wait3A_131 = arith.constant 0 : i32
    %dma_wait3A_132 = tpu.memref_slice %arg18[%dma_wait3A_130, %dma_wait3A_131] : memref<10112x128xf32, #tpu.memory_space<vmem_shared>> -> memref<10112x128xf32, #tpu.memory_space<vmem_shared>>
    tpu.wait_indirect_dma semaphore(%arg20 : memref<!tpu.dma_semaphore, #tpu.memory_space<semaphore_mem>>) src(%arg16 : memref<128x128xf32, #tpu.memory_space<vmem>>) dst(%dma_wait3A_132 : memref<10112x128xf32, #tpu.memory_space<vmem_shared>>)
    %dma_wait3A_133 = arith.constant 0 : i32
    %dma_wait3A_134 = arith.constant 0 : i32
    %dma_wait3A_135 = tpu.memref_slice %arg18[%dma_wait3A_133, %dma_wait3A_134] : memref<10112x128xf32, #tpu.memory_space<vmem_shared>> -> memref<10112x128xf32, #tpu.memory_space<vmem_shared>>
    tpu.wait_indirect_dma semaphore(%arg20 : memref<!tpu.dma_semaphore, #tpu.memory_space<semaphore_mem>>) src(%arg17 : memref<128x128xf32, #tpu.memory_space<vmem>>) dst(%dma_wait3A_135 : memref<10112x128xf32, #tpu.memory_space<vmem_shared>>)
    %dma_wait3A_136 = arith.constant 0 : i32
    %dma_wait3A_137 = arith.constant 0 : i32
    %dma_wait3A_138 = tpu.memref_slice %arg15[%dma_wait3A_136, %dma_wait3A_137] : memref<128x128xf32, #tpu.memory_space<vmem>> -> memref<16x128xf32, #tpu.memory_space<vmem>>
    %dma_wait3A_139 = arith.constant 0 : i32
    %dma_wait3A_140 = arith.constant 0 : i32
    %dma_wait3A_141 = tpu.memref_slice %arg18[%dma_wait3A_139, %dma_wait3A_140] : memref<10112x128xf32, #tpu.memory_space<vmem_shared>> -> memref<10112x128xf32, #tpu.memory_space<vmem_shared>>
    tpu.wait_indirect_dma semaphore(%arg20 : memref<!tpu.dma_semaphore, #tpu.memory_space<semaphore_mem>>) src(%dma_wait3A_138 : memref<16x128xf32, #tpu.memory_space<vmem>>) dst(%dma_wait3A_141 : memref<10112x128xf32, #tpu.memory_space<vmem_shared>>)
    %barrier3A_142 = arith.constant 0 : index
    tpu.barrier barrier_id(%barrier3A_142)
    %scan3A_143 = arith.constant 0 : i32
    %scan3A_144 = arith.constant 0 : i32
    %scan3A_145 = arith.constant 4 : i32
    %scan3A_146 = arith.addi %scan3A_144, %scan3A_145 : i32
    %scan3A_147 = arith.constant 1 : i32
    %scan3A_148 = scf.for %scan3A_157 = %scan3A_144 to %scan3A_146 step %scan3A_147 iter_args(%scan3A_158 = %scan3A_143) -> (i32)  : i32 {
      %mul3A_159 = arith.constant 632 : i32
      %mul3A_160 = arith.muli %arg1, %mul3A_159 : i32
      %mul3A_161 = arith.constant 128 : i32
      %mul3A_162 = arith.muli %scan3A_157, %mul3A_161 : i32
      %add3A_163 = arith.addi %mul3A_160, %mul3A_162 : i32
      "tpu.region"() ({
        %run_scoped3A = tpu.sem_alloc : memref<!tpu.dma_semaphore, #tpu.memory_space<semaphore_mem>>
        %dma_start3A_168 = arith.constant 0 : i32
        %dma_start3A_169 = tpu.memref_slice %arg18[%add3A_163, %dma_start3A_168] : memref<10112x128xf32, #tpu.memory_space<vmem_shared>> -> memref<128x128xf32, #tpu.memory_space<vmem_shared>>
        %dma_start3A_170 = arith.constant 0 : i32
        %dma_start3A_171 = tpu.memref_slice %arg18[%add3A_163, %dma_start3A_170] : memref<10112x128xf32, #tpu.memory_space<vmem_shared>> -> memref<128x128xf32, #tpu.memory_space<vmem_shared>>
        tpu.enqueue_dma source(%dma_start3A_171 : memref<128x128xf32, #tpu.memory_space<vmem_shared>>) target(%arg15 : memref<128x128xf32, #tpu.memory_space<vmem>>) target_semaphore(%run_scoped3A : memref<!tpu.dma_semaphore, #tpu.memory_space<semaphore_mem>>)
        %dma_wait3A_172 = arith.constant 0 : i32
        %dma_wait3A_173 = tpu.memref_slice %arg18[%add3A_163, %dma_wait3A_172] : memref<10112x128xf32, #tpu.memory_space<vmem_shared>> -> memref<128x128xf32, #tpu.memory_space<vmem_shared>>
        %dma_wait3A_174 = arith.constant 0 : i32
        %dma_wait3A_175 = tpu.memref_slice %arg18[%add3A_163, %dma_wait3A_174] : memref<10112x128xf32, #tpu.memory_space<vmem_shared>> -> memref<128x128xf32, #tpu.memory_space<vmem_shared>>
        tpu.wait_dma2 semaphore(%run_scoped3A : memref<!tpu.dma_semaphore, #tpu.memory_space<semaphore_mem>>) src(%dma_wait3A_175 : memref<128x128xf32, #tpu.memory_space<vmem_shared>>) dst(%arg15 : memref<128x128xf32, #tpu.memory_space<vmem>>)
        tpu.yield
      }) : () -> ()
      %mul3A_164 = arith.constant 10112 : i32
      %mul3A_165 = arith.muli %arg0, %mul3A_164 : i32
      %add3A_166 = arith.addi %mul3A_165, %add3A_163 : i32
      "tpu.region"() ({
        %run_scoped3A = tpu.sem_alloc : memref<!tpu.dma_semaphore, #tpu.memory_space<semaphore_mem>>
        %dma_start3A_168 = arith.constant 0 : i32
        %dma_start3A_169 = tpu.memref_slice %arg6[%add3A_166, %dma_start3A_168] : memref<20224x128xf32, #tpu.memory_space<hbm>> -> memref<128x128xf32, #tpu.memory_space<hbm>>
        %dma_start3A_170 = arith.constant 0 : i32
        %dma_start3A_171 = tpu.memref_slice %arg6[%add3A_166, %dma_start3A_170] : memref<20224x128xf32, #tpu.memory_space<hbm>> -> memref<128x128xf32, #tpu.memory_space<hbm>>
        tpu.enqueue_dma source(%arg15 : memref<128x128xf32, #tpu.memory_space<vmem>>) target(%dma_start3A_171 : memref<128x128xf32, #tpu.memory_space<hbm>>) target_semaphore(%run_scoped3A : memref<!tpu.dma_semaphore, #tpu.memory_space<semaphore_mem>>)
        %dma_wait3A_172 = arith.constant 0 : i32
        %dma_wait3A_173 = tpu.memref_slice %arg6[%add3A_166, %dma_wait3A_172] : memref<20224x128xf32, #tpu.memory_space<hbm>> -> memref<128x128xf32, #tpu.memory_space<hbm>>
        %dma_wait3A_174 = arith.constant 0 : i32
        %dma_wait3A_175 = tpu.memref_slice %arg6[%add3A_166, %dma_wait3A_174] : memref<20224x128xf32, #tpu.memory_space<hbm>> -> memref<128x128xf32, #tpu.memory_space<hbm>>
        tpu.wait_dma2 semaphore(%run_scoped3A : memref<!tpu.dma_semaphore, #tpu.memory_space<semaphore_mem>>) src(%arg15 : memref<128x128xf32, #tpu.memory_space<vmem>>) dst(%dma_wait3A_175 : memref<128x128xf32, #tpu.memory_space<hbm>>)
        tpu.yield
      }) : () -> ()
      %scan3A_167 = arith.constant 0 : i32
      scf.yield %scan3A_167 : i32
    }
    %scan3A_149 = arith.constant 4 : i32
    %mul3A_150 = arith.constant 632 : i32
    %mul3A_151 = arith.muli %arg1, %mul3A_150 : i32
    %add3A_152 = arith.constant 512 : i32
    %add3A_153 = arith.addi %mul3A_151, %add3A_152 : i32
    "tpu.region"() ({
      %run_scoped3A = tpu.sem_alloc : memref<!tpu.dma_semaphore, #tpu.memory_space<semaphore_mem>>
      %dma_start3A_157 = arith.constant 0 : i32
      %dma_start3A_158 = arith.constant 0 : i32
      %dma_start3A_159 = tpu.memref_slice %arg15[%dma_start3A_157, %dma_start3A_158] : memref<128x128xf32, #tpu.memory_space<vmem>> -> memref<120x128xf32, #tpu.memory_space<vmem>>
      %dma_start3A_160 = arith.constant 0 : i32
      %dma_start3A_161 = tpu.memref_slice %arg18[%add3A_153, %dma_start3A_160] : memref<10112x128xf32, #tpu.memory_space<vmem_shared>> -> memref<120x128xf32, #tpu.memory_space<vmem_shared>>
      %dma_start3A_162 = arith.constant 0 : i32
      %dma_start3A_163 = arith.constant 0 : i32
      %dma_start3A_164 = tpu.memref_slice %arg15[%dma_start3A_162, %dma_start3A_163] : memref<128x128xf32, #tpu.memory_space<vmem>> -> memref<120x128xf32, #tpu.memory_space<vmem>>
      %dma_start3A_165 = arith.constant 0 : i32
      %dma_start3A_166 = tpu.memref_slice %arg18[%add3A_153, %dma_start3A_165] : memref<10112x128xf32, #tpu.memory_space<vmem_shared>> -> memref<120x128xf32, #tpu.memory_space<vmem_shared>>
      tpu.enqueue_dma source(%dma_start3A_166 : memref<120x128xf32, #tpu.memory_space<vmem_shared>>) target(%dma_start3A_164 : memref<120x128xf32, #tpu.memory_space<vmem>>) target_semaphore(%run_scoped3A : memref<!tpu.dma_semaphore, #tpu.memory_space<semaphore_mem>>)
      %dma_wait3A_167 = arith.constant 0 : i32
      %dma_wait3A_168 = arith.constant 0 : i32
      %dma_wait3A_169 = tpu.memref_slice %arg15[%dma_wait3A_167, %dma_wait3A_168] : memref<128x128xf32, #tpu.memory_space<vmem>> -> memref<120x128xf32, #tpu.memory_space<vmem>>
      %dma_wait3A_170 = arith.constant 0 : i32
      %dma_wait3A_171 = tpu.memref_slice %arg18[%add3A_153, %dma_wait3A_170] : memref<10112x128xf32, #tpu.memory_space<vmem_shared>> -> memref<120x128xf32, #tpu.memory_space<vmem_shared>>
      %dma_wait3A_172 = arith.constant 0 : i32
      %dma_wait3A_173 = arith.constant 0 : i32
      %dma_wait3A_174 = tpu.memref_slice %arg15[%dma_wait3A_172, %dma_wait3A_173] : memref<128x128xf32, #tpu.memory_space<vmem>> -> memref<120x128xf32, #tpu.memory_space<vmem>>
      %dma_wait3A_175 = arith.constant 0 : i32
      %dma_wait3A_176 = tpu.memref_slice %arg18[%add3A_153, %dma_wait3A_175] : memref<10112x128xf32, #tpu.memory_space<vmem_shared>> -> memref<120x128xf32, #tpu.memory_space<vmem_shared>>
      tpu.wait_dma2 semaphore(%run_scoped3A : memref<!tpu.dma_semaphore, #tpu.memory_space<semaphore_mem>>) src(%dma_wait3A_176 : memref<120x128xf32, #tpu.memory_space<vmem_shared>>) dst(%dma_wait3A_174 : memref<120x128xf32, #tpu.memory_space<vmem>>)
      tpu.yield
    }) : () -> ()
    %mul3A_154 = arith.constant 10112 : i32
    %mul3A_155 = arith.muli %arg0, %mul3A_154 : i32
    %add3A_156 = arith.addi %mul3A_155, %add3A_153 : i32
    "tpu.region"() ({
      %run_scoped3A = tpu.sem_alloc : memref<!tpu.dma_semaphore, #tpu.memory_space<semaphore_mem>>
      %dma_start3A_157 = arith.constant 0 : i32
      %dma_start3A_158 = arith.constant 0 : i32
      %dma_start3A_159 = tpu.memref_slice %arg15[%dma_start3A_157, %dma_start3A_158] : memref<128x128xf32, #tpu.memory_space<vmem>> -> memref<120x128xf32, #tpu.memory_space<vmem>>
      %dma_start3A_160 = arith.constant 0 : i32
      %dma_start3A_161 = tpu.memref_slice %arg6[%add3A_156, %dma_start3A_160] : memref<20224x128xf32, #tpu.memory_space<hbm>> -> memref<120x128xf32, #tpu.memory_space<hbm>>
      %dma_start3A_162 = arith.constant 0 : i32
      %dma_start3A_163 = tpu.memref_slice %arg6[%add3A_156, %dma_start3A_162] : memref<20224x128xf32, #tpu.memory_space<hbm>> -> memref<120x128xf32, #tpu.memory_space<hbm>>
      %dma_start3A_164 = arith.constant 0 : i32
      %dma_start3A_165 = arith.constant 0 : i32
      %dma_start3A_166 = tpu.memref_slice %arg15[%dma_start3A_164, %dma_start3A_165] : memref<128x128xf32, #tpu.memory_space<vmem>> -> memref<120x128xf32, #tpu.memory_space<vmem>>
      tpu.enqueue_dma source(%dma_start3A_166 : memref<120x128xf32, #tpu.memory_space<vmem>>) target(%dma_start3A_163 : memref<120x128xf32, #tpu.memory_space<hbm>>) target_semaphore(%run_scoped3A : memref<!tpu.dma_semaphore, #tpu.memory_space<semaphore_mem>>)
      %dma_wait3A_167 = arith.constant 0 : i32
      %dma_wait3A_168 = arith.constant 0 : i32
      %dma_wait3A_169 = tpu.memref_slice %arg15[%dma_wait3A_167, %dma_wait3A_168] : memref<128x128xf32, #tpu.memory_space<vmem>> -> memref<120x128xf32, #tpu.memory_space<vmem>>
      %dma_wait3A_170 = arith.constant 0 : i32
      %dma_wait3A_171 = tpu.memref_slice %arg6[%add3A_156, %dma_wait3A_170] : memref<20224x128xf32, #tpu.memory_space<hbm>> -> memref<120x128xf32, #tpu.memory_space<hbm>>
      %dma_wait3A_172 = arith.constant 0 : i32
      %dma_wait3A_173 = tpu.memref_slice %arg6[%add3A_156, %dma_wait3A_172] : memref<20224x128xf32, #tpu.memory_space<hbm>> -> memref<120x128xf32, #tpu.memory_space<hbm>>
      %dma_wait3A_174 = arith.constant 0 : i32
      %dma_wait3A_175 = arith.constant 0 : i32
      %dma_wait3A_176 = tpu.memref_slice %arg15[%dma_wait3A_174, %dma_wait3A_175] : memref<128x128xf32, #tpu.memory_space<vmem>> -> memref<120x128xf32, #tpu.memory_space<vmem>>
      tpu.wait_dma2 semaphore(%run_scoped3A : memref<!tpu.dma_semaphore, #tpu.memory_space<semaphore_mem>>) src(%dma_wait3A_176 : memref<120x128xf32, #tpu.memory_space<vmem>>) dst(%dma_wait3A_173 : memref<120x128xf32, #tpu.memory_space<hbm>>)
      tpu.yield
    }) : () -> ()
    return
  }
}

#map = affine_map<(d0, d1) -> (0, 0)>
#map1 = affine_map<(d0, d1) -> (0)>
module attributes {stable_mosaic.version = 14 : i64} {
  func.func @sc_degree(%arg0: i32, %arg1: i32, %arg2: memref<80x16xf32, #tpu.memory_space<hbm>>, %arg3: memref<320000xi32, #tpu.memory_space<hbm>>, %arg4: memref<632x16xf32, #tpu.memory_space<hbm>>, %arg5: memref<20224x16xf32, #tpu.memory_space<hbm>>, %arg6: memref<80xi32, #tpu.memory_space<vmem>>, %arg7: memref<80xi32, #tpu.memory_space<vmem>>, %arg8: memref<80x16xf32, #tpu.memory_space<vmem>>, %arg9: memref<632x16xf32, #tpu.memory_space<vmem>>, %arg10: memref<10112x16xf32, #tpu.memory_space<vmem_shared>>, %arg11: memref<!tpu.dma_semaphore, #tpu.memory_space<semaphore_mem>>) attributes {dimension_semantics = [#tpu.dimension_semantics<core_parallel>, #tpu.dimension_semantics<subcore_parallel>], iteration_bounds = array<i64: 2, 16>, scalar_prefetch = 0 : i64, scratch_operands = 6 : i64, tpu.core_type = #tpu.core_type<sc_vector_subcore>, window_params = [{transform_indices = #map}, {transform_indices = #map1}, {transform_indices = #map}, {transform_indices = #map}]} {
    %mul3A = arith.constant 2 : i32
    %mul3A_0 = arith.muli %arg1, %mul3A : i32
    %add3A = arith.addi %mul3A_0, %arg0 : i32
    %mul3A_1 = arith.constant 10000 : i32
    %mul3A_2 = arith.muli %add3A, %mul3A_1 : i32
    "tpu.region"() ({
      %run_scoped3A = tpu.sem_alloc : memref<!tpu.dma_semaphore, #tpu.memory_space<semaphore_mem>>
      tpu.enqueue_dma source(%arg4 : memref<632x16xf32, #tpu.memory_space<hbm>>) target(%arg9 : memref<632x16xf32, #tpu.memory_space<vmem>>) target_semaphore(%run_scoped3A : memref<!tpu.dma_semaphore, #tpu.memory_space<semaphore_mem>>)
      tpu.wait_dma2 semaphore(%run_scoped3A : memref<!tpu.dma_semaphore, #tpu.memory_space<semaphore_mem>>) src(%arg4 : memref<632x16xf32, #tpu.memory_space<hbm>>) dst(%arg9 : memref<632x16xf32, #tpu.memory_space<vmem>>)
      tpu.yield
    }) : () -> ()
    %mul3A_3 = arith.constant 632 : i32
    %mul3A_4 = arith.muli %arg1, %mul3A_3 : i32
    "tpu.region"() ({
      %run_scoped3A = tpu.sem_alloc : memref<!tpu.dma_semaphore, #tpu.memory_space<semaphore_mem>>
      %dma_start3A_41 = arith.constant 0 : i32
      %dma_start3A_42 = tpu.memref_slice %arg10[%mul3A_4, %dma_start3A_41] : memref<10112x16xf32, #tpu.memory_space<vmem_shared>> -> memref<632x16xf32, #tpu.memory_space<vmem_shared>>
      %dma_start3A_43 = arith.constant 0 : i32
      %dma_start3A_44 = tpu.memref_slice %arg10[%mul3A_4, %dma_start3A_43] : memref<10112x16xf32, #tpu.memory_space<vmem_shared>> -> memref<632x16xf32, #tpu.memory_space<vmem_shared>>
      tpu.enqueue_dma source(%arg9 : memref<632x16xf32, #tpu.memory_space<vmem>>) target(%dma_start3A_44 : memref<632x16xf32, #tpu.memory_space<vmem_shared>>) target_semaphore(%run_scoped3A : memref<!tpu.dma_semaphore, #tpu.memory_space<semaphore_mem>>)
      %dma_wait3A_45 = arith.constant 0 : i32
      %dma_wait3A_46 = tpu.memref_slice %arg10[%mul3A_4, %dma_wait3A_45] : memref<10112x16xf32, #tpu.memory_space<vmem_shared>> -> memref<632x16xf32, #tpu.memory_space<vmem_shared>>
      %dma_wait3A_47 = arith.constant 0 : i32
      %dma_wait3A_48 = tpu.memref_slice %arg10[%mul3A_4, %dma_wait3A_47] : memref<10112x16xf32, #tpu.memory_space<vmem_shared>> -> memref<632x16xf32, #tpu.memory_space<vmem_shared>>
      tpu.wait_dma2 semaphore(%run_scoped3A : memref<!tpu.dma_semaphore, #tpu.memory_space<semaphore_mem>>) src(%arg9 : memref<632x16xf32, #tpu.memory_space<vmem>>) dst(%dma_wait3A_48 : memref<632x16xf32, #tpu.memory_space<vmem_shared>>)
      tpu.yield
    }) : () -> ()
    %barrier3A = arith.constant 0 : index
    tpu.barrier barrier_id(%barrier3A)
    "tpu.region"() ({
      %run_scoped3A = tpu.sem_alloc : memref<!tpu.dma_semaphore, #tpu.memory_space<semaphore_mem>>
      tpu.enqueue_dma source(%arg2 : memref<80x16xf32, #tpu.memory_space<hbm>>) target(%arg8 : memref<80x16xf32, #tpu.memory_space<vmem>>) target_semaphore(%run_scoped3A : memref<!tpu.dma_semaphore, #tpu.memory_space<semaphore_mem>>)
      tpu.wait_dma2 semaphore(%run_scoped3A : memref<!tpu.dma_semaphore, #tpu.memory_space<semaphore_mem>>) src(%arg2 : memref<80x16xf32, #tpu.memory_space<hbm>>) dst(%arg8 : memref<80x16xf32, #tpu.memory_space<vmem>>)
      tpu.yield
    }) : () -> ()
    %add3A_5 = arith.constant 0 : i32
    %add3A_6 = arith.addi %mul3A_2, %add3A_5 : i32
    "tpu.region"() ({
      %run_scoped3A = tpu.sem_alloc : memref<!tpu.dma_semaphore, #tpu.memory_space<semaphore_mem>>
      %dma_start3A_41 = tpu.memref_slice %arg3[%add3A_6] : memref<320000xi32, #tpu.memory_space<hbm>> -> memref<80xi32, #tpu.memory_space<hbm>>
      %dma_start3A_42 = tpu.memref_slice %arg3[%add3A_6] : memref<320000xi32, #tpu.memory_space<hbm>> -> memref<80xi32, #tpu.memory_space<hbm>>
      tpu.enqueue_dma source(%dma_start3A_42 : memref<80xi32, #tpu.memory_space<hbm>>) target(%arg6 : memref<80xi32, #tpu.memory_space<vmem>>) target_semaphore(%run_scoped3A : memref<!tpu.dma_semaphore, #tpu.memory_space<semaphore_mem>>)
      %dma_wait3A_43 = tpu.memref_slice %arg3[%add3A_6] : memref<320000xi32, #tpu.memory_space<hbm>> -> memref<80xi32, #tpu.memory_space<hbm>>
      %dma_wait3A_44 = tpu.memref_slice %arg3[%add3A_6] : memref<320000xi32, #tpu.memory_space<hbm>> -> memref<80xi32, #tpu.memory_space<hbm>>
      tpu.wait_dma2 semaphore(%run_scoped3A : memref<!tpu.dma_semaphore, #tpu.memory_space<semaphore_mem>>) src(%dma_wait3A_44 : memref<80xi32, #tpu.memory_space<hbm>>) dst(%arg6 : memref<80xi32, #tpu.memory_space<vmem>>)
      tpu.yield
    }) : () -> ()
    %dma_start3A = arith.constant 0 : i32
    %dma_start3A_7 = arith.constant 0 : i32
    %dma_start3A_8 = tpu.memref_slice %arg10[%dma_start3A, %dma_start3A_7] : memref<10112x16xf32, #tpu.memory_space<vmem_shared>> -> memref<10112x16xf32, #tpu.memory_space<vmem_shared>>
    tpu.enqueue_indirect_dma source(%arg8 : memref<80x16xf32, #tpu.memory_space<vmem>>) target(%dma_start3A_8 : memref<10112x16xf32, #tpu.memory_space<vmem_shared>>) offsets(%arg6 : memref<80xi32, #tpu.memory_space<vmem>>) semaphore(%arg11 : memref<!tpu.dma_semaphore, #tpu.memory_space<semaphore_mem>>) {add = true}
    %add3A_9 = arith.constant 80 : i32
    %add3A_10 = arith.addi %mul3A_2, %add3A_9 : i32
    "tpu.region"() ({
      %run_scoped3A = tpu.sem_alloc : memref<!tpu.dma_semaphore, #tpu.memory_space<semaphore_mem>>
      %dma_start3A_41 = tpu.memref_slice %arg3[%add3A_10] : memref<320000xi32, #tpu.memory_space<hbm>> -> memref<80xi32, #tpu.memory_space<hbm>>
      %dma_start3A_42 = tpu.memref_slice %arg3[%add3A_10] : memref<320000xi32, #tpu.memory_space<hbm>> -> memref<80xi32, #tpu.memory_space<hbm>>
      tpu.enqueue_dma source(%dma_start3A_42 : memref<80xi32, #tpu.memory_space<hbm>>) target(%arg7 : memref<80xi32, #tpu.memory_space<vmem>>) target_semaphore(%run_scoped3A : memref<!tpu.dma_semaphore, #tpu.memory_space<semaphore_mem>>)
      %dma_wait3A_43 = tpu.memref_slice %arg3[%add3A_10] : memref<320000xi32, #tpu.memory_space<hbm>> -> memref<80xi32, #tpu.memory_space<hbm>>
      %dma_wait3A_44 = tpu.memref_slice %arg3[%add3A_10] : memref<320000xi32, #tpu.memory_space<hbm>> -> memref<80xi32, #tpu.memory_space<hbm>>
      tpu.wait_dma2 semaphore(%run_scoped3A : memref<!tpu.dma_semaphore, #tpu.memory_space<semaphore_mem>>) src(%dma_wait3A_44 : memref<80xi32, #tpu.memory_space<hbm>>) dst(%arg7 : memref<80xi32, #tpu.memory_space<vmem>>)
      tpu.yield
    }) : () -> ()
    %dma_start3A_11 = arith.constant 0 : i32
    %dma_start3A_12 = arith.constant 0 : i32
    %dma_start3A_13 = tpu.memref_slice %arg10[%dma_start3A_11, %dma_start3A_12] : memref<10112x16xf32, #tpu.memory_space<vmem_shared>> -> memref<10112x16xf32, #tpu.memory_space<vmem_shared>>
    tpu.enqueue_indirect_dma source(%arg8 : memref<80x16xf32, #tpu.memory_space<vmem>>) target(%dma_start3A_13 : memref<10112x16xf32, #tpu.memory_space<vmem_shared>>) offsets(%arg7 : memref<80xi32, #tpu.memory_space<vmem>>) semaphore(%arg11 : memref<!tpu.dma_semaphore, #tpu.memory_space<semaphore_mem>>) {add = true}
    %scan3A = arith.constant 0 : i32
    %scan3A_14 = arith.constant 1 : i32
    %scan3A_15 = arith.constant 61 : i32
    %scan3A_16 = arith.addi %scan3A_14, %scan3A_15 : i32
    %scan3A_17 = arith.constant 1 : i32
    %scan3A_18 = scf.for %scan3A_41 = %scan3A_14 to %scan3A_16 step %scan3A_17 iter_args(%scan3A_42 = %scan3A) -> (i32)  : i32 {
      %dma_wait3A_43 = arith.constant 0 : i32
      %dma_wait3A_44 = arith.constant 0 : i32
      %dma_wait3A_45 = tpu.memref_slice %arg10[%dma_wait3A_43, %dma_wait3A_44] : memref<10112x16xf32, #tpu.memory_space<vmem_shared>> -> memref<10112x16xf32, #tpu.memory_space<vmem_shared>>
      tpu.wait_indirect_dma semaphore(%arg11 : memref<!tpu.dma_semaphore, #tpu.memory_space<semaphore_mem>>) src(%arg8 : memref<80x16xf32, #tpu.memory_space<vmem>>) dst(%dma_wait3A_45 : memref<10112x16xf32, #tpu.memory_space<vmem_shared>>)
      %mul3A_46 = arith.constant 2 : i32
      %mul3A_47 = arith.muli %mul3A_46, %scan3A_41 : i32
      %mul3A_48 = arith.constant 80 : i32
      %mul3A_49 = arith.muli %mul3A_47, %mul3A_48 : i32
      %add3A_50 = arith.addi %mul3A_2, %mul3A_49 : i32
      "tpu.region"() ({
        %run_scoped3A = tpu.sem_alloc : memref<!tpu.dma_semaphore, #tpu.memory_space<semaphore_mem>>
        %dma_start3A_68 = tpu.memref_slice %arg3[%add3A_50] : memref<320000xi32, #tpu.memory_space<hbm>> -> memref<80xi32, #tpu.memory_space<hbm>>
        %dma_start3A_69 = tpu.memref_slice %arg3[%add3A_50] : memref<320000xi32, #tpu.memory_space<hbm>> -> memref<80xi32, #tpu.memory_space<hbm>>
        tpu.enqueue_dma source(%dma_start3A_69 : memref<80xi32, #tpu.memory_space<hbm>>) target(%arg6 : memref<80xi32, #tpu.memory_space<vmem>>) target_semaphore(%run_scoped3A : memref<!tpu.dma_semaphore, #tpu.memory_space<semaphore_mem>>)
        %dma_wait3A_70 = tpu.memref_slice %arg3[%add3A_50] : memref<320000xi32, #tpu.memory_space<hbm>> -> memref<80xi32, #tpu.memory_space<hbm>>
        %dma_wait3A_71 = tpu.memref_slice %arg3[%add3A_50] : memref<320000xi32, #tpu.memory_space<hbm>> -> memref<80xi32, #tpu.memory_space<hbm>>
        tpu.wait_dma2 semaphore(%run_scoped3A : memref<!tpu.dma_semaphore, #tpu.memory_space<semaphore_mem>>) src(%dma_wait3A_71 : memref<80xi32, #tpu.memory_space<hbm>>) dst(%arg6 : memref<80xi32, #tpu.memory_space<vmem>>)
        tpu.yield
      }) : () -> ()
      %dma_start3A_51 = arith.constant 0 : i32
      %dma_start3A_52 = arith.constant 0 : i32
      %dma_start3A_53 = tpu.memref_slice %arg10[%dma_start3A_51, %dma_start3A_52] : memref<10112x16xf32, #tpu.memory_space<vmem_shared>> -> memref<10112x16xf32, #tpu.memory_space<vmem_shared>>
      tpu.enqueue_indirect_dma source(%arg8 : memref<80x16xf32, #tpu.memory_space<vmem>>) target(%dma_start3A_53 : memref<10112x16xf32, #tpu.memory_space<vmem_shared>>) offsets(%arg6 : memref<80xi32, #tpu.memory_space<vmem>>) semaphore(%arg11 : memref<!tpu.dma_semaphore, #tpu.memory_space<semaphore_mem>>) {add = true}
      %dma_wait3A_54 = arith.constant 0 : i32
      %dma_wait3A_55 = arith.constant 0 : i32
      %dma_wait3A_56 = tpu.memref_slice %arg10[%dma_wait3A_54, %dma_wait3A_55] : memref<10112x16xf32, #tpu.memory_space<vmem_shared>> -> memref<10112x16xf32, #tpu.memory_space<vmem_shared>>
      tpu.wait_indirect_dma semaphore(%arg11 : memref<!tpu.dma_semaphore, #tpu.memory_space<semaphore_mem>>) src(%arg8 : memref<80x16xf32, #tpu.memory_space<vmem>>) dst(%dma_wait3A_56 : memref<10112x16xf32, #tpu.memory_space<vmem_shared>>)
      %mul3A_57 = arith.constant 2 : i32
      %mul3A_58 = arith.muli %mul3A_57, %scan3A_41 : i32
      %add3A_59 = arith.constant 1 : i32
      %add3A_60 = arith.addi %mul3A_58, %add3A_59 : i32
      %mul3A_61 = arith.constant 80 : i32
      %mul3A_62 = arith.muli %add3A_60, %mul3A_61 : i32
      %add3A_63 = arith.addi %mul3A_2, %mul3A_62 : i32
      "tpu.region"() ({
        %run_scoped3A = tpu.sem_alloc : memref<!tpu.dma_semaphore, #tpu.memory_space<semaphore_mem>>
        %dma_start3A_68 = tpu.memref_slice %arg3[%add3A_63] : memref<320000xi32, #tpu.memory_space<hbm>> -> memref<80xi32, #tpu.memory_space<hbm>>
        %dma_start3A_69 = tpu.memref_slice %arg3[%add3A_63] : memref<320000xi32, #tpu.memory_space<hbm>> -> memref<80xi32, #tpu.memory_space<hbm>>
        tpu.enqueue_dma source(%dma_start3A_69 : memref<80xi32, #tpu.memory_space<hbm>>) target(%arg7 : memref<80xi32, #tpu.memory_space<vmem>>) target_semaphore(%run_scoped3A : memref<!tpu.dma_semaphore, #tpu.memory_space<semaphore_mem>>)
        %dma_wait3A_70 = tpu.memref_slice %arg3[%add3A_63] : memref<320000xi32, #tpu.memory_space<hbm>> -> memref<80xi32, #tpu.memory_space<hbm>>
        %dma_wait3A_71 = tpu.memref_slice %arg3[%add3A_63] : memref<320000xi32, #tpu.memory_space<hbm>> -> memref<80xi32, #tpu.memory_space<hbm>>
        tpu.wait_dma2 semaphore(%run_scoped3A : memref<!tpu.dma_semaphore, #tpu.memory_space<semaphore_mem>>) src(%dma_wait3A_71 : memref<80xi32, #tpu.memory_space<hbm>>) dst(%arg7 : memref<80xi32, #tpu.memory_space<vmem>>)
        tpu.yield
      }) : () -> ()
      %dma_start3A_64 = arith.constant 0 : i32
      %dma_start3A_65 = arith.constant 0 : i32
      %dma_start3A_66 = tpu.memref_slice %arg10[%dma_start3A_64, %dma_start3A_65] : memref<10112x16xf32, #tpu.memory_space<vmem_shared>> -> memref<10112x16xf32, #tpu.memory_space<vmem_shared>>
      tpu.enqueue_indirect_dma source(%arg8 : memref<80x16xf32, #tpu.memory_space<vmem>>) target(%dma_start3A_66 : memref<10112x16xf32, #tpu.memory_space<vmem_shared>>) offsets(%arg7 : memref<80xi32, #tpu.memory_space<vmem>>) semaphore(%arg11 : memref<!tpu.dma_semaphore, #tpu.memory_space<semaphore_mem>>) {add = true}
      %scan3A_67 = arith.constant 0 : i32
      scf.yield %scan3A_67 : i32
    }
    %scan3A_19 = arith.constant 61 : i32
    %dma_wait3A = arith.constant 0 : i32
    %dma_wait3A_20 = arith.constant 0 : i32
    %dma_wait3A_21 = tpu.memref_slice %arg10[%dma_wait3A, %dma_wait3A_20] : memref<10112x16xf32, #tpu.memory_space<vmem_shared>> -> memref<10112x16xf32, #tpu.memory_space<vmem_shared>>
    tpu.wait_indirect_dma semaphore(%arg11 : memref<!tpu.dma_semaphore, #tpu.memory_space<semaphore_mem>>) src(%arg8 : memref<80x16xf32, #tpu.memory_space<vmem>>) dst(%dma_wait3A_21 : memref<10112x16xf32, #tpu.memory_space<vmem_shared>>)
    %add3A_22 = arith.constant 9920 : i32
    %add3A_23 = arith.addi %mul3A_2, %add3A_22 : i32
    "tpu.region"() ({
      %run_scoped3A = tpu.sem_alloc : memref<!tpu.dma_semaphore, #tpu.memory_space<semaphore_mem>>
      %dma_start3A_41 = tpu.memref_slice %arg3[%add3A_23] : memref<320000xi32, #tpu.memory_space<hbm>> -> memref<80xi32, #tpu.memory_space<hbm>>
      %dma_start3A_42 = tpu.memref_slice %arg3[%add3A_23] : memref<320000xi32, #tpu.memory_space<hbm>> -> memref<80xi32, #tpu.memory_space<hbm>>
      tpu.enqueue_dma source(%dma_start3A_42 : memref<80xi32, #tpu.memory_space<hbm>>) target(%arg6 : memref<80xi32, #tpu.memory_space<vmem>>) target_semaphore(%run_scoped3A : memref<!tpu.dma_semaphore, #tpu.memory_space<semaphore_mem>>)
      %dma_wait3A_43 = tpu.memref_slice %arg3[%add3A_23] : memref<320000xi32, #tpu.memory_space<hbm>> -> memref<80xi32, #tpu.memory_space<hbm>>
      %dma_wait3A_44 = tpu.memref_slice %arg3[%add3A_23] : memref<320000xi32, #tpu.memory_space<hbm>> -> memref<80xi32, #tpu.memory_space<hbm>>
      tpu.wait_dma2 semaphore(%run_scoped3A : memref<!tpu.dma_semaphore, #tpu.memory_space<semaphore_mem>>) src(%dma_wait3A_44 : memref<80xi32, #tpu.memory_space<hbm>>) dst(%arg6 : memref<80xi32, #tpu.memory_space<vmem>>)
      tpu.yield
    }) : () -> ()
    %dma_start3A_24 = arith.constant 0 : i32
    %dma_start3A_25 = arith.constant 0 : i32
    %dma_start3A_26 = tpu.memref_slice %arg10[%dma_start3A_24, %dma_start3A_25] : memref<10112x16xf32, #tpu.memory_space<vmem_shared>> -> memref<10112x16xf32, #tpu.memory_space<vmem_shared>>
    tpu.enqueue_indirect_dma source(%arg8 : memref<80x16xf32, #tpu.memory_space<vmem>>) target(%dma_start3A_26 : memref<10112x16xf32, #tpu.memory_space<vmem_shared>>) offsets(%arg6 : memref<80xi32, #tpu.memory_space<vmem>>) semaphore(%arg11 : memref<!tpu.dma_semaphore, #tpu.memory_space<semaphore_mem>>) {add = true}
    %dma_wait3A_27 = arith.constant 0 : i32
    %dma_wait3A_28 = arith.constant 0 : i32
    %dma_wait3A_29 = tpu.memref_slice %arg10[%dma_wait3A_27, %dma_wait3A_28] : memref<10112x16xf32, #tpu.memory_space<vmem_shared>> -> memref<10112x16xf32, #tpu.memory_space<vmem_shared>>
    tpu.wait_indirect_dma semaphore(%arg11 : memref<!tpu.dma_semaphore, #tpu.memory_space<semaphore_mem>>) src(%arg8 : memref<80x16xf32, #tpu.memory_space<vmem>>) dst(%dma_wait3A_29 : memref<10112x16xf32, #tpu.memory_space<vmem_shared>>)
    %dma_wait3A_30 = arith.constant 0 : i32
    %dma_wait3A_31 = arith.constant 0 : i32
    %dma_wait3A_32 = tpu.memref_slice %arg10[%dma_wait3A_30, %dma_wait3A_31] : memref<10112x16xf32, #tpu.memory_space<vmem_shared>> -> memref<10112x16xf32, #tpu.memory_space<vmem_shared>>
    tpu.wait_indirect_dma semaphore(%arg11 : memref<!tpu.dma_semaphore, #tpu.memory_space<semaphore_mem>>) src(%arg8 : memref<80x16xf32, #tpu.memory_space<vmem>>) dst(%dma_wait3A_32 : memref<10112x16xf32, #tpu.memory_space<vmem_shared>>)
    %barrier3A_33 = arith.constant 0 : index
    tpu.barrier barrier_id(%barrier3A_33)
    %mul3A_34 = arith.constant 632 : i32
    %mul3A_35 = arith.muli %arg1, %mul3A_34 : i32
    "tpu.region"() ({
      %run_scoped3A = tpu.sem_alloc : memref<!tpu.dma_semaphore, #tpu.memory_space<semaphore_mem>>
      %dma_start3A_41 = arith.constant 0 : i32
      %dma_start3A_42 = tpu.memref_slice %arg10[%mul3A_35, %dma_start3A_41] : memref<10112x16xf32, #tpu.memory_space<vmem_shared>> -> memref<632x16xf32, #tpu.memory_space<vmem_shared>>
      %dma_start3A_43 = arith.constant 0 : i32
      %dma_start3A_44 = tpu.memref_slice %arg10[%mul3A_35, %dma_start3A_43] : memref<10112x16xf32, #tpu.memory_space<vmem_shared>> -> memref<632x16xf32, #tpu.memory_space<vmem_shared>>
      tpu.enqueue_dma source(%dma_start3A_44 : memref<632x16xf32, #tpu.memory_space<vmem_shared>>) target(%arg9 : memref<632x16xf32, #tpu.memory_space<vmem>>) target_semaphore(%run_scoped3A : memref<!tpu.dma_semaphore, #tpu.memory_space<semaphore_mem>>)
      %dma_wait3A_45 = arith.constant 0 : i32
      %dma_wait3A_46 = tpu.memref_slice %arg10[%mul3A_35, %dma_wait3A_45] : memref<10112x16xf32, #tpu.memory_space<vmem_shared>> -> memref<632x16xf32, #tpu.memory_space<vmem_shared>>
      %dma_wait3A_47 = arith.constant 0 : i32
      %dma_wait3A_48 = tpu.memref_slice %arg10[%mul3A_35, %dma_wait3A_47] : memref<10112x16xf32, #tpu.memory_space<vmem_shared>> -> memref<632x16xf32, #tpu.memory_space<vmem_shared>>
      tpu.wait_dma2 semaphore(%run_scoped3A : memref<!tpu.dma_semaphore, #tpu.memory_space<semaphore_mem>>) src(%dma_wait3A_48 : memref<632x16xf32, #tpu.memory_space<vmem_shared>>) dst(%arg9 : memref<632x16xf32, #tpu.memory_space<vmem>>)
      tpu.yield
    }) : () -> ()
    %mul3A_36 = arith.constant 10112 : i32
    %mul3A_37 = arith.muli %arg0, %mul3A_36 : i32
    %mul3A_38 = arith.constant 632 : i32
    %mul3A_39 = arith.muli %arg1, %mul3A_38 : i32
    %add3A_40 = arith.addi %mul3A_37, %mul3A_39 : i32
    "tpu.region"() ({
      %run_scoped3A = tpu.sem_alloc : memref<!tpu.dma_semaphore, #tpu.memory_space<semaphore_mem>>
      %dma_start3A_41 = arith.constant 0 : i32
      %dma_start3A_42 = tpu.memref_slice %arg5[%add3A_40, %dma_start3A_41] : memref<20224x16xf32, #tpu.memory_space<hbm>> -> memref<632x16xf32, #tpu.memory_space<hbm>>
      %dma_start3A_43 = arith.constant 0 : i32
      %dma_start3A_44 = tpu.memref_slice %arg5[%add3A_40, %dma_start3A_43] : memref<20224x16xf32, #tpu.memory_space<hbm>> -> memref<632x16xf32, #tpu.memory_space<hbm>>
      tpu.enqueue_dma source(%arg9 : memref<632x16xf32, #tpu.memory_space<vmem>>) target(%dma_start3A_44 : memref<632x16xf32, #tpu.memory_space<hbm>>) target_semaphore(%run_scoped3A : memref<!tpu.dma_semaphore, #tpu.memory_space<semaphore_mem>>)
      %dma_wait3A_45 = arith.constant 0 : i32
      %dma_wait3A_46 = tpu.memref_slice %arg5[%add3A_40, %dma_wait3A_45] : memref<20224x16xf32, #tpu.memory_space<hbm>> -> memref<632x16xf32, #tpu.memory_space<hbm>>
      %dma_wait3A_47 = arith.constant 0 : i32
      %dma_wait3A_48 = tpu.memref_slice %arg5[%add3A_40, %dma_wait3A_47] : memref<20224x16xf32, #tpu.memory_space<hbm>> -> memref<632x16xf32, #tpu.memory_space<hbm>>
      tpu.wait_dma2 semaphore(%run_scoped3A : memref<!tpu.dma_semaphore, #tpu.memory_space<semaphore_mem>>) src(%arg9 : memref<632x16xf32, #tpu.memory_space<vmem>>) dst(%dma_wait3A_48 : memref<632x16xf32, #tpu.memory_space<hbm>>)
      tpu.yield
    }) : () -> ()
    return
  }
}

#map = affine_map<(d0, d1) -> (0, 0)>
#map1 = affine_map<(d0, d1) -> (0)>
module attributes {stable_mosaic.version = 14 : i64} {
  func.func @sc_edge_scatter(%arg0: i32, %arg1: i32, %arg2: memref<10000x128xf32, #tpu.memory_space<hbm>>, %arg3: memref<320000xi32, #tpu.memory_space<hbm>>, %arg4: memref<320000xi32, #tpu.memory_space<hbm>>, %arg5: memref<128x128xf32, #tpu.memory_space<hbm>>, %arg6: memref<20224x128xf32, #tpu.memory_space<hbm>>, %arg7: memref<128xi32, #tpu.memory_space<vmem>>, %arg8: memref<128xi32, #tpu.memory_space<vmem>>, %arg9: memref<128xi32, #tpu.memory_space<vmem>>, %arg10: memref<128xi32, #tpu.memory_space<vmem>>, %arg11: memref<128xi32, #tpu.memory_space<vmem>>, %arg12: memref<128xi32, #tpu.memory_space<vmem>>, %arg13: memref<16xi32, #tpu.memory_space<vmem>>, %arg14: memref<16xi32, #tpu.memory_space<vmem>>, %arg15: memref<128x128xf32, #tpu.memory_space<vmem>>, %arg16: memref<128x128xf32, #tpu.memory_space<vmem>>, %arg17: memref<128x128xf32, #tpu.memory_space<vmem>>, %arg18: memref<10112x128xf32, #tpu.memory_space<vmem_shared>>, %arg19: memref<!tpu.dma_semaphore, #tpu.memory_space<semaphore_mem>>, %arg20: memref<!tpu.dma_semaphore, #tpu.memory_space<semaphore_mem>>) attributes {dimension_semantics = [#tpu.dimension_semantics<core_parallel>, #tpu.dimension_semantics<subcore_parallel>], iteration_bounds = array<i64: 2, 16>, scalar_prefetch = 0 : i64, scratch_operands = 14 : i64, tpu.core_type = #tpu.core_type<sc_vector_subcore>, window_params = [{transform_indices = #map}, {transform_indices = #map1}, {transform_indices = #map1}, {transform_indices = #map}, {transform_indices = #map}]} {
    %mul3A = arith.constant 2 : i32
    %mul3A_0 = arith.muli %arg1, %mul3A : i32
    %add3A = arith.addi %mul3A_0, %arg0 : i32
    %mul3A_1 = arith.constant 10000 : i32
    %mul3A_2 = arith.muli %add3A, %mul3A_1 : i32
    "tpu.region"() ({
      %run_scoped3A = tpu.sem_alloc : memref<!tpu.dma_semaphore, #tpu.memory_space<semaphore_mem>>
      tpu.enqueue_dma source(%arg5 : memref<128x128xf32, #tpu.memory_space<hbm>>) target(%arg15 : memref<128x128xf32, #tpu.memory_space<vmem>>) target_semaphore(%run_scoped3A : memref<!tpu.dma_semaphore, #tpu.memory_space<semaphore_mem>>)
      tpu.wait_dma2 semaphore(%run_scoped3A : memref<!tpu.dma_semaphore, #tpu.memory_space<semaphore_mem>>) src(%arg5 : memref<128x128xf32, #tpu.memory_space<hbm>>) dst(%arg15 : memref<128x128xf32, #tpu.memory_space<vmem>>)
      tpu.yield
    }) : () -> ()
    %scan3A = arith.constant 0 : i32
    %scan3A_3 = arith.constant 0 : i32
    %scan3A_4 = arith.constant 4 : i32
    %scan3A_5 = arith.addi %scan3A_3, %scan3A_4 : i32
    %scan3A_6 = arith.constant 1 : i32
    %scan3A_7 = scf.for %scan3A_157 = %scan3A_3 to %scan3A_5 step %scan3A_6 iter_args(%scan3A_158 = %scan3A) -> (i32)  : i32 {
      %mul3A_159 = arith.constant 632 : i32
      %mul3A_160 = arith.muli %arg1, %mul3A_159 : i32
      %mul3A_161 = arith.constant 128 : i32
      %mul3A_162 = arith.muli %scan3A_157, %mul3A_161 : i32
      %add3A_163 = arith.addi %mul3A_160, %mul3A_162 : i32
      "tpu.region"() ({
        %run_scoped3A = tpu.sem_alloc : memref<!tpu.dma_semaphore, #tpu.memory_space<semaphore_mem>>
        %dma_start3A_165 = arith.constant 0 : i32
        %dma_start3A_166 = tpu.memref_slice %arg18[%add3A_163, %dma_start3A_165] : memref<10112x128xf32, #tpu.memory_space<vmem_shared>> -> memref<128x128xf32, #tpu.memory_space<vmem_shared>>
        %dma_start3A_167 = arith.constant 0 : i32
        %dma_start3A_168 = tpu.memref_slice %arg18[%add3A_163, %dma_start3A_167] : memref<10112x128xf32, #tpu.memory_space<vmem_shared>> -> memref<128x128xf32, #tpu.memory_space<vmem_shared>>
        tpu.enqueue_dma source(%arg15 : memref<128x128xf32, #tpu.memory_space<vmem>>) target(%dma_start3A_168 : memref<128x128xf32, #tpu.memory_space<vmem_shared>>) target_semaphore(%run_scoped3A : memref<!tpu.dma_semaphore, #tpu.memory_space<semaphore_mem>>)
        %dma_wait3A_169 = arith.constant 0 : i32
        %dma_wait3A_170 = tpu.memref_slice %arg18[%add3A_163, %dma_wait3A_169] : memref<10112x128xf32, #tpu.memory_space<vmem_shared>> -> memref<128x128xf32, #tpu.memory_space<vmem_shared>>
        %dma_wait3A_171 = arith.constant 0 : i32
        %dma_wait3A_172 = tpu.memref_slice %arg18[%add3A_163, %dma_wait3A_171] : memref<10112x128xf32, #tpu.memory_space<vmem_shared>> -> memref<128x128xf32, #tpu.memory_space<vmem_shared>>
        tpu.wait_dma2 semaphore(%run_scoped3A : memref<!tpu.dma_semaphore, #tpu.memory_space<semaphore_mem>>) src(%arg15 : memref<128x128xf32, #tpu.memory_space<vmem>>) dst(%dma_wait3A_172 : memref<128x128xf32, #tpu.memory_space<vmem_shared>>)
        tpu.yield
      }) : () -> ()
      %scan3A_164 = arith.constant 0 : i32
      scf.yield %scan3A_164 : i32
    }
    %scan3A_8 = arith.constant 4 : i32
    %mul3A_9 = arith.constant 632 : i32
    %mul3A_10 = arith.muli %arg1, %mul3A_9 : i32
    %add3A_11 = arith.constant 512 : i32
    %add3A_12 = arith.addi %mul3A_10, %add3A_11 : i32
    "tpu.region"() ({
      %run_scoped3A = tpu.sem_alloc : memref<!tpu.dma_semaphore, #tpu.memory_space<semaphore_mem>>
      %dma_start3A_157 = arith.constant 0 : i32
      %dma_start3A_158 = arith.constant 0 : i32
      %dma_start3A_159 = tpu.memref_slice %arg15[%dma_start3A_157, %dma_start3A_158] : memref<128x128xf32, #tpu.memory_space<vmem>> -> memref<120x128xf32, #tpu.memory_space<vmem>>
      %dma_start3A_160 = arith.constant 0 : i32
      %dma_start3A_161 = tpu.memref_slice %arg18[%add3A_12, %dma_start3A_160] : memref<10112x128xf32, #tpu.memory_space<vmem_shared>> -> memref<120x128xf32, #tpu.memory_space<vmem_shared>>
      %dma_start3A_162 = arith.constant 0 : i32
      %dma_start3A_163 = tpu.memref_slice %arg18[%add3A_12, %dma_start3A_162] : memref<10112x128xf32, #tpu.memory_space<vmem_shared>> -> memref<120x128xf32, #tpu.memory_space<vmem_shared>>
      %dma_start3A_164 = arith.constant 0 : i32
      %dma_start3A_165 = arith.constant 0 : i32
      %dma_start3A_166 = tpu.memref_slice %arg15[%dma_start3A_164, %dma_start3A_165] : memref<128x128xf32, #tpu.memory_space<vmem>> -> memref<120x128xf32, #tpu.memory_space<vmem>>
      tpu.enqueue_dma source(%dma_start3A_166 : memref<120x128xf32, #tpu.memory_space<vmem>>) target(%dma_start3A_163 : memref<120x128xf32, #tpu.memory_space<vmem_shared>>) target_semaphore(%run_scoped3A : memref<!tpu.dma_semaphore, #tpu.memory_space<semaphore_mem>>)
      %dma_wait3A_167 = arith.constant 0 : i32
      %dma_wait3A_168 = arith.constant 0 : i32
      %dma_wait3A_169 = tpu.memref_slice %arg15[%dma_wait3A_167, %dma_wait3A_168] : memref<128x128xf32, #tpu.memory_space<vmem>> -> memref<120x128xf32, #tpu.memory_space<vmem>>
      %dma_wait3A_170 = arith.constant 0 : i32
      %dma_wait3A_171 = tpu.memref_slice %arg18[%add3A_12, %dma_wait3A_170] : memref<10112x128xf32, #tpu.memory_space<vmem_shared>> -> memref<120x128xf32, #tpu.memory_space<vmem_shared>>
      %dma_wait3A_172 = arith.constant 0 : i32
      %dma_wait3A_173 = tpu.memref_slice %arg18[%add3A_12, %dma_wait3A_172] : memref<10112x128xf32, #tpu.memory_space<vmem_shared>> -> memref<120x128xf32, #tpu.memory_space<vmem_shared>>
      %dma_wait3A_174 = arith.constant 0 : i32
      %dma_wait3A_175 = arith.constant 0 : i32
      %dma_wait3A_176 = tpu.memref_slice %arg15[%dma_wait3A_174, %dma_wait3A_175] : memref<128x128xf32, #tpu.memory_space<vmem>> -> memref<120x128xf32, #tpu.memory_space<vmem>>
      tpu.wait_dma2 semaphore(%run_scoped3A : memref<!tpu.dma_semaphore, #tpu.memory_space<semaphore_mem>>) src(%dma_wait3A_176 : memref<120x128xf32, #tpu.memory_space<vmem>>) dst(%dma_wait3A_173 : memref<120x128xf32, #tpu.memory_space<vmem_shared>>)
      tpu.yield
    }) : () -> ()
    %barrier3A = arith.constant 0 : index
    tpu.barrier barrier_id(%barrier3A)
    %add3A_13 = arith.constant 0 : i32
    %add3A_14 = arith.addi %mul3A_2, %add3A_13 : i32
    "tpu.region"() ({
      %run_scoped3A = tpu.sem_alloc : memref<!tpu.dma_semaphore, #tpu.memory_space<semaphore_mem>>
      %dma_start3A_157 = tpu.memref_slice %arg3[%add3A_14] : memref<320000xi32, #tpu.memory_space<hbm>> -> memref<128xi32, #tpu.memory_space<hbm>>
      %dma_start3A_158 = tpu.memref_slice %arg3[%add3A_14] : memref<320000xi32, #tpu.memory_space<hbm>> -> memref<128xi32, #tpu.memory_space<hbm>>
      tpu.enqueue_dma source(%dma_start3A_158 : memref<128xi32, #tpu.memory_space<hbm>>) target(%arg7 : memref<128xi32, #tpu.memory_space<vmem>>) target_semaphore(%run_scoped3A : memref<!tpu.dma_semaphore, #tpu.memory_space<semaphore_mem>>)
      %dma_wait3A_159 = tpu.memref_slice %arg3[%add3A_14] : memref<320000xi32, #tpu.memory_space<hbm>> -> memref<128xi32, #tpu.memory_space<hbm>>
      %dma_wait3A_160 = tpu.memref_slice %arg3[%add3A_14] : memref<320000xi32, #tpu.memory_space<hbm>> -> memref<128xi32, #tpu.memory_space<hbm>>
      tpu.wait_dma2 semaphore(%run_scoped3A : memref<!tpu.dma_semaphore, #tpu.memory_space<semaphore_mem>>) src(%dma_wait3A_160 : memref<128xi32, #tpu.memory_space<hbm>>) dst(%arg7 : memref<128xi32, #tpu.memory_space<vmem>>)
      tpu.yield
    }) : () -> ()
    %add3A_15 = arith.constant 0 : i32
    %add3A_16 = arith.addi %mul3A_2, %add3A_15 : i32
    "tpu.region"() ({
      %run_scoped3A = tpu.sem_alloc : memref<!tpu.dma_semaphore, #tpu.memory_space<semaphore_mem>>
      %dma_start3A_157 = tpu.memref_slice %arg4[%add3A_16] : memref<320000xi32, #tpu.memory_space<hbm>> -> memref<128xi32, #tpu.memory_space<hbm>>
      %dma_start3A_158 = tpu.memref_slice %arg4[%add3A_16] : memref<320000xi32, #tpu.memory_space<hbm>> -> memref<128xi32, #tpu.memory_space<hbm>>
      tpu.enqueue_dma source(%dma_start3A_158 : memref<128xi32, #tpu.memory_space<hbm>>) target(%arg10 : memref<128xi32, #tpu.memory_space<vmem>>) target_semaphore(%run_scoped3A : memref<!tpu.dma_semaphore, #tpu.memory_space<semaphore_mem>>)
      %dma_wait3A_159 = tpu.memref_slice %arg4[%add3A_16] : memref<320000xi32, #tpu.memory_space<hbm>> -> memref<128xi32, #tpu.memory_space<hbm>>
      %dma_wait3A_160 = tpu.memref_slice %arg4[%add3A_16] : memref<320000xi32, #tpu.memory_space<hbm>> -> memref<128xi32, #tpu.memory_space<hbm>>
      tpu.wait_dma2 semaphore(%run_scoped3A : memref<!tpu.dma_semaphore, #tpu.memory_space<semaphore_mem>>) src(%dma_wait3A_160 : memref<128xi32, #tpu.memory_space<hbm>>) dst(%arg10 : memref<128xi32, #tpu.memory_space<vmem>>)
      tpu.yield
    }) : () -> ()
    %dma_start3A = arith.constant 0 : i32
    %dma_start3A_17 = arith.constant 0 : i32
    %dma_start3A_18 = tpu.memref_slice %arg2[%dma_start3A, %dma_start3A_17] : memref<10000x128xf32, #tpu.memory_space<hbm>> -> memref<10000x128xf32, #tpu.memory_space<hbm>>
    tpu.enqueue_indirect_dma source(%dma_start3A_18 : memref<10000x128xf32, #tpu.memory_space<hbm>>) target(%arg15 : memref<128x128xf32, #tpu.memory_space<vmem>>) offsets(%arg7 : memref<128xi32, #tpu.memory_space<vmem>>) semaphore(%arg19 : memref<!tpu.dma_semaphore, #tpu.memory_space<semaphore_mem>>)
    %add3A_19 = arith.constant 128 : i32
    %add3A_20 = arith.addi %mul3A_2, %add3A_19 : i32
    "tpu.region"() ({
      %run_scoped3A = tpu.sem_alloc : memref<!tpu.dma_semaphore, #tpu.memory_space<semaphore_mem>>
      %dma_start3A_157 = tpu.memref_slice %arg3[%add3A_20] : memref<320000xi32, #tpu.memory_space<hbm>> -> memref<128xi32, #tpu.memory_space<hbm>>
      %dma_start3A_158 = tpu.memref_slice %arg3[%add3A_20] : memref<320000xi32, #tpu.memory_space<hbm>> -> memref<128xi32, #tpu.memory_space<hbm>>
      tpu.enqueue_dma source(%dma_start3A_158 : memref<128xi32, #tpu.memory_space<hbm>>) target(%arg8 : memref<128xi32, #tpu.memory_space<vmem>>) target_semaphore(%run_scoped3A : memref<!tpu.dma_semaphore, #tpu.memory_space<semaphore_mem>>)
      %dma_wait3A_159 = tpu.memref_slice %arg3[%add3A_20] : memref<320000xi32, #tpu.memory_space<hbm>> -> memref<128xi32, #tpu.memory_space<hbm>>
      %dma_wait3A_160 = tpu.memref_slice %arg3[%add3A_20] : memref<320000xi32, #tpu.memory_space<hbm>> -> memref<128xi32, #tpu.memory_space<hbm>>
      tpu.wait_dma2 semaphore(%run_scoped3A : memref<!tpu.dma_semaphore, #tpu.memory_space<semaphore_mem>>) src(%dma_wait3A_160 : memref<128xi32, #tpu.memory_space<hbm>>) dst(%arg8 : memref<128xi32, #tpu.memory_space<vmem>>)
      tpu.yield
    }) : () -> ()
    %add3A_21 = arith.constant 128 : i32
    %add3A_22 = arith.addi %mul3A_2, %add3A_21 : i32
    "tpu.region"() ({
      %run_scoped3A = tpu.sem_alloc : memref<!tpu.dma_semaphore, #tpu.memory_space<semaphore_mem>>
      %dma_start3A_157 = tpu.memref_slice %arg4[%add3A_22] : memref<320000xi32, #tpu.memory_space<hbm>> -> memref<128xi32, #tpu.memory_space<hbm>>
      %dma_start3A_158 = tpu.memref_slice %arg4[%add3A_22] : memref<320000xi32, #tpu.memory_space<hbm>> -> memref<128xi32, #tpu.memory_space<hbm>>
      tpu.enqueue_dma source(%dma_start3A_158 : memref<128xi32, #tpu.memory_space<hbm>>) target(%arg11 : memref<128xi32, #tpu.memory_space<vmem>>) target_semaphore(%run_scoped3A : memref<!tpu.dma_semaphore, #tpu.memory_space<semaphore_mem>>)
      %dma_wait3A_159 = tpu.memref_slice %arg4[%add3A_22] : memref<320000xi32, #tpu.memory_space<hbm>> -> memref<128xi32, #tpu.memory_space<hbm>>
      %dma_wait3A_160 = tpu.memref_slice %arg4[%add3A_22] : memref<320000xi32, #tpu.memory_space<hbm>> -> memref<128xi32, #tpu.memory_space<hbm>>
      tpu.wait_dma2 semaphore(%run_scoped3A : memref<!tpu.dma_semaphore, #tpu.memory_space<semaphore_mem>>) src(%dma_wait3A_160 : memref<128xi32, #tpu.memory_space<hbm>>) dst(%arg11 : memref<128xi32, #tpu.memory_space<vmem>>)
      tpu.yield
    }) : () -> ()
    %dma_start3A_23 = arith.constant 0 : i32
    %dma_start3A_24 = arith.constant 0 : i32
    %dma_start3A_25 = tpu.memref_slice %arg2[%dma_start3A_23, %dma_start3A_24] : memref<10000x128xf32, #tpu.memory_space<hbm>> -> memref<10000x128xf32, #tpu.memory_space<hbm>>
    tpu.enqueue_indirect_dma source(%dma_start3A_25 : memref<10000x128xf32, #tpu.memory_space<hbm>>) target(%arg16 : memref<128x128xf32, #tpu.memory_space<vmem>>) offsets(%arg8 : memref<128xi32, #tpu.memory_space<vmem>>) semaphore(%arg19 : memref<!tpu.dma_semaphore, #tpu.memory_space<semaphore_mem>>)
    %dma_wait3A = arith.constant 0 : i32
    %dma_wait3A_26 = arith.constant 0 : i32
    %dma_wait3A_27 = tpu.memref_slice %arg2[%dma_wait3A, %dma_wait3A_26] : memref<10000x128xf32, #tpu.memory_space<hbm>> -> memref<10000x128xf32, #tpu.memory_space<hbm>>
    tpu.wait_indirect_dma semaphore(%arg19 : memref<!tpu.dma_semaphore, #tpu.memory_space<semaphore_mem>>) src(%dma_wait3A_27 : memref<10000x128xf32, #tpu.memory_space<hbm>>) dst(%arg15 : memref<128x128xf32, #tpu.memory_space<vmem>>)
    %dma_start3A_28 = arith.constant 0 : i32
    %dma_start3A_29 = arith.constant 0 : i32
    %dma_start3A_30 = tpu.memref_slice %arg18[%dma_start3A_28, %dma_start3A_29] : memref<10112x128xf32, #tpu.memory_space<vmem_shared>> -> memref<10112x128xf32, #tpu.memory_space<vmem_shared>>
    tpu.enqueue_indirect_dma source(%arg15 : memref<128x128xf32, #tpu.memory_space<vmem>>) target(%dma_start3A_30 : memref<10112x128xf32, #tpu.memory_space<vmem_shared>>) offsets(%arg10 : memref<128xi32, #tpu.memory_space<vmem>>) semaphore(%arg20 : memref<!tpu.dma_semaphore, #tpu.memory_space<semaphore_mem>>) {add = true}
    %add3A_31 = arith.constant 256 : i32
    %add3A_32 = arith.addi %mul3A_2, %add3A_31 : i32
    "tpu.region"() ({
      %run_scoped3A = tpu.sem_alloc : memref<!tpu.dma_semaphore, #tpu.memory_space<semaphore_mem>>
      %dma_start3A_157 = tpu.memref_slice %arg3[%add3A_32] : memref<320000xi32, #tpu.memory_space<hbm>> -> memref<128xi32, #tpu.memory_space<hbm>>
      %dma_start3A_158 = tpu.memref_slice %arg3[%add3A_32] : memref<320000xi32, #tpu.memory_space<hbm>> -> memref<128xi32, #tpu.memory_space<hbm>>
      tpu.enqueue_dma source(%dma_start3A_158 : memref<128xi32, #tpu.memory_space<hbm>>) target(%arg9 : memref<128xi32, #tpu.memory_space<vmem>>) target_semaphore(%run_scoped3A : memref<!tpu.dma_semaphore, #tpu.memory_space<semaphore_mem>>)
      %dma_wait3A_159 = tpu.memref_slice %arg3[%add3A_32] : memref<320000xi32, #tpu.memory_space<hbm>> -> memref<128xi32, #tpu.memory_space<hbm>>
      %dma_wait3A_160 = tpu.memref_slice %arg3[%add3A_32] : memref<320000xi32, #tpu.memory_space<hbm>> -> memref<128xi32, #tpu.memory_space<hbm>>
      tpu.wait_dma2 semaphore(%run_scoped3A : memref<!tpu.dma_semaphore, #tpu.memory_space<semaphore_mem>>) src(%dma_wait3A_160 : memref<128xi32, #tpu.memory_space<hbm>>) dst(%arg9 : memref<128xi32, #tpu.memory_space<vmem>>)
      tpu.yield
    }) : () -> ()
    %add3A_33 = arith.constant 256 : i32
    %add3A_34 = arith.addi %mul3A_2, %add3A_33 : i32
    "tpu.region"() ({
      %run_scoped3A = tpu.sem_alloc : memref<!tpu.dma_semaphore, #tpu.memory_space<semaphore_mem>>
      %dma_start3A_157 = tpu.memref_slice %arg4[%add3A_34] : memref<320000xi32, #tpu.memory_space<hbm>> -> memref<128xi32, #tpu.memory_space<hbm>>
      %dma_start3A_158 = tpu.memref_slice %arg4[%add3A_34] : memref<320000xi32, #tpu.memory_space<hbm>> -> memref<128xi32, #tpu.memory_space<hbm>>
      tpu.enqueue_dma source(%dma_start3A_158 : memref<128xi32, #tpu.memory_space<hbm>>) target(%arg12 : memref<128xi32, #tpu.memory_space<vmem>>) target_semaphore(%run_scoped3A : memref<!tpu.dma_semaphore, #tpu.memory_space<semaphore_mem>>)
      %dma_wait3A_159 = tpu.memref_slice %arg4[%add3A_34] : memref<320000xi32, #tpu.memory_space<hbm>> -> memref<128xi32, #tpu.memory_space<hbm>>
      %dma_wait3A_160 = tpu.memref_slice %arg4[%add3A_34] : memref<320000xi32, #tpu.memory_space<hbm>> -> memref<128xi32, #tpu.memory_space<hbm>>
      tpu.wait_dma2 semaphore(%run_scoped3A : memref<!tpu.dma_semaphore, #tpu.memory_space<semaphore_mem>>) src(%dma_wait3A_160 : memref<128xi32, #tpu.memory_space<hbm>>) dst(%arg12 : memref<128xi32, #tpu.memory_space<vmem>>)
      tpu.yield
    }) : () -> ()
    %dma_start3A_35 = arith.constant 0 : i32
    %dma_start3A_36 = arith.constant 0 : i32
    %dma_start3A_37 = tpu.memref_slice %arg2[%dma_start3A_35, %dma_start3A_36] : memref<10000x128xf32, #tpu.memory_space<hbm>> -> memref<10000x128xf32, #tpu.memory_space<hbm>>
    tpu.enqueue_indirect_dma source(%dma_start3A_37 : memref<10000x128xf32, #tpu.memory_space<hbm>>) target(%arg17 : memref<128x128xf32, #tpu.memory_space<vmem>>) offsets(%arg9 : memref<128xi32, #tpu.memory_space<vmem>>) semaphore(%arg19 : memref<!tpu.dma_semaphore, #tpu.memory_space<semaphore_mem>>)
    %dma_wait3A_38 = arith.constant 0 : i32
    %dma_wait3A_39 = arith.constant 0 : i32
    %dma_wait3A_40 = tpu.memref_slice %arg2[%dma_wait3A_38, %dma_wait3A_39] : memref<10000x128xf32, #tpu.memory_space<hbm>> -> memref<10000x128xf32, #tpu.memory_space<hbm>>
    tpu.wait_indirect_dma semaphore(%arg19 : memref<!tpu.dma_semaphore, #tpu.memory_space<semaphore_mem>>) src(%dma_wait3A_40 : memref<10000x128xf32, #tpu.memory_space<hbm>>) dst(%arg16 : memref<128x128xf32, #tpu.memory_space<vmem>>)
    %dma_start3A_41 = arith.constant 0 : i32
    %dma_start3A_42 = arith.constant 0 : i32
    %dma_start3A_43 = tpu.memref_slice %arg18[%dma_start3A_41, %dma_start3A_42] : memref<10112x128xf32, #tpu.memory_space<vmem_shared>> -> memref<10112x128xf32, #tpu.memory_space<vmem_shared>>
    tpu.enqueue_indirect_dma source(%arg16 : memref<128x128xf32, #tpu.memory_space<vmem>>) target(%dma_start3A_43 : memref<10112x128xf32, #tpu.memory_space<vmem_shared>>) offsets(%arg11 : memref<128xi32, #tpu.memory_space<vmem>>) semaphore(%arg20 : memref<!tpu.dma_semaphore, #tpu.memory_space<semaphore_mem>>) {add = true}
    %scan3A_44 = arith.constant 0 : i32
    %scan3A_45 = arith.constant 0 : i32
    %scan3A_46 = arith.constant 24 : i32
    %scan3A_47 = arith.addi %scan3A_45, %scan3A_46 : i32
    %scan3A_48 = arith.constant 1 : i32
    %scan3A_49 = scf.for %scan3A_157 = %scan3A_45 to %scan3A_47 step %scan3A_48 iter_args(%scan3A_158 = %scan3A_44) -> (i32)  : i32 {
      %mul3A_159 = arith.constant 3 : i32
      %mul3A_160 = arith.muli %mul3A_159, %scan3A_157 : i32
      %add3A_161 = arith.constant 2 : i32
      %add3A_162 = arith.addi %mul3A_160, %add3A_161 : i32
      %dma_wait3A_163 = arith.constant 0 : i32
      %dma_wait3A_164 = arith.constant 0 : i32
      %dma_wait3A_165 = tpu.memref_slice %arg18[%dma_wait3A_163, %dma_wait3A_164] : memref<10112x128xf32, #tpu.memory_space<vmem_shared>> -> memref<10112x128xf32, #tpu.memory_space<vmem_shared>>
      tpu.wait_indirect_dma semaphore(%arg20 : memref<!tpu.dma_semaphore, #tpu.memory_space<semaphore_mem>>) src(%arg15 : memref<128x128xf32, #tpu.memory_space<vmem>>) dst(%dma_wait3A_165 : memref<10112x128xf32, #tpu.memory_space<vmem_shared>>)
      %add3A_166 = arith.constant 1 : i32
      %add3A_167 = arith.addi %add3A_162, %add3A_166 : i32
      %mul3A_168 = arith.constant 128 : i32
      %mul3A_169 = arith.muli %add3A_167, %mul3A_168 : i32
      %add3A_170 = arith.addi %mul3A_2, %mul3A_169 : i32
      "tpu.region"() ({
        %run_scoped3A = tpu.sem_alloc : memref<!tpu.dma_semaphore, #tpu.memory_space<semaphore_mem>>
        %dma_start3A_228 = tpu.memref_slice %arg3[%add3A_170] : memref<320000xi32, #tpu.memory_space<hbm>> -> memref<128xi32, #tpu.memory_space<hbm>>
        %dma_start3A_229 = tpu.memref_slice %arg3[%add3A_170] : memref<320000xi32, #tpu.memory_space<hbm>> -> memref<128xi32, #tpu.memory_space<hbm>>
        tpu.enqueue_dma source(%dma_start3A_229 : memref<128xi32, #tpu.memory_space<hbm>>) target(%arg7 : memref<128xi32, #tpu.memory_space<vmem>>) target_semaphore(%run_scoped3A : memref<!tpu.dma_semaphore, #tpu.memory_space<semaphore_mem>>)
        %dma_wait3A_230 = tpu.memref_slice %arg3[%add3A_170] : memref<320000xi32, #tpu.memory_space<hbm>> -> memref<128xi32, #tpu.memory_space<hbm>>
        %dma_wait3A_231 = tpu.memref_slice %arg3[%add3A_170] : memref<320000xi32, #tpu.memory_space<hbm>> -> memref<128xi32, #tpu.memory_space<hbm>>
        tpu.wait_dma2 semaphore(%run_scoped3A : memref<!tpu.dma_semaphore, #tpu.memory_space<semaphore_mem>>) src(%dma_wait3A_231 : memref<128xi32, #tpu.memory_space<hbm>>) dst(%arg7 : memref<128xi32, #tpu.memory_space<vmem>>)
        tpu.yield
      }) : () -> ()
      %mul3A_171 = arith.constant 128 : i32
      %mul3A_172 = arith.muli %add3A_167, %mul3A_171 : i32
      %add3A_173 = arith.addi %mul3A_2, %mul3A_172 : i32
      "tpu.region"() ({
        %run_scoped3A = tpu.sem_alloc : memref<!tpu.dma_semaphore, #tpu.memory_space<semaphore_mem>>
        %dma_start3A_228 = tpu.memref_slice %arg4[%add3A_173] : memref<320000xi32, #tpu.memory_space<hbm>> -> memref<128xi32, #tpu.memory_space<hbm>>
        %dma_start3A_229 = tpu.memref_slice %arg4[%add3A_173] : memref<320000xi32, #tpu.memory_space<hbm>> -> memref<128xi32, #tpu.memory_space<hbm>>
        tpu.enqueue_dma source(%dma_start3A_229 : memref<128xi32, #tpu.memory_space<hbm>>) target(%arg10 : memref<128xi32, #tpu.memory_space<vmem>>) target_semaphore(%run_scoped3A : memref<!tpu.dma_semaphore, #tpu.memory_space<semaphore_mem>>)
        %dma_wait3A_230 = tpu.memref_slice %arg4[%add3A_173] : memref<320000xi32, #tpu.memory_space<hbm>> -> memref<128xi32, #tpu.memory_space<hbm>>
        %dma_wait3A_231 = tpu.memref_slice %arg4[%add3A_173] : memref<320000xi32, #tpu.memory_space<hbm>> -> memref<128xi32, #tpu.memory_space<hbm>>
        tpu.wait_dma2 semaphore(%run_scoped3A : memref<!tpu.dma_semaphore, #tpu.memory_space<semaphore_mem>>) src(%dma_wait3A_231 : memref<128xi32, #tpu.memory_space<hbm>>) dst(%arg10 : memref<128xi32, #tpu.memory_space<vmem>>)
        tpu.yield
      }) : () -> ()
      %dma_start3A_174 = arith.constant 0 : i32
      %dma_start3A_175 = arith.constant 0 : i32
      %dma_start3A_176 = tpu.memref_slice %arg2[%dma_start3A_174, %dma_start3A_175] : memref<10000x128xf32, #tpu.memory_space<hbm>> -> memref<10000x128xf32, #tpu.memory_space<hbm>>
      tpu.enqueue_indirect_dma source(%dma_start3A_176 : memref<10000x128xf32, #tpu.memory_space<hbm>>) target(%arg15 : memref<128x128xf32, #tpu.memory_space<vmem>>) offsets(%arg7 : memref<128xi32, #tpu.memory_space<vmem>>) semaphore(%arg19 : memref<!tpu.dma_semaphore, #tpu.memory_space<semaphore_mem>>)
      %dma_wait3A_177 = arith.constant 0 : i32
      %dma_wait3A_178 = arith.constant 0 : i32
      %dma_wait3A_179 = tpu.memref_slice %arg2[%dma_wait3A_177, %dma_wait3A_178] : memref<10000x128xf32, #tpu.memory_space<hbm>> -> memref<10000x128xf32, #tpu.memory_space<hbm>>
      tpu.wait_indirect_dma semaphore(%arg19 : memref<!tpu.dma_semaphore, #tpu.memory_space<semaphore_mem>>) src(%dma_wait3A_179 : memref<10000x128xf32, #tpu.memory_space<hbm>>) dst(%arg17 : memref<128x128xf32, #tpu.memory_space<vmem>>)
      %dma_start3A_180 = arith.constant 0 : i32
      %dma_start3A_181 = arith.constant 0 : i32
      %dma_start3A_182 = tpu.memref_slice %arg18[%dma_start3A_180, %dma_start3A_181] : memref<10112x128xf32, #tpu.memory_space<vmem_shared>> -> memref<10112x128xf32, #tpu.memory_space<vmem_shared>>
      tpu.enqueue_indirect_dma source(%arg17 : memref<128x128xf32, #tpu.memory_space<vmem>>) target(%dma_start3A_182 : memref<10112x128xf32, #tpu.memory_space<vmem_shared>>) offsets(%arg12 : memref<128xi32, #tpu.memory_space<vmem>>) semaphore(%arg20 : memref<!tpu.dma_semaphore, #tpu.memory_space<semaphore_mem>>) {add = true}
      %add3A_183 = arith.constant 3 : i32
      %add3A_184 = arith.addi %mul3A_160, %add3A_183 : i32
      %dma_wait3A_185 = arith.constant 0 : i32
      %dma_wait3A_186 = arith.constant 0 : i32
      %dma_wait3A_187 = tpu.memref_slice %arg18[%dma_wait3A_185, %dma_wait3A_186] : memref<10112x128xf32, #tpu.memory_space<vmem_shared>> -> memref<10112x128xf32, #tpu.memory_space<vmem_shared>>
      tpu.wait_indirect_dma semaphore(%arg20 : memref<!tpu.dma_semaphore, #tpu.memory_space<semaphore_mem>>) src(%arg16 : memref<128x128xf32, #tpu.memory_space<vmem>>) dst(%dma_wait3A_187 : memref<10112x128xf32, #tpu.memory_space<vmem_shared>>)
      %add3A_188 = arith.constant 1 : i32
      %add3A_189 = arith.addi %add3A_184, %add3A_188 : i32
      %mul3A_190 = arith.constant 128 : i32
      %mul3A_191 = arith.muli %add3A_189, %mul3A_190 : i32
      %add3A_192 = arith.addi %mul3A_2, %mul3A_191 : i32
      "tpu.region"() ({
        %run_scoped3A = tpu.sem_alloc : memref<!tpu.dma_semaphore, #tpu.memory_space<semaphore_mem>>
        %dma_start3A_228 = tpu.memref_slice %arg3[%add3A_192] : memref<320000xi32, #tpu.memory_space<hbm>> -> memref<128xi32, #tpu.memory_space<hbm>>
        %dma_start3A_229 = tpu.memref_slice %arg3[%add3A_192] : memref<320000xi32, #tpu.memory_space<hbm>> -> memref<128xi32, #tpu.memory_space<hbm>>
        tpu.enqueue_dma source(%dma_start3A_229 : memref<128xi32, #tpu.memory_space<hbm>>) target(%arg8 : memref<128xi32, #tpu.memory_space<vmem>>) target_semaphore(%run_scoped3A : memref<!tpu.dma_semaphore, #tpu.memory_space<semaphore_mem>>)
        %dma_wait3A_230 = tpu.memref_slice %arg3[%add3A_192] : memref<320000xi32, #tpu.memory_space<hbm>> -> memref<128xi32, #tpu.memory_space<hbm>>
        %dma_wait3A_231 = tpu.memref_slice %arg3[%add3A_192] : memref<320000xi32, #tpu.memory_space<hbm>> -> memref<128xi32, #tpu.memory_space<hbm>>
        tpu.wait_dma2 semaphore(%run_scoped3A : memref<!tpu.dma_semaphore, #tpu.memory_space<semaphore_mem>>) src(%dma_wait3A_231 : memref<128xi32, #tpu.memory_space<hbm>>) dst(%arg8 : memref<128xi32, #tpu.memory_space<vmem>>)
        tpu.yield
      }) : () -> ()
      %mul3A_193 = arith.constant 128 : i32
      %mul3A_194 = arith.muli %add3A_189, %mul3A_193 : i32
      %add3A_195 = arith.addi %mul3A_2, %mul3A_194 : i32
      "tpu.region"() ({
        %run_scoped3A = tpu.sem_alloc : memref<!tpu.dma_semaphore, #tpu.memory_space<semaphore_mem>>
        %dma_start3A_228 = tpu.memref_slice %arg4[%add3A_195] : memref<320000xi32, #tpu.memory_space<hbm>> -> memref<128xi32, #tpu.memory_space<hbm>>
        %dma_start3A_229 = tpu.memref_slice %arg4[%add3A_195] : memref<320000xi32, #tpu.memory_space<hbm>> -> memref<128xi32, #tpu.memory_space<hbm>>
        tpu.enqueue_dma source(%dma_start3A_229 : memref<128xi32, #tpu.memory_space<hbm>>) target(%arg11 : memref<128xi32, #tpu.memory_space<vmem>>) target_semaphore(%run_scoped3A : memref<!tpu.dma_semaphore, #tpu.memory_space<semaphore_mem>>)
        %dma_wait3A_230 = tpu.memref_slice %arg4[%add3A_195] : memref<320000xi32, #tpu.memory_space<hbm>> -> memref<128xi32, #tpu.memory_space<hbm>>
        %dma_wait3A_231 = tpu.memref_slice %arg4[%add3A_195] : memref<320000xi32, #tpu.memory_space<hbm>> -> memref<128xi32, #tpu.memory_space<hbm>>
        tpu.wait_dma2 semaphore(%run_scoped3A : memref<!tpu.dma_semaphore, #tpu.memory_space<semaphore_mem>>) src(%dma_wait3A_231 : memref<128xi32, #tpu.memory_space<hbm>>) dst(%arg11 : memref<128xi32, #tpu.memory_space<vmem>>)
        tpu.yield
      }) : () -> ()
      %dma_start3A_196 = arith.constant 0 : i32
      %dma_start3A_197 = arith.constant 0 : i32
      %dma_start3A_198 = tpu.memref_slice %arg2[%dma_start3A_196, %dma_start3A_197] : memref<10000x128xf32, #tpu.memory_space<hbm>> -> memref<10000x128xf32, #tpu.memory_space<hbm>>
      tpu.enqueue_indirect_dma source(%dma_start3A_198 : memref<10000x128xf32, #tpu.memory_space<hbm>>) target(%arg16 : memref<128x128xf32, #tpu.memory_space<vmem>>) offsets(%arg8 : memref<128xi32, #tpu.memory_space<vmem>>) semaphore(%arg19 : memref<!tpu.dma_semaphore, #tpu.memory_space<semaphore_mem>>)
      %dma_wait3A_199 = arith.constant 0 : i32
      %dma_wait3A_200 = arith.constant 0 : i32
      %dma_wait3A_201 = tpu.memref_slice %arg2[%dma_wait3A_199, %dma_wait3A_200] : memref<10000x128xf32, #tpu.memory_space<hbm>> -> memref<10000x128xf32, #tpu.memory_space<hbm>>
      tpu.wait_indirect_dma semaphore(%arg19 : memref<!tpu.dma_semaphore, #tpu.memory_space<semaphore_mem>>) src(%dma_wait3A_201 : memref<10000x128xf32, #tpu.memory_space<hbm>>) dst(%arg15 : memref<128x128xf32, #tpu.memory_space<vmem>>)
      %dma_start3A_202 = arith.constant 0 : i32
      %dma_start3A_203 = arith.constant 0 : i32
      %dma_start3A_204 = tpu.memref_slice %arg18[%dma_start3A_202, %dma_start3A_203] : memref<10112x128xf32, #tpu.memory_space<vmem_shared>> -> memref<10112x128xf32, #tpu.memory_space<vmem_shared>>
      tpu.enqueue_indirect_dma source(%arg15 : memref<128x128xf32, #tpu.memory_space<vmem>>) target(%dma_start3A_204 : memref<10112x128xf32, #tpu.memory_space<vmem_shared>>) offsets(%arg10 : memref<128xi32, #tpu.memory_space<vmem>>) semaphore(%arg20 : memref<!tpu.dma_semaphore, #tpu.memory_space<semaphore_mem>>) {add = true}
      %add3A_205 = arith.constant 4 : i32
      %add3A_206 = arith.addi %mul3A_160, %add3A_205 : i32
      %dma_wait3A_207 = arith.constant 0 : i32
      %dma_wait3A_208 = arith.constant 0 : i32
      %dma_wait3A_209 = tpu.memref_slice %arg18[%dma_wait3A_207, %dma_wait3A_208] : memref<10112x128xf32, #tpu.memory_space<vmem_shared>> -> memref<10112x128xf32, #tpu.memory_space<vmem_shared>>
      tpu.wait_indirect_dma semaphore(%arg20 : memref<!tpu.dma_semaphore, #tpu.memory_space<semaphore_mem>>) src(%arg17 : memref<128x128xf32, #tpu.memory_space<vmem>>) dst(%dma_wait3A_209 : memref<10112x128xf32, #tpu.memory_space<vmem_shared>>)
      %add3A_210 = arith.constant 1 : i32
      %add3A_211 = arith.addi %add3A_206, %add3A_210 : i32
      %mul3A_212 = arith.constant 128 : i32
      %mul3A_213 = arith.muli %add3A_211, %mul3A_212 : i32
      %add3A_214 = arith.addi %mul3A_2, %mul3A_213 : i32
      "tpu.region"() ({
        %run_scoped3A = tpu.sem_alloc : memref<!tpu.dma_semaphore, #tpu.memory_space<semaphore_mem>>
        %dma_start3A_228 = tpu.memref_slice %arg3[%add3A_214] : memref<320000xi32, #tpu.memory_space<hbm>> -> memref<128xi32, #tpu.memory_space<hbm>>
        %dma_start3A_229 = tpu.memref_slice %arg3[%add3A_214] : memref<320000xi32, #tpu.memory_space<hbm>> -> memref<128xi32, #tpu.memory_space<hbm>>
        tpu.enqueue_dma source(%dma_start3A_229 : memref<128xi32, #tpu.memory_space<hbm>>) target(%arg9 : memref<128xi32, #tpu.memory_space<vmem>>) target_semaphore(%run_scoped3A : memref<!tpu.dma_semaphore, #tpu.memory_space<semaphore_mem>>)
        %dma_wait3A_230 = tpu.memref_slice %arg3[%add3A_214] : memref<320000xi32, #tpu.memory_space<hbm>> -> memref<128xi32, #tpu.memory_space<hbm>>
        %dma_wait3A_231 = tpu.memref_slice %arg3[%add3A_214] : memref<320000xi32, #tpu.memory_space<hbm>> -> memref<128xi32, #tpu.memory_space<hbm>>
        tpu.wait_dma2 semaphore(%run_scoped3A : memref<!tpu.dma_semaphore, #tpu.memory_space<semaphore_mem>>) src(%dma_wait3A_231 : memref<128xi32, #tpu.memory_space<hbm>>) dst(%arg9 : memref<128xi32, #tpu.memory_space<vmem>>)
        tpu.yield
      }) : () -> ()
      %mul3A_215 = arith.constant 128 : i32
      %mul3A_216 = arith.muli %add3A_211, %mul3A_215 : i32
      %add3A_217 = arith.addi %mul3A_2, %mul3A_216 : i32
      "tpu.region"() ({
        %run_scoped3A = tpu.sem_alloc : memref<!tpu.dma_semaphore, #tpu.memory_space<semaphore_mem>>
        %dma_start3A_228 = tpu.memref_slice %arg4[%add3A_217] : memref<320000xi32, #tpu.memory_space<hbm>> -> memref<128xi32, #tpu.memory_space<hbm>>
        %dma_start3A_229 = tpu.memref_slice %arg4[%add3A_217] : memref<320000xi32, #tpu.memory_space<hbm>> -> memref<128xi32, #tpu.memory_space<hbm>>
        tpu.enqueue_dma source(%dma_start3A_229 : memref<128xi32, #tpu.memory_space<hbm>>) target(%arg12 : memref<128xi32, #tpu.memory_space<vmem>>) target_semaphore(%run_scoped3A : memref<!tpu.dma_semaphore, #tpu.memory_space<semaphore_mem>>)
        %dma_wait3A_230 = tpu.memref_slice %arg4[%add3A_217] : memref<320000xi32, #tpu.memory_space<hbm>> -> memref<128xi32, #tpu.memory_space<hbm>>
        %dma_wait3A_231 = tpu.memref_slice %arg4[%add3A_217] : memref<320000xi32, #tpu.memory_space<hbm>> -> memref<128xi32, #tpu.memory_space<hbm>>
        tpu.wait_dma2 semaphore(%run_scoped3A : memref<!tpu.dma_semaphore, #tpu.memory_space<semaphore_mem>>) src(%dma_wait3A_231 : memref<128xi32, #tpu.memory_space<hbm>>) dst(%arg12 : memref<128xi32, #tpu.memory_space<vmem>>)
        tpu.yield
      }) : () -> ()
      %dma_start3A_218 = arith.constant 0 : i32
      %dma_start3A_219 = arith.constant 0 : i32
      %dma_start3A_220 = tpu.memref_slice %arg2[%dma_start3A_218, %dma_start3A_219] : memref<10000x128xf32, #tpu.memory_space<hbm>> -> memref<10000x128xf32, #tpu.memory_space<hbm>>
      tpu.enqueue_indirect_dma source(%dma_start3A_220 : memref<10000x128xf32, #tpu.memory_space<hbm>>) target(%arg17 : memref<128x128xf32, #tpu.memory_space<vmem>>) offsets(%arg9 : memref<128xi32, #tpu.memory_space<vmem>>) semaphore(%arg19 : memref<!tpu.dma_semaphore, #tpu.memory_space<semaphore_mem>>)
      %dma_wait3A_221 = arith.constant 0 : i32
      %dma_wait3A_222 = arith.constant 0 : i32
      %dma_wait3A_223 = tpu.memref_slice %arg2[%dma_wait3A_221, %dma_wait3A_222] : memref<10000x128xf32, #tpu.memory_space<hbm>> -> memref<10000x128xf32, #tpu.memory_space<hbm>>
      tpu.wait_indirect_dma semaphore(%arg19 : memref<!tpu.dma_semaphore, #tpu.memory_space<semaphore_mem>>) src(%dma_wait3A_223 : memref<10000x128xf32, #tpu.memory_space<hbm>>) dst(%arg16 : memref<128x128xf32, #tpu.memory_space<vmem>>)
      %dma_start3A_224 = arith.constant 0 : i32
      %dma_start3A_225 = arith.constant 0 : i32
      %dma_start3A_226 = tpu.memref_slice %arg18[%dma_start3A_224, %dma_start3A_225] : memref<10112x128xf32, #tpu.memory_space<vmem_shared>> -> memref<10112x128xf32, #tpu.memory_space<vmem_shared>>
      tpu.enqueue_indirect_dma source(%arg16 : memref<128x128xf32, #tpu.memory_space<vmem>>) target(%dma_start3A_226 : memref<10112x128xf32, #tpu.memory_space<vmem_shared>>) offsets(%arg11 : memref<128xi32, #tpu.memory_space<vmem>>) semaphore(%arg20 : memref<!tpu.dma_semaphore, #tpu.memory_space<semaphore_mem>>) {add = true}
      %scan3A_227 = arith.constant 0 : i32
      scf.yield %scan3A_227 : i32
    }
    %scan3A_50 = arith.constant 24 : i32
    %dma_wait3A_51 = arith.constant 0 : i32
    %dma_wait3A_52 = arith.constant 0 : i32
    %dma_wait3A_53 = tpu.memref_slice %arg18[%dma_wait3A_51, %dma_wait3A_52] : memref<10112x128xf32, #tpu.memory_space<vmem_shared>> -> memref<10112x128xf32, #tpu.memory_space<vmem_shared>>
    tpu.wait_indirect_dma semaphore(%arg20 : memref<!tpu.dma_semaphore, #tpu.memory_space<semaphore_mem>>) src(%arg15 : memref<128x128xf32, #tpu.memory_space<vmem>>) dst(%dma_wait3A_53 : memref<10112x128xf32, #tpu.memory_space<vmem_shared>>)
    %add3A_54 = arith.constant 9600 : i32
    %add3A_55 = arith.addi %mul3A_2, %add3A_54 : i32
    "tpu.region"() ({
      %run_scoped3A = tpu.sem_alloc : memref<!tpu.dma_semaphore, #tpu.memory_space<semaphore_mem>>
      %dma_start3A_157 = tpu.memref_slice %arg3[%add3A_55] : memref<320000xi32, #tpu.memory_space<hbm>> -> memref<128xi32, #tpu.memory_space<hbm>>
      %dma_start3A_158 = tpu.memref_slice %arg3[%add3A_55] : memref<320000xi32, #tpu.memory_space<hbm>> -> memref<128xi32, #tpu.memory_space<hbm>>
      tpu.enqueue_dma source(%dma_start3A_158 : memref<128xi32, #tpu.memory_space<hbm>>) target(%arg7 : memref<128xi32, #tpu.memory_space<vmem>>) target_semaphore(%run_scoped3A : memref<!tpu.dma_semaphore, #tpu.memory_space<semaphore_mem>>)
      %dma_wait3A_159 = tpu.memref_slice %arg3[%add3A_55] : memref<320000xi32, #tpu.memory_space<hbm>> -> memref<128xi32, #tpu.memory_space<hbm>>
      %dma_wait3A_160 = tpu.memref_slice %arg3[%add3A_55] : memref<320000xi32, #tpu.memory_space<hbm>> -> memref<128xi32, #tpu.memory_space<hbm>>
      tpu.wait_dma2 semaphore(%run_scoped3A : memref<!tpu.dma_semaphore, #tpu.memory_space<semaphore_mem>>) src(%dma_wait3A_160 : memref<128xi32, #tpu.memory_space<hbm>>) dst(%arg7 : memref<128xi32, #tpu.memory_space<vmem>>)
      tpu.yield
    }) : () -> ()
    %add3A_56 = arith.constant 9600 : i32
    %add3A_57 = arith.addi %mul3A_2, %add3A_56 : i32
    "tpu.region"() ({
      %run_scoped3A = tpu.sem_alloc : memref<!tpu.dma_semaphore, #tpu.memory_space<semaphore_mem>>
      %dma_start3A_157 = tpu.memref_slice %arg4[%add3A_57] : memref<320000xi32, #tpu.memory_space<hbm>> -> memref<128xi32, #tpu.memory_space<hbm>>
      %dma_start3A_158 = tpu.memref_slice %arg4[%add3A_57] : memref<320000xi32, #tpu.memory_space<hbm>> -> memref<128xi32, #tpu.memory_space<hbm>>
      tpu.enqueue_dma source(%dma_start3A_158 : memref<128xi32, #tpu.memory_space<hbm>>) target(%arg10 : memref<128xi32, #tpu.memory_space<vmem>>) target_semaphore(%run_scoped3A : memref<!tpu.dma_semaphore, #tpu.memory_space<semaphore_mem>>)
      %dma_wait3A_159 = tpu.memref_slice %arg4[%add3A_57] : memref<320000xi32, #tpu.memory_space<hbm>> -> memref<128xi32, #tpu.memory_space<hbm>>
      %dma_wait3A_160 = tpu.memref_slice %arg4[%add3A_57] : memref<320000xi32, #tpu.memory_space<hbm>> -> memref<128xi32, #tpu.memory_space<hbm>>
      tpu.wait_dma2 semaphore(%run_scoped3A : memref<!tpu.dma_semaphore, #tpu.memory_space<semaphore_mem>>) src(%dma_wait3A_160 : memref<128xi32, #tpu.memory_space<hbm>>) dst(%arg10 : memref<128xi32, #tpu.memory_space<vmem>>)
      tpu.yield
    }) : () -> ()
    %dma_start3A_58 = arith.constant 0 : i32
    %dma_start3A_59 = arith.constant 0 : i32
    %dma_start3A_60 = tpu.memref_slice %arg2[%dma_start3A_58, %dma_start3A_59] : memref<10000x128xf32, #tpu.memory_space<hbm>> -> memref<10000x128xf32, #tpu.memory_space<hbm>>
    tpu.enqueue_indirect_dma source(%dma_start3A_60 : memref<10000x128xf32, #tpu.memory_space<hbm>>) target(%arg15 : memref<128x128xf32, #tpu.memory_space<vmem>>) offsets(%arg7 : memref<128xi32, #tpu.memory_space<vmem>>) semaphore(%arg19 : memref<!tpu.dma_semaphore, #tpu.memory_space<semaphore_mem>>)
    %dma_wait3A_61 = arith.constant 0 : i32
    %dma_wait3A_62 = arith.constant 0 : i32
    %dma_wait3A_63 = tpu.memref_slice %arg2[%dma_wait3A_61, %dma_wait3A_62] : memref<10000x128xf32, #tpu.memory_space<hbm>> -> memref<10000x128xf32, #tpu.memory_space<hbm>>
    tpu.wait_indirect_dma semaphore(%arg19 : memref<!tpu.dma_semaphore, #tpu.memory_space<semaphore_mem>>) src(%dma_wait3A_63 : memref<10000x128xf32, #tpu.memory_space<hbm>>) dst(%arg17 : memref<128x128xf32, #tpu.memory_space<vmem>>)
    %dma_start3A_64 = arith.constant 0 : i32
    %dma_start3A_65 = arith.constant 0 : i32
    %dma_start3A_66 = tpu.memref_slice %arg18[%dma_start3A_64, %dma_start3A_65] : memref<10112x128xf32, #tpu.memory_space<vmem_shared>> -> memref<10112x128xf32, #tpu.memory_space<vmem_shared>>
    tpu.enqueue_indirect_dma source(%arg17 : memref<128x128xf32, #tpu.memory_space<vmem>>) target(%dma_start3A_66 : memref<10112x128xf32, #tpu.memory_space<vmem_shared>>) offsets(%arg12 : memref<128xi32, #tpu.memory_space<vmem>>) semaphore(%arg20 : memref<!tpu.dma_semaphore, #tpu.memory_space<semaphore_mem>>) {add = true}
    %dma_wait3A_67 = arith.constant 0 : i32
    %dma_wait3A_68 = arith.constant 0 : i32
    %dma_wait3A_69 = tpu.memref_slice %arg18[%dma_wait3A_67, %dma_wait3A_68] : memref<10112x128xf32, #tpu.memory_space<vmem_shared>> -> memref<10112x128xf32, #tpu.memory_space<vmem_shared>>
    tpu.wait_indirect_dma semaphore(%arg20 : memref<!tpu.dma_semaphore, #tpu.memory_space<semaphore_mem>>) src(%arg16 : memref<128x128xf32, #tpu.memory_space<vmem>>) dst(%dma_wait3A_69 : memref<10112x128xf32, #tpu.memory_space<vmem_shared>>)
    %add3A_70 = arith.constant 9728 : i32
    %add3A_71 = arith.addi %mul3A_2, %add3A_70 : i32
    "tpu.region"() ({
      %run_scoped3A = tpu.sem_alloc : memref<!tpu.dma_semaphore, #tpu.memory_space<semaphore_mem>>
      %dma_start3A_157 = tpu.memref_slice %arg3[%add3A_71] : memref<320000xi32, #tpu.memory_space<hbm>> -> memref<128xi32, #tpu.memory_space<hbm>>
      %dma_start3A_158 = tpu.memref_slice %arg3[%add3A_71] : memref<320000xi32, #tpu.memory_space<hbm>> -> memref<128xi32, #tpu.memory_space<hbm>>
      tpu.enqueue_dma source(%dma_start3A_158 : memref<128xi32, #tpu.memory_space<hbm>>) target(%arg8 : memref<128xi32, #tpu.memory_space<vmem>>) target_semaphore(%run_scoped3A : memref<!tpu.dma_semaphore, #tpu.memory_space<semaphore_mem>>)
      %dma_wait3A_159 = tpu.memref_slice %arg3[%add3A_71] : memref<320000xi32, #tpu.memory_space<hbm>> -> memref<128xi32, #tpu.memory_space<hbm>>
      %dma_wait3A_160 = tpu.memref_slice %arg3[%add3A_71] : memref<320000xi32, #tpu.memory_space<hbm>> -> memref<128xi32, #tpu.memory_space<hbm>>
      tpu.wait_dma2 semaphore(%run_scoped3A : memref<!tpu.dma_semaphore, #tpu.memory_space<semaphore_mem>>) src(%dma_wait3A_160 : memref<128xi32, #tpu.memory_space<hbm>>) dst(%arg8 : memref<128xi32, #tpu.memory_space<vmem>>)
      tpu.yield
    }) : () -> ()
    %add3A_72 = arith.constant 9728 : i32
    %add3A_73 = arith.addi %mul3A_2, %add3A_72 : i32
    "tpu.region"() ({
      %run_scoped3A = tpu.sem_alloc : memref<!tpu.dma_semaphore, #tpu.memory_space<semaphore_mem>>
      %dma_start3A_157 = tpu.memref_slice %arg4[%add3A_73] : memref<320000xi32, #tpu.memory_space<hbm>> -> memref<128xi32, #tpu.memory_space<hbm>>
      %dma_start3A_158 = tpu.memref_slice %arg4[%add3A_73] : memref<320000xi32, #tpu.memory_space<hbm>> -> memref<128xi32, #tpu.memory_space<hbm>>
      tpu.enqueue_dma source(%dma_start3A_158 : memref<128xi32, #tpu.memory_space<hbm>>) target(%arg11 : memref<128xi32, #tpu.memory_space<vmem>>) target_semaphore(%run_scoped3A : memref<!tpu.dma_semaphore, #tpu.memory_space<semaphore_mem>>)
      %dma_wait3A_159 = tpu.memref_slice %arg4[%add3A_73] : memref<320000xi32, #tpu.memory_space<hbm>> -> memref<128xi32, #tpu.memory_space<hbm>>
      %dma_wait3A_160 = tpu.memref_slice %arg4[%add3A_73] : memref<320000xi32, #tpu.memory_space<hbm>> -> memref<128xi32, #tpu.memory_space<hbm>>
      tpu.wait_dma2 semaphore(%run_scoped3A : memref<!tpu.dma_semaphore, #tpu.memory_space<semaphore_mem>>) src(%dma_wait3A_160 : memref<128xi32, #tpu.memory_space<hbm>>) dst(%arg11 : memref<128xi32, #tpu.memory_space<vmem>>)
      tpu.yield
    }) : () -> ()
    %dma_start3A_74 = arith.constant 0 : i32
    %dma_start3A_75 = arith.constant 0 : i32
    %dma_start3A_76 = tpu.memref_slice %arg2[%dma_start3A_74, %dma_start3A_75] : memref<10000x128xf32, #tpu.memory_space<hbm>> -> memref<10000x128xf32, #tpu.memory_space<hbm>>
    tpu.enqueue_indirect_dma source(%dma_start3A_76 : memref<10000x128xf32, #tpu.memory_space<hbm>>) target(%arg16 : memref<128x128xf32, #tpu.memory_space<vmem>>) offsets(%arg8 : memref<128xi32, #tpu.memory_space<vmem>>) semaphore(%arg19 : memref<!tpu.dma_semaphore, #tpu.memory_space<semaphore_mem>>)
    %dma_wait3A_77 = arith.constant 0 : i32
    %dma_wait3A_78 = arith.constant 0 : i32
    %dma_wait3A_79 = tpu.memref_slice %arg2[%dma_wait3A_77, %dma_wait3A_78] : memref<10000x128xf32, #tpu.memory_space<hbm>> -> memref<10000x128xf32, #tpu.memory_space<hbm>>
    tpu.wait_indirect_dma semaphore(%arg19 : memref<!tpu.dma_semaphore, #tpu.memory_space<semaphore_mem>>) src(%dma_wait3A_79 : memref<10000x128xf32, #tpu.memory_space<hbm>>) dst(%arg15 : memref<128x128xf32, #tpu.memory_space<vmem>>)
    %dma_start3A_80 = arith.constant 0 : i32
    %dma_start3A_81 = arith.constant 0 : i32
    %dma_start3A_82 = tpu.memref_slice %arg18[%dma_start3A_80, %dma_start3A_81] : memref<10112x128xf32, #tpu.memory_space<vmem_shared>> -> memref<10112x128xf32, #tpu.memory_space<vmem_shared>>
    tpu.enqueue_indirect_dma source(%arg15 : memref<128x128xf32, #tpu.memory_space<vmem>>) target(%dma_start3A_82 : memref<10112x128xf32, #tpu.memory_space<vmem_shared>>) offsets(%arg10 : memref<128xi32, #tpu.memory_space<vmem>>) semaphore(%arg20 : memref<!tpu.dma_semaphore, #tpu.memory_space<semaphore_mem>>) {add = true}
    %dma_wait3A_83 = arith.constant 0 : i32
    %dma_wait3A_84 = arith.constant 0 : i32
    %dma_wait3A_85 = tpu.memref_slice %arg18[%dma_wait3A_83, %dma_wait3A_84] : memref<10112x128xf32, #tpu.memory_space<vmem_shared>> -> memref<10112x128xf32, #tpu.memory_space<vmem_shared>>
    tpu.wait_indirect_dma semaphore(%arg20 : memref<!tpu.dma_semaphore, #tpu.memory_space<semaphore_mem>>) src(%arg17 : memref<128x128xf32, #tpu.memory_space<vmem>>) dst(%dma_wait3A_85 : memref<10112x128xf32, #tpu.memory_space<vmem_shared>>)
    %add3A_86 = arith.constant 9856 : i32
    %add3A_87 = arith.addi %mul3A_2, %add3A_86 : i32
    "tpu.region"() ({
      %run_scoped3A = tpu.sem_alloc : memref<!tpu.dma_semaphore, #tpu.memory_space<semaphore_mem>>
      %dma_start3A_157 = tpu.memref_slice %arg3[%add3A_87] : memref<320000xi32, #tpu.memory_space<hbm>> -> memref<128xi32, #tpu.memory_space<hbm>>
      %dma_start3A_158 = tpu.memref_slice %arg3[%add3A_87] : memref<320000xi32, #tpu.memory_space<hbm>> -> memref<128xi32, #tpu.memory_space<hbm>>
      tpu.enqueue_dma source(%dma_start3A_158 : memref<128xi32, #tpu.memory_space<hbm>>) target(%arg9 : memref<128xi32, #tpu.memory_space<vmem>>) target_semaphore(%run_scoped3A : memref<!tpu.dma_semaphore, #tpu.memory_space<semaphore_mem>>)
      %dma_wait3A_159 = tpu.memref_slice %arg3[%add3A_87] : memref<320000xi32, #tpu.memory_space<hbm>> -> memref<128xi32, #tpu.memory_space<hbm>>
      %dma_wait3A_160 = tpu.memref_slice %arg3[%add3A_87] : memref<320000xi32, #tpu.memory_space<hbm>> -> memref<128xi32, #tpu.memory_space<hbm>>
      tpu.wait_dma2 semaphore(%run_scoped3A : memref<!tpu.dma_semaphore, #tpu.memory_space<semaphore_mem>>) src(%dma_wait3A_160 : memref<128xi32, #tpu.memory_space<hbm>>) dst(%arg9 : memref<128xi32, #tpu.memory_space<vmem>>)
      tpu.yield
    }) : () -> ()
    %add3A_88 = arith.constant 9856 : i32
    %add3A_89 = arith.addi %mul3A_2, %add3A_88 : i32
    "tpu.region"() ({
      %run_scoped3A = tpu.sem_alloc : memref<!tpu.dma_semaphore, #tpu.memory_space<semaphore_mem>>
      %dma_start3A_157 = tpu.memref_slice %arg4[%add3A_89] : memref<320000xi32, #tpu.memory_space<hbm>> -> memref<128xi32, #tpu.memory_space<hbm>>
      %dma_start3A_158 = tpu.memref_slice %arg4[%add3A_89] : memref<320000xi32, #tpu.memory_space<hbm>> -> memref<128xi32, #tpu.memory_space<hbm>>
      tpu.enqueue_dma source(%dma_start3A_158 : memref<128xi32, #tpu.memory_space<hbm>>) target(%arg12 : memref<128xi32, #tpu.memory_space<vmem>>) target_semaphore(%run_scoped3A : memref<!tpu.dma_semaphore, #tpu.memory_space<semaphore_mem>>)
      %dma_wait3A_159 = tpu.memref_slice %arg4[%add3A_89] : memref<320000xi32, #tpu.memory_space<hbm>> -> memref<128xi32, #tpu.memory_space<hbm>>
      %dma_wait3A_160 = tpu.memref_slice %arg4[%add3A_89] : memref<320000xi32, #tpu.memory_space<hbm>> -> memref<128xi32, #tpu.memory_space<hbm>>
      tpu.wait_dma2 semaphore(%run_scoped3A : memref<!tpu.dma_semaphore, #tpu.memory_space<semaphore_mem>>) src(%dma_wait3A_160 : memref<128xi32, #tpu.memory_space<hbm>>) dst(%arg12 : memref<128xi32, #tpu.memory_space<vmem>>)
      tpu.yield
    }) : () -> ()
    %dma_start3A_90 = arith.constant 0 : i32
    %dma_start3A_91 = arith.constant 0 : i32
    %dma_start3A_92 = tpu.memref_slice %arg2[%dma_start3A_90, %dma_start3A_91] : memref<10000x128xf32, #tpu.memory_space<hbm>> -> memref<10000x128xf32, #tpu.memory_space<hbm>>
    tpu.enqueue_indirect_dma source(%dma_start3A_92 : memref<10000x128xf32, #tpu.memory_space<hbm>>) target(%arg17 : memref<128x128xf32, #tpu.memory_space<vmem>>) offsets(%arg9 : memref<128xi32, #tpu.memory_space<vmem>>) semaphore(%arg19 : memref<!tpu.dma_semaphore, #tpu.memory_space<semaphore_mem>>)
    %dma_wait3A_93 = arith.constant 0 : i32
    %dma_wait3A_94 = arith.constant 0 : i32
    %dma_wait3A_95 = tpu.memref_slice %arg2[%dma_wait3A_93, %dma_wait3A_94] : memref<10000x128xf32, #tpu.memory_space<hbm>> -> memref<10000x128xf32, #tpu.memory_space<hbm>>
    tpu.wait_indirect_dma semaphore(%arg19 : memref<!tpu.dma_semaphore, #tpu.memory_space<semaphore_mem>>) src(%dma_wait3A_95 : memref<10000x128xf32, #tpu.memory_space<hbm>>) dst(%arg16 : memref<128x128xf32, #tpu.memory_space<vmem>>)
    %dma_start3A_96 = arith.constant 0 : i32
    %dma_start3A_97 = arith.constant 0 : i32
    %dma_start3A_98 = tpu.memref_slice %arg18[%dma_start3A_96, %dma_start3A_97] : memref<10112x128xf32, #tpu.memory_space<vmem_shared>> -> memref<10112x128xf32, #tpu.memory_space<vmem_shared>>
    tpu.enqueue_indirect_dma source(%arg16 : memref<128x128xf32, #tpu.memory_space<vmem>>) target(%dma_start3A_98 : memref<10112x128xf32, #tpu.memory_space<vmem_shared>>) offsets(%arg11 : memref<128xi32, #tpu.memory_space<vmem>>) semaphore(%arg20 : memref<!tpu.dma_semaphore, #tpu.memory_space<semaphore_mem>>) {add = true}
    %dma_wait3A_99 = arith.constant 0 : i32
    %dma_wait3A_100 = arith.constant 0 : i32
    %dma_wait3A_101 = tpu.memref_slice %arg18[%dma_wait3A_99, %dma_wait3A_100] : memref<10112x128xf32, #tpu.memory_space<vmem_shared>> -> memref<10112x128xf32, #tpu.memory_space<vmem_shared>>
    tpu.wait_indirect_dma semaphore(%arg20 : memref<!tpu.dma_semaphore, #tpu.memory_space<semaphore_mem>>) src(%arg15 : memref<128x128xf32, #tpu.memory_space<vmem>>) dst(%dma_wait3A_101 : memref<10112x128xf32, #tpu.memory_space<vmem_shared>>)
    %dma_wait3A_102 = arith.constant 0 : i32
    %dma_wait3A_103 = arith.constant 0 : i32
    %dma_wait3A_104 = tpu.memref_slice %arg2[%dma_wait3A_102, %dma_wait3A_103] : memref<10000x128xf32, #tpu.memory_space<hbm>> -> memref<10000x128xf32, #tpu.memory_space<hbm>>
    tpu.wait_indirect_dma semaphore(%arg19 : memref<!tpu.dma_semaphore, #tpu.memory_space<semaphore_mem>>) src(%dma_wait3A_104 : memref<10000x128xf32, #tpu.memory_space<hbm>>) dst(%arg17 : memref<128x128xf32, #tpu.memory_space<vmem>>)
    %dma_start3A_105 = arith.constant 0 : i32
    %dma_start3A_106 = arith.constant 0 : i32
    %dma_start3A_107 = tpu.memref_slice %arg18[%dma_start3A_105, %dma_start3A_106] : memref<10112x128xf32, #tpu.memory_space<vmem_shared>> -> memref<10112x128xf32, #tpu.memory_space<vmem_shared>>
    tpu.enqueue_indirect_dma source(%arg17 : memref<128x128xf32, #tpu.memory_space<vmem>>) target(%dma_start3A_107 : memref<10112x128xf32, #tpu.memory_space<vmem_shared>>) offsets(%arg12 : memref<128xi32, #tpu.memory_space<vmem>>) semaphore(%arg20 : memref<!tpu.dma_semaphore, #tpu.memory_space<semaphore_mem>>) {add = true}
    %add3A_108 = arith.constant 9984 : i32
    %add3A_109 = arith.addi %mul3A_2, %add3A_108 : i32
    "tpu.region"() ({
      %run_scoped3A = tpu.sem_alloc : memref<!tpu.dma_semaphore, #tpu.memory_space<semaphore_mem>>
      %dma_start3A_157 = tpu.memref_slice %arg3[%add3A_109] : memref<320000xi32, #tpu.memory_space<hbm>> -> memref<16xi32, #tpu.memory_space<hbm>>
      %dma_start3A_158 = tpu.memref_slice %arg3[%add3A_109] : memref<320000xi32, #tpu.memory_space<hbm>> -> memref<16xi32, #tpu.memory_space<hbm>>
      tpu.enqueue_dma source(%dma_start3A_158 : memref<16xi32, #tpu.memory_space<hbm>>) target(%arg13 : memref<16xi32, #tpu.memory_space<vmem>>) target_semaphore(%run_scoped3A : memref<!tpu.dma_semaphore, #tpu.memory_space<semaphore_mem>>)
      %dma_wait3A_159 = tpu.memref_slice %arg3[%add3A_109] : memref<320000xi32, #tpu.memory_space<hbm>> -> memref<16xi32, #tpu.memory_space<hbm>>
      %dma_wait3A_160 = tpu.memref_slice %arg3[%add3A_109] : memref<320000xi32, #tpu.memory_space<hbm>> -> memref<16xi32, #tpu.memory_space<hbm>>
      tpu.wait_dma2 semaphore(%run_scoped3A : memref<!tpu.dma_semaphore, #tpu.memory_space<semaphore_mem>>) src(%dma_wait3A_160 : memref<16xi32, #tpu.memory_space<hbm>>) dst(%arg13 : memref<16xi32, #tpu.memory_space<vmem>>)
      tpu.yield
    }) : () -> ()
    %add3A_110 = arith.constant 9984 : i32
    %add3A_111 = arith.addi %mul3A_2, %add3A_110 : i32
    "tpu.region"() ({
      %run_scoped3A = tpu.sem_alloc : memref<!tpu.dma_semaphore, #tpu.memory_space<semaphore_mem>>
      %dma_start3A_157 = tpu.memref_slice %arg4[%add3A_111] : memref<320000xi32, #tpu.memory_space<hbm>> -> memref<16xi32, #tpu.memory_space<hbm>>
      %dma_start3A_158 = tpu.memref_slice %arg4[%add3A_111] : memref<320000xi32, #tpu.memory_space<hbm>> -> memref<16xi32, #tpu.memory_space<hbm>>
      tpu.enqueue_dma source(%dma_start3A_158 : memref<16xi32, #tpu.memory_space<hbm>>) target(%arg14 : memref<16xi32, #tpu.memory_space<vmem>>) target_semaphore(%run_scoped3A : memref<!tpu.dma_semaphore, #tpu.memory_space<semaphore_mem>>)
      %dma_wait3A_159 = tpu.memref_slice %arg4[%add3A_111] : memref<320000xi32, #tpu.memory_space<hbm>> -> memref<16xi32, #tpu.memory_space<hbm>>
      %dma_wait3A_160 = tpu.memref_slice %arg4[%add3A_111] : memref<320000xi32, #tpu.memory_space<hbm>> -> memref<16xi32, #tpu.memory_space<hbm>>
      tpu.wait_dma2 semaphore(%run_scoped3A : memref<!tpu.dma_semaphore, #tpu.memory_space<semaphore_mem>>) src(%dma_wait3A_160 : memref<16xi32, #tpu.memory_space<hbm>>) dst(%arg14 : memref<16xi32, #tpu.memory_space<vmem>>)
      tpu.yield
    }) : () -> ()
    %dma_start3A_112 = arith.constant 0 : i32
    %dma_start3A_113 = arith.constant 0 : i32
    %dma_start3A_114 = tpu.memref_slice %arg15[%dma_start3A_112, %dma_start3A_113] : memref<128x128xf32, #tpu.memory_space<vmem>> -> memref<16x128xf32, #tpu.memory_space<vmem>>
    %dma_start3A_115 = arith.constant 0 : i32
    %dma_start3A_116 = arith.constant 0 : i32
    %dma_start3A_117 = tpu.memref_slice %arg2[%dma_start3A_115, %dma_start3A_116] : memref<10000x128xf32, #tpu.memory_space<hbm>> -> memref<10000x128xf32, #tpu.memory_space<hbm>>
    tpu.enqueue_indirect_dma source(%dma_start3A_117 : memref<10000x128xf32, #tpu.memory_space<hbm>>) target(%dma_start3A_114 : memref<16x128xf32, #tpu.memory_space<vmem>>) offsets(%arg13 : memref<16xi32, #tpu.memory_space<vmem>>) semaphore(%arg19 : memref<!tpu.dma_semaphore, #tpu.memory_space<semaphore_mem>>)
    %dma_wait3A_118 = arith.constant 0 : i32
    %dma_wait3A_119 = arith.constant 0 : i32
    %dma_wait3A_120 = tpu.memref_slice %arg15[%dma_wait3A_118, %dma_wait3A_119] : memref<128x128xf32, #tpu.memory_space<vmem>> -> memref<16x128xf32, #tpu.memory_space<vmem>>
    %dma_wait3A_121 = arith.constant 0 : i32
    %dma_wait3A_122 = arith.constant 0 : i32
    %dma_wait3A_123 = tpu.memref_slice %arg2[%dma_wait3A_121, %dma_wait3A_122] : memref<10000x128xf32, #tpu.memory_space<hbm>> -> memref<10000x128xf32, #tpu.memory_space<hbm>>
    tpu.wait_indirect_dma semaphore(%arg19 : memref<!tpu.dma_semaphore, #tpu.memory_space<semaphore_mem>>) src(%dma_wait3A_123 : memref<10000x128xf32, #tpu.memory_space<hbm>>) dst(%dma_wait3A_120 : memref<16x128xf32, #tpu.memory_space<vmem>>)
    %dma_start3A_124 = arith.constant 0 : i32
    %dma_start3A_125 = arith.constant 0 : i32
    %dma_start3A_126 = tpu.memref_slice %arg15[%dma_start3A_124, %dma_start3A_125] : memref<128x128xf32, #tpu.memory_space<vmem>> -> memref<16x128xf32, #tpu.memory_space<vmem>>
    %dma_start3A_127 = arith.constant 0 : i32
    %dma_start3A_128 = arith.constant 0 : i32
    %dma_start3A_129 = tpu.memref_slice %arg18[%dma_start3A_127, %dma_start3A_128] : memref<10112x128xf32, #tpu.memory_space<vmem_shared>> -> memref<10112x128xf32, #tpu.memory_space<vmem_shared>>
    tpu.enqueue_indirect_dma source(%dma_start3A_126 : memref<16x128xf32, #tpu.memory_space<vmem>>) target(%dma_start3A_129 : memref<10112x128xf32, #tpu.memory_space<vmem_shared>>) offsets(%arg14 : memref<16xi32, #tpu.memory_space<vmem>>) semaphore(%arg20 : memref<!tpu.dma_semaphore, #tpu.memory_space<semaphore_mem>>) {add = true}
    %dma_wait3A_130 = arith.constant 0 : i32
    %dma_wait3A_131 = arith.constant 0 : i32
    %dma_wait3A_132 = tpu.memref_slice %arg18[%dma_wait3A_130, %dma_wait3A_131] : memref<10112x128xf32, #tpu.memory_space<vmem_shared>> -> memref<10112x128xf32, #tpu.memory_space<vmem_shared>>
    tpu.wait_indirect_dma semaphore(%arg20 : memref<!tpu.dma_semaphore, #tpu.memory_space<semaphore_mem>>) src(%arg16 : memref<128x128xf32, #tpu.memory_space<vmem>>) dst(%dma_wait3A_132 : memref<10112x128xf32, #tpu.memory_space<vmem_shared>>)
    %dma_wait3A_133 = arith.constant 0 : i32
    %dma_wait3A_134 = arith.constant 0 : i32
    %dma_wait3A_135 = tpu.memref_slice %arg18[%dma_wait3A_133, %dma_wait3A_134] : memref<10112x128xf32, #tpu.memory_space<vmem_shared>> -> memref<10112x128xf32, #tpu.memory_space<vmem_shared>>
    tpu.wait_indirect_dma semaphore(%arg20 : memref<!tpu.dma_semaphore, #tpu.memory_space<semaphore_mem>>) src(%arg17 : memref<128x128xf32, #tpu.memory_space<vmem>>) dst(%dma_wait3A_135 : memref<10112x128xf32, #tpu.memory_space<vmem_shared>>)
    %dma_wait3A_136 = arith.constant 0 : i32
    %dma_wait3A_137 = arith.constant 0 : i32
    %dma_wait3A_138 = tpu.memref_slice %arg15[%dma_wait3A_136, %dma_wait3A_137] : memref<128x128xf32, #tpu.memory_space<vmem>> -> memref<16x128xf32, #tpu.memory_space<vmem>>
    %dma_wait3A_139 = arith.constant 0 : i32
    %dma_wait3A_140 = arith.constant 0 : i32
    %dma_wait3A_141 = tpu.memref_slice %arg18[%dma_wait3A_139, %dma_wait3A_140] : memref<10112x128xf32, #tpu.memory_space<vmem_shared>> -> memref<10112x128xf32, #tpu.memory_space<vmem_shared>>
    tpu.wait_indirect_dma semaphore(%arg20 : memref<!tpu.dma_semaphore, #tpu.memory_space<semaphore_mem>>) src(%dma_wait3A_138 : memref<16x128xf32, #tpu.memory_space<vmem>>) dst(%dma_wait3A_141 : memref<10112x128xf32, #tpu.memory_space<vmem_shared>>)
    %barrier3A_142 = arith.constant 0 : index
    tpu.barrier barrier_id(%barrier3A_142)
    %scan3A_143 = arith.constant 0 : i32
    %scan3A_144 = arith.constant 0 : i32
    %scan3A_145 = arith.constant 4 : i32
    %scan3A_146 = arith.addi %scan3A_144, %scan3A_145 : i32
    %scan3A_147 = arith.constant 1 : i32
    %scan3A_148 = scf.for %scan3A_157 = %scan3A_144 to %scan3A_146 step %scan3A_147 iter_args(%scan3A_158 = %scan3A_143) -> (i32)  : i32 {
      %mul3A_159 = arith.constant 632 : i32
      %mul3A_160 = arith.muli %arg1, %mul3A_159 : i32
      %mul3A_161 = arith.constant 128 : i32
      %mul3A_162 = arith.muli %scan3A_157, %mul3A_161 : i32
      %add3A_163 = arith.addi %mul3A_160, %mul3A_162 : i32
      "tpu.region"() ({
        %run_scoped3A = tpu.sem_alloc : memref<!tpu.dma_semaphore, #tpu.memory_space<semaphore_mem>>
        %dma_start3A_168 = arith.constant 0 : i32
        %dma_start3A_169 = tpu.memref_slice %arg18[%add3A_163, %dma_start3A_168] : memref<10112x128xf32, #tpu.memory_space<vmem_shared>> -> memref<128x128xf32, #tpu.memory_space<vmem_shared>>
        %dma_start3A_170 = arith.constant 0 : i32
        %dma_start3A_171 = tpu.memref_slice %arg18[%add3A_163, %dma_start3A_170] : memref<10112x128xf32, #tpu.memory_space<vmem_shared>> -> memref<128x128xf32, #tpu.memory_space<vmem_shared>>
        tpu.enqueue_dma source(%dma_start3A_171 : memref<128x128xf32, #tpu.memory_space<vmem_shared>>) target(%arg15 : memref<128x128xf32, #tpu.memory_space<vmem>>) target_semaphore(%run_scoped3A : memref<!tpu.dma_semaphore, #tpu.memory_space<semaphore_mem>>)
        %dma_wait3A_172 = arith.constant 0 : i32
        %dma_wait3A_173 = tpu.memref_slice %arg18[%add3A_163, %dma_wait3A_172] : memref<10112x128xf32, #tpu.memory_space<vmem_shared>> -> memref<128x128xf32, #tpu.memory_space<vmem_shared>>
        %dma_wait3A_174 = arith.constant 0 : i32
        %dma_wait3A_175 = tpu.memref_slice %arg18[%add3A_163, %dma_wait3A_174] : memref<10112x128xf32, #tpu.memory_space<vmem_shared>> -> memref<128x128xf32, #tpu.memory_space<vmem_shared>>
        tpu.wait_dma2 semaphore(%run_scoped3A : memref<!tpu.dma_semaphore, #tpu.memory_space<semaphore_mem>>) src(%dma_wait3A_175 : memref<128x128xf32, #tpu.memory_space<vmem_shared>>) dst(%arg15 : memref<128x128xf32, #tpu.memory_space<vmem>>)
        tpu.yield
      }) : () -> ()
      %mul3A_164 = arith.constant 10112 : i32
      %mul3A_165 = arith.muli %arg0, %mul3A_164 : i32
      %add3A_166 = arith.addi %mul3A_165, %add3A_163 : i32
      "tpu.region"() ({
        %run_scoped3A = tpu.sem_alloc : memref<!tpu.dma_semaphore, #tpu.memory_space<semaphore_mem>>
        %dma_start3A_168 = arith.constant 0 : i32
        %dma_start3A_169 = tpu.memref_slice %arg6[%add3A_166, %dma_start3A_168] : memref<20224x128xf32, #tpu.memory_space<hbm>> -> memref<128x128xf32, #tpu.memory_space<hbm>>
        %dma_start3A_170 = arith.constant 0 : i32
        %dma_start3A_171 = tpu.memref_slice %arg6[%add3A_166, %dma_start3A_170] : memref<20224x128xf32, #tpu.memory_space<hbm>> -> memref<128x128xf32, #tpu.memory_space<hbm>>
        tpu.enqueue_dma source(%arg15 : memref<128x128xf32, #tpu.memory_space<vmem>>) target(%dma_start3A_171 : memref<128x128xf32, #tpu.memory_space<hbm>>) target_semaphore(%run_scoped3A : memref<!tpu.dma_semaphore, #tpu.memory_space<semaphore_mem>>)
        %dma_wait3A_172 = arith.constant 0 : i32
        %dma_wait3A_173 = tpu.memref_slice %arg6[%add3A_166, %dma_wait3A_172] : memref<20224x128xf32, #tpu.memory_space<hbm>> -> memref<128x128xf32, #tpu.memory_space<hbm>>
        %dma_wait3A_174 = arith.constant 0 : i32
        %dma_wait3A_175 = tpu.memref_slice %arg6[%add3A_166, %dma_wait3A_174] : memref<20224x128xf32, #tpu.memory_space<hbm>> -> memref<128x128xf32, #tpu.memory_space<hbm>>
        tpu.wait_dma2 semaphore(%run_scoped3A : memref<!tpu.dma_semaphore, #tpu.memory_space<semaphore_mem>>) src(%arg15 : memref<128x128xf32, #tpu.memory_space<vmem>>) dst(%dma_wait3A_175 : memref<128x128xf32, #tpu.memory_space<hbm>>)
        tpu.yield
      }) : () -> ()
      %scan3A_167 = arith.constant 0 : i32
      scf.yield %scan3A_167 : i32
    }
    %scan3A_149 = arith.constant 4 : i32
    %mul3A_150 = arith.constant 632 : i32
    %mul3A_151 = arith.muli %arg1, %mul3A_150 : i32
    %add3A_152 = arith.constant 512 : i32
    %add3A_153 = arith.addi %mul3A_151, %add3A_152 : i32
    "tpu.region"() ({
      %run_scoped3A = tpu.sem_alloc : memref<!tpu.dma_semaphore, #tpu.memory_space<semaphore_mem>>
      %dma_start3A_157 = arith.constant 0 : i32
      %dma_start3A_158 = arith.constant 0 : i32
      %dma_start3A_159 = tpu.memref_slice %arg15[%dma_start3A_157, %dma_start3A_158] : memref<128x128xf32, #tpu.memory_space<vmem>> -> memref<120x128xf32, #tpu.memory_space<vmem>>
      %dma_start3A_160 = arith.constant 0 : i32
      %dma_start3A_161 = tpu.memref_slice %arg18[%add3A_153, %dma_start3A_160] : memref<10112x128xf32, #tpu.memory_space<vmem_shared>> -> memref<120x128xf32, #tpu.memory_space<vmem_shared>>
      %dma_start3A_162 = arith.constant 0 : i32
      %dma_start3A_163 = arith.constant 0 : i32
      %dma_start3A_164 = tpu.memref_slice %arg15[%dma_start3A_162, %dma_start3A_163] : memref<128x128xf32, #tpu.memory_space<vmem>> -> memref<120x128xf32, #tpu.memory_space<vmem>>
      %dma_start3A_165 = arith.constant 0 : i32
      %dma_start3A_166 = tpu.memref_slice %arg18[%add3A_153, %dma_start3A_165] : memref<10112x128xf32, #tpu.memory_space<vmem_shared>> -> memref<120x128xf32, #tpu.memory_space<vmem_shared>>
      tpu.enqueue_dma source(%dma_start3A_166 : memref<120x128xf32, #tpu.memory_space<vmem_shared>>) target(%dma_start3A_164 : memref<120x128xf32, #tpu.memory_space<vmem>>) target_semaphore(%run_scoped3A : memref<!tpu.dma_semaphore, #tpu.memory_space<semaphore_mem>>)
      %dma_wait3A_167 = arith.constant 0 : i32
      %dma_wait3A_168 = arith.constant 0 : i32
      %dma_wait3A_169 = tpu.memref_slice %arg15[%dma_wait3A_167, %dma_wait3A_168] : memref<128x128xf32, #tpu.memory_space<vmem>> -> memref<120x128xf32, #tpu.memory_space<vmem>>
      %dma_wait3A_170 = arith.constant 0 : i32
      %dma_wait3A_171 = tpu.memref_slice %arg18[%add3A_153, %dma_wait3A_170] : memref<10112x128xf32, #tpu.memory_space<vmem_shared>> -> memref<120x128xf32, #tpu.memory_space<vmem_shared>>
      %dma_wait3A_172 = arith.constant 0 : i32
      %dma_wait3A_173 = arith.constant 0 : i32
      %dma_wait3A_174 = tpu.memref_slice %arg15[%dma_wait3A_172, %dma_wait3A_173] : memref<128x128xf32, #tpu.memory_space<vmem>> -> memref<120x128xf32, #tpu.memory_space<vmem>>
      %dma_wait3A_175 = arith.constant 0 : i32
      %dma_wait3A_176 = tpu.memref_slice %arg18[%add3A_153, %dma_wait3A_175] : memref<10112x128xf32, #tpu.memory_space<vmem_shared>> -> memref<120x128xf32, #tpu.memory_space<vmem_shared>>
      tpu.wait_dma2 semaphore(%run_scoped3A : memref<!tpu.dma_semaphore, #tpu.memory_space<semaphore_mem>>) src(%dma_wait3A_176 : memref<120x128xf32, #tpu.memory_space<vmem_shared>>) dst(%dma_wait3A_174 : memref<120x128xf32, #tpu.memory_space<vmem>>)
      tpu.yield
    }) : () -> ()
    %mul3A_154 = arith.constant 10112 : i32
    %mul3A_155 = arith.muli %arg0, %mul3A_154 : i32
    %add3A_156 = arith.addi %mul3A_155, %add3A_153 : i32
    "tpu.region"() ({
      %run_scoped3A = tpu.sem_alloc : memref<!tpu.dma_semaphore, #tpu.memory_space<semaphore_mem>>
      %dma_start3A_157 = arith.constant 0 : i32
      %dma_start3A_158 = arith.constant 0 : i32
      %dma_start3A_159 = tpu.memref_slice %arg15[%dma_start3A_157, %dma_start3A_158] : memref<128x128xf32, #tpu.memory_space<vmem>> -> memref<120x128xf32, #tpu.memory_space<vmem>>
      %dma_start3A_160 = arith.constant 0 : i32
      %dma_start3A_161 = tpu.memref_slice %arg6[%add3A_156, %dma_start3A_160] : memref<20224x128xf32, #tpu.memory_space<hbm>> -> memref<120x128xf32, #tpu.memory_space<hbm>>
      %dma_start3A_162 = arith.constant 0 : i32
      %dma_start3A_163 = tpu.memref_slice %arg6[%add3A_156, %dma_start3A_162] : memref<20224x128xf32, #tpu.memory_space<hbm>> -> memref<120x128xf32, #tpu.memory_space<hbm>>
      %dma_start3A_164 = arith.constant 0 : i32
      %dma_start3A_165 = arith.constant 0 : i32
      %dma_start3A_166 = tpu.memref_slice %arg15[%dma_start3A_164, %dma_start3A_165] : memref<128x128xf32, #tpu.memory_space<vmem>> -> memref<120x128xf32, #tpu.memory_space<vmem>>
      tpu.enqueue_dma source(%dma_start3A_166 : memref<120x128xf32, #tpu.memory_space<vmem>>) target(%dma_start3A_163 : memref<120x128xf32, #tpu.memory_space<hbm>>) target_semaphore(%run_scoped3A : memref<!tpu.dma_semaphore, #tpu.memory_space<semaphore_mem>>)
      %dma_wait3A_167 = arith.constant 0 : i32
      %dma_wait3A_168 = arith.constant 0 : i32
      %dma_wait3A_169 = tpu.memref_slice %arg15[%dma_wait3A_167, %dma_wait3A_168] : memref<128x128xf32, #tpu.memory_space<vmem>> -> memref<120x128xf32, #tpu.memory_space<vmem>>
      %dma_wait3A_170 = arith.constant 0 : i32
      %dma_wait3A_171 = tpu.memref_slice %arg6[%add3A_156, %dma_wait3A_170] : memref<20224x128xf32, #tpu.memory_space<hbm>> -> memref<120x128xf32, #tpu.memory_space<hbm>>
      %dma_wait3A_172 = arith.constant 0 : i32
      %dma_wait3A_173 = tpu.memref_slice %arg6[%add3A_156, %dma_wait3A_172] : memref<20224x128xf32, #tpu.memory_space<hbm>> -> memref<120x128xf32, #tpu.memory_space<hbm>>
      %dma_wait3A_174 = arith.constant 0 : i32
      %dma_wait3A_175 = arith.constant 0 : i32
      %dma_wait3A_176 = tpu.memref_slice %arg15[%dma_wait3A_174, %dma_wait3A_175] : memref<128x128xf32, #tpu.memory_space<vmem>> -> memref<120x128xf32, #tpu.memory_space<vmem>>
      tpu.wait_dma2 semaphore(%run_scoped3A : memref<!tpu.dma_semaphore, #tpu.memory_space<semaphore_mem>>) src(%dma_wait3A_176 : memref<120x128xf32, #tpu.memory_space<vmem>>) dst(%dma_wait3A_173 : memref<120x128xf32, #tpu.memory_space<hbm>>)
      tpu.yield
    }) : () -> ()
    return
  }
}

module attributes {stable_mosaic.version = 14 : i64} {
  func.func @_xw_body(%arg0: i32, %arg1: memref<2000x128xf32, #tpu.memory_space<vmem>>, %arg2: memref<128x128xf32, #tpu.memory_space<vmem>>, %arg3: memref<2000x128xf32, #tpu.memory_space<vmem>>) attributes {dimension_semantics = [#tpu.dimension_semantics<arbitrary>], iteration_bounds = array<i64: 5>, scalar_prefetch = 0 : i64, scratch_operands = 0 : i64, tpu.core_type = #tpu.core_type<tc>, window_params = [{transform_indices = @transform_0, window_bounds = array<i64: 2000, 128>}, {pipeline_mode = #tpu.pipeline_mode<synchronous>, transform_indices = @transform_1, window_bounds = array<i64: 128, 128>}, {transform_indices = @transform_2, window_bounds = array<i64: 2000, 128>}]} {
    %get3A = arith.constant 0 : index
    %get3A_0 = arith.constant 0 : index
    %get3A_1 = vector.load %arg1[%get3A, %get3A_0] : memref<2000x128xf32, #tpu.memory_space<vmem>>, vector<2000x128xf32>
    %get3A_2 = arith.constant 0 : index
    %get3A_3 = arith.constant 0 : index
    %get3A_4 = vector.load %arg2[%get3A_2, %get3A_3] : memref<128x128xf32, #tpu.memory_space<vmem>>, vector<128x128xf32>
    %dot_general3A = arith.constant dense<0.000000e+00> : vector<2000x128xf32>
    %dot_general3A_5 = tpu.matmul %get3A_1, %get3A_4, %dot_general3A {dimension_numbers = #tpu.dot_dimension_numbers<[1], [0], [0], [1], [0, 0, 1, 1], [], []>, transpose_lhs_hint = false} : vector<2000x128xf32>, vector<128x128xf32>, vector<2000x128xf32> -> vector<2000x128xf32>
    %swap3A = arith.constant 0 : index
    %swap3A_6 = arith.constant 0 : index
    %swap3A_7 = vector.load %arg3[%swap3A, %swap3A_6] : memref<2000x128xf32, #tpu.memory_space<vmem>>, vector<2000x128xf32>
    tpu.vector_store %arg3[%swap3A, %swap3A_6], %dot_general3A_5 {strides = array<i32>} : memref<2000x128xf32, #tpu.memory_space<vmem>>, vector<2000x128xf32>,
    return
  }
  func.func @transform_0(%arg0: i32) -> (i32, i32) {
    %c0_i32 = arith.constant 0 : i32
    %c0_i32_0 = arith.constant 0 : i32
    return %arg0, %c0_i32 : i32, i32
  }
  func.func @transform_1(%arg0: i32) -> (i32, i32) {
    %c0_i32 = arith.constant 0 : i32
    %c0_i32_0 = arith.constant 0 : i32
    %c0_i32_1 = arith.constant 0 : i32
    return %c0_i32, %c0_i32_0 : i32, i32
  }
  func.func @transform_2(%arg0: i32) -> (i32, i32) {
    %c0_i32 = arith.constant 0 : i32
    %c0_i32_0 = arith.constant 0 : i32
    return %arg0, %c0_i32 : i32, i32
  }
}

module attributes {stable_mosaic.version = 14 : i64} {
  func.func @_scale_body(%arg0: i32, %arg1: memref<2x2000x16xf32, #tpu.memory_space<vmem>>, %arg2: memref<2000x128xf32, #tpu.memory_space<vmem>>, %arg3: memref<2000x128xf32, #tpu.memory_space<vmem>>, %arg4: memref<2000x128xf32, #tpu.memory_space<vmem>>) attributes {dimension_semantics = [#tpu.dimension_semantics<arbitrary>], iteration_bounds = array<i64: 5>, scalar_prefetch = 0 : i64, scratch_operands = 0 : i64, tpu.core_type = #tpu.core_type<tc>, window_params = [{transform_indices = @transform_0, window_bounds = array<i64: 2, 2000, 16>}, {transform_indices = @transform_1, window_bounds = array<i64: 2000, 128>}, {transform_indices = @transform_2, window_bounds = array<i64: 2000, 128>}, {transform_indices = @transform_3, window_bounds = array<i64: 2000, 128>}]} {
    %get3A = arith.constant 0 : index
    %get3A_0 = arith.constant 0 : index
    %get3A_1 = arith.constant 0 : index
    %get3A_2 = vector.load %arg1[%get3A, %get3A_0, %get3A_1] : memref<2x2000x16xf32, #tpu.memory_space<vmem>>, vector<1x2000x1xf32>
    %get3A_3 = vector.shape_cast %get3A_2 : vector<1x2000x1xf32> to vector<2000x1xf32>
    %get3A_4 = arith.constant 1 : index
    %get3A_5 = arith.constant 0 : index
    %get3A_6 = arith.constant 0 : index
    %get3A_7 = vector.load %arg1[%get3A_4, %get3A_5, %get3A_6] : memref<2x2000x16xf32, #tpu.memory_space<vmem>>, vector<1x2000x1xf32>
    %get3A_8 = vector.shape_cast %get3A_7 : vector<1x2000x1xf32> to vector<2000x1xf32>
    %add3A = arith.addf %get3A_3, %get3A_8 : vector<2000x1xf32>
    %add3A_9 = arith.constant 1.000000e+00 : f32
    %add3A_10 = vector.broadcast %add3A_9 : f32 to vector<2000x1xf32>
    %add3A_11 = arith.addf %add3A, %add3A_10 : vector<2000x1xf32>
    %rsqrt3A = math.rsqrt %add3A_11 : vector<2000x1xf32>
    %broadcast_in_dim3A = vector.shape_cast %rsqrt3A : vector<2000x1xf32> to vector<2000x1xf32>
    %broadcast_in_dim3A_12 = vector.broadcast %broadcast_in_dim3A : vector<2000x1xf32> to vector<2000x128xf32>
    %swap3A = arith.constant 0 : index
    %swap3A_13 = arith.constant 0 : index
    %swap3A_14 = vector.load %arg3[%swap3A, %swap3A_13] : memref<2000x128xf32, #tpu.memory_space<vmem>>, vector<2000x128xf32>
    tpu.vector_store %arg3[%swap3A, %swap3A_13], %broadcast_in_dim3A_12 {strides = array<i32>} : memref<2000x128xf32, #tpu.memory_space<vmem>>, vector<2000x128xf32>,
    %get3A_15 = arith.constant 0 : index
    %get3A_16 = arith.constant 0 : index
    %get3A_17 = vector.load %arg2[%get3A_15, %get3A_16] : memref<2000x128xf32, #tpu.memory_space<vmem>>, vector<2000x128xf32>
    %mul3A = arith.mulf %get3A_17, %broadcast_in_dim3A_12 : vector<2000x128xf32>
    %swap3A_18 = arith.constant 0 : index
    %swap3A_19 = arith.constant 0 : index
    %swap3A_20 = vector.load %arg4[%swap3A_18, %swap3A_19] : memref<2000x128xf32, #tpu.memory_space<vmem>>, vector<2000x128xf32>
    tpu.vector_store %arg4[%swap3A_18, %swap3A_19], %mul3A {strides = array<i32>} : memref<2000x128xf32, #tpu.memory_space<vmem>>, vector<2000x128xf32>,
    return
  }
  func.func @transform_0(%arg0: i32) -> (i32, i32, i32) {
    %c0_i32 = arith.constant 0 : i32
    %c0_i32_0 = arith.constant 0 : i32
    %c0_i32_1 = arith.constant 0 : i32
    return %c0_i32, %arg0, %c0_i32_0 : i32, i32, i32
  }
  func.func @transform_1(%arg0: i32) -> (i32, i32) {
    %c0_i32 = arith.constant 0 : i32
    %c0_i32_0 = arith.constant 0 : i32
    return %arg0, %c0_i32 : i32, i32
  }
  func.func @transform_2(%arg0: i32) -> (i32, i32) {
    %c0_i32 = arith.constant 0 : i32
    %c0_i32_0 = arith.constant 0 : i32
    return %arg0, %c0_i32 : i32, i32
  }
  func.func @transform_3(%arg0: i32) -> (i32, i32) {
    %c0_i32 = arith.constant 0 : i32
    %c0_i32_0 = arith.constant 0 : i32
    return %arg0, %c0_i32 : i32, i32
  }
}

module attributes {stable_mosaic.version = 14 : i64} {
  func.func @_mid_body(%arg0: i32, %arg1: memref<2x2000x128xf32, #tpu.memory_space<vmem>>, %arg2: memref<2000x128xf32, #tpu.memory_space<vmem>>, %arg3: memref<2000x128xf32, #tpu.memory_space<vmem>>, %arg4: memref<1x128xf32, #tpu.memory_space<vmem>>, %arg5: memref<128x128xf32, #tpu.memory_space<vmem>>, %arg6: memref<2000x128xf32, #tpu.memory_space<vmem>>) attributes {dimension_semantics = [#tpu.dimension_semantics<arbitrary>], iteration_bounds = array<i64: 5>, scalar_prefetch = 0 : i64, scratch_operands = 0 : i64, tpu.core_type = #tpu.core_type<tc>, window_params = [{transform_indices = @transform_0, window_bounds = array<i64: 2, 2000, 128>}, {transform_indices = @transform_1, window_bounds = array<i64: 2000, 128>}, {transform_indices = @transform_2, window_bounds = array<i64: 2000, 128>}, {pipeline_mode = #tpu.pipeline_mode<synchronous>, transform_indices = @transform_3, window_bounds = array<i64: 1, 128>}, {pipeline_mode = #tpu.pipeline_mode<synchronous>, transform_indices = @transform_4, window_bounds = array<i64: 128, 128>}, {transform_indices = @transform_5, window_bounds = array<i64: 2000, 128>}]} {
    %get3A = arith.constant 0 : index
    %get3A_0 = arith.constant 0 : index
    %get3A_1 = arith.constant 0 : index
    %get3A_2 = vector.load %arg1[%get3A, %get3A_0, %get3A_1] : memref<2x2000x128xf32, #tpu.memory_space<vmem>>, vector<1x2000x128xf32>
    %get3A_3 = vector.shape_cast %get3A_2 : vector<1x2000x128xf32> to vector<2000x128xf32>
    %get3A_4 = arith.constant 1 : index
    %get3A_5 = arith.constant 0 : index
    %get3A_6 = arith.constant 0 : index
    %get3A_7 = vector.load %arg1[%get3A_4, %get3A_5, %get3A_6] : memref<2x2000x128xf32, #tpu.memory_space<vmem>>, vector<1x2000x128xf32>
    %get3A_8 = vector.shape_cast %get3A_7 : vector<1x2000x128xf32> to vector<2000x128xf32>
    %add3A = arith.addf %get3A_3, %get3A_8 : vector<2000x128xf32>
    %get3A_9 = arith.constant 0 : index
    %get3A_10 = arith.constant 0 : index
    %get3A_11 = vector.load %arg2[%get3A_9, %get3A_10] : memref<2000x128xf32, #tpu.memory_space<vmem>>, vector<2000x128xf32>
    %add3A_12 = arith.addf %add3A, %get3A_11 : vector<2000x128xf32>
    %get3A_13 = arith.constant 0 : index
    %get3A_14 = arith.constant 0 : index
    %get3A_15 = vector.load %arg3[%get3A_13, %get3A_14] : memref<2000x128xf32, #tpu.memory_space<vmem>>, vector<2000x128xf32>
    %mul3A = arith.mulf %add3A_12, %get3A_15 : vector<2000x128xf32>
    %get3A_16 = arith.constant 0 : index
    %get3A_17 = arith.constant 0 : index
    %get3A_18 = vector.load %arg4[%get3A_16, %get3A_17] : memref<1x128xf32, #tpu.memory_space<vmem>>, vector<1x128xf32>
    %add3A_19 = vector.broadcast %get3A_18 : vector<1x128xf32> to vector<2000x128xf32>
    %add3A_20 = arith.addf %mul3A, %add3A_19 : vector<2000x128xf32>
    %max3A = arith.constant 0.000000e+00 : f32
    %max3A_21 = vector.broadcast %max3A : f32 to vector<2000x128xf32>
    %max3A_22 = arith.maximumf %add3A_20, %max3A_21 : vector<2000x128xf32>
    %get3A_23 = arith.constant 0 : index
    %get3A_24 = arith.constant 0 : index
    %get3A_25 = vector.load %arg5[%get3A_23, %get3A_24] : memref<128x128xf32, #tpu.memory_space<vmem>>, vector<128x128xf32>
    %dot_general3A = arith.constant dense<0.000000e+00> : vector<2000x128xf32>
    %dot_general3A_26 = tpu.matmul %max3A_22, %get3A_25, %dot_general3A {dimension_numbers = #tpu.dot_dimension_numbers<[1], [0], [0], [1], [0, 0, 1, 1], [], []>, transpose_lhs_hint = false} : vector<2000x128xf32>, vector<128x128xf32>, vector<2000x128xf32> -> vector<2000x128xf32>
    %get3A_27 = arith.constant 0 : index
    %get3A_28 = arith.constant 0 : index
    %get3A_29 = vector.load %arg3[%get3A_27, %get3A_28] : memref<2000x128xf32, #tpu.memory_space<vmem>>, vector<2000x128xf32>
    %mul3A_30 = arith.mulf %dot_general3A_26, %get3A_29 : vector<2000x128xf32>
    %swap3A = arith.constant 0 : index
    %swap3A_31 = arith.constant 0 : index
    %swap3A_32 = vector.load %arg6[%swap3A, %swap3A_31] : memref<2000x128xf32, #tpu.memory_space<vmem>>, vector<2000x128xf32>
    tpu.vector_store %arg6[%swap3A, %swap3A_31], %mul3A_30 {strides = array<i32>} : memref<2000x128xf32, #tpu.memory_space<vmem>>, vector<2000x128xf32>,
    return
  }
  func.func @transform_0(%arg0: i32) -> (i32, i32, i32) {
    %c0_i32 = arith.constant 0 : i32
    %c0_i32_0 = arith.constant 0 : i32
    %c0_i32_1 = arith.constant 0 : i32
    return %c0_i32, %arg0, %c0_i32_0 : i32, i32, i32
  }
  func.func @transform_1(%arg0: i32) -> (i32, i32) {
    %c0_i32 = arith.constant 0 : i32
    %c0_i32_0 = arith.constant 0 : i32
    return %arg0, %c0_i32 : i32, i32
  }
  func.func @transform_2(%arg0: i32) -> (i32, i32) {
    %c0_i32 = arith.constant 0 : i32
    %c0_i32_0 = arith.constant 0 : i32
    return %arg0, %c0_i32 : i32, i32
  }
  func.func @transform_3(%arg0: i32) -> (i32, i32) {
    %c0_i32 = arith.constant 0 : i32
    %c0_i32_0 = arith.constant 0 : i32
    %c0_i32_1 = arith.constant 0 : i32
    return %c0_i32, %c0_i32_0 : i32, i32
  }
  func.func @transform_4(%arg0: i32) -> (i32, i32) {
    %c0_i32 = arith.constant 0 : i32
    %c0_i32_0 = arith.constant 0 : i32
    %c0_i32_1 = arith.constant 0 : i32
    return %c0_i32, %c0_i32_0 : i32, i32
  }
  func.func @transform_5(%arg0: i32) -> (i32, i32) {
    %c0_i32 = arith.constant 0 : i32
    %c0_i32_0 = arith.constant 0 : i32
    return %arg0, %c0_i32 : i32, i32
  }
}

module attributes {stable_mosaic.version = 14 : i64} {
  func.func @_pool_body(%arg0: i32, %arg1: memref<2x2000x128xf32, #tpu.memory_space<vmem>>, %arg2: memref<2000x128xf32, #tpu.memory_space<vmem>>, %arg3: memref<2000x128xf32, #tpu.memory_space<vmem>>, %arg4: memref<1x128xf32, #tpu.memory_space<vmem>>, %arg5: memref<1x1x2000xi32, #tpu.memory_space<vmem>>, %arg6: memref<64x128xf32, #tpu.memory_space<vmem>>, %arg7: memref<64x128xf32, #tpu.memory_space<vmem>>, %arg8: memref<64x128xf32, #tpu.memory_space<vmem>>) attributes {dimension_semantics = [#tpu.dimension_semantics<arbitrary>], iteration_bounds = array<i64: 5>, scalar_prefetch = 0 : i64, scratch_operands = 2 : i64, tpu.core_type = #tpu.core_type<tc>, window_params = [{transform_indices = @transform_0, window_bounds = array<i64: 2, 2000, 128>}, {transform_indices = @transform_1, window_bounds = array<i64: 2000, 128>}, {transform_indices = @transform_2, window_bounds = array<i64: 2000, 128>}, {pipeline_mode = #tpu.pipeline_mode<synchronous>, transform_indices = @transform_3, window_bounds = array<i64: 1, 128>}, {transform_indices = @transform_4, window_bounds = array<i64: 1, 1, 2000>}, {pipeline_mode = #tpu.pipeline_mode<synchronous>, transform_indices = @transform_5, window_bounds = array<i64: 64, 128>}]} {
    %eq3A = arith.constant 0 : i32
    %eq3A_0 = arith.cmpi eq, %arg0, %eq3A : i32
    %convert_element_type3A = arith.extui %eq3A_0 : i1 to i32
    %cond3A = arith.constant 0 : i32
    %cond3A_1 = arith.cmpi ne, %convert_element_type3A, %cond3A : i32
    scf.if %cond3A_1 {
      %broadcast_in_dim3A_61 = arith.constant 0.000000e+00 : f32
      %broadcast_in_dim3A_62 = vector.broadcast %broadcast_in_dim3A_61 : f32 to vector<64x128xf32>
      %swap3A_63 = arith.constant 0 : index
      %swap3A_64 = arith.constant 0 : index
      %swap3A_65 = vector.load %arg7[%swap3A_63, %swap3A_64] : memref<64x128xf32, #tpu.memory_space<vmem>>, vector<64x128xf32>
      tpu.vector_store %arg7[%swap3A_63, %swap3A_64], %broadcast_in_dim3A_62 {strides = array<i32>} : memref<64x128xf32, #tpu.memory_space<vmem>>, vector<64x128xf32>,
      %broadcast_in_dim3A_66 = arith.constant 0.000000e+00 : f32
      %broadcast_in_dim3A_67 = vector.broadcast %broadcast_in_dim3A_66 : f32 to vector<64x128xf32>
      %swap3A_68 = arith.constant 0 : index
      %swap3A_69 = arith.constant 0 : index
      %swap3A_70 = vector.load %arg8[%swap3A_68, %swap3A_69] : memref<64x128xf32, #tpu.memory_space<vmem>>, vector<64x128xf32>
      tpu.vector_store %arg8[%swap3A_68, %swap3A_69], %broadcast_in_dim3A_67 {strides = array<i32>} : memref<64x128xf32, #tpu.memory_space<vmem>>, vector<64x128xf32>,
    } else {
    }
    %get3A = arith.constant 0 : index
    %get3A_2 = arith.constant 0 : index
    %get3A_3 = arith.constant 0 : index
    %get3A_4 = vector.load %arg1[%get3A, %get3A_2, %get3A_3] : memref<2x2000x128xf32, #tpu.memory_space<vmem>>, vector<1x2000x128xf32>
    %get3A_5 = vector.shape_cast %get3A_4 : vector<1x2000x128xf32> to vector<2000x128xf32>
    %get3A_6 = arith.constant 1 : index
    %get3A_7 = arith.constant 0 : index
    %get3A_8 = arith.constant 0 : index
    %get3A_9 = vector.load %arg1[%get3A_6, %get3A_7, %get3A_8] : memref<2x2000x128xf32, #tpu.memory_space<vmem>>, vector<1x2000x128xf32>
    %get3A_10 = vector.shape_cast %get3A_9 : vector<1x2000x128xf32> to vector<2000x128xf32>
    %add3A = arith.addf %get3A_5, %get3A_10 : vector<2000x128xf32>
    %get3A_11 = arith.constant 0 : index
    %get3A_12 = arith.constant 0 : index
    %get3A_13 = vector.load %arg2[%get3A_11, %get3A_12] : memref<2000x128xf32, #tpu.memory_space<vmem>>, vector<2000x128xf32>
    %add3A_14 = arith.addf %add3A, %get3A_13 : vector<2000x128xf32>
    %get3A_15 = arith.constant 0 : index
    %get3A_16 = arith.constant 0 : index
    %get3A_17 = vector.load %arg3[%get3A_15, %get3A_16] : memref<2000x128xf32, #tpu.memory_space<vmem>>, vector<2000x128xf32>
    %mul3A = arith.mulf %add3A_14, %get3A_17 : vector<2000x128xf32>
    %get3A_18 = arith.constant 0 : index
    %get3A_19 = arith.constant 0 : index
    %get3A_20 = vector.load %arg4[%get3A_18, %get3A_19] : memref<1x128xf32, #tpu.memory_space<vmem>>, vector<1x128xf32>
    %add3A_21 = vector.broadcast %get3A_20 : vector<1x128xf32> to vector<2000x128xf32>
    %add3A_22 = arith.addf %mul3A, %add3A_21 : vector<2000x128xf32>
    %get3A_23 = arith.constant 0 : index
    %get3A_24 = arith.constant 0 : index
    %get3A_25 = arith.constant 0 : index
    %get3A_26 = vector.load %arg5[%get3A_23, %get3A_24, %get3A_25] : memref<1x1x2000xi32, #tpu.memory_space<vmem>>, vector<1x1x2000xi32>
    %get3A_27 = vector.shape_cast %get3A_26 : vector<1x1x2000xi32> to vector<2000xi32>
    %broadcast_in_dim3A = vector.shape_cast %get3A_27 : vector<2000xi32> to vector<1x2000xi32>
    %iota3A = tpu.iota {dimensions = array<i32: 0>} : vector<64x2000xi32>
    %eq3A_28 = vector.broadcast %broadcast_in_dim3A : vector<1x2000xi32> to vector<64x2000xi32>
    %eq3A_29 = arith.cmpi eq, %eq3A_28, %iota3A : vector<64x2000xi32>
    %convert_element_type3A_30 = arith.extui %eq3A_29 : vector<64x2000xi1> to vector<64x2000xi32>
    %convert_element_type3A_31 = arith.sitofp %convert_element_type3A_30 : vector<64x2000xi32> to vector<64x2000xf32>
    %get3A_32 = arith.constant 0 : index
    %get3A_33 = arith.constant 0 : index
    %get3A_34 = vector.load %arg7[%get3A_32, %get3A_33] : memref<64x128xf32, #tpu.memory_space<vmem>>, vector<64x128xf32>
    %dot_general3A = arith.constant dense<0.000000e+00> : vector<64x128xf32>
    %dot_general3A_35 = tpu.matmul %convert_element_type3A_31, %add3A_22, %dot_general3A {dimension_numbers = #tpu.dot_dimension_numbers<[1], [0], [0], [1], [0, 0, 1, 1], [], []>, transpose_lhs_hint = false} : vector<64x2000xf32>, vector<2000x128xf32>, vector<64x128xf32> -> vector<64x128xf32>
    %add3A_36 = arith.addf %get3A_34, %dot_general3A_35 : vector<64x128xf32>
    %swap3A = arith.constant 0 : index
    %swap3A_37 = arith.constant 0 : index
    %swap3A_38 = vector.load %arg7[%swap3A, %swap3A_37] : memref<64x128xf32, #tpu.memory_space<vmem>>, vector<64x128xf32>
    tpu.vector_store %arg7[%swap3A, %swap3A_37], %add3A_36 {strides = array<i32>} : memref<64x128xf32, #tpu.memory_space<vmem>>, vector<64x128xf32>,
    %get3A_39 = arith.constant 0 : index
    %get3A_40 = arith.constant 0 : index
    %get3A_41 = vector.load %arg8[%get3A_39, %get3A_40] : memref<64x128xf32, #tpu.memory_space<vmem>>, vector<64x128xf32>
    %reduce_sum3A = arith.constant dense<0.000000e+00> : vector<64xf32>
    %reduce_sum3A_42 = vector.multi_reduction <add>, %convert_element_type3A_31, %reduce_sum3A [1] : vector<64x2000xf32> to vector<64xf32>
    %broadcast_in_dim3A_43 = vector.shape_cast %reduce_sum3A_42 : vector<64xf32> to vector<64x1xf32>
    %broadcast_in_dim3A_44 = vector.shape_cast %broadcast_in_dim3A_43 : vector<64x1xf32> to vector<64x1xf32>
    %broadcast_in_dim3A_45 = vector.broadcast %broadcast_in_dim3A_44 : vector<64x1xf32> to vector<64x128xf32>
    %add3A_46 = arith.addf %get3A_41, %broadcast_in_dim3A_45 : vector<64x128xf32>
    %swap3A_47 = arith.constant 0 : index
    %swap3A_48 = arith.constant 0 : index
    %swap3A_49 = vector.load %arg8[%swap3A_47, %swap3A_48] : memref<64x128xf32, #tpu.memory_space<vmem>>, vector<64x128xf32>
    tpu.vector_store %arg8[%swap3A_47, %swap3A_48], %add3A_46 {strides = array<i32>} : memref<64x128xf32, #tpu.memory_space<vmem>>, vector<64x128xf32>,
    %get3A_50 = arith.constant 0 : index
    %get3A_51 = arith.constant 0 : index
    %get3A_52 = vector.load %arg7[%get3A_50, %get3A_51] : memref<64x128xf32, #tpu.memory_space<vmem>>, vector<64x128xf32>
    %get3A_53 = arith.constant 0 : index
    %get3A_54 = arith.constant 0 : index
    %get3A_55 = vector.load %arg8[%get3A_53, %get3A_54] : memref<64x128xf32, #tpu.memory_space<vmem>>, vector<64x128xf32>
    %max3A = arith.constant 1.000000e+00 : f32
    %max3A_56 = vector.broadcast %max3A : f32 to vector<64x128xf32>
    %max3A_57 = arith.maximumf %get3A_55, %max3A_56 : vector<64x128xf32>
    %div3A = arith.divf %get3A_52, %max3A_57 : vector<64x128xf32>
    %swap3A_58 = arith.constant 0 : index
    %swap3A_59 = arith.constant 0 : index
    %swap3A_60 = vector.load %arg6[%swap3A_58, %swap3A_59] : memref<64x128xf32, #tpu.memory_space<vmem>>, vector<64x128xf32>
    tpu.vector_store %arg6[%swap3A_58, %swap3A_59], %div3A {strides = array<i32>} : memref<64x128xf32, #tpu.memory_space<vmem>>, vector<64x128xf32>,
    return
  }
  func.func @transform_0(%arg0: i32) -> (i32, i32, i32) {
    %c0_i32 = arith.constant 0 : i32
    %c0_i32_0 = arith.constant 0 : i32
    %c0_i32_1 = arith.constant 0 : i32
    return %c0_i32, %arg0, %c0_i32_0 : i32, i32, i32
  }
  func.func @transform_1(%arg0: i32) -> (i32, i32) {
    %c0_i32 = arith.constant 0 : i32
    %c0_i32_0 = arith.constant 0 : i32
    return %arg0, %c0_i32 : i32, i32
  }
  func.func @transform_2(%arg0: i32) -> (i32, i32) {
    %c0_i32 = arith.constant 0 : i32
    %c0_i32_0 = arith.constant 0 : i32
    return %arg0, %c0_i32 : i32, i32
  }
  func.func @transform_3(%arg0: i32) -> (i32, i32) {
    %c0_i32 = arith.constant 0 : i32
    %c0_i32_0 = arith.constant 0 : i32
    %c0_i32_1 = arith.constant 0 : i32
    return %c0_i32, %c0_i32_0 : i32, i32
  }
  func.func @transform_4(%arg0: i32) -> (i32, i32, i32) {
    %c0_i32 = arith.constant 0 : i32
    %c0_i32_0 = arith.constant 0 : i32
    %c0_i32_1 = arith.constant 0 : i32
    return %arg0, %c0_i32, %c0_i32_0 : i32, i32, i32
  }
  func.func @transform_5(%arg0: i32) -> (i32, i32) {
    %c0_i32 = arith.constant 0 : i32
    %c0_i32_0 = arith.constant 0 : i32
    %c0_i32_1 = arith.constant 0 : i32
    return %c0_i32, %c0_i32_0 : i32, i32
  }
}

</mosaic_0001>

<sc_bundles>
// kernel: sc_degree.3.cloned.1.call-start
scs
__scs_entry_jumppad:
0x0: {  	(pc) =	sbr.rel $0x88, $3  }
0x1: {  	(tag) =	ssettag $0x0;
	lr =	simm.s32 $0x1  }
0x2: {  	[smem:$0x3F98] =	sst lr;
	_ =	strace $0xD0000000  }
0x3: {  	_ = 	snop  }
0x4: {  	_ = 	snop  }
0x5: {  	_ = 	snop  }
0x6: {  	_ = 	snop  }
0x7: {  	_ = 	snop  }
__scs_overlays_trampoline_lowered:
0x8: {  	[smem:$0x3FA7] =	sst s0  }
0x9: {  	[smem:$0x3FA8] =	sst s1  }
0xa: {  	[smem:$0x3FA9] =	sst s2  }
0xb: {  	[smem:$0x3FAA] =	sst s3  }
0xc: {  	[smem:$0x3FAB] =	sst s4  }
0xd: {  	[smem:$0x3FAC] =	sst s5  }
0xe: {  	[smem:$0x3FAD] =	sst s6  }
0xf: {  	[smem:$0x3FAE] =	sst s7  }
0x10: {  	[smem:$0x3FAF] =	sst s8  }
0x11: {  	[smem:$0x3FB0] =	sst s9;
	s0 =	simm.s32 @!p0 $0x0  }
0x12: {  	s1 =	sld [smem:$0x3F96];
	s0 =	simm.s32 @p0 $0x1  }
0x13: {  	[smem:$0x3FB1] =	sst s0;
	s0 =	simm.s32 @!p1 $0x0  }
0x14: {  	s2 =	sld [smem:$0x3F95];
	s0 =	simm.s32 @p1 $0x1  }
0x15: {  	[smem:$0x3FB2] =	sst s0;
	s0 =	simm.s32 @!p2 $0x0  }
0x16: {  	s3 =	sld [smem:$0x3FDB];
	s0 =	simm.s32 @p2 $0x1  }
0x17: {  	s4 =	simm.s32 $0x1BF5;
	[smem:$0x3FB4] =	sst s0  }
0x18: {  	s0 =	sld [smem:$0x3F97];
	_ =	swait.ge [sflag:s4], $0x0  }
0x19: {  	s7 =	sld [smem:$0x3F98]  }
0x1a: {  	s8 =	sadd.s32 $0xFFFFE003, lr  }
0x1b: {  	s9 =	sadd.s32 $0xFFFFFEF7, lr;
	s5 =	simm.s32 $0xFFFFFFFF;
	p2 =	slt.u32 s8, $0xFFFFF086  }
0x1c: {  	p1 =	slt.u32 s9, $0xF7A;
	s5 =	simm.s32 @!p2 $0x0  }
0x1d: {  	s5 =	simm.s32 @p1 $0x1;
	p0 =	seq.s32 s7, s2  }
0x1e: {  	s7 =	smul.u32 @!p0 $0xF7A, s2;
	p2 =	seq.s32 @!p0 s5, $0x0  }
0x1f: {  	s9 =	smul.u32 $0xF7A, s1;
	s8 =	simm.s32 @!p0 $0x1BF5;
	p2 =	por !p2, p0  }
0x20: {  	[sflag:s8] =	ssyncset.s32 @!p0 $0xFFFFF086;
	s6 =	sadd.s32 @!p0 s3, s7;
	s7 =	simm.s32 @!p0 $0x108  }
0x21: {  	s3 =	sadd.s32 s3, s9;
	s6 =	sadd.s32 @!p0 $0x88, s6;
	s7 =	simm.s32 @p2 $0x1082  }
0x22: {  	[simem:s7], [sflag:s8] =	dma.local @!p0 [hbm:s6], $0xF7A  }
0x23: {  	s9 =	sor.u32 $0xD0000000, s2;
	s6 =	simm.s32 $0x108;
	_ =	swait.ge @!p0 [sflag:s8], $0x0  }
0x24: {  	s3 =	sadd.s32 $0x88, s3;
	s6 =	simm.s32 @!p1 $0x1082;
	[sflag:s4] =	ssyncset.s32 $0xFFFFF086  }
0x25: {  	[simem:s6], [sflag:s4] =	dma.local [hbm:s3], $0xF7A  }
0x26: {  	[smem:$0x3F98] =	sst s1;
	(tag) =	ssettag s2;
	_ =	strace s9  }
0x27: {  	s1 =	sld [smem:$0x3FA8]  }
0x28: {  	s2 =	sld [smem:$0x3FA9]  }
0x29: {  	s4 =	sld [smem:$0x3FAB]  }
0x2a: {  	p0 =	seq.s32 s5, $0x0;
	s5 =	sld [smem:$0x3FAC]  }
0x2b: {  	s6 =	sld [smem:$0x3FAD]  }
0x2c: {  	s7 =	sld [smem:$0x3FAE]  }
0x2d: {  	s3 =	simm.s32 $0x108;
	s8 =	sld [smem:$0x3FAF]  }
0x2e: {  	s3 =	simm.s32 @!p0 $0x1082;
	s9 =	sld [smem:$0x3FB0]  }
0x2f: {  	lr =	sadd.s32 s0, s3;
	s0 =	sld [smem:$0x3FA7]  }
0x30: {  	s3 =	sld [smem:$0x3FAA]  }
0x31: {  	[smem:$0x3FB3] =	sst s10  }
0x32: {  	s10 =	sld [smem:$0x3FB1];
	_ =	sdelay $0x3  }
0x33: {  	p0 =	seq.s32 s10, $0x1;
	s10 =	sld [smem:$0x3FB3];
	_ =	sdelay $0x3  }
0x34: {  	[smem:$0x3FB3] =	sst s10  }
0x35: {  	s10 =	sld [smem:$0x3FB2];
	_ =	sdelay $0x3  }
0x36: {  	p1 =	seq.s32 s10, $0x1;
	s10 =	sld [smem:$0x3FB3];
	_ =	sdelay $0x3  }
0x37: {  	[smem:$0x3FB3] =	sst s10  }
0x38: {  	s10 =	sld [smem:$0x3FB4]  }
0x39: {  	_ = 	snop;
	(pc) =	sbr.ind lr, $3  }
0x3a: {  	_ = 	snop  }
0x3b: {  	_ = 	snop  }
0x3c: {  	p2 =	seq.s32 s10, $0x1;
	s10 =	sld [smem:$0x3FB3]  }
0x3d: {  	_ =	shalt  }
0x3e: {  	_ =	shalt  }
0x3f: {  	_ =	shalt  }
0x40: {  	_ =	shalt  }
0x41: {  	_ =	shalt  }
0x42: {  	_ =	shalt  }
0x43: {  	_ =	shalt  }
0x44: {  	_ =	shalt  }
0x45: {  	_ =	shalt  }
0x46: {  	_ =	shalt  }
0x47: {  	_ =	shalt  }
0x48: {  	_ =	shalt  }
0x49: {  	_ =	shalt  }
0x4a: {  	_ =	shalt  }
0x4b: {  	_ =	shalt  }
0x4c: {  	_ =	shalt  }
0x4d: {  	_ =	shalt  }
0x4e: {  	_ =	shalt  }
0x4f: {  	_ =	shalt  }
0x50: {  	_ =	shalt  }
0x51: {  	_ =	shalt  }
0x52: {  	_ =	shalt  }
0x53: {  	_ =	shalt  }
0x54: {  	_ =	shalt  }
0x55: {  	_ =	shalt  }
0x56: {  	_ =	shalt  }
0x57: {  	_ =	shalt  }
0x58: {  	_ =	shalt  }
0x59: {  	_ =	shalt  }
0x5a: {  	_ =	shalt  }
0x5b: {  	_ =	shalt  }
0x5c: {  	_ =	shalt  }
0x5d: {  	_ =	shalt  }
0x5e: {  	_ =	shalt  }
0x5f: {  	_ =	shalt  }
0x60: {  	_ =	shalt  }
0x61: {  	_ =	shalt  }
0x62: {  	_ =	shalt  }
0x63: {  	_ =	shalt  }
0x64: {  	_ =	shalt  }
0x65: {  	_ =	shalt  }
0x66: {  	_ =	shalt  }
0x67: {  	_ =	shalt  }
0x68: {  	_ =	shalt  }
0x69: {  	_ =	shalt  }
0x6a: {  	_ =	shalt  }
0x6b: {  	_ =	shalt  }
0x6c: {  	_ =	shalt  }
0x6d: {  	_ =	shalt  }
0x6e: {  	_ =	shalt  }
0x6f: {  	_ =	shalt  }
0x70: {  	_ =	shalt  }
0x71: {  	_ =	shalt  }
0x72: {  	_ =	shalt  }
0x73: {  	_ =	shalt  }
0x74: {  	_ =	shalt  }
0x75: {  	_ =	shalt  }
0x76: {  	_ =	shalt  }
0x77: {  	_ =	shalt  }
0x78: {  	_ =	shalt  }
0x79: {  	_ =	shalt  }
0x7a: {  	_ =	shalt  }
0x7b: {  	_ =	shalt  }
0x7c: {  	_ =	shalt  }
0x7d: {  	_ =	shalt  }
0x7e: {  	_ =	shalt  }
0x7f: {  	_ =	shalt  }
0x80: {  	_ =	shalt  }
0x81: {  	_ =	shalt  }
0x82: {  	_ =	shalt  }
0x83: {  	_ =	shalt  }
0x84: {  	_ =	shalt  }
0x85: {  	_ =	shalt  }
0x86: {  	_ =	shalt  }
0x87: {  	_ =	shalt  }
.Lfunc_end0:
.L_simem_size_0:
called_computation_lowered:
.L_overlay_start_0:
0x88: {  	s2 =	sld [smem:$0x3FD9]  }
0x89: {  	s3 =	sld [smem:$0x3FFE];
	_ =	sdelay $0x1  }
0x8a: {  	s1 =	srdreg.scid  }
0x8b: {  	s0 =	sand.u32 $0x1, s1  }
0x8c: {  	s17 =	sshll.u32 s0, $0xA;
	s2 =	sadd.s32 s3, s2  }
0x8d: {  	s2 =	sadd.s32 s2, s17  }
0x8e: {  	[smem:$0x3FBF] =	sst s2  }
0x8f: {  	_ = 	snop  }
0x90: {  	s2 =	sld [smem:$0x3FD0];
	(tm) =	ssettm $0x1  }
0x91: {  	s18 =	sld [smem:$0x3FFB];
	_ =	sdelay $0x3  }
0x92: {  	_ =	strace s18  }
0x93: {  	s3 =	sld [smem:$0x3FFC];
	_ =	sdelay $0x3  }
0x94: {  	_ =	strace s3  }
0x95: {  	s3 =	sld [smem:$0x3FFD];
	_ =	sdelay $0x3  }
0x96: {  	_ =	strace s3  }
0x97: {  	_ =	strace $0x8FFFFFFF  }
0x98: {  	s19 =	sld [smem:$0x3FDB];
	_ =	sdelay $0x1  }
0x99: {  	s4 =	simm.s32 $_scs_section_size  }
0x9a: {  	s5 =	simm.s32 $_size__tile_overlayer_lowered;
	s6 =	simm.s32 $_tile_overlayer_lowered  }
0x9b: {  	s22 =	simm.s32 $0x1BFF;
	s21 =	sshll.u32 s6, $0x1;
	s3 =	sadd.s32 s4, s19  }
0x9c: {  	s7 =	simm.s32 $0x0;
	s20 =	sshll.u32 s5, $0x1;
	s5 =	sadd.s32 s21, s3  }
0x9d: {  	[timem:s7], [sflag:s22] =	dma.local [hbm:s5], s20  }
0x9e: {  	_ =	swait.ge [sflag:s22], s20  }
0x9f: {  	s4 =	ssub.s32 $0x0, s20;
	[sflag:s22] =	ssyncset.done $0x0  }
0xa0: {  	[sflag:s22] =	ssyncadd.s32 s4;
	_ =	sdelay $0x1  }
0xa1: {  	s23 =	simm.s32 $0x1B8B  }
0xa2: {  	_ =	swait.ge [sflag:s23], $0x1  }
0xa3: {  	[sflag:s23] =	ssyncset.done $0x0  }
0xa4: {  	s25 =	simm.s32 $0x1B8E;
	s24 =	sld [smem:$0x3FFE];
	[sflag:s23] =	ssyncadd.s32 $0xFFFFFFFF  }
0xa5: {  	s26 =	simm.s32 $execute0_lowered;
	[smem:$0x3FD2] =	sst s25  }
0xa6: {  	s5 =	sshll.u32 s26, $0x1;
	_ =	strace $0x80000046;
	[dreg:$0x1] =	wrdreg $0xFFFFFFFF  }
0xa7: {  	s28 =	simm.s32 $_size_execute0_lowered;
	s3 =	sadd.s32 s3, s5;
	[dreg:$0x0] =	wrdreg $0x0  }
0xa8: {  	s5 =	sshll.u32 s28, $0x1;
	[dreg:$0x2] =	wrdreg s3  }
0xa9: {  	[dreg:$0x3] =	wrdreg s5  }
0xaa: {  	[dreg:$0x4] =	wrdreg $0xC0  }
0xab: {  	_ =	task [dreg:s7], $0x5FFFF  }
0xac: {  	[dreg:$0x1] =	wrdreg $0xFFFFFFFF  }
0xad: {  	[dreg:$0x0] =	wrdreg $0x60  }
0xae: {  	[dreg:$0x2] =	wrdreg s2  }
0xaf: {  	[dreg:$0x3] =	wrdreg s24  }
0xb0: {  	[dreg:$0x4] =	wrdreg $0x2D200  }
0xb1: {  	[dreg:$0x5] =	wrdreg $0x9  }
0xb2: {  	_ =	task.clear_ibuf [dreg:s7], $0x6FFFF;
	_ =	strace $0x90000046  }
0xb3: {  	s29 =	simm.s32 $0x9;
	_ =	strace $0x80000048  }
0xb4: {  	_ =	swait.ge [sflag:s29], $0x1  }
0xb5: {  	[sflag:s29] =	ssyncadd.s32 $0xFFFFFFFF  }
0xb6: {  	_ =	strace $0x90000048  }
0xb7: {  	_ =	sfence  }
0xb8: {  	s30 =	sld [smem:$0x0];
	_ =	sdelay $0x2  }
0xb9: {  	s31 =	sshll.u32 s1, $0xD;
	s1 =	sshrl.u32 s1, $0x2  }
0xba: {  	s3 =	sand.u32 $0x4000, s31;
	s1 =	sadd.s32 s1, s30  }
0xbb: {  	s0 =	sor.u32 s3, s0;
	s1 =	sshll.u32 s1, $0x11  }
0xbc: {  	s0 =	sor.u32 s1, s0  }
0xbd: {  	s0 =	sadd.s32 $0x8F2B, s0  }
0xbe: {  	[sflag:s0] =	ssyncadd.remote.s32 $0x1  }
0xbf: {  	_ =	sfence.sel $0xFFFF  }
0xc0: {  	[dreg:$0x0] =	wrdreg $0xFFFFFFFF;
	(pc) =	sbr.abs _section_cstart, $3  }
0xc1: {  	[dreg:$0x1] =	wrdreg $0xFFFFFFFF  }
0xc2: {  	_ =	task.clear_ibuf [dreg:s7], $0x2FFFF;
	_ =	strace $0x9FFFFFFF  }
0xc3: {  	(tm) =	ssettm $0x7FFFFFFF  }
tec
execute0_lowered:
.L_overlay_start_1:
0x0: {  	(tag) =	ssettag $0x1  }
0x1: {  	s1 =	rddreg [dreg:$0x0]  }
0x2: {  	s7 =	rddreg [dreg:$0x1]  }
0x3: {  	s3 =	rddreg [dreg:$0x2]  }
0x4: {  	s0 =	rddreg [dreg:$0x3];
	s4 =	srdreg.scid  }
0x5: {  	s2 =	stileid.u32;
	s16 =	simm.s32 $0x2;
	s17 =	simm.s32 $0xA0  }
0x6: {  	s18 =	simm.s32 $0x50;
	s19 =	simm.s32 $0x1;
	s9 =	smul.u32 $0x4F0, s2  }
0x7: {  	s20 =	simm.s32 $0x0;
	s8 =	sand.u32 $0x1, s4;
	s12 =	smul.u32 $0x9E00, s2  }
0x8: {  	s5 =	sshll.u32 s2, $0x1;
	s4 =	simm.s32 $0x0;
	s14 =	smul.u32 $0x4E20, s2  }
0x9: {  	s6 =	sadd.s32 $0x16800, s7;
	s10 =	smul.u32 $0x4F00, s8;
	s5 =	sor.u32 s8, s5  }
0xa: {  	[smem:$0x7FF] =	sst s4;
	s13 =	ssub.s32 $0x2, s8;
	s8 =	smul.u32 $0x2710, s8  }
0xb: {  	s11 =	smul.u32 $0x2710, s5;
	_ =	strace $0x80000047;
	s5 =	sadd.s32 $0xCA00, s7  }
0xc: {  	s26 =	sshrl.u32 s13, $0x1;
	s29 =	sshrl.u32 s12, $0x2;
	s9 =	sadd.s32 s9, s10  }
0xd: {  	s13 =	ssub.s32 s13, s26;
	s14 =	sadd.s32 s8, s14;
	s8 =	sadd.s32 s29, s3  }
0xe: {  	s15 =	sadd.s32 s9, s7;
	s28 =	sshrl.u32 s11, $0x3;
	s30 =	sadd.s32 $0xF0, s14  }
0xf: {  	s12 =	smax.u32 s13, $0x1;
	s14 =	sadd.s32 $0xA0, s14;
	s7 =	sadd.s32 s5, s28  }
0x10: {  	s11 =	sadd.s32 $0x16E00, s15;
	s31 =	sshrl.u32 s30, $0x3;
	s15 =	simm.s32 $0x5A0  }
0x11: {  	s9 =	sadd.s32 $0xA, s7;
	s10 =	sadd.s32 $0x4D8, s7;
	s13 =	sadd.s32 s31, s5  }
.LBB2_1:
0x12: {  	[tilespmem:s15], [sflag:$0x2] =	stream.linear.gather [hbm4b:s6+s4], $0x2780, $0x38;
	[tilespmem:$0x54A0] =	vst v63  }
0x13: {  	_ =	swait.ge [sflag:s16], $0x2780  }
0x14: {  	[sflag:s16] =	ssyncset.done $0x0  }
0x15: {  	[sflag:s16] =	ssyncadd.s32 $0xFFFFD880  }
0x16: {  	[spmem:s8] =	stream.linear.scatter [tilespmem:s15], [sflag:$0x2], $0x2780, $0x38;
	[tilespmem:$0x54A0] =	vst v63  }
0x17: {  	_ =	swait.ge [sflag:s16], $0x2780  }
0x18: {  	[sflag:s16] =	ssyncset.done $0x0  }
0x19: {  	[sflag:s16] =	ssyncadd.s32 $0xFFFFD880  }
0x1a: {  	[bflag:$0x0] =	sbarrier.arrive $0xFFFF  }
0x1b: {  	[tilespmem:s17], [sflag:$0x2] =	stream.linear.gather [hbm4b:s1+s4], $0x500, $0x38;
	[tilespmem:$0x54A0] =	vst v63  }
0x1c: {  	_ =	swait.ge [sflag:s16], $0x500  }
0x1d: {  	[sflag:s16] =	ssyncset.done $0x0  }
0x1e: {  	[sflag:s16] =	ssyncadd.s32 $0xFFFFFB00  }
0x1f: {  	[tilespmem:s4], [sflag:$0x2] =	stream.linear.gather [hbm4b:s7+s4], $0x50, $0x38;
	[tilespmem:$0x54A0] =	vst v63  }
0x20: {  	_ =	swait.ge [sflag:s16], $0x50  }
0x21: {  	[sflag:s16] =	ssyncset.done $0x0  }
0x22: {  	[sflag:s16] =	ssyncadd.s32 $0xFFFFFFB0  }
0x23: {  	[spmem:s3] =	stream.indirect.scatter.add.f32 [tilespmem:s17], [sflag:$0x1], $0x10, s4, s18, $0xb8;
	[tilespmem:$0x54A0] =	vst v63  }
0x24: {  	_ = 	snop  }
0x25: {  	[tilespmem:s18], [sflag:$0x2] =	stream.linear.gather [hbm4b:s9+s4], $0x50, $0x38;
	[tilespmem:$0x54A0] =	vst v63  }
0x26: {  	_ =	swait.ge [sflag:s16], $0x50  }
0x27: {  	[sflag:s16] =	ssyncset.done $0x0  }
0x28: {  	[sflag:s16] =	ssyncadd.s32 $0xFFFFFFB0  }
0x29: {  	[spmem:s3] =	stream.indirect.scatter.add.f32 [tilespmem:s17], [sflag:$0x1], $0x10, s18, s18, $0xb8;
	[tilespmem:$0x54A0] =	vst v63  }
0x2a: {  	_ =	swait.ge [sflag:s19], $0x500  }
0x2b: {  	s21 =	sshrl.u32 s14, $0x3;
	[sflag:s19] =	ssyncset.done $0x0  }
0x2c: {  	s21 =	sadd.s32 s5, s21;
	[sflag:s19] =	ssyncadd.s32 $0xFFFFFB00  }
0x2d: {  	[tilespmem:s4], [sflag:$0x2] =	stream.linear.gather [hbm4b:s21+s4], $0x50, $0x38;
	[tilespmem:$0x54A0] =	vst v63  }
0x2e: {  	_ =	swait.ge [sflag:s16], $0x50  }
0x2f: {  	[sflag:s16] =	ssyncset.done $0x0  }
0x30: {  	[sflag:s16] =	ssyncadd.s32 $0xFFFFFFB0  }
0x31: {  	[spmem:s3] =	stream.indirect.scatter.add.f32 [tilespmem:s17], [sflag:$0x1], $0x10, s4, s18, $0xb8;
	[tilespmem:$0x54A0] =	vst v63  }
0x32: {  	_ =	swait.ge [sflag:s19], $0x500  }
0x33: {  	[sflag:s19] =	ssyncset.done $0x0  }
0x34: {  	s31 =	sadd.s32 $0x0, s13;
	[sflag:s19] =	ssyncadd.s32 $0xFFFFFB00  }
0x35: {  	[tilespmem:s18], [sflag:$0x2] =	stream.linear.gather [hbm4b:s31+s4], $0x50, $0x38;
	[tilespmem:$0x54A0] =	vst v63  }
0x36: {  	_ =	swait.ge [sflag:s16], $0x50  }
0x37: {  	[sflag:s16] =	ssyncset.done $0x0  }
0x38: {  	s22 =	sadd.s32 $0xA0, s14;
	s21 =	simm.s32 $0x14;
	[sflag:s16] =	ssyncadd.s32 $0xFFFFFFB0  }
.LBB2_2:
0x39: {  	[spmem:s3] =	stream.indirect.scatter.add.f32 [tilespmem:s17], [sflag:$0x1], $0x10, s18, s18, $0xb8;
	[tilespmem:$0x54A0] =	vst v63  }
0x3a: {  	s23 =	smov.u32 s21  }
0x3b: {  	p0 =	sne.s32 s21, $0x4B0;
	s21 =	sadd.s32 $0x14, s21;
	_ =	swait.ge [sflag:s19], $0x500  }
0x3c: {  	s24 =	sshrl.u32 s22, $0x3;
	[sflag:s19] =	ssyncset.done $0x0  }
0x3d: {  	s24 =	sadd.s32 s5, s24;
	[sflag:s19] =	ssyncadd.s32 $0xFFFFFB00  }
0x3e: {  	[tilespmem:s4], [sflag:$0x2] =	stream.linear.gather [hbm4b:s24+s4], $0x50, $0x38;
	[tilespmem:$0x54A0] =	vst v63  }
0x3f: {  	_ =	swait.ge [sflag:s16], $0x50  }
0x40: {  	[sflag:s16] =	ssyncset.done $0x0  }
0x41: {  	[sflag:s16] =	ssyncadd.s32 $0xFFFFFFB0  }
0x42: {  	[spmem:s3] =	stream.indirect.scatter.add.f32 [tilespmem:s17], [sflag:$0x1], $0x10, s4, s18, $0xb8;
	[tilespmem:$0x54A0] =	vst v63  }
0x43: {  	_ =	swait.ge [sflag:s19], $0x500  }
0x44: {  	[sflag:s19] =	ssyncset.done $0x0  }
.Ltmp0:
0x45: {  	s23 =	sadd.s32 s23, s13;
	[sflag:s19] =	ssyncadd.s32 $0xFFFFFB00;
	(pc) =	sbr.rel @p0 .LBB2_2-.Ltmp0, $4  }
0x46: {  	[tilespmem:s18], [sflag:$0x2] =	stream.linear.gather [hbm4b:s23+s4], $0x50, $0x38;
	[tilespmem:$0x54A0] =	vst v63  }
0x47: {  	_ =	swait.ge [sflag:s16], $0x50  }
0x48: {  	[sflag:s16] =	ssyncset.done $0x0  }
0x49: {  	s22 =	sadd.s32 $0xA0, s22;
	[sflag:s16] =	ssyncadd.s32 $0xFFFFFFB0  }
0x4a: {  	[spmem:s3] =	stream.indirect.scatter.add.f32 [tilespmem:s17], [sflag:$0x1], $0x10, s18, s18, $0xb8;
	[tilespmem:$0x54A0] =	vst v63  }
0x4b: {  	_ =	swait.ge [sflag:s19], $0x500  }
0x4c: {  	[sflag:s19] =	ssyncset.done $0x0  }
0x4d: {  	[sflag:s19] =	ssyncadd.s32 $0xFFFFFB00  }
0x4e: {  	[tilespmem:s4], [sflag:$0x2] =	stream.linear.gather [hbm4b:s10+s4], $0x50, $0x38;
	[tilespmem:$0x54A0] =	vst v63  }
0x4f: {  	_ =	swait.ge [sflag:s16], $0x50  }
0x50: {  	[sflag:s16] =	ssyncset.done $0x0  }
0x51: {  	[sflag:s16] =	ssyncadd.s32 $0xFFFFFFB0  }
0x52: {  	[spmem:s3] =	stream.indirect.scatter.add.f32 [tilespmem:s17], [sflag:$0x1], $0x10, s4, s18, $0xb8;
	[tilespmem:$0x54A0] =	vst v63  }
0x53: {  	_ =	swait.ge [sflag:s19], $0x500  }
0x54: {  	[sflag:s19] =	ssyncset.done $0x0  }
0x55: {  	[sflag:s19] =	ssyncadd.s32 $0xFFFFFB00  }
0x56: {  	_ =	swait.ge [sflag:s19], $0x500  }
0x57: {  	[sflag:s19] =	ssyncset.done $0x0  }
0x58: {  	[sflag:s19] =	ssyncadd.s32 $0xFFFFFB00  }
0x59: {  	[bflag:$0x0] =	sbarrier.arrive $0xFFFF  }
0x5a: {  	[tilespmem:s15], [sflag:$0x2] =	stream.linear.gather [spmem:s8], $0x2780, $0x38;
	[tilespmem:$0x54A0] =	vst v63  }
0x5b: {  	s20 =	sadd.s32 $0x1, s20;
	_ =	swait.ge [sflag:s16], $0x2780  }
0x5c: {  	p0 =	sne.s32 s20, s12;
	[sflag:s16] =	ssyncset.done $0x0  }
.Ltmp1:
0x5d: {  	[sflag:s16] =	ssyncadd.s32 $0xFFFFD880;
	(pc) =	sbr.rel @p0 .LBB2_1-.Ltmp1, $4  }
0x5e: {  	[hbm4b:s11+s4] =	stream.linear.scatter [tilespmem:s15], [sflag:$0x2], $0x2780, $0x38;
	[tilespmem:$0x54A0] =	vst v63  }
0x5f: {  	_ =	swait.ge [sflag:s16], $0x2780  }
0x60: {  	[sflag:s16] =	ssyncset.done $0x0  }
0x61: {  	[sflag:s16] =	ssyncadd.s32 $0xFFFFD880  }
0x62: {  	_ =	sfence.sel $0x180000  }
0x63: {  	[bflag:$0x0] =	sbarrier.arrive $0xFFFF  }
0x64: {  	p0 =	sne.s32 s2, $0x0;
	_ =	strace $0x90000047  }
0x65: {  	s0 =	sadd.s32 @!p0 $0x100000, s0;
	[bflag:$0x2] =	sbarrier.arrive $0xFFFF  }
0x66: {  	[sflag:s0] =	ssyncadd.tile.s32 @!p0 $0x1;
	_ =	shalt  }
.Lfunc_end2:
_tile_overlayer_lowered:
.L_overlay_start_2:
0x67: {  	(tag) =	ssettag $0x2  }
0x68: {  	s0 =	rddreg [dreg:$0x0];
	s2 =	stileid.u32  }
0x69: {  	s1 =	rddreg [dreg:$0x1];
	p0 =	sne.s32 s2, $0x0  }
0x6a: {  	s3 =	rddreg [dreg:$0x2];
	[bflag:$0x3] =	sbarrier.arrive $0xFFFF;
	s2 =	simm.s32 @!p0 $0x1C02  }
0x6b: {  	[timem:s3], [sflag:s2] =	dma.local @!p0 [hbm:s0], s1  }
0x6c: {  	s0 =	simm.s32 @!p0 $0x2  }
0x6d: {  	_ =	swait.ge @!p0 [sflag:s0], s1  }
0x6e: {  	s1 =	ssub.s32 @!p0 $0x0, s1;
	[sflag:s0] =	ssyncset.done @!p0 $0x0  }
0x6f: {  	[sflag:s0] =	ssyncadd.s32 @!p0 s1  }
0x70: {  	[bflag:$0x3] =	sbarrier.arrive $0xFFFF  }
0x71: {  	_ =	shalt  }

// kernel: sc_edge_scatter.11.cloned.1.call-start
scs
__scs_entry_jumppad:
0x0: {  	(pc) =	sbr.rel $0x88, $3  }
0x1: {  	(tag) =	ssettag $0x0;
	lr =	simm.s32 $0x1  }
0x2: {  	[smem:$0x3F98] =	sst lr;
	_ =	strace $0xD0000000  }
0x3: {  	_ = 	snop  }
0x4: {  	_ = 	snop  }
0x5: {  	_ = 	snop  }
0x6: {  	_ = 	snop  }
0x7: {  	_ = 	snop  }
__scs_overlays_trampoline_lowered:
0x8: {  	[smem:$0x3FA7] =	sst s0  }
0x9: {  	[smem:$0x3FA8] =	sst s1  }
0xa: {  	[smem:$0x3FA9] =	sst s2  }
0xb: {  	[smem:$0x3FAA] =	sst s3  }
0xc: {  	[smem:$0x3FAB] =	sst s4  }
0xd: {  	[smem:$0x3FAC] =	sst s5  }
0xe: {  	[smem:$0x3FAD] =	sst s6  }
0xf: {  	[smem:$0x3FAE] =	sst s7  }
0x10: {  	[smem:$0x3FAF] =	sst s8  }
0x11: {  	[smem:$0x3FB0] =	sst s9;
	s0 =	simm.s32 @!p0 $0x0  }
0x12: {  	s1 =	sld [smem:$0x3F96];
	s0 =	simm.s32 @p0 $0x1  }
0x13: {  	[smem:$0x3FB1] =	sst s0;
	s0 =	simm.s32 @!p1 $0x0  }
0x14: {  	s2 =	sld [smem:$0x3F95];
	s0 =	simm.s32 @p1 $0x1  }
0x15: {  	[smem:$0x3FB2] =	sst s0;
	s0 =	simm.s32 @!p2 $0x0  }
0x16: {  	s3 =	sld [smem:$0x3FDB];
	s0 =	simm.s32 @p2 $0x1  }
0x17: {  	s4 =	simm.s32 $0x1BF5;
	[smem:$0x3FB4] =	sst s0  }
0x18: {  	s0 =	sld [smem:$0x3F97];
	_ =	swait.ge [sflag:s4], $0x0  }
0x19: {  	s7 =	sld [smem:$0x3F98]  }
0x1a: {  	s8 =	sadd.s32 $0xFFFFE003, lr  }
0x1b: {  	s9 =	sadd.s32 $0xFFFFFEF7, lr;
	s5 =	simm.s32 $0xFFFFFFFF;
	p2 =	slt.u32 s8, $0xFFFFF086  }
0x1c: {  	p1 =	slt.u32 s9, $0xF7A;
	s5 =	simm.s32 @!p2 $0x0  }
0x1d: {  	s5 =	simm.s32 @p1 $0x1;
	p0 =	seq.s32 s7, s2  }
0x1e: {  	s7 =	smul.u32 @!p0 $0xF7A, s2;
	p2 =	seq.s32 @!p0 s5, $0x0  }
0x1f: {  	s9 =	smul.u32 $0xF7A, s1;
	s8 =	simm.s32 @!p0 $0x1BF5;
	p2 =	por !p2, p0  }
0x20: {  	[sflag:s8] =	ssyncset.s32 @!p0 $0xFFFFF086;
	s6 =	sadd.s32 @!p0 s3, s7;
	s7 =	simm.s32 @!p0 $0x108  }
0x21: {  	s3 =	sadd.s32 s3, s9;
	s6 =	sadd.s32 @!p0 $0x88, s6;
	s7 =	simm.s32 @p2 $0x1082  }
0x22: {  	[simem:s7], [sflag:s8] =	dma.local @!p0 [hbm:s6], $0xF7A  }
0x23: {  	s9 =	sor.u32 $0xD0000000, s2;
	s6 =	simm.s32 $0x108;
	_ =	swait.ge @!p0 [sflag:s8], $0x0  }
0x24: {  	s3 =	sadd.s32 $0x88, s3;
	s6 =	simm.s32 @!p1 $0x1082;
	[sflag:s4] =	ssyncset.s32 $0xFFFFF086  }
0x25: {  	[simem:s6], [sflag:s4] =	dma.local [hbm:s3], $0xF7A  }
0x26: {  	[smem:$0x3F98] =	sst s1;
	(tag) =	ssettag s2;
	_ =	strace s9  }
0x27: {  	s1 =	sld [smem:$0x3FA8]  }
0x28: {  	s2 =	sld [smem:$0x3FA9]  }
0x29: {  	s4 =	sld [smem:$0x3FAB]  }
0x2a: {  	p0 =	seq.s32 s5, $0x0;
	s5 =	sld [smem:$0x3FAC]  }
0x2b: {  	s6 =	sld [smem:$0x3FAD]  }
0x2c: {  	s7 =	sld [smem:$0x3FAE]  }
0x2d: {  	s3 =	simm.s32 $0x108;
	s8 =	sld [smem:$0x3FAF]  }
0x2e: {  	s3 =	simm.s32 @!p0 $0x1082;
	s9 =	sld [smem:$0x3FB0]  }
0x2f: {  	lr =	sadd.s32 s0, s3;
	s0 =	sld [smem:$0x3FA7]  }
0x30: {  	s3 =	sld [smem:$0x3FAA]  }
0x31: {  	[smem:$0x3FB3] =	sst s10  }
0x32: {  	s10 =	sld [smem:$0x3FB1];
	_ =	sdelay $0x3  }
0x33: {  	p0 =	seq.s32 s10, $0x1;
	s10 =	sld [smem:$0x3FB3];
	_ =	sdelay $0x3  }
0x34: {  	[smem:$0x3FB3] =	sst s10  }
0x35: {  	s10 =	sld [smem:$0x3FB2];
	_ =	sdelay $0x3  }
0x36: {  	p1 =	seq.s32 s10, $0x1;
	s10 =	sld [smem:$0x3FB3];
	_ =	sdelay $0x3  }
0x37: {  	[smem:$0x3FB3] =	sst s10  }
0x38: {  	s10 =	sld [smem:$0x3FB4]  }
0x39: {  	_ = 	snop;
	(pc) =	sbr.ind lr, $3  }
0x3a: {  	_ = 	snop  }
0x3b: {  	_ = 	snop  }
0x3c: {  	p2 =	seq.s32 s10, $0x1;
	s10 =	sld [smem:$0x3FB3]  }
0x3d: {  	_ =	shalt  }
0x3e: {  	_ =	shalt  }
0x3f: {  	_ =	shalt  }
0x40: {  	_ =	shalt  }
0x41: {  	_ =	shalt  }
0x42: {  	_ =	shalt  }
0x43: {  	_ =	shalt  }
0x44: {  	_ =	shalt  }
0x45: {  	_ =	shalt  }
0x46: {  	_ =	shalt  }
0x47: {  	_ =	shalt  }
0x48: {  	_ =	shalt  }
0x49: {  	_ =	shalt  }
0x4a: {  	_ =	shalt  }
0x4b: {  	_ =	shalt  }
0x4c: {  	_ =	shalt  }
0x4d: {  	_ =	shalt  }
0x4e: {  	_ =	shalt  }
0x4f: {  	_ =	shalt  }
0x50: {  	_ =	shalt  }
0x51: {  	_ =	shalt  }
0x52: {  	_ =	shalt  }
0x53: {  	_ =	shalt  }
0x54: {  	_ =	shalt  }
0x55: {  	_ =	shalt  }
0x56: {  	_ =	shalt  }
0x57: {  	_ =	shalt  }
0x58: {  	_ =	shalt  }
0x59: {  	_ =	shalt  }
0x5a: {  	_ =	shalt  }
0x5b: {  	_ =	shalt  }
0x5c: {  	_ =	shalt  }
0x5d: {  	_ =	shalt  }
0x5e: {  	_ =	shalt  }
0x5f: {  	_ =	shalt  }
0x60: {  	_ =	shalt  }
0x61: {  	_ =	shalt  }
0x62: {  	_ =	shalt  }
0x63: {  	_ =	shalt  }
0x64: {  	_ =	shalt  }
0x65: {  	_ =	shalt  }
0x66: {  	_ =	shalt  }
0x67: {  	_ =	shalt  }
0x68: {  	_ =	shalt  }
0x69: {  	_ =	shalt  }
0x6a: {  	_ =	shalt  }
0x6b: {  	_ =	shalt  }
0x6c: {  	_ =	shalt  }
0x6d: {  	_ =	shalt  }
0x6e: {  	_ =	shalt  }
0x6f: {  	_ =	shalt  }
0x70: {  	_ =	shalt  }
0x71: {  	_ =	shalt  }
0x72: {  	_ =	shalt  }
0x73: {  	_ =	shalt  }
0x74: {  	_ =	shalt  }
0x75: {  	_ =	shalt  }
0x76: {  	_ =	shalt  }
0x77: {  	_ =	shalt  }
0x78: {  	_ =	shalt  }
0x79: {  	_ =	shalt  }
0x7a: {  	_ =	shalt  }
0x7b: {  	_ =	shalt  }
0x7c: {  	_ =	shalt  }
0x7d: {  	_ =	shalt  }
0x7e: {  	_ =	shalt  }
0x7f: {  	_ =	shalt  }
0x80: {  	_ =	shalt  }
0x81: {  	_ =	shalt  }
0x82: {  	_ =	shalt  }
0x83: {  	_ =	shalt  }
0x84: {  	_ =	shalt  }
0x85: {  	_ =	shalt  }
0x86: {  	_ =	shalt  }
0x87: {  	_ =	shalt  }
.Lfunc_end0:
.L_simem_size_0:
called_computation.3_lowered:
.L_overlay_start_0:
0x88: {  	s2 =	sld [smem:$0x3FD9]  }
0x89: {  	s3 =	sld [smem:$0x3FFE];
	_ =	sdelay $0x1  }
0x8a: {  	s1 =	srdreg.scid  }
0x8b: {  	s0 =	sand.u32 $0x1, s1  }
0x8c: {  	s16 =	sshll.u32 s0, $0xA;
	s2 =	sadd.s32 s3, s2  }
0x8d: {  	s2 =	sadd.s32 s2, s16  }
0x8e: {  	[smem:$0x3FBF] =	sst s2  }
0x8f: {  	_ = 	snop  }
0x90: {  	(tm) =	ssettm $0x1  }
0x91: {  	s17 =	sld [smem:$0x3FFB];
	_ =	sdelay $0x3  }
0x92: {  	_ =	strace s17  }
0x93: {  	s2 =	sld [smem:$0x3FFC];
	_ =	sdelay $0x3  }
0x94: {  	_ =	strace s2  }
0x95: {  	s2 =	sld [smem:$0x3FFD];
	_ =	sdelay $0x3  }
0x96: {  	_ =	strace s2  }
0x97: {  	_ =	strace $0x8FFFFFFF  }
0x98: {  	s18 =	sld [smem:$0x3FDB];
	_ =	sdelay $0x1  }
0x99: {  	s19 =	simm.s32 $_scs_section_size  }
0x9a: {  	s4 =	simm.s32 $_size__tile_overlayer_lowered;
	s5 =	simm.s32 $_tile_overlayer_lowered  }
0x9b: {  	s22 =	simm.s32 $0x1BFF;
	s21 =	sshll.u32 s5, $0x1;
	s2 =	sadd.s32 s19, s18  }
0x9c: {  	s6 =	simm.s32 $0x0;
	s20 =	sshll.u32 s4, $0x1;
	s4 =	sadd.s32 s21, s2  }
0x9d: {  	[timem:s6], [sflag:s22] =	dma.local [hbm:s4], s20  }
0x9e: {  	_ =	swait.ge [sflag:s22], s20  }
0x9f: {  	s3 =	ssub.s32 $0x0, s20;
	[sflag:s22] =	ssyncset.done $0x0  }
0xa0: {  	[sflag:s22] =	ssyncadd.s32 s3;
	_ =	sdelay $0x1  }
0xa1: {  	s23 =	simm.s32 $0x1B8B  }
0xa2: {  	_ =	swait.ge [sflag:s23], $0x1  }
0xa3: {  	[sflag:s23] =	ssyncset.done $0x0  }
0xa4: {  	s25 =	simm.s32 $0x1B8E;
	s24 =	sld [smem:$0x3FFE];
	[sflag:s23] =	ssyncadd.s32 $0xFFFFFFFF  }
0xa5: {  	s26 =	simm.s32 $execute0_lowered;
	[smem:$0x3FD2] =	sst s25  }
0xa6: {  	s4 =	sshll.u32 s26, $0x1;
	_ =	strace $0x8000004F;
	[dreg:$0x1] =	wrdreg $0xFFFFFFFF  }
0xa7: {  	s28 =	simm.s32 $_size_execute0_lowered;
	s2 =	sadd.s32 s2, s4;
	[dreg:$0x0] =	wrdreg $0x0  }
0xa8: {  	s4 =	sshll.u32 s28, $0x1;
	[dreg:$0x2] =	wrdreg s2  }
0xa9: {  	[dreg:$0x3] =	wrdreg s4  }
0xaa: {  	[dreg:$0x4] =	wrdreg $0xC0  }
0xab: {  	_ =	task [dreg:s6], $0x5FFFF  }
0xac: {  	[dreg:$0x1] =	wrdreg $0xFFFFFFFF  }
0xad: {  	[dreg:$0x0] =	wrdreg $0x60  }
0xae: {  	[dreg:$0x2] =	wrdreg s24  }
0xaf: {  	[dreg:$0x3] =	wrdreg $0xC4000  }
0xb0: {  	[dreg:$0x4] =	wrdreg $0x9  }
0xb1: {  	_ =	task.clear_ibuf [dreg:s6], $0x5FFFF;
	_ =	strace $0x9000004F  }
0xb2: {  	s29 =	simm.s32 $0x9;
	_ =	strace $0x80000051  }
0xb3: {  	_ =	swait.ge [sflag:s29], $0x1  }
0xb4: {  	[sflag:s29] =	ssyncadd.s32 $0xFFFFFFFF  }
0xb5: {  	_ =	strace $0x90000051  }
0xb6: {  	_ =	sfence  }
0xb7: {  	s30 =	sld [smem:$0x0];
	_ =	sdelay $0x2  }
0xb8: {  	s31 =	sshll.u32 s1, $0xD;
	s1 =	sshrl.u32 s1, $0x2  }
0xb9: {  	s3 =	sand.u32 $0x4000, s31;
	s1 =	sadd.s32 s1, s30  }
0xba: {  	s0 =	sor.u32 s3, s0;
	s1 =	sshll.u32 s1, $0x11  }
0xbb: {  	s0 =	sor.u32 s1, s0  }
0xbc: {  	s0 =	sadd.s32 $0x8F2B, s0  }
0xbd: {  	[sflag:s0] =	ssyncadd.remote.s32 $0x1  }
0xbe: {  	_ =	sfence.sel $0xFFFF  }
0xbf: {  	[dreg:$0x0] =	wrdreg $0xFFFFFFFF;
	(pc) =	sbr.abs _section_cstart, $3  }
0xc0: {  	[dreg:$0x1] =	wrdreg $0xFFFFFFFF  }
0xc1: {  	_ =	task.clear_ibuf [dreg:s6], $0x2FFFF;
	_ =	strace $0x9FFFFFFF  }
0xc2: {  	(tm) =	ssettm $0x7FFFFFFF  }
0xc3: {  	_ =	shalt  }
tec
execute0_lowered:
.L_overlay_start_1:
0x0: {  	(tag) =	ssettag $0x1  }
0x1: {  	s0 =	rddreg [dreg:$0x0]  }
0x2: {  	s2 =	rddreg [dreg:$0x1];
	s3 =	simm.s32 $0x0  }
0x3: {  	s1 =	srdreg.scid;
	s18 =	stileid.u32;
	s28 =	simm.s32 $0x2  }
0x4: {  	s30 =	simm.s32 $0x380;
	s31 =	simm.s32 $0x10;
	s9 =	smul.u32 $0x4F000, s18  }
0x5: {  	[smem:$0x7FF] =	sst s3;
	s1 =	sand.u32 $0x1, s1;
	s11 =	smul.u32 $0x278, s18  }
0x6: {  	s4 =	sshll.u32 s18, $0x1;
	s5 =	sadd.s32 $0x2C00, s0;
	s18 =	smul.u32 $0x4E20, s18  }
0x7: {  	s10 =	sadd.s32 $0x3DA00, s0;
	_ =	strace $0x80000050;
	s14 =	smul.u32 $0x2780, s1  }
0x8: {  	s6 =	sor.u32 s1, s4;
	s8 =	ssub.s32 $0x2, s1;
	s1 =	smul.u32 $0x2710, s1  }
0x9: {  	s4 =	sadd.s32 $0x16800, s0;
	[dreg:$0x3] =	wrdreg s10;
	s7 =	smul.u32 $0x2710, s6  }
0xa: {  	s6 =	sadd.s32 $0xCA00, s0;
	s23 =	sshrl.u32 s8, $0x1;
	s0 =	sadd.s32 $0x3E200, s0  }
0xb: {  	s24 =	sshrl.u32 s9, $0x2;
	s12 =	sadd.s32 $0x200, s11;
	s16 =	sadd.s32 $0x80, s11  }
0xc: {  	s10 =	ssub.s32 s8, s23;
	s25 =	sshll.u32 s12, $0x7;
	s12 =	sadd.s32 s14, s12  }
0xd: {  	s8 =	sadd.s32 s24, s2;
	s7 =	sshrl.u32 s7, $0x3;
	s12 =	sshll.u32 s12, $0x4  }
0xe: {  	s29 =	sadd.s32 s14, s11;
	s13 =	sadd.s32 $0x10, s7;
	s12 =	sadd.s32 s0, s12  }
0xf: {  	s17 =	sadd.s32 s14, s16;
	s15 =	sadd.s32 s5, s13;
	[dreg:$0x6] =	wrdreg s12  }
0x10: {  	s26 =	sadd.s32 $0x20, s7;
	s13 =	sadd.s32 s6, s13;
	[dreg:$0x4] =	wrdreg s15  }
0x11: {  	s9 =	sadd.s32 s25, s2;
	s20 =	sadd.s32 s5, s26;
	[dreg:$0x5] =	wrdreg s13  }
0x12: {  	s21 =	sadd.s32 $0x4B0, s7;
	s22 =	sadd.s32 s6, s26;
	[dreg:$0xb] =	wrdreg s20  }
0x13: {  	s24 =	sadd.s32 $0x4C0, s7;
	s23 =	sadd.s32 s5, s21;
	[dreg:$0xc] =	wrdreg s22  }
0x14: {  	s12 =	sshll.u32 s17, $0x4;
	s25 =	sadd.s32 s5, s24;
	[dreg:$0xd] =	wrdreg s23  }
0x15: {  	s26 =	sadd.s32 $0x4D0, s7;
	s12 =	sadd.s32 s0, s12;
	[dreg:$0xf] =	wrdreg s25  }
0x16: {  	s15 =	sshll.u32 s29, $0x4;
	s29 =	sadd.s32 s5, s26;
	[dreg:$0x8] =	wrdreg s12  }
0x17: {  	s13 =	sadd.s32 s6, s7;
	s25 =	sadd.s32 $0x4000, s8;
	[dreg:$0x11] =	wrdreg s29  }
0x18: {  	s15 =	sadd.s32 s0, s15;
	s12 =	sadd.s32 s6, s24;
	[dreg:$0x14] =	wrdreg s13  }
0x19: {  	[dreg:$0x1b] =	wrdreg s25;
	s29 =	sadd.s32 $0xC000, s8;
	s25 =	simm.s32 $0x280  }
0x1a: {  	[dreg:$0x7] =	wrdreg s15;
	s15 =	sadd.s32 $0x100, s11;
	s11 =	sadd.s32 $0x180, s11  }
0x1b: {  	[dreg:$0x10] =	wrdreg s12;
	s12 =	sadd.s32 s5, s7;
	s17 =	sadd.s32 s14, s15  }
0x1c: {  	[dreg:$0x1d] =	wrdreg s29;
	s14 =	sadd.s32 s14, s11;
	s17 =	sshll.u32 s17, $0x4  }
0x1d: {  	[dreg:$0x13] =	wrdreg s12;
	s14 =	sshll.u32 s14, $0x4;
	s19 =	sadd.s32 s0, s17  }
0x1e: {  	s0 =	sadd.s32 s0, s14;
	s14 =	sadd.s32 $0x4E0, s7;
	[dreg:$0x9] =	wrdreg s19  }
0x1f: {  	[dreg:$0xa] =	wrdreg s0;
	s0 =	sadd.s32 s1, s18;
	s1 =	sadd.s32 s6, s21  }
0x20: {  	s20 =	sshll.u32 s11, $0x7;
	s7 =	sadd.s32 s5, s14;
	[dreg:$0xe] =	wrdreg s1  }
0x21: {  	s17 =	sshll.u32 s16, $0x7;
	s18 =	smax.u32 s10, $0x1;
	[dreg:$0x15] =	wrdreg s7  }
0x22: {  	s19 =	sshll.u32 s15, $0x7;
	s1 =	sadd.s32 s6, s26;
	[dreg:$0x17] =	wrdreg s18  }
0x23: {  	s21 =	sadd.s32 $0x280, s0;
	s23 =	sadd.s32 $0x200, s0;
	s13 =	sadd.s32 $0x180, s0  }
0x24: {  	s26 =	sadd.s32 $0x8000, s8;
	s18 =	simm.s32 $0x3;
	s0 =	simm.s32 $0x0  }
0x25: {  	[dreg:$0x12] =	wrdreg s1;
	s1 =	sadd.s32 s6, s14;
	s22 =	sshrl.u32 s21, $0x3  }
0x26: {  	s24 =	sshrl.u32 s23, $0x3;
	[dreg:$0x1c] =	wrdreg s26;
	s21 =	simm.s32 $0x200  }
0x27: {  	s23 =	simm.s32 $0x1;
	s26 =	simm.s32 $0x8400;
	[dreg:$0x16] =	wrdreg s1  }
0x28: {  	s1 =	sadd.s32 s17, s2;
	s7 =	sadd.s32 s22, s6;
	s10 =	sadd.s32 s22, s5  }
0x29: {  	s11 =	sadd.s32 s24, s6;
	s12 =	sadd.s32 s24, s5;
	s17 =	simm.s32 $0x400  }
0x2a: {  	s22 =	simm.s32 $0x4400;
	[dreg:$0x18] =	wrdreg s1;
	s1 =	sadd.s32 s19, s2  }
0x2b: {  	s24 =	simm.s32 $0x100;
	[dreg:$0x19] =	wrdreg s1;
	s1 =	sadd.s32 s20, s2  }
0x2c: {  	s19 =	simm.s32 $0x180;
	s20 =	simm.s32 $0x80;
	[dreg:$0x1a] =	wrdreg s1  }
.LBB2_1:
0x2d: {  	s1 =	rddreg [dreg:$0x3]  }
0x2e: {  	[tilespmem:s17], [sflag:$0x3] =	stream.linear.gather [hbm4b:s1+s3], $0x4000, $0x38;
	v63 =	vld [tilespmem:$0x0]  }
0x2f: {  	_ =	swait.ge [sflag:s18], $0x4000  }
0x30: {  	[sflag:s18] =	ssyncset.done $0x0  }
0x31: {  	[sflag:s18] =	ssyncadd.s32 $0xFFFFC000  }
0x32: {  	[spmem:s8] =	stream.linear.scatter [tilespmem:s17], [sflag:$0x3], $0x4000, $0x38;
	v63 =	vld [tilespmem:$0x0]  }
0x33: {  	_ =	swait.ge [sflag:s18], $0x4000  }
0x34: {  	[sflag:s18] =	ssyncset.done $0x0  }
0x35: {  	s16 =	rddreg [dreg:$0x1b];
	[sflag:s18] =	ssyncadd.s32 $0xFFFFC000  }
0x36: {  	[spmem:s16] =	stream.linear.scatter [tilespmem:s17], [sflag:$0x3], $0x4000, $0x38;
	v63 =	vld [tilespmem:$0x0]  }
0x37: {  	_ =	swait.ge [sflag:s18], $0x4000  }
0x38: {  	[sflag:s18] =	ssyncset.done $0x0  }
0x39: {  	s29 =	rddreg [dreg:$0x1c];
	[sflag:s18] =	ssyncadd.s32 $0xFFFFC000  }
0x3a: {  	[spmem:s29] =	stream.linear.scatter [tilespmem:s17], [sflag:$0x3], $0x4000, $0x38;
	v63 =	vld [tilespmem:$0x0]  }
0x3b: {  	_ =	swait.ge [sflag:s18], $0x4000  }
0x3c: {  	[sflag:s18] =	ssyncset.done $0x0  }
0x3d: {  	s14 =	rddreg [dreg:$0x1d];
	[sflag:s18] =	ssyncadd.s32 $0xFFFFC000  }
0x3e: {  	[spmem:s14] =	stream.linear.scatter [tilespmem:s17], [sflag:$0x3], $0x4000, $0x38;
	v63 =	vld [tilespmem:$0x0]  }
0x3f: {  	_ =	swait.ge [sflag:s18], $0x4000  }
0x40: {  	[sflag:s18] =	ssyncset.done $0x0  }
0x41: {  	[sflag:s18] =	ssyncadd.s32 $0xFFFFC000  }
0x42: {  	[spmem:s9] =	stream.linear.scatter [tilespmem:s17], [sflag:$0x3], $0x3C00, $0x38;
	v63 =	vld [tilespmem:$0x0]  }
0x43: {  	_ =	swait.ge [sflag:s18], $0x3C00  }
0x44: {  	[sflag:s18] =	ssyncset.done $0x0  }
0x45: {  	[sflag:s18] =	ssyncadd.s32 $0xFFFFC400  }
0x46: {  	[bflag:$0x0] =	sbarrier.arrive $0xFFFF  }
0x47: {  	s15 =	rddreg [dreg:$0x13]  }
0x48: {  	[tilespmem:s3], [sflag:$0x3] =	stream.linear.gather [hbm4b:s15+s3], $0x80, $0x38;
	v63 =	vld [tilespmem:$0x0]  }
0x49: {  	_ =	swait.ge [sflag:s18], $0x80  }
0x4a: {  	[sflag:s18] =	ssyncset.done $0x0  }
0x4b: {  	s16 =	rddreg [dreg:$0x14];
	[sflag:s18] =	ssyncadd.s32 $0xFFFFFF80  }
0x4c: {  	[tilespmem:s19], [sflag:$0x3] =	stream.linear.gather [hbm4b:s16+s3], $0x80, $0x38;
	v63 =	vld [tilespmem:$0x0]  }
0x4d: {  	_ =	swait.ge [sflag:s18], $0x80  }
0x4e: {  	[sflag:s18] =	ssyncset.done $0x0  }
0x4f: {  	[sflag:s18] =	ssyncadd.s32 $0xFFFFFF80  }
0x50: {  	[tilespmem:s17], [sflag:$0x1] =	stream.indirect.gather [hbm4b:s4+s20], $0x80, s3, s20, $0xb8;
	v63 =	vld [tilespmem:$0x0]  }
0x51: {  	s29 =	rddreg [dreg:$0x4]  }
0x52: {  	[tilespmem:s20], [sflag:$0x3] =	stream.linear.gather [hbm4b:s29+s3], $0x80, $0x38;
	v63 =	vld [tilespmem:$0x0]  }
0x53: {  	_ =	swait.ge [sflag:s18], $0x80  }
0x54: {  	[sflag:s18] =	ssyncset.done $0x0  }
0x55: {  	s14 =	rddreg [dreg:$0x5];
	[sflag:s18] =	ssyncadd.s32 $0xFFFFFF80  }
0x56: {  	[tilespmem:s21], [sflag:$0x3] =	stream.linear.gather [hbm4b:s14+s3], $0x80, $0x38;
	v63 =	vld [tilespmem:$0x0]  }
0x57: {  	_ =	swait.ge [sflag:s18], $0x80  }
0x58: {  	[sflag:s18] =	ssyncset.done $0x0  }
0x59: {  	[sflag:s18] =	ssyncadd.s32 $0xFFFFFF80  }
0x5a: {  	[tilespmem:s22], [sflag:$0x1] =	stream.indirect.gather [hbm4b:s4+s20], $0x80, s20, s20, $0xb8;
	v63 =	vld [tilespmem:$0x0]  }
0x5b: {  	_ =	swait.ge [sflag:s23], $0x4000  }
0x5c: {  	[sflag:s23] =	ssyncset.done $0x0  }
0x5d: {  	[sflag:s23] =	ssyncadd.s32 $0xFFFFC000  }
0x5e: {  	[spmem:s2] =	stream.indirect.scatter.add.f32 [tilespmem:s17], [sflag:$0x2], $0x80, s19, s20, $0xb8;
	v63 =	vld [tilespmem:$0x0]  }
0x5f: {  	s15 =	rddreg [dreg:$0xb]  }
0x60: {  	[tilespmem:s24], [sflag:$0x3] =	stream.linear.gather [hbm4b:s15+s3], $0x80, $0x38;
	v63 =	vld [tilespmem:$0x0]  }
0x61: {  	_ =	swait.ge [sflag:s18], $0x80  }
0x62: {  	[sflag:s18] =	ssyncset.done $0x0  }
0x63: {  	s16 =	rddreg [dreg:$0xc];
	[sflag:s18] =	ssyncadd.s32 $0xFFFFFF80  }
0x64: {  	[tilespmem:s25], [sflag:$0x3] =	stream.linear.gather [hbm4b:s16+s3], $0x80, $0x38;
	v63 =	vld [tilespmem:$0x0]  }
0x65: {  	_ =	swait.ge [sflag:s18], $0x80  }
0x66: {  	[sflag:s18] =	ssyncset.done $0x0  }
0x67: {  	[sflag:s18] =	ssyncadd.s32 $0xFFFFFF80  }
0x68: {  	[tilespmem:s26], [sflag:$0x1] =	stream.indirect.gather [hbm4b:s4+s20], $0x80, s24, s20, $0xb8;
	v63 =	vld [tilespmem:$0x0]  }
0x69: {  	_ =	swait.ge [sflag:s23], $0x4000  }
0x6a: {  	[sflag:s23] =	ssyncset.done $0x0  }
0x6b: {  	[sflag:s23] =	ssyncadd.s32 $0xFFFFC000  }
0x6c: {  	[spmem:s2] =	stream.indirect.scatter.add.f32 [tilespmem:s22], [sflag:$0x2], $0x80, s21, s20, $0xb8;
	v63 =	vld [tilespmem:$0x0]  }
0x6d: {  	_ =	swait.ge [sflag:s28], $0x4000  }
0x6e: {  	s29 =	sshrl.u32 s13, $0x3;
	[sflag:s28] =	ssyncset.done $0x0  }
0x6f: {  	s14 =	sadd.s32 s5, s29;
	[sflag:s28] =	ssyncadd.s32 $0xFFFFC000  }
0x70: {  	[tilespmem:s3], [sflag:$0x3] =	stream.linear.gather [hbm4b:s14+s3], $0x80, $0x38;
	v63 =	vld [tilespmem:$0x0]  }
0x71: {  	_ =	swait.ge [sflag:s18], $0x80  }
0x72: {  	[sflag:s18] =	ssyncset.done $0x0  }
0x73: {  	s1 =	sadd.s32 s6, s29;
	[sflag:s18] =	ssyncadd.s32 $0xFFFFFF80  }
0x74: {  	[tilespmem:s19], [sflag:$0x3] =	stream.linear.gather [hbm4b:s1+s3], $0x80, $0x38;
	v63 =	vld [tilespmem:$0x0]  }
0x75: {  	_ =	swait.ge [sflag:s18], $0x80  }
0x76: {  	[sflag:s18] =	ssyncset.done $0x0  }
0x77: {  	[sflag:s18] =	ssyncadd.s32 $0xFFFFFF80  }
0x78: {  	[tilespmem:s17], [sflag:$0x1] =	stream.indirect.gather [hbm4b:s4+s20], $0x80, s3, s20, $0xb8;
	v63 =	vld [tilespmem:$0x0]  }
0x79: {  	_ =	swait.ge [sflag:s23], $0x4000  }
0x7a: {  	[sflag:s23] =	ssyncset.done $0x0  }
0x7b: {  	[sflag:s23] =	ssyncadd.s32 $0xFFFFC000  }
0x7c: {  	[spmem:s2] =	stream.indirect.scatter.add.f32 [tilespmem:s26], [sflag:$0x2], $0x80, s25, s20, $0xb8;
	v63 =	vld [tilespmem:$0x0]  }
0x7d: {  	_ =	swait.ge [sflag:s28], $0x4000  }
0x7e: {  	[sflag:s28] =	ssyncset.done $0x0  }
0x7f: {  	s14 =	sadd.s32 $0x0, s12;
	[sflag:s28] =	ssyncadd.s32 $0xFFFFC000  }
0x80: {  	[tilespmem:s20], [sflag:$0x3] =	stream.linear.gather [hbm4b:s14+s3], $0x80, $0x38;
	v63 =	vld [tilespmem:$0x0]  }
0x81: {  	_ =	swait.ge [sflag:s18], $0x80  }
0x82: {  	[sflag:s18] =	ssyncset.done $0x0  }
0x83: {  	s15 =	sadd.s32 $0x0, s11;
	[sflag:s18] =	ssyncadd.s32 $0xFFFFFF80  }
0x84: {  	[tilespmem:s21], [sflag:$0x3] =	stream.linear.gather [hbm4b:s15+s3], $0x80, $0x38;
	v63 =	vld [tilespmem:$0x0]  }
0x85: {  	_ =	swait.ge [sflag:s18], $0x80  }
0x86: {  	[sflag:s18] =	ssyncset.done $0x0  }
0x87: {  	[sflag:s18] =	ssyncadd.s32 $0xFFFFFF80  }
0x88: {  	[tilespmem:s22], [sflag:$0x1] =	stream.indirect.gather [hbm4b:s4+s20], $0x80, s20, s20, $0xb8;
	v63 =	vld [tilespmem:$0x0]  }
0x89: {  	_ =	swait.ge [sflag:s23], $0x4000  }
0x8a: {  	[sflag:s23] =	ssyncset.done $0x0  }
0x8b: {  	[sflag:s23] =	ssyncadd.s32 $0xFFFFC000  }
0x8c: {  	[spmem:s2] =	stream.indirect.scatter.add.f32 [tilespmem:s17], [sflag:$0x2], $0x80, s19, s20, $0xb8;
	v63 =	vld [tilespmem:$0x0]  }
0x8d: {  	_ =	swait.ge [sflag:s28], $0x4000  }
0x8e: {  	[sflag:s28] =	ssyncset.done $0x0  }
0x8f: {  	s16 =	sadd.s32 $0x0, s10;
	[sflag:s28] =	ssyncadd.s32 $0xFFFFC000  }
0x90: {  	[tilespmem:s24], [sflag:$0x3] =	stream.linear.gather [hbm4b:s16+s3], $0x80, $0x38;
	v63 =	vld [tilespmem:$0x0]  }
0x91: {  	_ =	swait.ge [sflag:s18], $0x80  }
0x92: {  	[sflag:s18] =	ssyncset.done $0x0  }
0x93: {  	s29 =	sadd.s32 $0x0, s7;
	[sflag:s18] =	ssyncadd.s32 $0xFFFFFF80  }
0x94: {  	[tilespmem:s25], [sflag:$0x3] =	stream.linear.gather [hbm4b:s29+s3], $0x80, $0x38;
	v63 =	vld [tilespmem:$0x0]  }
0x95: {  	_ =	swait.ge [sflag:s18], $0x80  }
0x96: {  	[sflag:s18] =	ssyncset.done $0x0  }
0x97: {  	[sflag:s18] =	ssyncadd.s32 $0xFFFFFF80  }
0x98: {  	[tilespmem:s26], [sflag:$0x1] =	stream.indirect.gather [hbm4b:s4+s20], $0x80, s24, s20, $0xb8;
	v63 =	vld [tilespmem:$0x0]  }
0x99: {  	_ =	swait.ge [sflag:s23], $0x4000  }
0x9a: {  	[sflag:s23] =	ssyncset.done $0x0  }
0x9b: {  	s1 =	simm.s32 $0x30;
	s14 =	sadd.s32 $0x180, s13;
	[sflag:s23] =	ssyncadd.s32 $0xFFFFC000  }
.LBB2_2:
0x9c: {  	[spmem:s2] =	stream.indirect.scatter.add.f32 [tilespmem:s22], [sflag:$0x2], $0x80, s21, s20, $0xb8;
	v63 =	vld [tilespmem:$0x0]  }
0x9d: {  	s15 =	smov.u32 s1  }
0x9e: {  	p0 =	sne.s32 s1, $0x450;
	s1 =	sadd.s32 $0x30, s1;
	_ =	swait.ge [sflag:s28], $0x4000  }
0x9f: {  	s16 =	sshrl.u32 s14, $0x3;
	[sflag:s28] =	ssyncset.done $0x0  }
0xa0: {  	s29 =	sadd.s32 s5, s16;
	[sflag:s28] =	ssyncadd.s32 $0xFFFFC000  }
0xa1: {  	[tilespmem:s3], [sflag:$0x3] =	stream.linear.gather [hbm4b:s29+s3], $0x80, $0x38;
	v63 =	vld [tilespmem:$0x0]  }
0xa2: {  	_ =	swait.ge [sflag:s18], $0x80  }
0xa3: {  	[sflag:s18] =	ssyncset.done $0x0  }
0xa4: {  	s16 =	sadd.s32 s6, s16;
	[sflag:s18] =	ssyncadd.s32 $0xFFFFFF80  }
0xa5: {  	[tilespmem:s19], [sflag:$0x3] =	stream.linear.gather [hbm4b:s16+s3], $0x80, $0x38;
	v63 =	vld [tilespmem:$0x0]  }
0xa6: {  	_ =	swait.ge [sflag:s18], $0x80  }
0xa7: {  	[sflag:s18] =	ssyncset.done $0x0  }
0xa8: {  	[sflag:s18] =	ssyncadd.s32 $0xFFFFFF80  }
0xa9: {  	[tilespmem:s17], [sflag:$0x1] =	stream.indirect.gather [hbm4b:s4+s20], $0x80, s3, s20, $0xb8;
	v63 =	vld [tilespmem:$0x0]  }
0xaa: {  	_ =	swait.ge [sflag:s23], $0x4000  }
0xab: {  	[sflag:s23] =	ssyncset.done $0x0  }
0xac: {  	[sflag:s23] =	ssyncadd.s32 $0xFFFFC000  }
0xad: {  	[spmem:s2] =	stream.indirect.scatter.add.f32 [tilespmem:s26], [sflag:$0x2], $0x80, s25, s20, $0xb8;
	v63 =	vld [tilespmem:$0x0]  }
0xae: {  	_ =	swait.ge [sflag:s28], $0x4000  }
0xaf: {  	[sflag:s28] =	ssyncset.done $0x0  }
0xb0: {  	s16 =	sadd.s32 s15, s12;
	[sflag:s28] =	ssyncadd.s32 $0xFFFFC000  }
0xb1: {  	[tilespmem:s20], [sflag:$0x3] =	stream.linear.gather [hbm4b:s16+s3], $0x80, $0x38;
	v63 =	vld [tilespmem:$0x0]  }
0xb2: {  	_ =	swait.ge [sflag:s18], $0x80  }
0xb3: {  	[sflag:s18] =	ssyncset.done $0x0  }
0xb4: {  	s16 =	sadd.s32 s15, s11;
	[sflag:s18] =	ssyncadd.s32 $0xFFFFFF80  }
0xb5: {  	[tilespmem:s21], [sflag:$0x3] =	stream.linear.gather [hbm4b:s16+s3], $0x80, $0x38;
	v63 =	vld [tilespmem:$0x0]  }
0xb6: {  	_ =	swait.ge [sflag:s18], $0x80  }
0xb7: {  	[sflag:s18] =	ssyncset.done $0x0  }
0xb8: {  	[sflag:s18] =	ssyncadd.s32 $0xFFFFFF80  }
0xb9: {  	[tilespmem:s22], [sflag:$0x1] =	stream.indirect.gather [hbm4b:s4+s20], $0x80, s20, s20, $0xb8;
	v63 =	vld [tilespmem:$0x0]  }
0xba: {  	_ =	swait.ge [sflag:s23], $0x4000  }
0xbb: {  	[sflag:s23] =	ssyncset.done $0x0  }
0xbc: {  	[sflag:s23] =	ssyncadd.s32 $0xFFFFC000  }
0xbd: {  	[spmem:s2] =	stream.indirect.scatter.add.f32 [tilespmem:s17], [sflag:$0x2], $0x80, s19, s20, $0xb8;
	v63 =	vld [tilespmem:$0x0]  }
0xbe: {  	_ =	swait.ge [sflag:s28], $0x4000  }
0xbf: {  	[sflag:s28] =	ssyncset.done $0x0  }
0xc0: {  	s16 =	sadd.s32 s15, s10;
	[sflag:s28] =	ssyncadd.s32 $0xFFFFC000  }
0xc1: {  	[tilespmem:s24], [sflag:$0x3] =	stream.linear.gather [hbm4b:s16+s3], $0x80, $0x38;
	v63 =	vld [tilespmem:$0x0]  }
0xc2: {  	_ =	swait.ge [sflag:s18], $0x80  }
0xc3: {  	[sflag:s18] =	ssyncset.done $0x0  }
0xc4: {  	s15 =	sadd.s32 s15, s7;
	[sflag:s18] =	ssyncadd.s32 $0xFFFFFF80  }
0xc5: {  	[tilespmem:s25], [sflag:$0x3] =	stream.linear.gather [hbm4b:s15+s3], $0x80, $0x38;
	v63 =	vld [tilespmem:$0x0]  }
0xc6: {  	_ =	swait.ge [sflag:s18], $0x80  }
0xc7: {  	[sflag:s18] =	ssyncset.done $0x0  }
.Ltmp0:
0xc8: {  	[sflag:s18] =	ssyncadd.s32 $0xFFFFFF80;
	(pc) =	sbr.rel @p0 .LBB2_2-.Ltmp0, $4  }
0xc9: {  	[tilespmem:s26], [sflag:$0x1] =	stream.indirect.gather [hbm4b:s4+s20], $0x80, s24, s20, $0xb8;
	v63 =	vld [tilespmem:$0x0]  }
0xca: {  	_ =	swait.ge [sflag:s23], $0x4000  }
0xcb: {  	[sflag:s23] =	ssyncset.done $0x0  }
0xcc: {  	s14 =	sadd.s32 $0x180, s14;
	[sflag:s23] =	ssyncadd.s32 $0xFFFFC000  }
0xcd: {  	[spmem:s2] =	stream.indirect.scatter.add.f32 [tilespmem:s22], [sflag:$0x2], $0x80, s21, s20, $0xb8;
	v63 =	vld [tilespmem:$0x0]  }
0xce: {  	_ =	swait.ge [sflag:s28], $0x4000  }
0xcf: {  	[sflag:s28] =	ssyncset.done $0x0  }
0xd0: {  	s1 =	rddreg [dreg:$0xd];
	[sflag:s28] =	ssyncadd.s32 $0xFFFFC000  }
0xd1: {  	[tilespmem:s3], [sflag:$0x3] =	stream.linear.gather [hbm4b:s1+s3], $0x80, $0x38;
	v63 =	vld [tilespmem:$0x0]  }
0xd2: {  	_ =	swait.ge [sflag:s18], $0x80  }
0xd3: {  	[sflag:s18] =	ssyncset.done $0x0  }
0xd4: {  	s14 =	rddreg [dreg:$0xe];
	[sflag:s18] =	ssyncadd.s32 $0xFFFFFF80  }
0xd5: {  	[tilespmem:s19], [sflag:$0x3] =	stream.linear.gather [hbm4b:s14+s3], $0x80, $0x38;
	v63 =	vld [tilespmem:$0x0]  }
0xd6: {  	_ =	swait.ge [sflag:s18], $0x80  }
0xd7: {  	[sflag:s18] =	ssyncset.done $0x0  }
0xd8: {  	[sflag:s18] =	ssyncadd.s32 $0xFFFFFF80  }
0xd9: {  	[tilespmem:s17], [sflag:$0x1] =	stream.indirect.gather [hbm4b:s4+s20], $0x80, s3, s20, $0xb8;
	v63 =	vld [tilespmem:$0x0]  }
0xda: {  	_ =	swait.ge [sflag:s23], $0x4000  }
0xdb: {  	[sflag:s23] =	ssyncset.done $0x0  }
0xdc: {  	[sflag:s23] =	ssyncadd.s32 $0xFFFFC000  }
0xdd: {  	[spmem:s2] =	stream.indirect.scatter.add.f32 [tilespmem:s26], [sflag:$0x2], $0x80, s25, s20, $0xb8;
	v63 =	vld [tilespmem:$0x0]  }
0xde: {  	_ =	swait.ge [sflag:s28], $0x4000  }
0xdf: {  	[sflag:s28] =	ssyncset.done $0x0  }
0xe0: {  	s15 =	rddreg [dreg:$0xf];
	[sflag:s28] =	ssyncadd.s32 $0xFFFFC000  }
0xe1: {  	[tilespmem:s20], [sflag:$0x3] =	stream.linear.gather [hbm4b:s15+s3], $0x80, $0x38;
	v63 =	vld [tilespmem:$0x0]  }
0xe2: {  	_ =	swait.ge [sflag:s18], $0x80  }
0xe3: {  	[sflag:s18] =	ssyncset.done $0x0  }
0xe4: {  	s16 =	rddreg [dreg:$0x10];
	[sflag:s18] =	ssyncadd.s32 $0xFFFFFF80  }
0xe5: {  	[tilespmem:s21], [sflag:$0x3] =	stream.linear.gather [hbm4b:s16+s3], $0x80, $0x38;
	v63 =	vld [tilespmem:$0x0]  }
0xe6: {  	_ =	swait.ge [sflag:s18], $0x80  }
0xe7: {  	[sflag:s18] =	ssyncset.done $0x0  }
0xe8: {  	[sflag:s18] =	ssyncadd.s32 $0xFFFFFF80  }
0xe9: {  	[tilespmem:s22], [sflag:$0x1] =	stream.indirect.gather [hbm4b:s4+s20], $0x80, s20, s20, $0xb8;
	v63 =	vld [tilespmem:$0x0]  }
0xea: {  	_ =	swait.ge [sflag:s23], $0x4000  }
0xeb: {  	[sflag:s23] =	ssyncset.done $0x0  }
0xec: {  	[sflag:s23] =	ssyncadd.s32 $0xFFFFC000  }
0xed: {  	[spmem:s2] =	stream.indirect.scatter.add.f32 [tilespmem:s17], [sflag:$0x2], $0x80, s19, s20, $0xb8;
	v63 =	vld [tilespmem:$0x0]  }
0xee: {  	_ =	swait.ge [sflag:s28], $0x4000  }
0xef: {  	[sflag:s28] =	ssyncset.done $0x0  }
0xf0: {  	s29 =	rddreg [dreg:$0x11];
	[sflag:s28] =	ssyncadd.s32 $0xFFFFC000  }
0xf1: {  	[tilespmem:s24], [sflag:$0x3] =	stream.linear.gather [hbm4b:s29+s3], $0x80, $0x38;
	v63 =	vld [tilespmem:$0x0]  }
0xf2: {  	_ =	swait.ge [sflag:s18], $0x80  }
0xf3: {  	[sflag:s18] =	ssyncset.done $0x0  }
0xf4: {  	s14 =	rddreg [dreg:$0x12];
	[sflag:s18] =	ssyncadd.s32 $0xFFFFFF80  }
0xf5: {  	[tilespmem:s25], [sflag:$0x3] =	stream.linear.gather [hbm4b:s14+s3], $0x80, $0x38;
	v63 =	vld [tilespmem:$0x0]  }
0xf6: {  	_ =	swait.ge [sflag:s18], $0x80  }
0xf7: {  	[sflag:s18] =	ssyncset.done $0x0  }
0xf8: {  	[sflag:s18] =	ssyncadd.s32 $0xFFFFFF80  }
0xf9: {  	[tilespmem:s26], [sflag:$0x1] =	stream.indirect.gather [hbm4b:s4+s20], $0x80, s24, s20, $0xb8;
	v63 =	vld [tilespmem:$0x0]  }
0xfa: {  	_ =	swait.ge [sflag:s23], $0x4000  }
0xfb: {  	[sflag:s23] =	ssyncset.done $0x0  }
0xfc: {  	[sflag:s23] =	ssyncadd.s32 $0xFFFFC000  }
0xfd: {  	[spmem:s2] =	stream.indirect.scatter.add.f32 [tilespmem:s22], [sflag:$0x2], $0x80, s21, s20, $0xb8;
	v63 =	vld [tilespmem:$0x0]  }
0xfe: {  	_ =	swait.ge [sflag:s28], $0x4000  }
0xff: {  	[sflag:s28] =	ssyncset.done $0x0  }
0x100: {  	[sflag:s28] =	ssyncadd.s32 $0xFFFFC000  }
0x101: {  	_ =	swait.ge [sflag:s23], $0x4000  }
0x102: {  	[sflag:s23] =	ssyncset.done $0x0  }
0x103: {  	[sflag:s23] =	ssyncadd.s32 $0xFFFFC000  }
0x104: {  	[spmem:s2] =	stream.indirect.scatter.add.f32 [tilespmem:s26], [sflag:$0x2], $0x80, s25, s20, $0xb8;
	v63 =	vld [tilespmem:$0x0]  }
0x105: {  	s14 =	simm.s32 $0x300;
	s15 =	rddreg [dreg:$0x15]  }
0x106: {  	[tilespmem:s14], [sflag:$0x3] =	stream.linear.gather [hbm4b:s15+s3], $0x10, $0x38;
	v63 =	vld [tilespmem:$0x0]  }
0x107: {  	_ =	swait.ge [sflag:s18], $0x10  }
0x108: {  	[sflag:s18] =	ssyncset.done $0x0  }
0x109: {  	s16 =	rddreg [dreg:$0x16];
	[sflag:s18] =	ssyncadd.s32 $0xFFFFFFF0  }
0x10a: {  	[tilespmem:s30], [sflag:$0x3] =	stream.linear.gather [hbm4b:s16+s3], $0x10, $0x38;
	v63 =	vld [tilespmem:$0x0]  }
0x10b: {  	_ =	swait.ge [sflag:s18], $0x10  }
0x10c: {  	[sflag:s18] =	ssyncset.done $0x0  }
0x10d: {  	[sflag:s18] =	ssyncadd.s32 $0xFFFFFFF0  }
0x10e: {  	[tilespmem:s17], [sflag:$0x1] =	stream.indirect.gather [hbm4b:s4+s31], $0x80, s14, s31, $0xb8;
	v63 =	vld [tilespmem:$0x0]  }
0x10f: {  	_ =	swait.ge [sflag:s23], $0x800  }
0x110: {  	[sflag:s23] =	ssyncset.done $0x0  }
0x111: {  	[sflag:s23] =	ssyncadd.s32 $0xFFFFF800  }
0x112: {  	[spmem:s2] =	stream.indirect.scatter.add.f32 [tilespmem:s17], [sflag:$0x2], $0x80, s30, s31, $0xb8;
	v63 =	vld [tilespmem:$0x0]  }
0x113: {  	_ =	swait.ge [sflag:s28], $0x4000  }
0x114: {  	[sflag:s28] =	ssyncset.done $0x0  }
0x115: {  	[sflag:s28] =	ssyncadd.s32 $0xFFFFC000  }
0x116: {  	_ =	swait.ge [sflag:s28], $0x4000  }
0x117: {  	[sflag:s28] =	ssyncset.done $0x0  }
0x118: {  	[sflag:s28] =	ssyncadd.s32 $0xFFFFC000  }
0x119: {  	_ =	swait.ge [sflag:s28], $0x800  }
0x11a: {  	[sflag:s28] =	ssyncset.done $0x0  }
0x11b: {  	[sflag:s28] =	ssyncadd.s32 $0xFFFFF800  }
0x11c: {  	[bflag:$0x0] =	sbarrier.arrive $0xFFFF  }
0x11d: {  	[tilespmem:s17], [sflag:$0x3] =	stream.linear.gather [spmem:s8], $0x4000, $0x38;
	v63 =	vld [tilespmem:$0x0]  }
0x11e: {  	_ =	swait.ge [sflag:s18], $0x4000  }
0x11f: {  	[sflag:s18] =	ssyncset.done $0x0  }
0x120: {  	s29 =	rddreg [dreg:$0x7];
	[sflag:s18] =	ssyncadd.s32 $0xFFFFC000  }
0x121: {  	[hbm4b:s29+s3] =	stream.linear.scatter [tilespmem:s17], [sflag:$0x3], $0x4000, $0x38;
	v63 =	vld [tilespmem:$0x0]  }
0x122: {  	_ =	swait.ge [sflag:s18], $0x4000  }
0x123: {  	[sflag:s18] =	ssyncset.done $0x0  }
0x124: {  	s14 =	rddreg [dreg:$0x18];
	[sflag:s18] =	ssyncadd.s32 $0xFFFFC000  }
0x125: {  	[tilespmem:s17], [sflag:$0x3] =	stream.linear.gather [spmem:s14], $0x4000, $0x38;
	v63 =	vld [tilespmem:$0x0]  }
0x126: {  	_ =	swait.ge [sflag:s18], $0x4000  }
0x127: {  	[sflag:s18] =	ssyncset.done $0x0  }
0x128: {  	s15 =	rddreg [dreg:$0x8];
	[sflag:s18] =	ssyncadd.s32 $0xFFFFC000  }
0x129: {  	[hbm4b:s15+s3] =	stream.linear.scatter [tilespmem:s17], [sflag:$0x3], $0x4000, $0x38;
	v63 =	vld [tilespmem:$0x0]  }
0x12a: {  	_ =	swait.ge [sflag:s18], $0x4000  }
0x12b: {  	[sflag:s18] =	ssyncset.done $0x0  }
0x12c: {  	s16 =	rddreg [dreg:$0x19];
	[sflag:s18] =	ssyncadd.s32 $0xFFFFC000  }
0x12d: {  	[tilespmem:s17], [sflag:$0x3] =	stream.linear.gather [spmem:s16], $0x4000, $0x38;
	v63 =	vld [tilespmem:$0x0]  }
0x12e: {  	_ =	swait.ge [sflag:s18], $0x4000  }
0x12f: {  	[sflag:s18] =	ssyncset.done $0x0  }
0x130: {  	s29 =	rddreg [dreg:$0x9];
	[sflag:s18] =	ssyncadd.s32 $0xFFFFC000  }
0x131: {  	[hbm4b:s29+s3] =	stream.linear.scatter [tilespmem:s17], [sflag:$0x3], $0x4000, $0x38;
	v63 =	vld [tilespmem:$0x0]  }
0x132: {  	_ =	swait.ge [sflag:s18], $0x4000  }
0x133: {  	[sflag:s18] =	ssyncset.done $0x0  }
0x134: {  	s14 =	rddreg [dreg:$0x1a];
	[sflag:s18] =	ssyncadd.s32 $0xFFFFC000  }
0x135: {  	[tilespmem:s17], [sflag:$0x3] =	stream.linear.gather [spmem:s14], $0x4000, $0x38;
	v63 =	vld [tilespmem:$0x0]  }
0x136: {  	_ =	swait.ge [sflag:s18], $0x4000  }
0x137: {  	[sflag:s18] =	ssyncset.done $0x0  }
0x138: {  	s15 =	rddreg [dreg:$0xa];
	[sflag:s18] =	ssyncadd.s32 $0xFFFFC000  }
0x139: {  	[hbm4b:s15+s3] =	stream.linear.scatter [tilespmem:s17], [sflag:$0x3], $0x4000, $0x38;
	v63 =	vld [tilespmem:$0x0]  }
0x13a: {  	_ =	swait.ge [sflag:s18], $0x4000  }
0x13b: {  	[sflag:s18] =	ssyncset.done $0x0  }
0x13c: {  	[sflag:s18] =	ssyncadd.s32 $0xFFFFC000  }
0x13d: {  	[tilespmem:s17], [sflag:$0x3] =	stream.linear.gather [spmem:s9], $0x3C00, $0x38;
	v63 =	vld [tilespmem:$0x0]  }
0x13e: {  	_ =	swait.ge [sflag:s18], $0x3C00  }
0x13f: {  	[sflag:s18] =	ssyncset.done $0x0  }
0x140: {  	s16 =	rddreg [dreg:$0x6];
	[sflag:s18] =	ssyncadd.s32 $0xFFFFC400  }
0x141: {  	[hbm4b:s16+s3] =	stream.linear.scatter [tilespmem:s17], [sflag:$0x3], $0x3C00, $0x38;
	v63 =	vld [tilespmem:$0x0]  }
0x142: {  	_ =	swait.ge [sflag:s18], $0x3C00  }
0x143: {  	s0 =	sadd.s32 $0x1, s0;
	s29 =	rddreg [dreg:$0x17]  }
0x144: {  	p0 =	sne.s32 s0, s29  }
.Ltmp1:
0x145: {  	_ = 	snop;
	(pc) =	sbr.rel @p0 .LBB2_1-.Ltmp1, $3  }
0x146: {  	_ =	sdelay $0x1  }
0x147: {  	[sflag:s18] =	ssyncset.done $0x0  }
0x148: {  	[sflag:s18] =	ssyncadd.s32 $0xFFFFC400  }
0x149: {  	_ =	sfence.sel $0x180000  }
0x14a: {  	[bflag:$0x0] =	sbarrier.arrive $0xFFFF  }
0x14b: {  	_ =	strace $0x90000050  }
0x14c: {  	s0 =	stileid.u32;
	[bflag:$0x2] =	sbarrier.arrive $0xFFFF  }
0x14d: {  	p0 =	sne.s32 s0, $0x0;
	s0 =	rddreg [dreg:$0x2]  }
0x14e: {  	s0 =	sadd.s32 @!p0 $0x100000, s0  }
0x14f: {  	[sflag:s0] =	ssyncadd.tile.s32 @!p0 $0x1;
	_ =	shalt  }
.Lfunc_end2:
_tile_overlayer_lowered:
.L_overlay_start_2:
0x150: {  	(tag) =	ssettag $0x2  }
0x151: {  	s0 =	rddreg [dreg:$0x0];
	s2 =	stileid.u32  }
0x152: {  	s1 =	rddreg [dreg:$0x1];
	p0 =	sne.s32 s2, $0x0  }
0x153: {  	s3 =	rddreg [dreg:$0x2];
	[bflag:$0x3] =	sbarrier.arrive $0xFFFF;
	s2 =	simm.s32 @!p0 $0x1C03  }
0x154: {  	[timem:s3], [sflag:s2] =	dma.local @!p0 [hbm:s0], s1  }
0x155: {  	s0 =	simm.s32 @!p0 $0x3  }
0x156: {  	_ =	swait.ge @!p0 [sflag:s0], s1  }
0x157: {  	s1 =	ssub.s32 @!p0 $0x0, s1;
	[sflag:s0] =	ssyncset.done @!p0 $0x0  }
0x158: {  	[sflag:s0] =	ssyncadd.s32 @!p0 s1  }
0x159: {  	[bflag:$0x3] =	sbarrier.arrive $0xFFFF  }
0x15a: {  	_ =	shalt  }

// kernel: sc_edge_scatter.5.cloned.1.call-start
scs
__scs_entry_jumppad:
0x0: {  	(pc) =	sbr.rel $0x88, $3  }
0x1: {  	(tag) =	ssettag $0x0;
	lr =	simm.s32 $0x1  }
0x2: {  	[smem:$0x3F98] =	sst lr;
	_ =	strace $0xD0000000  }
0x3: {  	_ = 	snop  }
0x4: {  	_ = 	snop  }
0x5: {  	_ = 	snop  }
0x6: {  	_ = 	snop  }
0x7: {  	_ = 	snop  }
__scs_overlays_trampoline_lowered:
0x8: {  	[smem:$0x3FA7] =	sst s0  }
0x9: {  	[smem:$0x3FA8] =	sst s1  }
0xa: {  	[smem:$0x3FA9] =	sst s2  }
0xb: {  	[smem:$0x3FAA] =	sst s3  }
0xc: {  	[smem:$0x3FAB] =	sst s4  }
0xd: {  	[smem:$0x3FAC] =	sst s5  }
0xe: {  	[smem:$0x3FAD] =	sst s6  }
0xf: {  	[smem:$0x3FAE] =	sst s7  }
0x10: {  	[smem:$0x3FAF] =	sst s8  }
0x11: {  	[smem:$0x3FB0] =	sst s9;
	s0 =	simm.s32 @!p0 $0x0  }
0x12: {  	s1 =	sld [smem:$0x3F96];
	s0 =	simm.s32 @p0 $0x1  }
0x13: {  	[smem:$0x3FB1] =	sst s0;
	s0 =	simm.s32 @!p1 $0x0  }
0x14: {  	s2 =	sld [smem:$0x3F95];
	s0 =	simm.s32 @p1 $0x1  }
0x15: {  	[smem:$0x3FB2] =	sst s0;
	s0 =	simm.s32 @!p2 $0x0  }
0x16: {  	s3 =	sld [smem:$0x3FDB];
	s0 =	simm.s32 @p2 $0x1  }
0x17: {  	s4 =	simm.s32 $0x1BF5;
	[smem:$0x3FB4] =	sst s0  }
0x18: {  	s0 =	sld [smem:$0x3F97];
	_ =	swait.ge [sflag:s4], $0x0  }
0x19: {  	s7 =	sld [smem:$0x3F98]  }
0x1a: {  	s8 =	sadd.s32 $0xFFFFE003, lr  }
0x1b: {  	s9 =	sadd.s32 $0xFFFFFEF7, lr;
	s5 =	simm.s32 $0xFFFFFFFF;
	p2 =	slt.u32 s8, $0xFFFFF086  }
0x1c: {  	p1 =	slt.u32 s9, $0xF7A;
	s5 =	simm.s32 @!p2 $0x0  }
0x1d: {  	s5 =	simm.s32 @p1 $0x1;
	p0 =	seq.s32 s7, s2  }
0x1e: {  	s7 =	smul.u32 @!p0 $0xF7A, s2;
	p2 =	seq.s32 @!p0 s5, $0x0  }
0x1f: {  	s9 =	smul.u32 $0xF7A, s1;
	s8 =	simm.s32 @!p0 $0x1BF5;
	p2 =	por !p2, p0  }
0x20: {  	[sflag:s8] =	ssyncset.s32 @!p0 $0xFFFFF086;
	s6 =	sadd.s32 @!p0 s3, s7;
	s7 =	simm.s32 @!p0 $0x108  }
0x21: {  	s3 =	sadd.s32 s3, s9;
	s6 =	sadd.s32 @!p0 $0x88, s6;
	s7 =	simm.s32 @p2 $0x1082  }
0x22: {  	[simem:s7], [sflag:s8] =	dma.local @!p0 [hbm:s6], $0xF7A  }
0x23: {  	s9 =	sor.u32 $0xD0000000, s2;
	s6 =	simm.s32 $0x108;
	_ =	swait.ge @!p0 [sflag:s8], $0x0  }
0x24: {  	s3 =	sadd.s32 $0x88, s3;
	s6 =	simm.s32 @!p1 $0x1082;
	[sflag:s4] =	ssyncset.s32 $0xFFFFF086  }
0x25: {  	[simem:s6], [sflag:s4] =	dma.local [hbm:s3], $0xF7A  }
0x26: {  	[smem:$0x3F98] =	sst s1;
	(tag) =	ssettag s2;
	_ =	strace s9  }
0x27: {  	s1 =	sld [smem:$0x3FA8]  }
0x28: {  	s2 =	sld [smem:$0x3FA9]  }
0x29: {  	s4 =	sld [smem:$0x3FAB]  }
0x2a: {  	p0 =	seq.s32 s5, $0x0;
	s5 =	sld [smem:$0x3FAC]  }
0x2b: {  	s6 =	sld [smem:$0x3FAD]  }
0x2c: {  	s7 =	sld [smem:$0x3FAE]  }
0x2d: {  	s3 =	simm.s32 $0x108;
	s8 =	sld [smem:$0x3FAF]  }
0x2e: {  	s3 =	simm.s32 @!p0 $0x1082;
	s9 =	sld [smem:$0x3FB0]  }
0x2f: {  	lr =	sadd.s32 s0, s3;
	s0 =	sld [smem:$0x3FA7]  }
0x30: {  	s3 =	sld [smem:$0x3FAA]  }
0x31: {  	[smem:$0x3FB3] =	sst s10  }
0x32: {  	s10 =	sld [smem:$0x3FB1];
	_ =	sdelay $0x3  }
0x33: {  	p0 =	seq.s32 s10, $0x1;
	s10 =	sld [smem:$0x3FB3];
	_ =	sdelay $0x3  }
0x34: {  	[smem:$0x3FB3] =	sst s10  }
0x35: {  	s10 =	sld [smem:$0x3FB2];
	_ =	sdelay $0x3  }
0x36: {  	p1 =	seq.s32 s10, $0x1;
	s10 =	sld [smem:$0x3FB3];
	_ =	sdelay $0x3  }
0x37: {  	[smem:$0x3FB3] =	sst s10  }
0x38: {  	s10 =	sld [smem:$0x3FB4]  }
0x39: {  	_ = 	snop;
	(pc) =	sbr.ind lr, $3  }
0x3a: {  	_ = 	snop  }
0x3b: {  	_ = 	snop  }
0x3c: {  	p2 =	seq.s32 s10, $0x1;
	s10 =	sld [smem:$0x3FB3]  }
0x3d: {  	_ =	shalt  }
0x3e: {  	_ =	shalt  }
0x3f: {  	_ =	shalt  }
0x40: {  	_ =	shalt  }
0x41: {  	_ =	shalt  }
0x42: {  	_ =	shalt  }
0x43: {  	_ =	shalt  }
0x44: {  	_ =	shalt  }
0x45: {  	_ =	shalt  }
0x46: {  	_ =	shalt  }
0x47: {  	_ =	shalt  }
0x48: {  	_ =	shalt  }
0x49: {  	_ =	shalt  }
0x4a: {  	_ =	shalt  }
0x4b: {  	_ =	shalt  }
0x4c: {  	_ =	shalt  }
0x4d: {  	_ =	shalt  }
0x4e: {  	_ =	shalt  }
0x4f: {  	_ =	shalt  }
0x50: {  	_ =	shalt  }
0x51: {  	_ =	shalt  }
0x52: {  	_ =	shalt  }
0x53: {  	_ =	shalt  }
0x54: {  	_ =	shalt  }
0x55: {  	_ =	shalt  }
0x56: {  	_ =	shalt  }
0x57: {  	_ =	shalt  }
0x58: {  	_ =	shalt  }
0x59: {  	_ =	shalt  }
0x5a: {  	_ =	shalt  }
0x5b: {  	_ =	shalt  }
0x5c: {  	_ =	shalt  }
0x5d: {  	_ =	shalt  }
0x5e: {  	_ =	shalt  }
0x5f: {  	_ =	shalt  }
0x60: {  	_ =	shalt  }
0x61: {  	_ =	shalt  }
0x62: {  	_ =	shalt  }
0x63: {  	_ =	shalt  }
0x64: {  	_ =	shalt  }
0x65: {  	_ =	shalt  }
0x66: {  	_ =	shalt  }
0x67: {  	_ =	shalt  }
0x68: {  	_ =	shalt  }
0x69: {  	_ =	shalt  }
0x6a: {  	_ =	shalt  }
0x6b: {  	_ =	shalt  }
0x6c: {  	_ =	shalt  }
0x6d: {  	_ =	shalt  }
0x6e: {  	_ =	shalt  }
0x6f: {  	_ =	shalt  }
0x70: {  	_ =	shalt  }
0x71: {  	_ =	shalt  }
0x72: {  	_ =	shalt  }
0x73: {  	_ =	shalt  }
0x74: {  	_ =	shalt  }
0x75: {  	_ =	shalt  }
0x76: {  	_ =	shalt  }
0x77: {  	_ =	shalt  }
0x78: {  	_ =	shalt  }
0x79: {  	_ =	shalt  }
0x7a: {  	_ =	shalt  }
0x7b: {  	_ =	shalt  }
0x7c: {  	_ =	shalt  }
0x7d: {  	_ =	shalt  }
0x7e: {  	_ =	shalt  }
0x7f: {  	_ =	shalt  }
0x80: {  	_ =	shalt  }
0x81: {  	_ =	shalt  }
0x82: {  	_ =	shalt  }
0x83: {  	_ =	shalt  }
0x84: {  	_ =	shalt  }
0x85: {  	_ =	shalt  }
0x86: {  	_ =	shalt  }
0x87: {  	_ =	shalt  }
.Lfunc_end0:
.L_simem_size_0:
called_computation.1_lowered:
.L_overlay_start_0:
0x88: {  	s2 =	sld [smem:$0x3FD9]  }
0x89: {  	s3 =	sld [smem:$0x3FFE];
	_ =	sdelay $0x1  }
0x8a: {  	s1 =	srdreg.scid  }
0x8b: {  	s0 =	sand.u32 $0x1, s1  }
0x8c: {  	s16 =	sshll.u32 s0, $0xA;
	s2 =	sadd.s32 s3, s2  }
0x8d: {  	s2 =	sadd.s32 s2, s16  }
0x8e: {  	[smem:$0x3FBF] =	sst s2  }
0x8f: {  	_ = 	snop  }
0x90: {  	(tm) =	ssettm $0x1  }
0x91: {  	s17 =	sld [smem:$0x3FFB];
	_ =	sdelay $0x3  }
0x92: {  	_ =	strace s17  }
0x93: {  	s2 =	sld [smem:$0x3FFC];
	_ =	sdelay $0x3  }
0x94: {  	_ =	strace s2  }
0x95: {  	s2 =	sld [smem:$0x3FFD];
	_ =	sdelay $0x3  }
0x96: {  	_ =	strace s2  }
0x97: {  	_ =	strace $0x8FFFFFFF  }
0x98: {  	s18 =	sld [smem:$0x3FDB];
	_ =	sdelay $0x1  }
0x99: {  	s19 =	simm.s32 $_scs_section_size  }
0x9a: {  	s4 =	simm.s32 $_size__tile_overlayer_lowered;
	s5 =	simm.s32 $_tile_overlayer_lowered  }
0x9b: {  	s22 =	simm.s32 $0x1BFF;
	s21 =	sshll.u32 s5, $0x1;
	s2 =	sadd.s32 s19, s18  }
0x9c: {  	s6 =	simm.s32 $0x0;
	s20 =	sshll.u32 s4, $0x1;
	s4 =	sadd.s32 s21, s2  }
0x9d: {  	[timem:s6], [sflag:s22] =	dma.local [hbm:s4], s20  }
0x9e: {  	_ =	swait.ge [sflag:s22], s20  }
0x9f: {  	s3 =	ssub.s32 $0x0, s20;
	[sflag:s22] =	ssyncset.done $0x0  }
0xa0: {  	[sflag:s22] =	ssyncadd.s32 s3;
	_ =	sdelay $0x1  }
0xa1: {  	s23 =	simm.s32 $0x1B8B  }
0xa2: {  	_ =	swait.ge [sflag:s23], $0x1  }
0xa3: {  	[sflag:s23] =	ssyncset.done $0x0  }
0xa4: {  	s25 =	simm.s32 $0x1B8E;
	s24 =	sld [smem:$0x3FFE];
	[sflag:s23] =	ssyncadd.s32 $0xFFFFFFFF  }
0xa5: {  	s26 =	simm.s32 $execute0_lowered;
	[smem:$0x3FD2] =	sst s25  }
0xa6: {  	s4 =	sshll.u32 s26, $0x1;
	_ =	strace $0x80000049;
	[dreg:$0x1] =	wrdreg $0xFFFFFFFF  }
0xa7: {  	s28 =	simm.s32 $_size_execute0_lowered;
	s2 =	sadd.s32 s2, s4;
	[dreg:$0x0] =	wrdreg $0x0  }
0xa8: {  	s4 =	sshll.u32 s28, $0x1;
	[dreg:$0x2] =	wrdreg s2  }
0xa9: {  	[dreg:$0x3] =	wrdreg s4  }
0xaa: {  	[dreg:$0x4] =	wrdreg $0xC0  }
0xab: {  	_ =	task [dreg:s6], $0x5FFFF  }
0xac: {  	[dreg:$0x1] =	wrdreg $0xFFFFFFFF  }
0xad: {  	[dreg:$0x0] =	wrdreg $0x60  }
0xae: {  	[dreg:$0x2] =	wrdreg s24  }
0xaf: {  	[dreg:$0x3] =	wrdreg $0xC4000  }
0xb0: {  	[dreg:$0x4] =	wrdreg $0x9  }
0xb1: {  	_ =	task.clear_ibuf [dreg:s6], $0x5FFFF;
	_ =	strace $0x90000049  }
0xb2: {  	s29 =	simm.s32 $0x9;
	_ =	strace $0x8000004B  }
0xb3: {  	_ =	swait.ge [sflag:s29], $0x1  }
0xb4: {  	[sflag:s29] =	ssyncadd.s32 $0xFFFFFFFF  }
0xb5: {  	_ =	strace $0x9000004B  }
0xb6: {  	_ =	sfence  }
0xb7: {  	s30 =	sld [smem:$0x0];
	_ =	sdelay $0x2  }
0xb8: {  	s31 =	sshll.u32 s1, $0xD;
	s1 =	sshrl.u32 s1, $0x2  }
0xb9: {  	s3 =	sand.u32 $0x4000, s31;
	s1 =	sadd.s32 s1, s30  }
0xba: {  	s0 =	sor.u32 s3, s0;
	s1 =	sshll.u32 s1, $0x11  }
0xbb: {  	s0 =	sor.u32 s1, s0  }
0xbc: {  	s0 =	sadd.s32 $0x8F2B, s0  }
0xbd: {  	[sflag:s0] =	ssyncadd.remote.s32 $0x1  }
0xbe: {  	_ =	sfence.sel $0xFFFF  }
0xbf: {  	[dreg:$0x0] =	wrdreg $0xFFFFFFFF;
	(pc) =	sbr.abs _section_cstart, $3  }
0xc0: {  	[dreg:$0x1] =	wrdreg $0xFFFFFFFF  }
0xc1: {  	_ =	task.clear_ibuf [dreg:s6], $0x2FFFF;
	_ =	strace $0x9FFFFFFF  }
0xc2: {  	(tm) =	ssettm $0x7FFFFFFF  }
0xc3: {  	_ =	shalt  }
tec
execute0_lowered:
.L_overlay_start_1:
0x0: {  	(tag) =	ssettag $0x1  }
0x1: {  	s0 =	rddreg [dreg:$0x0]  }
0x2: {  	s2 =	rddreg [dreg:$0x1];
	s3 =	simm.s32 $0x0  }
0x3: {  	s1 =	srdreg.scid;
	s18 =	stileid.u32;
	s28 =	simm.s32 $0x2  }
0x4: {  	s30 =	simm.s32 $0x380;
	s31 =	simm.s32 $0x10;
	s9 =	smul.u32 $0x4F000, s18  }
0x5: {  	[smem:$0x7FF] =	sst s3;
	s1 =	sand.u32 $0x1, s1;
	s11 =	smul.u32 $0x278, s18  }
0x6: {  	s4 =	sshll.u32 s18, $0x1;
	s5 =	sadd.s32 $0x2C00, s0;
	s18 =	smul.u32 $0x4E20, s18  }
0x7: {  	s10 =	sadd.s32 $0x3DA00, s0;
	_ =	strace $0x8000004A;
	s14 =	smul.u32 $0x2780, s1  }
0x8: {  	s6 =	sor.u32 s1, s4;
	s8 =	ssub.s32 $0x2, s1;
	s1 =	smul.u32 $0x2710, s1  }
0x9: {  	s4 =	sadd.s32 $0x16800, s0;
	[dreg:$0x3] =	wrdreg s10;
	s7 =	smul.u32 $0x2710, s6  }
0xa: {  	s6 =	sadd.s32 $0xCA00, s0;
	s23 =	sshrl.u32 s8, $0x1;
	s0 =	sadd.s32 $0x3E200, s0  }
0xb: {  	s24 =	sshrl.u32 s9, $0x2;
	s12 =	sadd.s32 $0x200, s11;
	s16 =	sadd.s32 $0x80, s11  }
0xc: {  	s10 =	ssub.s32 s8, s23;
	s25 =	sshll.u32 s12, $0x7;
	s12 =	sadd.s32 s14, s12  }
0xd: {  	s8 =	sadd.s32 s24, s2;
	s7 =	sshrl.u32 s7, $0x3;
	s12 =	sshll.u32 s12, $0x4  }
0xe: {  	s29 =	sadd.s32 s14, s11;
	s13 =	sadd.s32 $0x10, s7;
	s12 =	sadd.s32 s0, s12  }
0xf: {  	s17 =	sadd.s32 s14, s16;
	s15 =	sadd.s32 s5, s13;
	[dreg:$0x6] =	wrdreg s12  }
0x10: {  	s26 =	sadd.s32 $0x20, s7;
	s13 =	sadd.s32 s6, s13;
	[dreg:$0x4] =	wrdreg s15  }
0x11: {  	s9 =	sadd.s32 s25, s2;
	s20 =	sadd.s32 s5, s26;
	[dreg:$0x5] =	wrdreg s13  }
0x12: {  	s21 =	sadd.s32 $0x4B0, s7;
	s22 =	sadd.s32 s6, s26;
	[dreg:$0xb] =	wrdreg s20  }
0x13: {  	s24 =	sadd.s32 $0x4C0, s7;
	s23 =	sadd.s32 s5, s21;
	[dreg:$0xc] =	wrdreg s22  }
0x14: {  	s12 =	sshll.u32 s17, $0x4;
	s25 =	sadd.s32 s5, s24;
	[dreg:$0xd] =	wrdreg s23  }
0x15: {  	s26 =	sadd.s32 $0x4D0, s7;
	s12 =	sadd.s32 s0, s12;
	[dreg:$0xf] =	wrdreg s25  }
0x16: {  	s15 =	sshll.u32 s29, $0x4;
	s29 =	sadd.s32 s5, s26;
	[dreg:$0x8] =	wrdreg s12  }
0x17: {  	s13 =	sadd.s32 s6, s7;
	s25 =	sadd.s32 $0x4000, s8;
	[dreg:$0x11] =	wrdreg s29  }
0x18: {  	s15 =	sadd.s32 s0, s15;
	s12 =	sadd.s32 s6, s24;
	[dreg:$0x14] =	wrdreg s13  }
0x19: {  	[dreg:$0x1b] =	wrdreg s25;
	s29 =	sadd.s32 $0xC000, s8;
	s25 =	simm.s32 $0x280  }
0x1a: {  	[dreg:$0x7] =	wrdreg s15;
	s15 =	sadd.s32 $0x100, s11;
	s11 =	sadd.s32 $0x180, s11  }
0x1b: {  	[dreg:$0x10] =	wrdreg s12;
	s12 =	sadd.s32 s5, s7;
	s17 =	sadd.s32 s14, s15  }
0x1c: {  	[dreg:$0x1d] =	wrdreg s29;
	s14 =	sadd.s32 s14, s11;
	s17 =	sshll.u32 s17, $0x4  }
0x1d: {  	[dreg:$0x13] =	wrdreg s12;
	s14 =	sshll.u32 s14, $0x4;
	s19 =	sadd.s32 s0, s17  }
0x1e: {  	s0 =	sadd.s32 s0, s14;
	s14 =	sadd.s32 $0x4E0, s7;
	[dreg:$0x9] =	wrdreg s19  }
0x1f: {  	[dreg:$0xa] =	wrdreg s0;
	s0 =	sadd.s32 s1, s18;
	s1 =	sadd.s32 s6, s21  }
0x20: {  	s20 =	sshll.u32 s11, $0x7;
	s7 =	sadd.s32 s5, s14;
	[dreg:$0xe] =	wrdreg s1  }
0x21: {  	s17 =	sshll.u32 s16, $0x7;
	s18 =	smax.u32 s10, $0x1;
	[dreg:$0x15] =	wrdreg s7  }
0x22: {  	s19 =	sshll.u32 s15, $0x7;
	s1 =	sadd.s32 s6, s26;
	[dreg:$0x17] =	wrdreg s18  }
0x23: {  	s21 =	sadd.s32 $0x280, s0;
	s23 =	sadd.s32 $0x200, s0;
	s13 =	sadd.s32 $0x180, s0  }
0x24: {  	s26 =	sadd.s32 $0x8000, s8;
	s18 =	simm.s32 $0x3;
	s0 =	simm.s32 $0x0  }
0x25: {  	[dreg:$0x12] =	wrdreg s1;
	s1 =	sadd.s32 s6, s14;
	s22 =	sshrl.u32 s21, $0x3  }
0x26: {  	s24 =	sshrl.u32 s23, $0x3;
	[dreg:$0x1c] =	wrdreg s26;
	s21 =	simm.s32 $0x200  }
0x27: {  	s23 =	simm.s32 $0x1;
	s26 =	simm.s32 $0x8400;
	[dreg:$0x16] =	wrdreg s1  }
0x28: {  	s1 =	sadd.s32 s17, s2;
	s7 =	sadd.s32 s22, s6;
	s10 =	sadd.s32 s22, s5  }
0x29: {  	s11 =	sadd.s32 s24, s6;
	s12 =	sadd.s32 s24, s5;
	s17 =	simm.s32 $0x400  }
0x2a: {  	s22 =	simm.s32 $0x4400;
	[dreg:$0x18] =	wrdreg s1;
	s1 =	sadd.s32 s19, s2  }
0x2b: {  	s24 =	simm.s32 $0x100;
	[dreg:$0x19] =	wrdreg s1;
	s1 =	sadd.s32 s20, s2  }
0x2c: {  	s19 =	simm.s32 $0x180;
	s20 =	simm.s32 $0x80;
	[dreg:$0x1a] =	wrdreg s1  }
.LBB2_1:
0x2d: {  	s1 =	rddreg [dreg:$0x3]  }
0x2e: {  	[tilespmem:s17], [sflag:$0x3] =	stream.linear.gather [hbm4b:s1+s3], $0x4000, $0x38;
	v63 =	vld [tilespmem:$0x0]  }
0x2f: {  	_ =	swait.ge [sflag:s18], $0x4000  }
0x30: {  	[sflag:s18] =	ssyncset.done $0x0  }
0x31: {  	[sflag:s18] =	ssyncadd.s32 $0xFFFFC000  }
0x32: {  	[spmem:s8] =	stream.linear.scatter [tilespmem:s17], [sflag:$0x3], $0x4000, $0x38;
	v63 =	vld [tilespmem:$0x0]  }
0x33: {  	_ =	swait.ge [sflag:s18], $0x4000  }
0x34: {  	[sflag:s18] =	ssyncset.done $0x0  }
0x35: {  	s16 =	rddreg [dreg:$0x1b];
	[sflag:s18] =	ssyncadd.s32 $0xFFFFC000  }
0x36: {  	[spmem:s16] =	stream.linear.scatter [tilespmem:s17], [sflag:$0x3], $0x4000, $0x38;
	v63 =	vld [tilespmem:$0x0]  }
0x37: {  	_ =	swait.ge [sflag:s18], $0x4000  }
0x38: {  	[sflag:s18] =	ssyncset.done $0x0  }
0x39: {  	s29 =	rddreg [dreg:$0x1c];
	[sflag:s18] =	ssyncadd.s32 $0xFFFFC000  }
0x3a: {  	[spmem:s29] =	stream.linear.scatter [tilespmem:s17], [sflag:$0x3], $0x4000, $0x38;
	v63 =	vld [tilespmem:$0x0]  }
0x3b: {  	_ =	swait.ge [sflag:s18], $0x4000  }
0x3c: {  	[sflag:s18] =	ssyncset.done $0x0  }
0x3d: {  	s14 =	rddreg [dreg:$0x1d];
	[sflag:s18] =	ssyncadd.s32 $0xFFFFC000  }
0x3e: {  	[spmem:s14] =	stream.linear.scatter [tilespmem:s17], [sflag:$0x3], $0x4000, $0x38;
	v63 =	vld [tilespmem:$0x0]  }
0x3f: {  	_ =	swait.ge [sflag:s18], $0x4000  }
0x40: {  	[sflag:s18] =	ssyncset.done $0x0  }
0x41: {  	[sflag:s18] =	ssyncadd.s32 $0xFFFFC000  }
0x42: {  	[spmem:s9] =	stream.linear.scatter [tilespmem:s17], [sflag:$0x3], $0x3C00, $0x38;
	v63 =	vld [tilespmem:$0x0]  }
0x43: {  	_ =	swait.ge [sflag:s18], $0x3C00  }
0x44: {  	[sflag:s18] =	ssyncset.done $0x0  }
0x45: {  	[sflag:s18] =	ssyncadd.s32 $0xFFFFC400  }
0x46: {  	[bflag:$0x0] =	sbarrier.arrive $0xFFFF  }
0x47: {  	s15 =	rddreg [dreg:$0x13]  }
0x48: {  	[tilespmem:s3], [sflag:$0x3] =	stream.linear.gather [hbm4b:s15+s3], $0x80, $0x38;
	v63 =	vld [tilespmem:$0x0]  }
0x49: {  	_ =	swait.ge [sflag:s18], $0x80  }
0x4a: {  	[sflag:s18] =	ssyncset.done $0x0  }
0x4b: {  	s16 =	rddreg [dreg:$0x14];
	[sflag:s18] =	ssyncadd.s32 $0xFFFFFF80  }
0x4c: {  	[tilespmem:s19], [sflag:$0x3] =	stream.linear.gather [hbm4b:s16+s3], $0x80, $0x38;
	v63 =	vld [tilespmem:$0x0]  }
0x4d: {  	_ =	swait.ge [sflag:s18], $0x80  }
0x4e: {  	[sflag:s18] =	ssyncset.done $0x0  }
0x4f: {  	[sflag:s18] =	ssyncadd.s32 $0xFFFFFF80  }
0x50: {  	[tilespmem:s17], [sflag:$0x1] =	stream.indirect.gather [hbm4b:s4+s20], $0x80, s3, s20, $0xb8;
	v63 =	vld [tilespmem:$0x0]  }
0x51: {  	s29 =	rddreg [dreg:$0x4]  }
0x52: {  	[tilespmem:s20], [sflag:$0x3] =	stream.linear.gather [hbm4b:s29+s3], $0x80, $0x38;
	v63 =	vld [tilespmem:$0x0]  }
0x53: {  	_ =	swait.ge [sflag:s18], $0x80  }
0x54: {  	[sflag:s18] =	ssyncset.done $0x0  }
0x55: {  	s14 =	rddreg [dreg:$0x5];
	[sflag:s18] =	ssyncadd.s32 $0xFFFFFF80  }
0x56: {  	[tilespmem:s21], [sflag:$0x3] =	stream.linear.gather [hbm4b:s14+s3], $0x80, $0x38;
	v63 =	vld [tilespmem:$0x0]  }
0x57: {  	_ =	swait.ge [sflag:s18], $0x80  }
0x58: {  	[sflag:s18] =	ssyncset.done $0x0  }
0x59: {  	[sflag:s18] =	ssyncadd.s32 $0xFFFFFF80  }
0x5a: {  	[tilespmem:s22], [sflag:$0x1] =	stream.indirect.gather [hbm4b:s4+s20], $0x80, s20, s20, $0xb8;
	v63 =	vld [tilespmem:$0x0]  }
0x5b: {  	_ =	swait.ge [sflag:s23], $0x4000  }
0x5c: {  	[sflag:s23] =	ssyncset.done $0x0  }
0x5d: {  	[sflag:s23] =	ssyncadd.s32 $0xFFFFC000  }
0x5e: {  	[spmem:s2] =	stream.indirect.scatter.add.f32 [tilespmem:s17], [sflag:$0x2], $0x80, s19, s20, $0xb8;
	v63 =	vld [tilespmem:$0x0]  }
0x5f: {  	s15 =	rddreg [dreg:$0xb]  }
0x60: {  	[tilespmem:s24], [sflag:$0x3] =	stream.linear.gather [hbm4b:s15+s3], $0x80, $0x38;
	v63 =	vld [tilespmem:$0x0]  }
0x61: {  	_ =	swait.ge [sflag:s18], $0x80  }
0x62: {  	[sflag:s18] =	ssyncset.done $0x0  }
0x63: {  	s16 =	rddreg [dreg:$0xc];
	[sflag:s18] =	ssyncadd.s32 $0xFFFFFF80  }
0x64: {  	[tilespmem:s25], [sflag:$0x3] =	stream.linear.gather [hbm4b:s16+s3], $0x80, $0x38;
	v63 =	vld [tilespmem:$0x0]  }
0x65: {  	_ =	swait.ge [sflag:s18], $0x80  }
0x66: {  	[sflag:s18] =	ssyncset.done $0x0  }
0x67: {  	[sflag:s18] =	ssyncadd.s32 $0xFFFFFF80  }
0x68: {  	[tilespmem:s26], [sflag:$0x1] =	stream.indirect.gather [hbm4b:s4+s20], $0x80, s24, s20, $0xb8;
	v63 =	vld [tilespmem:$0x0]  }
0x69: {  	_ =	swait.ge [sflag:s23], $0x4000  }
0x6a: {  	[sflag:s23] =	ssyncset.done $0x0  }
0x6b: {  	[sflag:s23] =	ssyncadd.s32 $0xFFFFC000  }
0x6c: {  	[spmem:s2] =	stream.indirect.scatter.add.f32 [tilespmem:s22], [sflag:$0x2], $0x80, s21, s20, $0xb8;
	v63 =	vld [tilespmem:$0x0]  }
0x6d: {  	_ =	swait.ge [sflag:s28], $0x4000  }
0x6e: {  	s29 =	sshrl.u32 s13, $0x3;
	[sflag:s28] =	ssyncset.done $0x0  }
0x6f: {  	s14 =	sadd.s32 s5, s29;
	[sflag:s28] =	ssyncadd.s32 $0xFFFFC000  }
0x70: {  	[tilespmem:s3], [sflag:$0x3] =	stream.linear.gather [hbm4b:s14+s3], $0x80, $0x38;
	v63 =	vld [tilespmem:$0x0]  }
0x71: {  	_ =	swait.ge [sflag:s18], $0x80  }
0x72: {  	[sflag:s18] =	ssyncset.done $0x0  }
0x73: {  	s1 =	sadd.s32 s6, s29;
	[sflag:s18] =	ssyncadd.s32 $0xFFFFFF80  }
0x74: {  	[tilespmem:s19], [sflag:$0x3] =	stream.linear.gather [hbm4b:s1+s3], $0x80, $0x38;
	v63 =	vld [tilespmem:$0x0]  }
0x75: {  	_ =	swait.ge [sflag:s18], $0x80  }
0x76: {  	[sflag:s18] =	ssyncset.done $0x0  }
0x77: {  	[sflag:s18] =	ssyncadd.s32 $0xFFFFFF80  }
0x78: {  	[tilespmem:s17], [sflag:$0x1] =	stream.indirect.gather [hbm4b:s4+s20], $0x80, s3, s20, $0xb8;
	v63 =	vld [tilespmem:$0x0]  }
0x79: {  	_ =	swait.ge [sflag:s23], $0x4000  }
0x7a: {  	[sflag:s23] =	ssyncset.done $0x0  }
0x7b: {  	[sflag:s23] =	ssyncadd.s32 $0xFFFFC000  }
0x7c: {  	[spmem:s2] =	stream.indirect.scatter.add.f32 [tilespmem:s26], [sflag:$0x2], $0x80, s25, s20, $0xb8;
	v63 =	vld [tilespmem:$0x0]  }
0x7d: {  	_ =	swait.ge [sflag:s28], $0x4000  }
0x7e: {  	[sflag:s28] =	ssyncset.done $0x0  }
0x7f: {  	s14 =	sadd.s32 $0x0, s12;
	[sflag:s28] =	ssyncadd.s32 $0xFFFFC000  }
0x80: {  	[tilespmem:s20], [sflag:$0x3] =	stream.linear.gather [hbm4b:s14+s3], $0x80, $0x38;
	v63 =	vld [tilespmem:$0x0]  }
0x81: {  	_ =	swait.ge [sflag:s18], $0x80  }
0x82: {  	[sflag:s18] =	ssyncset.done $0x0  }
0x83: {  	s15 =	sadd.s32 $0x0, s11;
	[sflag:s18] =	ssyncadd.s32 $0xFFFFFF80  }
0x84: {  	[tilespmem:s21], [sflag:$0x3] =	stream.linear.gather [hbm4b:s15+s3], $0x80, $0x38;
	v63 =	vld [tilespmem:$0x0]  }
0x85: {  	_ =	swait.ge [sflag:s18], $0x80  }
0x86: {  	[sflag:s18] =	ssyncset.done $0x0  }
0x87: {  	[sflag:s18] =	ssyncadd.s32 $0xFFFFFF80  }
0x88: {  	[tilespmem:s22], [sflag:$0x1] =	stream.indirect.gather [hbm4b:s4+s20], $0x80, s20, s20, $0xb8;
	v63 =	vld [tilespmem:$0x0]  }
0x89: {  	_ =	swait.ge [sflag:s23], $0x4000  }
0x8a: {  	[sflag:s23] =	ssyncset.done $0x0  }
0x8b: {  	[sflag:s23] =	ssyncadd.s32 $0xFFFFC000  }
0x8c: {  	[spmem:s2] =	stream.indirect.scatter.add.f32 [tilespmem:s17], [sflag:$0x2], $0x80, s19, s20, $0xb8;
	v63 =	vld [tilespmem:$0x0]  }
0x8d: {  	_ =	swait.ge [sflag:s28], $0x4000  }
0x8e: {  	[sflag:s28] =	ssyncset.done $0x0  }
0x8f: {  	s16 =	sadd.s32 $0x0, s10;
	[sflag:s28] =	ssyncadd.s32 $0xFFFFC000  }
0x90: {  	[tilespmem:s24], [sflag:$0x3] =	stream.linear.gather [hbm4b:s16+s3], $0x80, $0x38;
	v63 =	vld [tilespmem:$0x0]  }
0x91: {  	_ =	swait.ge [sflag:s18], $0x80  }
0x92: {  	[sflag:s18] =	ssyncset.done $0x0  }
0x93: {  	s29 =	sadd.s32 $0x0, s7;
	[sflag:s18] =	ssyncadd.s32 $0xFFFFFF80  }
0x94: {  	[tilespmem:s25], [sflag:$0x3] =	stream.linear.gather [hbm4b:s29+s3], $0x80, $0x38;
	v63 =	vld [tilespmem:$0x0]  }
0x95: {  	_ =	swait.ge [sflag:s18], $0x80  }
0x96: {  	[sflag:s18] =	ssyncset.done $0x0  }
0x97: {  	[sflag:s18] =	ssyncadd.s32 $0xFFFFFF80  }
0x98: {  	[tilespmem:s26], [sflag:$0x1] =	stream.indirect.gather [hbm4b:s4+s20], $0x80, s24, s20, $0xb8;
	v63 =	vld [tilespmem:$0x0]  }
0x99: {  	_ =	swait.ge [sflag:s23], $0x4000  }
0x9a: {  	[sflag:s23] =	ssyncset.done $0x0  }
0x9b: {  	s1 =	simm.s32 $0x30;
	s14 =	sadd.s32 $0x180, s13;
	[sflag:s23] =	ssyncadd.s32 $0xFFFFC000  }
.LBB2_2:
0x9c: {  	[spmem:s2] =	stream.indirect.scatter.add.f32 [tilespmem:s22], [sflag:$0x2], $0x80, s21, s20, $0xb8;
	v63 =	vld [tilespmem:$0x0]  }
0x9d: {  	s15 =	smov.u32 s1  }
0x9e: {  	p0 =	sne.s32 s1, $0x450;
	s1 =	sadd.s32 $0x30, s1;
	_ =	swait.ge [sflag:s28], $0x4000  }
0x9f: {  	s16 =	sshrl.u32 s14, $0x3;
	[sflag:s28] =	ssyncset.done $0x0  }
0xa0: {  	s29 =	sadd.s32 s5, s16;
	[sflag:s28] =	ssyncadd.s32 $0xFFFFC000  }
0xa1: {  	[tilespmem:s3], [sflag:$0x3] =	stream.linear.gather [hbm4b:s29+s3], $0x80, $0x38;
	v63 =	vld [tilespmem:$0x0]  }
0xa2: {  	_ =	swait.ge [sflag:s18], $0x80  }
0xa3: {  	[sflag:s18] =	ssyncset.done $0x0  }
0xa4: {  	s16 =	sadd.s32 s6, s16;
	[sflag:s18] =	ssyncadd.s32 $0xFFFFFF80  }
0xa5: {  	[tilespmem:s19], [sflag:$0x3] =	stream.linear.gather [hbm4b:s16+s3], $0x80, $0x38;
	v63 =	vld [tilespmem:$0x0]  }
0xa6: {  	_ =	swait.ge [sflag:s18], $0x80  }
0xa7: {  	[sflag:s18] =	ssyncset.done $0x0  }
0xa8: {  	[sflag:s18] =	ssyncadd.s32 $0xFFFFFF80  }
0xa9: {  	[tilespmem:s17], [sflag:$0x1] =	stream.indirect.gather [hbm4b:s4+s20], $0x80, s3, s20, $0xb8;
	v63 =	vld [tilespmem:$0x0]  }
0xaa: {  	_ =	swait.ge [sflag:s23], $0x4000  }
0xab: {  	[sflag:s23] =	ssyncset.done $0x0  }
0xac: {  	[sflag:s23] =	ssyncadd.s32 $0xFFFFC000  }
0xad: {  	[spmem:s2] =	stream.indirect.scatter.add.f32 [tilespmem:s26], [sflag:$0x2], $0x80, s25, s20, $0xb8;
	v63 =	vld [tilespmem:$0x0]  }
0xae: {  	_ =	swait.ge [sflag:s28], $0x4000  }
0xaf: {  	[sflag:s28] =	ssyncset.done $0x0  }
0xb0: {  	s16 =	sadd.s32 s15, s12;
	[sflag:s28] =	ssyncadd.s32 $0xFFFFC000  }
0xb1: {  	[tilespmem:s20], [sflag:$0x3] =	stream.linear.gather [hbm4b:s16+s3], $0x80, $0x38;
	v63 =	vld [tilespmem:$0x0]  }
0xb2: {  	_ =	swait.ge [sflag:s18], $0x80  }
0xb3: {  	[sflag:s18] =	ssyncset.done $0x0  }
0xb4: {  	s16 =	sadd.s32 s15, s11;
	[sflag:s18] =	ssyncadd.s32 $0xFFFFFF80  }
0xb5: {  	[tilespmem:s21], [sflag:$0x3] =	stream.linear.gather [hbm4b:s16+s3], $0x80, $0x38;
	v63 =	vld [tilespmem:$0x0]  }
0xb6: {  	_ =	swait.ge [sflag:s18], $0x80  }
0xb7: {  	[sflag:s18] =	ssyncset.done $0x0  }
0xb8: {  	[sflag:s18] =	ssyncadd.s32 $0xFFFFFF80  }
0xb9: {  	[tilespmem:s22], [sflag:$0x1] =	stream.indirect.gather [hbm4b:s4+s20], $0x80, s20, s20, $0xb8;
	v63 =	vld [tilespmem:$0x0]  }
0xba: {  	_ =	swait.ge [sflag:s23], $0x4000  }
0xbb: {  	[sflag:s23] =	ssyncset.done $0x0  }
0xbc: {  	[sflag:s23] =	ssyncadd.s32 $0xFFFFC000  }
0xbd: {  	[spmem:s2] =	stream.indirect.scatter.add.f32 [tilespmem:s17], [sflag:$0x2], $0x80, s19, s20, $0xb8;
	v63 =	vld [tilespmem:$0x0]  }
0xbe: {  	_ =	swait.ge [sflag:s28], $0x4000  }
0xbf: {  	[sflag:s28] =	ssyncset.done $0x0  }
0xc0: {  	s16 =	sadd.s32 s15, s10;
	[sflag:s28] =	ssyncadd.s32 $0xFFFFC000  }
0xc1: {  	[tilespmem:s24], [sflag:$0x3] =	stream.linear.gather [hbm4b:s16+s3], $0x80, $0x38;
	v63 =	vld [tilespmem:$0x0]  }
0xc2: {  	_ =	swait.ge [sflag:s18], $0x80  }
0xc3: {  	[sflag:s18] =	ssyncset.done $0x0  }
0xc4: {  	s15 =	sadd.s32 s15, s7;
	[sflag:s18] =	ssyncadd.s32 $0xFFFFFF80  }
0xc5: {  	[tilespmem:s25], [sflag:$0x3] =	stream.linear.gather [hbm4b:s15+s3], $0x80, $0x38;
	v63 =	vld [tilespmem:$0x0]  }
0xc6: {  	_ =	swait.ge [sflag:s18], $0x80  }
0xc7: {  	[sflag:s18] =	ssyncset.done $0x0  }
.Ltmp0:
0xc8: {  	[sflag:s18] =	ssyncadd.s32 $0xFFFFFF80;
	(pc) =	sbr.rel @p0 .LBB2_2-.Ltmp0, $4  }
0xc9: {  	[tilespmem:s26], [sflag:$0x1] =	stream.indirect.gather [hbm4b:s4+s20], $0x80, s24, s20, $0xb8;
	v63 =	vld [tilespmem:$0x0]  }
0xca: {  	_ =	swait.ge [sflag:s23], $0x4000  }
0xcb: {  	[sflag:s23] =	ssyncset.done $0x0  }
0xcc: {  	s14 =	sadd.s32 $0x180, s14;
	[sflag:s23] =	ssyncadd.s32 $0xFFFFC000  }
0xcd: {  	[spmem:s2] =	stream.indirect.scatter.add.f32 [tilespmem:s22], [sflag:$0x2], $0x80, s21, s20, $0xb8;
	v63 =	vld [tilespmem:$0x0]  }
0xce: {  	_ =	swait.ge [sflag:s28], $0x4000  }
0xcf: {  	[sflag:s28] =	ssyncset.done $0x0  }
0xd0: {  	s1 =	rddreg [dreg:$0xd];
	[sflag:s28] =	ssyncadd.s32 $0xFFFFC000  }
0xd1: {  	[tilespmem:s3], [sflag:$0x3] =	stream.linear.gather [hbm4b:s1+s3], $0x80, $0x38;
	v63 =	vld [tilespmem:$0x0]  }
0xd2: {  	_ =	swait.ge [sflag:s18], $0x80  }
0xd3: {  	[sflag:s18] =	ssyncset.done $0x0  }
0xd4: {  	s14 =	rddreg [dreg:$0xe];
	[sflag:s18] =	ssyncadd.s32 $0xFFFFFF80  }
0xd5: {  	[tilespmem:s19], [sflag:$0x3] =	stream.linear.gather [hbm4b:s14+s3], $0x80, $0x38;
	v63 =	vld [tilespmem:$0x0]  }
0xd6: {  	_ =	swait.ge [sflag:s18], $0x80  }
0xd7: {  	[sflag:s18] =	ssyncset.done $0x0  }
0xd8: {  	[sflag:s18] =	ssyncadd.s32 $0xFFFFFF80  }
0xd9: {  	[tilespmem:s17], [sflag:$0x1] =	stream.indirect.gather [hbm4b:s4+s20], $0x80, s3, s20, $0xb8;
	v63 =	vld [tilespmem:$0x0]  }
0xda: {  	_ =	swait.ge [sflag:s23], $0x4000  }
0xdb: {  	[sflag:s23] =	ssyncset.done $0x0  }
0xdc: {  	[sflag:s23] =	ssyncadd.s32 $0xFFFFC000  }
0xdd: {  	[spmem:s2] =	stream.indirect.scatter.add.f32 [tilespmem:s26], [sflag:$0x2], $0x80, s25, s20, $0xb8;
	v63 =	vld [tilespmem:$0x0]  }
0xde: {  	_ =	swait.ge [sflag:s28], $0x4000  }
0xdf: {  	[sflag:s28] =	ssyncset.done $0x0  }
0xe0: {  	s15 =	rddreg [dreg:$0xf];
	[sflag:s28] =	ssyncadd.s32 $0xFFFFC000  }
0xe1: {  	[tilespmem:s20], [sflag:$0x3] =	stream.linear.gather [hbm4b:s15+s3], $0x80, $0x38;
	v63 =	vld [tilespmem:$0x0]  }
0xe2: {  	_ =	swait.ge [sflag:s18], $0x80  }
0xe3: {  	[sflag:s18] =	ssyncset.done $0x0  }
0xe4: {  	s16 =	rddreg [dreg:$0x10];
	[sflag:s18] =	ssyncadd.s32 $0xFFFFFF80  }
0xe5: {  	[tilespmem:s21], [sflag:$0x3] =	stream.linear.gather [hbm4b:s16+s3], $0x80, $0x38;
	v63 =	vld [tilespmem:$0x0]  }
0xe6: {  	_ =	swait.ge [sflag:s18], $0x80  }
0xe7: {  	[sflag:s18] =	ssyncset.done $0x0  }
0xe8: {  	[sflag:s18] =	ssyncadd.s32 $0xFFFFFF80  }
0xe9: {  	[tilespmem:s22], [sflag:$0x1] =	stream.indirect.gather [hbm4b:s4+s20], $0x80, s20, s20, $0xb8;
	v63 =	vld [tilespmem:$0x0]  }
0xea: {  	_ =	swait.ge [sflag:s23], $0x4000  }
0xeb: {  	[sflag:s23] =	ssyncset.done $0x0  }
0xec: {  	[sflag:s23] =	ssyncadd.s32 $0xFFFFC000  }
0xed: {  	[spmem:s2] =	stream.indirect.scatter.add.f32 [tilespmem:s17], [sflag:$0x2], $0x80, s19, s20, $0xb8;
	v63 =	vld [tilespmem:$0x0]  }
0xee: {  	_ =	swait.ge [sflag:s28], $0x4000  }
0xef: {  	[sflag:s28] =	ssyncset.done $0x0  }
0xf0: {  	s29 =	rddreg [dreg:$0x11];
	[sflag:s28] =	ssyncadd.s32 $0xFFFFC000  }
0xf1: {  	[tilespmem:s24], [sflag:$0x3] =	stream.linear.gather [hbm4b:s29+s3], $0x80, $0x38;
	v63 =	vld [tilespmem:$0x0]  }
0xf2: {  	_ =	swait.ge [sflag:s18], $0x80  }
0xf3: {  	[sflag:s18] =	ssyncset.done $0x0  }
0xf4: {  	s14 =	rddreg [dreg:$0x12];
	[sflag:s18] =	ssyncadd.s32 $0xFFFFFF80  }
0xf5: {  	[tilespmem:s25], [sflag:$0x3] =	stream.linear.gather [hbm4b:s14+s3], $0x80, $0x38;
	v63 =	vld [tilespmem:$0x0]  }
0xf6: {  	_ =	swait.ge [sflag:s18], $0x80  }
0xf7: {  	[sflag:s18] =	ssyncset.done $0x0  }
0xf8: {  	[sflag:s18] =	ssyncadd.s32 $0xFFFFFF80  }
0xf9: {  	[tilespmem:s26], [sflag:$0x1] =	stream.indirect.gather [hbm4b:s4+s20], $0x80, s24, s20, $0xb8;
	v63 =	vld [tilespmem:$0x0]  }
0xfa: {  	_ =	swait.ge [sflag:s23], $0x4000  }
0xfb: {  	[sflag:s23] =	ssyncset.done $0x0  }
0xfc: {  	[sflag:s23] =	ssyncadd.s32 $0xFFFFC000  }
0xfd: {  	[spmem:s2] =	stream.indirect.scatter.add.f32 [tilespmem:s22], [sflag:$0x2], $0x80, s21, s20, $0xb8;
	v63 =	vld [tilespmem:$0x0]  }
0xfe: {  	_ =	swait.ge [sflag:s28], $0x4000  }
0xff: {  	[sflag:s28] =	ssyncset.done $0x0  }
0x100: {  	[sflag:s28] =	ssyncadd.s32 $0xFFFFC000  }
0x101: {  	_ =	swait.ge [sflag:s23], $0x4000  }
0x102: {  	[sflag:s23] =	ssyncset.done $0x0  }
0x103: {  	[sflag:s23] =	ssyncadd.s32 $0xFFFFC000  }
0x104: {  	[spmem:s2] =	stream.indirect.scatter.add.f32 [tilespmem:s26], [sflag:$0x2], $0x80, s25, s20, $0xb8;
	v63 =	vld [tilespmem:$0x0]  }
0x105: {  	s14 =	simm.s32 $0x300;
	s15 =	rddreg [dreg:$0x15]  }
0x106: {  	[tilespmem:s14], [sflag:$0x3] =	stream.linear.gather [hbm4b:s15+s3], $0x10, $0x38;
	v63 =	vld [tilespmem:$0x0]  }
0x107: {  	_ =	swait.ge [sflag:s18], $0x10  }
0x108: {  	[sflag:s18] =	ssyncset.done $0x0  }
0x109: {  	s16 =	rddreg [dreg:$0x16];
	[sflag:s18] =	ssyncadd.s32 $0xFFFFFFF0  }
0x10a: {  	[tilespmem:s30], [sflag:$0x3] =	stream.linear.gather [hbm4b:s16+s3], $0x10, $0x38;
	v63 =	vld [tilespmem:$0x0]  }
0x10b: {  	_ =	swait.ge [sflag:s18], $0x10  }
0x10c: {  	[sflag:s18] =	ssyncset.done $0x0  }
0x10d: {  	[sflag:s18] =	ssyncadd.s32 $0xFFFFFFF0  }
0x10e: {  	[tilespmem:s17], [sflag:$0x1] =	stream.indirect.gather [hbm4b:s4+s31], $0x80, s14, s31, $0xb8;
	v63 =	vld [tilespmem:$0x0]  }
0x10f: {  	_ =	swait.ge [sflag:s23], $0x800  }
0x110: {  	[sflag:s23] =	ssyncset.done $0x0  }
0x111: {  	[sflag:s23] =	ssyncadd.s32 $0xFFFFF800  }
0x112: {  	[spmem:s2] =	stream.indirect.scatter.add.f32 [tilespmem:s17], [sflag:$0x2], $0x80, s30, s31, $0xb8;
	v63 =	vld [tilespmem:$0x0]  }
0x113: {  	_ =	swait.ge [sflag:s28], $0x4000  }
0x114: {  	[sflag:s28] =	ssyncset.done $0x0  }
0x115: {  	[sflag:s28] =	ssyncadd.s32 $0xFFFFC000  }
0x116: {  	_ =	swait.ge [sflag:s28], $0x4000  }
0x117: {  	[sflag:s28] =	ssyncset.done $0x0  }
0x118: {  	[sflag:s28] =	ssyncadd.s32 $0xFFFFC000  }
0x119: {  	_ =	swait.ge [sflag:s28], $0x800  }
0x11a: {  	[sflag:s28] =	ssyncset.done $0x0  }
0x11b: {  	[sflag:s28] =	ssyncadd.s32 $0xFFFFF800  }
0x11c: {  	[bflag:$0x0] =	sbarrier.arrive $0xFFFF  }
0x11d: {  	[tilespmem:s17], [sflag:$0x3] =	stream.linear.gather [spmem:s8], $0x4000, $0x38;
	v63 =	vld [tilespmem:$0x0]  }
0x11e: {  	_ =	swait.ge [sflag:s18], $0x4000  }
0x11f: {  	[sflag:s18] =	ssyncset.done $0x0  }
0x120: {  	s29 =	rddreg [dreg:$0x7];
	[sflag:s18] =	ssyncadd.s32 $0xFFFFC000  }
0x121: {  	[hbm4b:s29+s3] =	stream.linear.scatter [tilespmem:s17], [sflag:$0x3], $0x4000, $0x38;
	v63 =	vld [tilespmem:$0x0]  }
0x122: {  	_ =	swait.ge [sflag:s18], $0x4000  }
0x123: {  	[sflag:s18] =	ssyncset.done $0x0  }
0x124: {  	s14 =	rddreg [dreg:$0x18];
	[sflag:s18] =	ssyncadd.s32 $0xFFFFC000  }
0x125: {  	[tilespmem:s17], [sflag:$0x3] =	stream.linear.gather [spmem:s14], $0x4000, $0x38;
	v63 =	vld [tilespmem:$0x0]  }
0x126: {  	_ =	swait.ge [sflag:s18], $0x4000  }
0x127: {  	[sflag:s18] =	ssyncset.done $0x0  }
0x128: {  	s15 =	rddreg [dreg:$0x8];
	[sflag:s18] =	ssyncadd.s32 $0xFFFFC000  }
0x129: {  	[hbm4b:s15+s3] =	stream.linear.scatter [tilespmem:s17], [sflag:$0x3], $0x4000, $0x38;
	v63 =	vld [tilespmem:$0x0]  }
0x12a: {  	_ =	swait.ge [sflag:s18], $0x4000  }
0x12b: {  	[sflag:s18] =	ssyncset.done $0x0  }
0x12c: {  	s16 =	rddreg [dreg:$0x19];
	[sflag:s18] =	ssyncadd.s32 $0xFFFFC000  }
0x12d: {  	[tilespmem:s17], [sflag:$0x3] =	stream.linear.gather [spmem:s16], $0x4000, $0x38;
	v63 =	vld [tilespmem:$0x0]  }
0x12e: {  	_ =	swait.ge [sflag:s18], $0x4000  }
0x12f: {  	[sflag:s18] =	ssyncset.done $0x0  }
0x130: {  	s29 =	rddreg [dreg:$0x9];
	[sflag:s18] =	ssyncadd.s32 $0xFFFFC000  }
0x131: {  	[hbm4b:s29+s3] =	stream.linear.scatter [tilespmem:s17], [sflag:$0x3], $0x4000, $0x38;
	v63 =	vld [tilespmem:$0x0]  }
0x132: {  	_ =	swait.ge [sflag:s18], $0x4000  }
0x133: {  	[sflag:s18] =	ssyncset.done $0x0  }
0x134: {  	s14 =	rddreg [dreg:$0x1a];
	[sflag:s18] =	ssyncadd.s32 $0xFFFFC000  }
0x135: {  	[tilespmem:s17], [sflag:$0x3] =	stream.linear.gather [spmem:s14], $0x4000, $0x38;
	v63 =	vld [tilespmem:$0x0]  }
0x136: {  	_ =	swait.ge [sflag:s18], $0x4000  }
0x137: {  	[sflag:s18] =	ssyncset.done $0x0  }
0x138: {  	s15 =	rddreg [dreg:$0xa];
	[sflag:s18] =	ssyncadd.s32 $0xFFFFC000  }
0x139: {  	[hbm4b:s15+s3] =	stream.linear.scatter [tilespmem:s17], [sflag:$0x3], $0x4000, $0x38;
	v63 =	vld [tilespmem:$0x0]  }
0x13a: {  	_ =	swait.ge [sflag:s18], $0x4000  }
0x13b: {  	[sflag:s18] =	ssyncset.done $0x0  }
0x13c: {  	[sflag:s18] =	ssyncadd.s32 $0xFFFFC000  }
0x13d: {  	[tilespmem:s17], [sflag:$0x3] =	stream.linear.gather [spmem:s9], $0x3C00, $0x38;
	v63 =	vld [tilespmem:$0x0]  }
0x13e: {  	_ =	swait.ge [sflag:s18], $0x3C00  }
0x13f: {  	[sflag:s18] =	ssyncset.done $0x0  }
0x140: {  	s16 =	rddreg [dreg:$0x6];
	[sflag:s18] =	ssyncadd.s32 $0xFFFFC400  }
0x141: {  	[hbm4b:s16+s3] =	stream.linear.scatter [tilespmem:s17], [sflag:$0x3], $0x3C00, $0x38;
	v63 =	vld [tilespmem:$0x0]  }
0x142: {  	_ =	swait.ge [sflag:s18], $0x3C00  }
0x143: {  	s0 =	sadd.s32 $0x1, s0;
	s29 =	rddreg [dreg:$0x17]  }
0x144: {  	p0 =	sne.s32 s0, s29  }
.Ltmp1:
0x145: {  	_ = 	snop;
	(pc) =	sbr.rel @p0 .LBB2_1-.Ltmp1, $3  }
0x146: {  	_ =	sdelay $0x1  }
0x147: {  	[sflag:s18] =	ssyncset.done $0x0  }
0x148: {  	[sflag:s18] =	ssyncadd.s32 $0xFFFFC400  }
0x149: {  	_ =	sfence.sel $0x180000  }
0x14a: {  	[bflag:$0x0] =	sbarrier.arrive $0xFFFF  }
0x14b: {  	_ =	strace $0x9000004A  }
0x14c: {  	s0 =	stileid.u32;
	[bflag:$0x2] =	sbarrier.arrive $0xFFFF  }
0x14d: {  	p0 =	sne.s32 s0, $0x0;
	s0 =	rddreg [dreg:$0x2]  }
0x14e: {  	s0 =	sadd.s32 @!p0 $0x100000, s0  }
0x14f: {  	[sflag:s0] =	ssyncadd.tile.s32 @!p0 $0x1;
	_ =	shalt  }
.Lfunc_end2:
_tile_overlayer_lowered:
.L_overlay_start_2:
0x150: {  	(tag) =	ssettag $0x2  }
0x151: {  	s0 =	rddreg [dreg:$0x0];
	s2 =	stileid.u32  }
0x152: {  	s1 =	rddreg [dreg:$0x1];
	p0 =	sne.s32 s2, $0x0  }
0x153: {  	s3 =	rddreg [dreg:$0x2];
	[bflag:$0x3] =	sbarrier.arrive $0xFFFF;
	s2 =	simm.s32 @!p0 $0x1C03  }
0x154: {  	[timem:s3], [sflag:s2] =	dma.local @!p0 [hbm:s0], s1  }
0x155: {  	s0 =	simm.s32 @!p0 $0x3  }
0x156: {  	_ =	swait.ge @!p0 [sflag:s0], s1  }
0x157: {  	s1 =	ssub.s32 @!p0 $0x0, s1;
	[sflag:s0] =	ssyncset.done @!p0 $0x0  }
0x158: {  	[sflag:s0] =	ssyncadd.s32 @!p0 s1  }
0x159: {  	[bflag:$0x3] =	sbarrier.arrive $0xFFFF  }
0x15a: {  	_ =	shalt  }

// kernel: sc_edge_scatter.8.cloned.1.call-start
scs
__scs_entry_jumppad:
0x0: {  	(pc) =	sbr.rel $0x88, $3  }
0x1: {  	(tag) =	ssettag $0x0;
	lr =	simm.s32 $0x1  }
0x2: {  	[smem:$0x3F98] =	sst lr;
	_ =	strace $0xD0000000  }
0x3: {  	_ = 	snop  }
0x4: {  	_ = 	snop  }
0x5: {  	_ = 	snop  }
0x6: {  	_ = 	snop  }
0x7: {  	_ = 	snop  }
__scs_overlays_trampoline_lowered:
0x8: {  	[smem:$0x3FA7] =	sst s0  }
0x9: {  	[smem:$0x3FA8] =	sst s1  }
0xa: {  	[smem:$0x3FA9] =	sst s2  }
0xb: {  	[smem:$0x3FAA] =	sst s3  }
0xc: {  	[smem:$0x3FAB] =	sst s4  }
0xd: {  	[smem:$0x3FAC] =	sst s5  }
0xe: {  	[smem:$0x3FAD] =	sst s6  }
0xf: {  	[smem:$0x3FAE] =	sst s7  }
0x10: {  	[smem:$0x3FAF] =	sst s8  }
0x11: {  	[smem:$0x3FB0] =	sst s9;
	s0 =	simm.s32 @!p0 $0x0  }
0x12: {  	s1 =	sld [smem:$0x3F96];
	s0 =	simm.s32 @p0 $0x1  }
0x13: {  	[smem:$0x3FB1] =	sst s0;
	s0 =	simm.s32 @!p1 $0x0  }
0x14: {  	s2 =	sld [smem:$0x3F95];
	s0 =	simm.s32 @p1 $0x1  }
0x15: {  	[smem:$0x3FB2] =	sst s0;
	s0 =	simm.s32 @!p2 $0x0  }
0x16: {  	s3 =	sld [smem:$0x3FDB];
	s0 =	simm.s32 @p2 $0x1  }
0x17: {  	s4 =	simm.s32 $0x1BF5;
	[smem:$0x3FB4] =	sst s0  }
0x18: {  	s0 =	sld [smem:$0x3F97];
	_ =	swait.ge [sflag:s4], $0x0  }
0x19: {  	s7 =	sld [smem:$0x3F98]  }
0x1a: {  	s8 =	sadd.s32 $0xFFFFE003, lr  }
0x1b: {  	s9 =	sadd.s32 $0xFFFFFEF7, lr;
	s5 =	simm.s32 $0xFFFFFFFF;
	p2 =	slt.u32 s8, $0xFFFFF086  }
0x1c: {  	p1 =	slt.u32 s9, $0xF7A;
	s5 =	simm.s32 @!p2 $0x0  }
0x1d: {  	s5 =	simm.s32 @p1 $0x1;
	p0 =	seq.s32 s7, s2  }
0x1e: {  	s7 =	smul.u32 @!p0 $0xF7A, s2;
	p2 =	seq.s32 @!p0 s5, $0x0  }
0x1f: {  	s9 =	smul.u32 $0xF7A, s1;
	s8 =	simm.s32 @!p0 $0x1BF5;
	p2 =	por !p2, p0  }
0x20: {  	[sflag:s8] =	ssyncset.s32 @!p0 $0xFFFFF086;
	s6 =	sadd.s32 @!p0 s3, s7;
	s7 =	simm.s32 @!p0 $0x108  }
0x21: {  	s3 =	sadd.s32 s3, s9;
	s6 =	sadd.s32 @!p0 $0x88, s6;
	s7 =	simm.s32 @p2 $0x1082  }
0x22: {  	[simem:s7], [sflag:s8] =	dma.local @!p0 [hbm:s6], $0xF7A  }
0x23: {  	s9 =	sor.u32 $0xD0000000, s2;
	s6 =	simm.s32 $0x108;
	_ =	swait.ge @!p0 [sflag:s8], $0x0  }
0x24: {  	s3 =	sadd.s32 $0x88, s3;
	s6 =	simm.s32 @!p1 $0x1082;
	[sflag:s4] =	ssyncset.s32 $0xFFFFF086  }
0x25: {  	[simem:s6], [sflag:s4] =	dma.local [hbm:s3], $0xF7A  }
0x26: {  	[smem:$0x3F98] =	sst s1;
	(tag) =	ssettag s2;
	_ =	strace s9  }
0x27: {  	s1 =	sld [smem:$0x3FA8]  }
0x28: {  	s2 =	sld [smem:$0x3FA9]  }
0x29: {  	s4 =	sld [smem:$0x3FAB]  }
0x2a: {  	p0 =	seq.s32 s5, $0x0;
	s5 =	sld [smem:$0x3FAC]  }
0x2b: {  	s6 =	sld [smem:$0x3FAD]  }
0x2c: {  	s7 =	sld [smem:$0x3FAE]  }
0x2d: {  	s3 =	simm.s32 $0x108;
	s8 =	sld [smem:$0x3FAF]  }
0x2e: {  	s3 =	simm.s32 @!p0 $0x1082;
	s9 =	sld [smem:$0x3FB0]  }
0x2f: {  	lr =	sadd.s32 s0, s3;
	s0 =	sld [smem:$0x3FA7]  }
0x30: {  	s3 =	sld [smem:$0x3FAA]  }
0x31: {  	[smem:$0x3FB3] =	sst s10  }
0x32: {  	s10 =	sld [smem:$0x3FB1];
	_ =	sdelay $0x3  }
0x33: {  	p0 =	seq.s32 s10, $0x1;
	s10 =	sld [smem:$0x3FB3];
	_ =	sdelay $0x3  }
0x34: {  	[smem:$0x3FB3] =	sst s10  }
0x35: {  	s10 =	sld [smem:$0x3FB2];
	_ =	sdelay $0x3  }
0x36: {  	p1 =	seq.s32 s10, $0x1;
	s10 =	sld [smem:$0x3FB3];
	_ =	sdelay $0x3  }
0x37: {  	[smem:$0x3FB3] =	sst s10  }
0x38: {  	s10 =	sld [smem:$0x3FB4]  }
0x39: {  	_ = 	snop;
	(pc) =	sbr.ind lr, $3  }
0x3a: {  	_ = 	snop  }
0x3b: {  	_ = 	snop  }
0x3c: {  	p2 =	seq.s32 s10, $0x1;
	s10 =	sld [smem:$0x3FB3]  }
0x3d: {  	_ =	shalt  }
0x3e: {  	_ =	shalt  }
0x3f: {  	_ =	shalt  }
0x40: {  	_ =	shalt  }
0x41: {  	_ =	shalt  }
0x42: {  	_ =	shalt  }
0x43: {  	_ =	shalt  }
0x44: {  	_ =	shalt  }
0x45: {  	_ =	shalt  }
0x46: {  	_ =	shalt  }
0x47: {  	_ =	shalt  }
0x48: {  	_ =	shalt  }
0x49: {  	_ =	shalt  }
0x4a: {  	_ =	shalt  }
0x4b: {  	_ =	shalt  }
0x4c: {  	_ =	shalt  }
0x4d: {  	_ =	shalt  }
0x4e: {  	_ =	shalt  }
0x4f: {  	_ =	shalt  }
0x50: {  	_ =	shalt  }
0x51: {  	_ =	shalt  }
0x52: {  	_ =	shalt  }
0x53: {  	_ =	shalt  }
0x54: {  	_ =	shalt  }
0x55: {  	_ =	shalt  }
0x56: {  	_ =	shalt  }
0x57: {  	_ =	shalt  }
0x58: {  	_ =	shalt  }
0x59: {  	_ =	shalt  }
0x5a: {  	_ =	shalt  }
0x5b: {  	_ =	shalt  }
0x5c: {  	_ =	shalt  }
0x5d: {  	_ =	shalt  }
0x5e: {  	_ =	shalt  }
0x5f: {  	_ =	shalt  }
0x60: {  	_ =	shalt  }
0x61: {  	_ =	shalt  }
0x62: {  	_ =	shalt  }
0x63: {  	_ =	shalt  }
0x64: {  	_ =	shalt  }
0x65: {  	_ =	shalt  }
0x66: {  	_ =	shalt  }
0x67: {  	_ =	shalt  }
0x68: {  	_ =	shalt  }
0x69: {  	_ =	shalt  }
0x6a: {  	_ =	shalt  }
0x6b: {  	_ =	shalt  }
0x6c: {  	_ =	shalt  }
0x6d: {  	_ =	shalt  }
0x6e: {  	_ =	shalt  }
0x6f: {  	_ =	shalt  }
0x70: {  	_ =	shalt  }
0x71: {  	_ =	shalt  }
0x72: {  	_ =	shalt  }
0x73: {  	_ =	shalt  }
0x74: {  	_ =	shalt  }
0x75: {  	_ =	shalt  }
0x76: {  	_ =	shalt  }
0x77: {  	_ =	shalt  }
0x78: {  	_ =	shalt  }
0x79: {  	_ =	shalt  }
0x7a: {  	_ =	shalt  }
0x7b: {  	_ =	shalt  }
0x7c: {  	_ =	shalt  }
0x7d: {  	_ =	shalt  }
0x7e: {  	_ =	shalt  }
0x7f: {  	_ =	shalt  }
0x80: {  	_ =	shalt  }
0x81: {  	_ =	shalt  }
0x82: {  	_ =	shalt  }
0x83: {  	_ =	shalt  }
0x84: {  	_ =	shalt  }
0x85: {  	_ =	shalt  }
0x86: {  	_ =	shalt  }
0x87: {  	_ =	shalt  }
.Lfunc_end0:
.L_simem_size_0:
called_computation.2_lowered:
.L_overlay_start_0:
0x88: {  	s2 =	sld [smem:$0x3FD9]  }
0x89: {  	s3 =	sld [smem:$0x3FFE];
	_ =	sdelay $0x1  }
0x8a: {  	s1 =	srdreg.scid  }
0x8b: {  	s0 =	sand.u32 $0x1, s1  }
0x8c: {  	s16 =	sshll.u32 s0, $0xA;
	s2 =	sadd.s32 s3, s2  }
0x8d: {  	s2 =	sadd.s32 s2, s16  }
0x8e: {  	[smem:$0x3FBF] =	sst s2  }
0x8f: {  	_ = 	snop  }
0x90: {  	(tm) =	ssettm $0x1  }
0x91: {  	s17 =	sld [smem:$0x3FFB];
	_ =	sdelay $0x3  }
0x92: {  	_ =	strace s17  }
0x93: {  	s2 =	sld [smem:$0x3FFC];
	_ =	sdelay $0x3  }
0x94: {  	_ =	strace s2  }
0x95: {  	s2 =	sld [smem:$0x3FFD];
	_ =	sdelay $0x3  }
0x96: {  	_ =	strace s2  }
0x97: {  	_ =	strace $0x8FFFFFFF  }
0x98: {  	s18 =	sld [smem:$0x3FDB];
	_ =	sdelay $0x1  }
0x99: {  	s19 =	simm.s32 $_scs_section_size  }
0x9a: {  	s4 =	simm.s32 $_size__tile_overlayer_lowered;
	s5 =	simm.s32 $_tile_overlayer_lowered  }
0x9b: {  	s22 =	simm.s32 $0x1BFF;
	s21 =	sshll.u32 s5, $0x1;
	s2 =	sadd.s32 s19, s18  }
0x9c: {  	s6 =	simm.s32 $0x0;
	s20 =	sshll.u32 s4, $0x1;
	s4 =	sadd.s32 s21, s2  }
0x9d: {  	[timem:s6], [sflag:s22] =	dma.local [hbm:s4], s20  }
0x9e: {  	_ =	swait.ge [sflag:s22], s20  }
0x9f: {  	s3 =	ssub.s32 $0x0, s20;
	[sflag:s22] =	ssyncset.done $0x0  }
0xa0: {  	[sflag:s22] =	ssyncadd.s32 s3;
	_ =	sdelay $0x1  }
0xa1: {  	s23 =	simm.s32 $0x1B8B  }
0xa2: {  	_ =	swait.ge [sflag:s23], $0x1  }
0xa3: {  	[sflag:s23] =	ssyncset.done $0x0  }
0xa4: {  	s25 =	simm.s32 $0x1B8E;
	s24 =	sld [smem:$0x3FFE];
	[sflag:s23] =	ssyncadd.s32 $0xFFFFFFFF  }
0xa5: {  	s26 =	simm.s32 $execute0_lowered;
	[smem:$0x3FD2] =	sst s25  }
0xa6: {  	s4 =	sshll.u32 s26, $0x1;
	_ =	strace $0x8000004C;
	[dreg:$0x1] =	wrdreg $0xFFFFFFFF  }
0xa7: {  	s28 =	simm.s32 $_size_execute0_lowered;
	s2 =	sadd.s32 s2, s4;
	[dreg:$0x0] =	wrdreg $0x0  }
0xa8: {  	s4 =	sshll.u32 s28, $0x1;
	[dreg:$0x2] =	wrdreg s2  }
0xa9: {  	[dreg:$0x3] =	wrdreg s4  }
0xaa: {  	[dreg:$0x4] =	wrdreg $0xC0  }
0xab: {  	_ =	task [dreg:s6], $0x5FFFF  }
0xac: {  	[dreg:$0x1] =	wrdreg $0xFFFFFFFF  }
0xad: {  	[dreg:$0x0] =	wrdreg $0x60  }
0xae: {  	[dreg:$0x2] =	wrdreg s24  }
0xaf: {  	[dreg:$0x3] =	wrdreg $0xC4000  }
0xb0: {  	[dreg:$0x4] =	wrdreg $0x9  }
0xb1: {  	_ =	task.clear_ibuf [dreg:s6], $0x5FFFF;
	_ =	strace $0x9000004C  }
0xb2: {  	s29 =	simm.s32 $0x9;
	_ =	strace $0x8000004E  }
0xb3: {  	_ =	swait.ge [sflag:s29], $0x1  }
0xb4: {  	[sflag:s29] =	ssyncadd.s32 $0xFFFFFFFF  }
0xb5: {  	_ =	strace $0x9000004E  }
0xb6: {  	_ =	sfence  }
0xb7: {  	s30 =	sld [smem:$0x0];
	_ =	sdelay $0x2  }
0xb8: {  	s31 =	sshll.u32 s1, $0xD;
	s1 =	sshrl.u32 s1, $0x2  }
0xb9: {  	s3 =	sand.u32 $0x4000, s31;
	s1 =	sadd.s32 s1, s30  }
0xba: {  	s0 =	sor.u32 s3, s0;
	s1 =	sshll.u32 s1, $0x11  }
0xbb: {  	s0 =	sor.u32 s1, s0  }
0xbc: {  	s0 =	sadd.s32 $0x8F2B, s0  }
0xbd: {  	[sflag:s0] =	ssyncadd.remote.s32 $0x1  }
0xbe: {  	_ =	sfence.sel $0xFFFF  }
0xbf: {  	[dreg:$0x0] =	wrdreg $0xFFFFFFFF;
	(pc) =	sbr.abs _section_cstart, $3  }
0xc0: {  	[dreg:$0x1] =	wrdreg $0xFFFFFFFF  }
0xc1: {  	_ =	task.clear_ibuf [dreg:s6], $0x2FFFF;
	_ =	strace $0x9FFFFFFF  }
0xc2: {  	(tm) =	ssettm $0x7FFFFFFF  }
0xc3: {  	_ =	shalt  }
tec
execute0_lowered:
.L_overlay_start_1:
0x0: {  	(tag) =	ssettag $0x1  }
0x1: {  	s0 =	rddreg [dreg:$0x0]  }
0x2: {  	s2 =	rddreg [dreg:$0x1];
	s3 =	simm.s32 $0x0  }
0x3: {  	s1 =	srdreg.scid;
	s18 =	stileid.u32;
	s28 =	simm.s32 $0x2  }
0x4: {  	s30 =	simm.s32 $0x380;
	s31 =	simm.s32 $0x10;
	s9 =	smul.u32 $0x4F000, s18  }
0x5: {  	[smem:$0x7FF] =	sst s3;
	s1 =	sand.u32 $0x1, s1;
	s11 =	smul.u32 $0x278, s18  }
0x6: {  	s4 =	sshll.u32 s18, $0x1;
	s5 =	sadd.s32 $0x2C00, s0;
	s18 =	smul.u32 $0x4E20, s18  }
0x7: {  	s10 =	sadd.s32 $0x3DA00, s0;
	_ =	strace $0x8000004D;
	s14 =	smul.u32 $0x2780, s1  }
0x8: {  	s6 =	sor.u32 s1, s4;
	s8 =	ssub.s32 $0x2, s1;
	s1 =	smul.u32 $0x2710, s1  }
0x9: {  	s4 =	sadd.s32 $0x16800, s0;
	[dreg:$0x3] =	wrdreg s10;
	s7 =	smul.u32 $0x2710, s6  }
0xa: {  	s6 =	sadd.s32 $0xCA00, s0;
	s23 =	sshrl.u32 s8, $0x1;
	s0 =	sadd.s32 $0x3E200, s0  }
0xb: {  	s24 =	sshrl.u32 s9, $0x2;
	s12 =	sadd.s32 $0x200, s11;
	s16 =	sadd.s32 $0x80, s11  }
0xc: {  	s10 =	ssub.s32 s8, s23;
	s25 =	sshll.u32 s12, $0x7;
	s12 =	sadd.s32 s14, s12  }
0xd: {  	s8 =	sadd.s32 s24, s2;
	s7 =	sshrl.u32 s7, $0x3;
	s12 =	sshll.u32 s12, $0x4  }
0xe: {  	s29 =	sadd.s32 s14, s11;
	s13 =	sadd.s32 $0x10, s7;
	s12 =	sadd.s32 s0, s12  }
0xf: {  	s17 =	sadd.s32 s14, s16;
	s15 =	sadd.s32 s5, s13;
	[dreg:$0x6] =	wrdreg s12  }
0x10: {  	s26 =	sadd.s32 $0x20, s7;
	s13 =	sadd.s32 s6, s13;
	[dreg:$0x4] =	wrdreg s15  }
0x11: {  	s9 =	sadd.s32 s25, s2;
	s20 =	sadd.s32 s5, s26;
	[dreg:$0x5] =	wrdreg s13  }
0x12: {  	s21 =	sadd.s32 $0x4B0, s7;
	s22 =	sadd.s32 s6, s26;
	[dreg:$0xb] =	wrdreg s20  }
0x13: {  	s24 =	sadd.s32 $0x4C0, s7;
	s23 =	sadd.s32 s5, s21;
	[dreg:$0xc] =	wrdreg s22  }
0x14: {  	s12 =	sshll.u32 s17, $0x4;
	s25 =	sadd.s32 s5, s24;
	[dreg:$0xd] =	wrdreg s23  }
0x15: {  	s26 =	sadd.s32 $0x4D0, s7;
	s12 =	sadd.s32 s0, s12;
	[dreg:$0xf] =	wrdreg s25  }
0x16: {  	s15 =	sshll.u32 s29, $0x4;
	s29 =	sadd.s32 s5, s26;
	[dreg:$0x8] =	wrdreg s12  }
0x17: {  	s13 =	sadd.s32 s6, s7;
	s25 =	sadd.s32 $0x4000, s8;
	[dreg:$0x11] =	wrdreg s29  }
0x18: {  	s15 =	sadd.s32 s0, s15;
	s12 =	sadd.s32 s6, s24;
	[dreg:$0x14] =	wrdreg s13  }
0x19: {  	[dreg:$0x1b] =	wrdreg s25;
	s29 =	sadd.s32 $0xC000, s8;
	s25 =	simm.s32 $0x280  }
0x1a: {  	[dreg:$0x7] =	wrdreg s15;
	s15 =	sadd.s32 $0x100, s11;
	s11 =	sadd.s32 $0x180, s11  }
0x1b: {  	[dreg:$0x10] =	wrdreg s12;
	s12 =	sadd.s32 s5, s7;
	s17 =	sadd.s32 s14, s15  }
0x1c: {  	[dreg:$0x1d] =	wrdreg s29;
	s14 =	sadd.s32 s14, s11;
	s17 =	sshll.u32 s17, $0x4  }
0x1d: {  	[dreg:$0x13] =	wrdreg s12;
	s14 =	sshll.u32 s14, $0x4;
	s19 =	sadd.s32 s0, s17  }
0x1e: {  	s0 =	sadd.s32 s0, s14;
	s14 =	sadd.s32 $0x4E0, s7;
	[dreg:$0x9] =	wrdreg s19  }
0x1f: {  	[dreg:$0xa] =	wrdreg s0;
	s0 =	sadd.s32 s1, s18;
	s1 =	sadd.s32 s6, s21  }
0x20: {  	s20 =	sshll.u32 s11, $0x7;
	s7 =	sadd.s32 s5, s14;
	[dreg:$0xe] =	wrdreg s1  }
0x21: {  	s17 =	sshll.u32 s16, $0x7;
	s18 =	smax.u32 s10, $0x1;
	[dreg:$0x15] =	wrdreg s7  }
0x22: {  	s19 =	sshll.u32 s15, $0x7;
	s1 =	sadd.s32 s6, s26;
	[dreg:$0x17] =	wrdreg s18  }
0x23: {  	s21 =	sadd.s32 $0x280, s0;
	s23 =	sadd.s32 $0x200, s0;
	s13 =	sadd.s32 $0x180, s0  }
0x24: {  	s26 =	sadd.s32 $0x8000, s8;
	s18 =	simm.s32 $0x3;
	s0 =	simm.s32 $0x0  }
0x25: {  	[dreg:$0x12] =	wrdreg s1;
	s1 =	sadd.s32 s6, s14;
	s22 =	sshrl.u32 s21, $0x3  }
0x26: {  	s24 =	sshrl.u32 s23, $0x3;
	[dreg:$0x1c] =	wrdreg s26;
	s21 =	simm.s32 $0x200  }
0x27: {  	s23 =	simm.s32 $0x1;
	s26 =	simm.s32 $0x8400;
	[dreg:$0x16] =	wrdreg s1  }
0x28: {  	s1 =	sadd.s32 s17, s2;
	s7 =	sadd.s32 s22, s6;
	s10 =	sadd.s32 s22, s5  }
0x29: {  	s11 =	sadd.s32 s24, s6;
	s12 =	sadd.s32 s24, s5;
	s17 =	simm.s32 $0x400  }
0x2a: {  	s22 =	simm.s32 $0x4400;
	[dreg:$0x18] =	wrdreg s1;
	s1 =	sadd.s32 s19, s2  }
0x2b: {  	s24 =	simm.s32 $0x100;
	[dreg:$0x19] =	wrdreg s1;
	s1 =	sadd.s32 s20, s2  }
0x2c: {  	s19 =	simm.s32 $0x180;
	s20 =	simm.s32 $0x80;
	[dreg:$0x1a] =	wrdreg s1  }
.LBB2_1:
0x2d: {  	s1 =	rddreg [dreg:$0x3]  }
0x2e: {  	[tilespmem:s17], [sflag:$0x3] =	stream.linear.gather [hbm4b:s1+s3], $0x4000, $0x38;
	v63 =	vld [tilespmem:$0x0]  }
0x2f: {  	_ =	swait.ge [sflag:s18], $0x4000  }
0x30: {  	[sflag:s18] =	ssyncset.done $0x0  }
0x31: {  	[sflag:s18] =	ssyncadd.s32 $0xFFFFC000  }
0x32: {  	[spmem:s8] =	stream.linear.scatter [tilespmem:s17], [sflag:$0x3], $0x4000, $0x38;
	v63 =	vld [tilespmem:$0x0]  }
0x33: {  	_ =	swait.ge [sflag:s18], $0x4000  }
0x34: {  	[sflag:s18] =	ssyncset.done $0x0  }
0x35: {  	s16 =	rddreg [dreg:$0x1b];
	[sflag:s18] =	ssyncadd.s32 $0xFFFFC000  }
0x36: {  	[spmem:s16] =	stream.linear.scatter [tilespmem:s17], [sflag:$0x3], $0x4000, $0x38;
	v63 =	vld [tilespmem:$0x0]  }
0x37: {  	_ =	swait.ge [sflag:s18], $0x4000  }
0x38: {  	[sflag:s18] =	ssyncset.done $0x0  }
0x39: {  	s29 =	rddreg [dreg:$0x1c];
	[sflag:s18] =	ssyncadd.s32 $0xFFFFC000  }
0x3a: {  	[spmem:s29] =	stream.linear.scatter [tilespmem:s17], [sflag:$0x3], $0x4000, $0x38;
	v63 =	vld [tilespmem:$0x0]  }
0x3b: {  	_ =	swait.ge [sflag:s18], $0x4000  }
0x3c: {  	[sflag:s18] =	ssyncset.done $0x0  }
0x3d: {  	s14 =	rddreg [dreg:$0x1d];
	[sflag:s18] =	ssyncadd.s32 $0xFFFFC000  }
0x3e: {  	[spmem:s14] =	stream.linear.scatter [tilespmem:s17], [sflag:$0x3], $0x4000, $0x38;
	v63 =	vld [tilespmem:$0x0]  }
0x3f: {  	_ =	swait.ge [sflag:s18], $0x4000  }
0x40: {  	[sflag:s18] =	ssyncset.done $0x0  }
0x41: {  	[sflag:s18] =	ssyncadd.s32 $0xFFFFC000  }
0x42: {  	[spmem:s9] =	stream.linear.scatter [tilespmem:s17], [sflag:$0x3], $0x3C00, $0x38;
	v63 =	vld [tilespmem:$0x0]  }
0x43: {  	_ =	swait.ge [sflag:s18], $0x3C00  }
0x44: {  	[sflag:s18] =	ssyncset.done $0x0  }
0x45: {  	[sflag:s18] =	ssyncadd.s32 $0xFFFFC400  }
0x46: {  	[bflag:$0x0] =	sbarrier.arrive $0xFFFF  }
0x47: {  	s15 =	rddreg [dreg:$0x13]  }
0x48: {  	[tilespmem:s3], [sflag:$0x3] =	stream.linear.gather [hbm4b:s15+s3], $0x80, $0x38;
	v63 =	vld [tilespmem:$0x0]  }
0x49: {  	_ =	swait.ge [sflag:s18], $0x80  }
0x4a: {  	[sflag:s18] =	ssyncset.done $0x0  }
0x4b: {  	s16 =	rddreg [dreg:$0x14];
	[sflag:s18] =	ssyncadd.s32 $0xFFFFFF80  }
0x4c: {  	[tilespmem:s19], [sflag:$0x3] =	stream.linear.gather [hbm4b:s16+s3], $0x80, $0x38;
	v63 =	vld [tilespmem:$0x0]  }
0x4d: {  	_ =	swait.ge [sflag:s18], $0x80  }
0x4e: {  	[sflag:s18] =	ssyncset.done $0x0  }
0x4f: {  	[sflag:s18] =	ssyncadd.s32 $0xFFFFFF80  }
0x50: {  	[tilespmem:s17], [sflag:$0x1] =	stream.indirect.gather [hbm4b:s4+s20], $0x80, s3, s20, $0xb8;
	v63 =	vld [tilespmem:$0x0]  }
0x51: {  	s29 =	rddreg [dreg:$0x4]  }
0x52: {  	[tilespmem:s20], [sflag:$0x3] =	stream.linear.gather [hbm4b:s29+s3], $0x80, $0x38;
	v63 =	vld [tilespmem:$0x0]  }
0x53: {  	_ =	swait.ge [sflag:s18], $0x80  }
0x54: {  	[sflag:s18] =	ssyncset.done $0x0  }
0x55: {  	s14 =	rddreg [dreg:$0x5];
	[sflag:s18] =	ssyncadd.s32 $0xFFFFFF80  }
0x56: {  	[tilespmem:s21], [sflag:$0x3] =	stream.linear.gather [hbm4b:s14+s3], $0x80, $0x38;
	v63 =	vld [tilespmem:$0x0]  }
0x57: {  	_ =	swait.ge [sflag:s18], $0x80  }
0x58: {  	[sflag:s18] =	ssyncset.done $0x0  }
0x59: {  	[sflag:s18] =	ssyncadd.s32 $0xFFFFFF80  }
0x5a: {  	[tilespmem:s22], [sflag:$0x1] =	stream.indirect.gather [hbm4b:s4+s20], $0x80, s20, s20, $0xb8;
	v63 =	vld [tilespmem:$0x0]  }
0x5b: {  	_ =	swait.ge [sflag:s23], $0x4000  }
0x5c: {  	[sflag:s23] =	ssyncset.done $0x0  }
0x5d: {  	[sflag:s23] =	ssyncadd.s32 $0xFFFFC000  }
0x5e: {  	[spmem:s2] =	stream.indirect.scatter.add.f32 [tilespmem:s17], [sflag:$0x2], $0x80, s19, s20, $0xb8;
	v63 =	vld [tilespmem:$0x0]  }
0x5f: {  	s15 =	rddreg [dreg:$0xb]  }
0x60: {  	[tilespmem:s24], [sflag:$0x3] =	stream.linear.gather [hbm4b:s15+s3], $0x80, $0x38;
	v63 =	vld [tilespmem:$0x0]  }
0x61: {  	_ =	swait.ge [sflag:s18], $0x80  }
0x62: {  	[sflag:s18] =	ssyncset.done $0x0  }
0x63: {  	s16 =	rddreg [dreg:$0xc];
	[sflag:s18] =	ssyncadd.s32 $0xFFFFFF80  }
0x64: {  	[tilespmem:s25], [sflag:$0x3] =	stream.linear.gather [hbm4b:s16+s3], $0x80, $0x38;
	v63 =	vld [tilespmem:$0x0]  }
0x65: {  	_ =	swait.ge [sflag:s18], $0x80  }
0x66: {  	[sflag:s18] =	ssyncset.done $0x0  }
0x67: {  	[sflag:s18] =	ssyncadd.s32 $0xFFFFFF80  }
0x68: {  	[tilespmem:s26], [sflag:$0x1] =	stream.indirect.gather [hbm4b:s4+s20], $0x80, s24, s20, $0xb8;
	v63 =	vld [tilespmem:$0x0]  }
0x69: {  	_ =	swait.ge [sflag:s23], $0x4000  }
0x6a: {  	[sflag:s23] =	ssyncset.done $0x0  }
0x6b: {  	[sflag:s23] =	ssyncadd.s32 $0xFFFFC000  }
0x6c: {  	[spmem:s2] =	stream.indirect.scatter.add.f32 [tilespmem:s22], [sflag:$0x2], $0x80, s21, s20, $0xb8;
	v63 =	vld [tilespmem:$0x0]  }
0x6d: {  	_ =	swait.ge [sflag:s28], $0x4000  }
0x6e: {  	s29 =	sshrl.u32 s13, $0x3;
	[sflag:s28] =	ssyncset.done $0x0  }
0x6f: {  	s14 =	sadd.s32 s5, s29;
	[sflag:s28] =	ssyncadd.s32 $0xFFFFC000  }
0x70: {  	[tilespmem:s3], [sflag:$0x3] =	stream.linear.gather [hbm4b:s14+s3], $0x80, $0x38;
	v63 =	vld [tilespmem:$0x0]  }
0x71: {  	_ =	swait.ge [sflag:s18], $0x80  }
0x72: {  	[sflag:s18] =	ssyncset.done $0x0  }
0x73: {  	s1 =	sadd.s32 s6, s29;
	[sflag:s18] =	ssyncadd.s32 $0xFFFFFF80  }
0x74: {  	[tilespmem:s19], [sflag:$0x3] =	stream.linear.gather [hbm4b:s1+s3], $0x80, $0x38;
	v63 =	vld [tilespmem:$0x0]  }
0x75: {  	_ =	swait.ge [sflag:s18], $0x80  }
0x76: {  	[sflag:s18] =	ssyncset.done $0x0  }
0x77: {  	[sflag:s18] =	ssyncadd.s32 $0xFFFFFF80  }
0x78: {  	[tilespmem:s17], [sflag:$0x1] =	stream.indirect.gather [hbm4b:s4+s20], $0x80, s3, s20, $0xb8;
	v63 =	vld [tilespmem:$0x0]  }
0x79: {  	_ =	swait.ge [sflag:s23], $0x4000  }
0x7a: {  	[sflag:s23] =	ssyncset.done $0x0  }
0x7b: {  	[sflag:s23] =	ssyncadd.s32 $0xFFFFC000  }
0x7c: {  	[spmem:s2] =	stream.indirect.scatter.add.f32 [tilespmem:s26], [sflag:$0x2], $0x80, s25, s20, $0xb8;
	v63 =	vld [tilespmem:$0x0]  }
0x7d: {  	_ =	swait.ge [sflag:s28], $0x4000  }
0x7e: {  	[sflag:s28] =	ssyncset.done $0x0  }
0x7f: {  	s14 =	sadd.s32 $0x0, s12;
	[sflag:s28] =	ssyncadd.s32 $0xFFFFC000  }
0x80: {  	[tilespmem:s20], [sflag:$0x3] =	stream.linear.gather [hbm4b:s14+s3], $0x80, $0x38;
	v63 =	vld [tilespmem:$0x0]  }
0x81: {  	_ =	swait.ge [sflag:s18], $0x80  }
0x82: {  	[sflag:s18] =	ssyncset.done $0x0  }
0x83: {  	s15 =	sadd.s32 $0x0, s11;
	[sflag:s18] =	ssyncadd.s32 $0xFFFFFF80  }
0x84: {  	[tilespmem:s21], [sflag:$0x3] =	stream.linear.gather [hbm4b:s15+s3], $0x80, $0x38;
	v63 =	vld [tilespmem:$0x0]  }
0x85: {  	_ =	swait.ge [sflag:s18], $0x80  }
0x86: {  	[sflag:s18] =	ssyncset.done $0x0  }
0x87: {  	[sflag:s18] =	ssyncadd.s32 $0xFFFFFF80  }
0x88: {  	[tilespmem:s22], [sflag:$0x1] =	stream.indirect.gather [hbm4b:s4+s20], $0x80, s20, s20, $0xb8;
	v63 =	vld [tilespmem:$0x0]  }
0x89: {  	_ =	swait.ge [sflag:s23], $0x4000  }
0x8a: {  	[sflag:s23] =	ssyncset.done $0x0  }
0x8b: {  	[sflag:s23] =	ssyncadd.s32 $0xFFFFC000  }
0x8c: {  	[spmem:s2] =	stream.indirect.scatter.add.f32 [tilespmem:s17], [sflag:$0x2], $0x80, s19, s20, $0xb8;
	v63 =	vld [tilespmem:$0x0]  }
0x8d: {  	_ =	swait.ge [sflag:s28], $0x4000  }
0x8e: {  	[sflag:s28] =	ssyncset.done $0x0  }
0x8f: {  	s16 =	sadd.s32 $0x0, s10;
	[sflag:s28] =	ssyncadd.s32 $0xFFFFC000  }
0x90: {  	[tilespmem:s24], [sflag:$0x3] =	stream.linear.gather [hbm4b:s16+s3], $0x80, $0x38;
	v63 =	vld [tilespmem:$0x0]  }
0x91: {  	_ =	swait.ge [sflag:s18], $0x80  }
0x92: {  	[sflag:s18] =	ssyncset.done $0x0  }
0x93: {  	s29 =	sadd.s32 $0x0, s7;
	[sflag:s18] =	ssyncadd.s32 $0xFFFFFF80  }
0x94: {  	[tilespmem:s25], [sflag:$0x3] =	stream.linear.gather [hbm4b:s29+s3], $0x80, $0x38;
	v63 =	vld [tilespmem:$0x0]  }
0x95: {  	_ =	swait.ge [sflag:s18], $0x80  }
0x96: {  	[sflag:s18] =	ssyncset.done $0x0  }
0x97: {  	[sflag:s18] =	ssyncadd.s32 $0xFFFFFF80  }
0x98: {  	[tilespmem:s26], [sflag:$0x1] =	stream.indirect.gather [hbm4b:s4+s20], $0x80, s24, s20, $0xb8;
	v63 =	vld [tilespmem:$0x0]  }
0x99: {  	_ =	swait.ge [sflag:s23], $0x4000  }
0x9a: {  	[sflag:s23] =	ssyncset.done $0x0  }
0x9b: {  	s1 =	simm.s32 $0x30;
	s14 =	sadd.s32 $0x180, s13;
	[sflag:s23] =	ssyncadd.s32 $0xFFFFC000  }
.LBB2_2:
0x9c: {  	[spmem:s2] =	stream.indirect.scatter.add.f32 [tilespmem:s22], [sflag:$0x2], $0x80, s21, s20, $0xb8;
	v63 =	vld [tilespmem:$0x0]  }
0x9d: {  	s15 =	smov.u32 s1  }
0x9e: {  	p0 =	sne.s32 s1, $0x450;
	s1 =	sadd.s32 $0x30, s1;
	_ =	swait.ge [sflag:s28], $0x4000  }
0x9f: {  	s16 =	sshrl.u32 s14, $0x3;
	[sflag:s28] =	ssyncset.done $0x0  }
0xa0: {  	s29 =	sadd.s32 s5, s16;
	[sflag:s28] =	ssyncadd.s32 $0xFFFFC000  }
0xa1: {  	[tilespmem:s3], [sflag:$0x3] =	stream.linear.gather [hbm4b:s29+s3], $0x80, $0x38;
	v63 =	vld [tilespmem:$0x0]  }
0xa2: {  	_ =	swait.ge [sflag:s18], $0x80  }
0xa3: {  	[sflag:s18] =	ssyncset.done $0x0  }
0xa4: {  	s16 =	sadd.s32 s6, s16;
	[sflag:s18] =	ssyncadd.s32 $0xFFFFFF80  }
0xa5: {  	[tilespmem:s19], [sflag:$0x3] =	stream.linear.gather [hbm4b:s16+s3], $0x80, $0x38;
	v63 =	vld [tilespmem:$0x0]  }
0xa6: {  	_ =	swait.ge [sflag:s18], $0x80  }
0xa7: {  	[sflag:s18] =	ssyncset.done $0x0  }
0xa8: {  	[sflag:s18] =	ssyncadd.s32 $0xFFFFFF80  }
0xa9: {  	[tilespmem:s17], [sflag:$0x1] =	stream.indirect.gather [hbm4b:s4+s20], $0x80, s3, s20, $0xb8;
	v63 =	vld [tilespmem:$0x0]  }
0xaa: {  	_ =	swait.ge [sflag:s23], $0x4000  }
0xab: {  	[sflag:s23] =	ssyncset.done $0x0  }
0xac: {  	[sflag:s23] =	ssyncadd.s32 $0xFFFFC000  }
0xad: {  	[spmem:s2] =	stream.indirect.scatter.add.f32 [tilespmem:s26], [sflag:$0x2], $0x80, s25, s20, $0xb8;
	v63 =	vld [tilespmem:$0x0]  }
0xae: {  	_ =	swait.ge [sflag:s28], $0x4000  }
0xaf: {  	[sflag:s28] =	ssyncset.done $0x0  }
0xb0: {  	s16 =	sadd.s32 s15, s12;
	[sflag:s28] =	ssyncadd.s32 $0xFFFFC000  }
0xb1: {  	[tilespmem:s20], [sflag:$0x3] =	stream.linear.gather [hbm4b:s16+s3], $0x80, $0x38;
	v63 =	vld [tilespmem:$0x0]  }
0xb2: {  	_ =	swait.ge [sflag:s18], $0x80  }
0xb3: {  	[sflag:s18] =	ssyncset.done $0x0  }
0xb4: {  	s16 =	sadd.s32 s15, s11;
	[sflag:s18] =	ssyncadd.s32 $0xFFFFFF80  }
0xb5: {  	[tilespmem:s21], [sflag:$0x3] =	stream.linear.gather [hbm4b:s16+s3], $0x80, $0x38;
	v63 =	vld [tilespmem:$0x0]  }
0xb6: {  	_ =	swait.ge [sflag:s18], $0x80  }
0xb7: {  	[sflag:s18] =	ssyncset.done $0x0  }
0xb8: {  	[sflag:s18] =	ssyncadd.s32 $0xFFFFFF80  }
0xb9: {  	[tilespmem:s22], [sflag:$0x1] =	stream.indirect.gather [hbm4b:s4+s20], $0x80, s20, s20, $0xb8;
	v63 =	vld [tilespmem:$0x0]  }
0xba: {  	_ =	swait.ge [sflag:s23], $0x4000  }
0xbb: {  	[sflag:s23] =	ssyncset.done $0x0  }
0xbc: {  	[sflag:s23] =	ssyncadd.s32 $0xFFFFC000  }
0xbd: {  	[spmem:s2] =	stream.indirect.scatter.add.f32 [tilespmem:s17], [sflag:$0x2], $0x80, s19, s20, $0xb8;
	v63 =	vld [tilespmem:$0x0]  }
0xbe: {  	_ =	swait.ge [sflag:s28], $0x4000  }
0xbf: {  	[sflag:s28] =	ssyncset.done $0x0  }
0xc0: {  	s16 =	sadd.s32 s15, s10;
	[sflag:s28] =	ssyncadd.s32 $0xFFFFC000  }
0xc1: {  	[tilespmem:s24], [sflag:$0x3] =	stream.linear.gather [hbm4b:s16+s3], $0x80, $0x38;
	v63 =	vld [tilespmem:$0x0]  }
0xc2: {  	_ =	swait.ge [sflag:s18], $0x80  }
0xc3: {  	[sflag:s18] =	ssyncset.done $0x0  }
0xc4: {  	s15 =	sadd.s32 s15, s7;
	[sflag:s18] =	ssyncadd.s32 $0xFFFFFF80  }
0xc5: {  	[tilespmem:s25], [sflag:$0x3] =	stream.linear.gather [hbm4b:s15+s3], $0x80, $0x38;
	v63 =	vld [tilespmem:$0x0]  }
0xc6: {  	_ =	swait.ge [sflag:s18], $0x80  }
0xc7: {  	[sflag:s18] =	ssyncset.done $0x0  }
.Ltmp0:
0xc8: {  	[sflag:s18] =	ssyncadd.s32 $0xFFFFFF80;
	(pc) =	sbr.rel @p0 .LBB2_2-.Ltmp0, $4  }
0xc9: {  	[tilespmem:s26], [sflag:$0x1] =	stream.indirect.gather [hbm4b:s4+s20], $0x80, s24, s20, $0xb8;
	v63 =	vld [tilespmem:$0x0]  }
0xca: {  	_ =	swait.ge [sflag:s23], $0x4000  }
0xcb: {  	[sflag:s23] =	ssyncset.done $0x0  }
0xcc: {  	s14 =	sadd.s32 $0x180, s14;
	[sflag:s23] =	ssyncadd.s32 $0xFFFFC000  }
0xcd: {  	[spmem:s2] =	stream.indirect.scatter.add.f32 [tilespmem:s22], [sflag:$0x2], $0x80, s21, s20, $0xb8;
	v63 =	vld [tilespmem:$0x0]  }
0xce: {  	_ =	swait.ge [sflag:s28], $0x4000  }
0xcf: {  	[sflag:s28] =	ssyncset.done $0x0  }
0xd0: {  	s1 =	rddreg [dreg:$0xd];
	[sflag:s28] =	ssyncadd.s32 $0xFFFFC000  }
0xd1: {  	[tilespmem:s3], [sflag:$0x3] =	stream.linear.gather [hbm4b:s1+s3], $0x80, $0x38;
	v63 =	vld [tilespmem:$0x0]  }
0xd2: {  	_ =	swait.ge [sflag:s18], $0x80  }
0xd3: {  	[sflag:s18] =	ssyncset.done $0x0  }
0xd4: {  	s14 =	rddreg [dreg:$0xe];
	[sflag:s18] =	ssyncadd.s32 $0xFFFFFF80  }
0xd5: {  	[tilespmem:s19], [sflag:$0x3] =	stream.linear.gather [hbm4b:s14+s3], $0x80, $0x38;
	v63 =	vld [tilespmem:$0x0]  }
0xd6: {  	_ =	swait.ge [sflag:s18], $0x80  }
0xd7: {  	[sflag:s18] =	ssyncset.done $0x0  }
0xd8: {  	[sflag:s18] =	ssyncadd.s32 $0xFFFFFF80  }
0xd9: {  	[tilespmem:s17], [sflag:$0x1] =	stream.indirect.gather [hbm4b:s4+s20], $0x80, s3, s20, $0xb8;
	v63 =	vld [tilespmem:$0x0]  }
0xda: {  	_ =	swait.ge [sflag:s23], $0x4000  }
0xdb: {  	[sflag:s23] =	ssyncset.done $0x0  }
0xdc: {  	[sflag:s23] =	ssyncadd.s32 $0xFFFFC000  }
0xdd: {  	[spmem:s2] =	stream.indirect.scatter.add.f32 [tilespmem:s26], [sflag:$0x2], $0x80, s25, s20, $0xb8;
	v63 =	vld [tilespmem:$0x0]  }
0xde: {  	_ =	swait.ge [sflag:s28], $0x4000  }
0xdf: {  	[sflag:s28] =	ssyncset.done $0x0  }
0xe0: {  	s15 =	rddreg [dreg:$0xf];
	[sflag:s28] =	ssyncadd.s32 $0xFFFFC000  }
0xe1: {  	[tilespmem:s20], [sflag:$0x3] =	stream.linear.gather [hbm4b:s15+s3], $0x80, $0x38;
	v63 =	vld [tilespmem:$0x0]  }
0xe2: {  	_ =	swait.ge [sflag:s18], $0x80  }
0xe3: {  	[sflag:s18] =	ssyncset.done $0x0  }
0xe4: {  	s16 =	rddreg [dreg:$0x10];
	[sflag:s18] =	ssyncadd.s32 $0xFFFFFF80  }
0xe5: {  	[tilespmem:s21], [sflag:$0x3] =	stream.linear.gather [hbm4b:s16+s3], $0x80, $0x38;
	v63 =	vld [tilespmem:$0x0]  }
0xe6: {  	_ =	swait.ge [sflag:s18], $0x80  }
0xe7: {  	[sflag:s18] =	ssyncset.done $0x0  }
0xe8: {  	[sflag:s18] =	ssyncadd.s32 $0xFFFFFF80  }
0xe9: {  	[tilespmem:s22], [sflag:$0x1] =	stream.indirect.gather [hbm4b:s4+s20], $0x80, s20, s20, $0xb8;
	v63 =	vld [tilespmem:$0x0]  }
0xea: {  	_ =	swait.ge [sflag:s23], $0x4000  }
0xeb: {  	[sflag:s23] =	ssyncset.done $0x0  }
0xec: {  	[sflag:s23] =	ssyncadd.s32 $0xFFFFC000  }
0xed: {  	[spmem:s2] =	stream.indirect.scatter.add.f32 [tilespmem:s17], [sflag:$0x2], $0x80, s19, s20, $0xb8;
	v63 =	vld [tilespmem:$0x0]  }
0xee: {  	_ =	swait.ge [sflag:s28], $0x4000  }
0xef: {  	[sflag:s28] =	ssyncset.done $0x0  }
0xf0: {  	s29 =	rddreg [dreg:$0x11];
	[sflag:s28] =	ssyncadd.s32 $0xFFFFC000  }
0xf1: {  	[tilespmem:s24], [sflag:$0x3] =	stream.linear.gather [hbm4b:s29+s3], $0x80, $0x38;
	v63 =	vld [tilespmem:$0x0]  }
0xf2: {  	_ =	swait.ge [sflag:s18], $0x80  }
0xf3: {  	[sflag:s18] =	ssyncset.done $0x0  }
0xf4: {  	s14 =	rddreg [dreg:$0x12];
	[sflag:s18] =	ssyncadd.s32 $0xFFFFFF80  }
0xf5: {  	[tilespmem:s25], [sflag:$0x3] =	stream.linear.gather [hbm4b:s14+s3], $0x80, $0x38;
	v63 =	vld [tilespmem:$0x0]  }
0xf6: {  	_ =	swait.ge [sflag:s18], $0x80  }
0xf7: {  	[sflag:s18] =	ssyncset.done $0x0  }
0xf8: {  	[sflag:s18] =	ssyncadd.s32 $0xFFFFFF80  }
0xf9: {  	[tilespmem:s26], [sflag:$0x1] =	stream.indirect.gather [hbm4b:s4+s20], $0x80, s24, s20, $0xb8;
	v63 =	vld [tilespmem:$0x0]  }
0xfa: {  	_ =	swait.ge [sflag:s23], $0x4000  }
0xfb: {  	[sflag:s23] =	ssyncset.done $0x0  }
0xfc: {  	[sflag:s23] =	ssyncadd.s32 $0xFFFFC000  }
0xfd: {  	[spmem:s2] =	stream.indirect.scatter.add.f32 [tilespmem:s22], [sflag:$0x2], $0x80, s21, s20, $0xb8;
	v63 =	vld [tilespmem:$0x0]  }
0xfe: {  	_ =	swait.ge [sflag:s28], $0x4000  }
0xff: {  	[sflag:s28] =	ssyncset.done $0x0  }
0x100: {  	[sflag:s28] =	ssyncadd.s32 $0xFFFFC000  }
0x101: {  	_ =	swait.ge [sflag:s23], $0x4000  }
0x102: {  	[sflag:s23] =	ssyncset.done $0x0  }
0x103: {  	[sflag:s23] =	ssyncadd.s32 $0xFFFFC000  }
0x104: {  	[spmem:s2] =	stream.indirect.scatter.add.f32 [tilespmem:s26], [sflag:$0x2], $0x80, s25, s20, $0xb8;
	v63 =	vld [tilespmem:$0x0]  }
0x105: {  	s14 =	simm.s32 $0x300;
	s15 =	rddreg [dreg:$0x15]  }
0x106: {  	[tilespmem:s14], [sflag:$0x3] =	stream.linear.gather [hbm4b:s15+s3], $0x10, $0x38;
	v63 =	vld [tilespmem:$0x0]  }
0x107: {  	_ =	swait.ge [sflag:s18], $0x10  }
0x108: {  	[sflag:s18] =	ssyncset.done $0x0  }
0x109: {  	s16 =	rddreg [dreg:$0x16];
	[sflag:s18] =	ssyncadd.s32 $0xFFFFFFF0  }
0x10a: {  	[tilespmem:s30], [sflag:$0x3] =	stream.linear.gather [hbm4b:s16+s3], $0x10, $0x38;
	v63 =	vld [tilespmem:$0x0]  }
0x10b: {  	_ =	swait.ge [sflag:s18], $0x10  }
0x10c: {  	[sflag:s18] =	ssyncset.done $0x0  }
0x10d: {  	[sflag:s18] =	ssyncadd.s32 $0xFFFFFFF0  }
0x10e: {  	[tilespmem:s17], [sflag:$0x1] =	stream.indirect.gather [hbm4b:s4+s31], $0x80, s14, s31, $0xb8;
	v63 =	vld [tilespmem:$0x0]  }
0x10f: {  	_ =	swait.ge [sflag:s23], $0x800  }
0x110: {  	[sflag:s23] =	ssyncset.done $0x0  }
0x111: {  	[sflag:s23] =	ssyncadd.s32 $0xFFFFF800  }
0x112: {  	[spmem:s2] =	stream.indirect.scatter.add.f32 [tilespmem:s17], [sflag:$0x2], $0x80, s30, s31, $0xb8;
	v63 =	vld [tilespmem:$0x0]  }
0x113: {  	_ =	swait.ge [sflag:s28], $0x4000  }
0x114: {  	[sflag:s28] =	ssyncset.done $0x0  }
0x115: {  	[sflag:s28] =	ssyncadd.s32 $0xFFFFC000  }
0x116: {  	_ =	swait.ge [sflag:s28], $0x4000  }
0x117: {  	[sflag:s28] =	ssyncset.done $0x0  }
0x118: {  	[sflag:s28] =	ssyncadd.s32 $0xFFFFC000  }
0x119: {  	_ =	swait.ge [sflag:s28], $0x800  }
0x11a: {  	[sflag:s28] =	ssyncset.done $0x0  }
0x11b: {  	[sflag:s28] =	ssyncadd.s32 $0xFFFFF800  }
0x11c: {  	[bflag:$0x0] =	sbarrier.arrive $0xFFFF  }
0x11d: {  	[tilespmem:s17], [sflag:$0x3] =	stream.linear.gather [spmem:s8], $0x4000, $0x38;
	v63 =	vld [tilespmem:$0x0]  }
0x11e: {  	_ =	swait.ge [sflag:s18], $0x4000  }
0x11f: {  	[sflag:s18] =	ssyncset.done $0x0  }
0x120: {  	s29 =	rddreg [dreg:$0x7];
	[sflag:s18] =	ssyncadd.s32 $0xFFFFC000  }
0x121: {  	[hbm4b:s29+s3] =	stream.linear.scatter [tilespmem:s17], [sflag:$0x3], $0x4000, $0x38;
	v63 =	vld [tilespmem:$0x0]  }
0x122: {  	_ =	swait.ge [sflag:s18], $0x4000  }
0x123: {  	[sflag:s18] =	ssyncset.done $0x0  }
0x124: {  	s14 =	rddreg [dreg:$0x18];
	[sflag:s18] =	ssyncadd.s32 $0xFFFFC000  }
0x125: {  	[tilespmem:s17], [sflag:$0x3] =	stream.linear.gather [spmem:s14], $0x4000, $0x38;
	v63 =	vld [tilespmem:$0x0]  }
0x126: {  	_ =	swait.ge [sflag:s18], $0x4000  }
0x127: {  	[sflag:s18] =	ssyncset.done $0x0  }
0x128: {  	s15 =	rddreg [dreg:$0x8];
	[sflag:s18] =	ssyncadd.s32 $0xFFFFC000  }
0x129: {  	[hbm4b:s15+s3] =	stream.linear.scatter [tilespmem:s17], [sflag:$0x3], $0x4000, $0x38;
	v63 =	vld [tilespmem:$0x0]  }
0x12a: {  	_ =	swait.ge [sflag:s18], $0x4000  }
0x12b: {  	[sflag:s18] =	ssyncset.done $0x0  }
0x12c: {  	s16 =	rddreg [dreg:$0x19];
	[sflag:s18] =	ssyncadd.s32 $0xFFFFC000  }
0x12d: {  	[tilespmem:s17], [sflag:$0x3] =	stream.linear.gather [spmem:s16], $0x4000, $0x38;
	v63 =	vld [tilespmem:$0x0]  }
0x12e: {  	_ =	swait.ge [sflag:s18], $0x4000  }
0x12f: {  	[sflag:s18] =	ssyncset.done $0x0  }
0x130: {  	s29 =	rddreg [dreg:$0x9];
	[sflag:s18] =	ssyncadd.s32 $0xFFFFC000  }
0x131: {  	[hbm4b:s29+s3] =	stream.linear.scatter [tilespmem:s17], [sflag:$0x3], $0x4000, $0x38;
	v63 =	vld [tilespmem:$0x0]  }
0x132: {  	_ =	swait.ge [sflag:s18], $0x4000  }
0x133: {  	[sflag:s18] =	ssyncset.done $0x0  }
0x134: {  	s14 =	rddreg [dreg:$0x1a];
	[sflag:s18] =	ssyncadd.s32 $0xFFFFC000  }
0x135: {  	[tilespmem:s17], [sflag:$0x3] =	stream.linear.gather [spmem:s14], $0x4000, $0x38;
	v63 =	vld [tilespmem:$0x0]  }
0x136: {  	_ =	swait.ge [sflag:s18], $0x4000  }
0x137: {  	[sflag:s18] =	ssyncset.done $0x0  }
0x138: {  	s15 =	rddreg [dreg:$0xa];
	[sflag:s18] =	ssyncadd.s32 $0xFFFFC000  }
0x139: {  	[hbm4b:s15+s3] =	stream.linear.scatter [tilespmem:s17], [sflag:$0x3], $0x4000, $0x38;
	v63 =	vld [tilespmem:$0x0]  }
0x13a: {  	_ =	swait.ge [sflag:s18], $0x4000  }
0x13b: {  	[sflag:s18] =	ssyncset.done $0x0  }
0x13c: {  	[sflag:s18] =	ssyncadd.s32 $0xFFFFC000  }
0x13d: {  	[tilespmem:s17], [sflag:$0x3] =	stream.linear.gather [spmem:s9], $0x3C00, $0x38;
	v63 =	vld [tilespmem:$0x0]  }
0x13e: {  	_ =	swait.ge [sflag:s18], $0x3C00  }
0x13f: {  	[sflag:s18] =	ssyncset.done $0x0  }
0x140: {  	s16 =	rddreg [dreg:$0x6];
	[sflag:s18] =	ssyncadd.s32 $0xFFFFC400  }
0x141: {  	[hbm4b:s16+s3] =	stream.linear.scatter [tilespmem:s17], [sflag:$0x3], $0x3C00, $0x38;
	v63 =	vld [tilespmem:$0x0]  }
0x142: {  	_ =	swait.ge [sflag:s18], $0x3C00  }
0x143: {  	s0 =	sadd.s32 $0x1, s0;
	s29 =	rddreg [dreg:$0x17]  }
0x144: {  	p0 =	sne.s32 s0, s29  }
.Ltmp1:
0x145: {  	_ = 	snop;
	(pc) =	sbr.rel @p0 .LBB2_1-.Ltmp1, $3  }
0x146: {  	_ =	sdelay $0x1  }
0x147: {  	[sflag:s18] =	ssyncset.done $0x0  }
0x148: {  	[sflag:s18] =	ssyncadd.s32 $0xFFFFC400  }
0x149: {  	_ =	sfence.sel $0x180000  }
0x14a: {  	[bflag:$0x0] =	sbarrier.arrive $0xFFFF  }
0x14b: {  	_ =	strace $0x9000004D  }
0x14c: {  	s0 =	stileid.u32;
	[bflag:$0x2] =	sbarrier.arrive $0xFFFF  }
0x14d: {  	p0 =	sne.s32 s0, $0x0;
	s0 =	rddreg [dreg:$0x2]  }
0x14e: {  	s0 =	sadd.s32 @!p0 $0x100000, s0  }
0x14f: {  	[sflag:s0] =	ssyncadd.tile.s32 @!p0 $0x1;
	_ =	shalt  }
.Lfunc_end2:
_tile_overlayer_lowered:
.L_overlay_start_2:
0x150: {  	(tag) =	ssettag $0x2  }
0x151: {  	s0 =	rddreg [dreg:$0x0];
	s2 =	stileid.u32  }
0x152: {  	s1 =	rddreg [dreg:$0x1];
	p0 =	sne.s32 s2, $0x0  }
0x153: {  	s3 =	rddreg [dreg:$0x2];
	[bflag:$0x3] =	sbarrier.arrive $0xFFFF;
	s2 =	simm.s32 @!p0 $0x1C03  }
0x154: {  	[timem:s3], [sflag:s2] =	dma.local @!p0 [hbm:s0], s1  }
0x155: {  	s0 =	simm.s32 @!p0 $0x3  }
0x156: {  	_ =	swait.ge @!p0 [sflag:s0], s1  }
0x157: {  	s1 =	ssub.s32 @!p0 $0x0, s1;
	[sflag:s0] =	ssyncset.done @!p0 $0x0  }
0x158: {  	[sflag:s0] =	ssyncadd.s32 @!p0 s1  }
0x159: {  	[bflag:$0x3] =	sbarrier.arrive $0xFFFF  }
0x15a: {  	_ =	shalt  }

</sc_bundles>
